<compile_context>
chip_gen: v7x
topology: tpu7x:2x2x1
jax: 0.10.2.dev20260603
libtpu: 0.0.44.dev20260713+nightly
codegen_flags: <defaults>
</compile_context>

<pallas_src>
import functools

import jax
import jax.numpy as jnp
from jax import lax
from jax.experimental import pallas as pl
from jax.experimental.pallas import tpu as pltpu
from jax.experimental.pallas import tpu_sc as plsc

D_MODEL = 64
SCALE = 8.0
NUM_WORKERS = 32
CHUNK = 128
LANES = 16
HBUF = 2


def _gather_scale_t(idx_t_arr, lut, batch, hist):
    b_per_w = batch // NUM_WORKERS
    bchunks = b_per_w // CHUNK

    mesh = plsc.VectorSubcoreMesh(core_axis_name="c", subcore_axis_name="s")

    @functools.partial(
        pl.kernel,
        mesh=mesh,
        out_type=jax.ShapeDtypeStruct(
            (hist, D_MODEL // 8, batch // CHUNK, 8, CHUNK), jnp.float32
        ),
        scratch_types=[
            pltpu.VMEM((hist, b_per_w), jnp.int32),
            pltpu.VMEM((bchunks, CHUNK, D_MODEL), jnp.float32),
            pltpu.VMEM((HBUF, D_MODEL // 8, 8, b_per_w + 1), jnp.float32),
            [pltpu.SemaphoreType.DMA] * bchunks,
            [pltpu.SemaphoreType.DMA] * HBUF,
        ],
        compiler_params=pltpu.CompilerParams(
            use_tc_tiling_on_sc=False, needs_layout_passes=False
        ),
    )
    def k(lut_hbm, idx_hbm, out_hbm, idx_t, gbufs, hbufs, gsems, wsems):
        wid = lax.axis_index("s") * 2 + lax.axis_index("c")
        b0 = wid * b_per_w
        bt0 = wid * bchunks
        pltpu.sync_copy(idx_hbm.at[:, pl.ds(b0, b_per_w)], idx_t)

        iota = lax.iota(jnp.int32, LANES)

        def start_gather(h, bb):
            pltpu.async_copy(
                lut_hbm.at[idx_t.at[h, pl.ds(bb * CHUNK, CHUNK)]],
                gbufs.at[bb],
                gsems[bb],
            )

        for bb in range(bchunks):
            start_gather(0, bb)

        def outer_body(h2, carry):
            for hh in range(HBUF):
                h = h2 * HBUF + hh
                hb = hbufs.at[hh]

                @pl.when(h2 > 0)
                def _():
                    for i in range(bchunks):
                        pltpu.make_async_copy(
                            hbufs.at[hh, :, :, pl.ds(0, CHUNK)],
                            out_hbm.at[0, :, 0, :, :],
                            wsems[hh],
                        ).wait()

                for bb in range(bchunks):
                    gb = gbufs.at[bb]
                    pltpu.make_async_copy(
                        lut_hbm.at[idx_t.at[0, pl.ds(0, CHUNK)]],
                        gb,
                        gsems[bb],
                    ).wait()

                    @plsc.parallel_loop(0, CHUNK, step=1, unroll=4)
                    def tr_r(r):
                        cols = jnp.full((LANES,), bb * CHUNK + r, jnp.int32)
                        for j in range(D_MODEL // LANES):
                            rows = iota + j * LANES
                            v = gb[r, pl.ds(j * LANES, LANES)] * SCALE
                            plsc.store_scatter(
                                hb, [rows >> 3, rows & 7, cols], v
                            )

                    @pl.when(h < hist - 1)
                    def _():
                        start_gather(h + 1, bb)

                for i in range(bchunks):
                    pltpu.async_copy(
                        hbufs.at[hh, :, :, pl.ds(i * CHUNK, CHUNK)],
                        out_hbm.at[h, :, bt0 + i, :, :],
                        wsems[hh],
                    )
            return carry

        lax.fori_loop(0, hist // HBUF, outer_body, 0)

        for hh in range(HBUF):
            for i in range(bchunks):
                pltpu.make_async_copy(
                    hbufs.at[hh, :, :, pl.ds(0, CHUNK)],
                    out_hbm.at[0, :, 0, :, :],
                    wsems[hh],
                ).wait()

    return k(lut, idx_t_arr)


def kernel(x, lut):
    batch, hist = x.shape
    xt = jnp.transpose(x)
    out5 = _gather_scale_t(xt, lut, batch, hist)
    return jnp.transpose(out5, (2, 4, 0, 1, 3)).reshape(batch, hist, D_MODEL)

# --- scband reference (transcript-rebuilt; emitter-appended) ---
"""Pipeline reference for scband-embeddings-10608569221276 (READ-ONLY COPY).

The authoritative reference and input builder live on the scoring server;
editing this copy changes nothing except your own understanding.
"""

import jax, jax.numpy as jnp
import numpy as np
import math

D_MODEL = 64
VOCAB = 1000000
BATCH = 16384
HIST = 50

def setup_inputs(seed: int = 0) -> dict:
    key = jax.random.key(seed)
    k1, k2 = jax.random.split(key)
    x = jax.random.randint(k1, (BATCH, HIST), 0, VOCAB, dtype=jnp.int32)
    # learned embedding table (nn.Embedding weight), default init ~ N(0,1)
    lut = jax.random.normal(k2, (VOCAB, D_MODEL), dtype=jnp.float32)
    return {"x": x, "lut": lut}

def reference(x, lut):
    a = math.sqrt(D_MODEL)
    out = jnp.take(lut, x, axis=0) * a
    return out

if __name__ == "__main__":
    import jax
    _d = setup_inputs()
    print(jax.jit(kernel)(*tuple(_d.values())))

</pallas_src>

<mosaic_0001>
#map = affine_map<(d0, d1) -> (0, 0)>
#map1 = affine_map<(d0, d1) -> (0, 0, 0, 0, 0)>
module attributes {stable_mosaic.version = 14 : i64} {
  func.func @k(%arg0: i32, %arg1: i32, %arg2: memref<1000000x64xf32, #tpu.memory_space<hbm>>, %arg3: memref<50x16384xi32, #tpu.memory_space<hbm>>, %arg4: memref<50x8x128x8x128xf32, #tpu.memory_space<hbm>>, %arg5: memref<50x512xi32, #tpu.memory_space<vmem>>, %arg6: memref<4x128x64xf32, #tpu.memory_space<vmem>>, %arg7: memref<2x8x8x513xf32, #tpu.memory_space<vmem>>, %arg8: memref<!tpu.dma_semaphore, #tpu.memory_space<semaphore_mem>>, %arg9: memref<!tpu.dma_semaphore, #tpu.memory_space<semaphore_mem>>, %arg10: memref<!tpu.dma_semaphore, #tpu.memory_space<semaphore_mem>>, %arg11: memref<!tpu.dma_semaphore, #tpu.memory_space<semaphore_mem>>, %arg12: memref<!tpu.dma_semaphore, #tpu.memory_space<semaphore_mem>>, %arg13: memref<!tpu.dma_semaphore, #tpu.memory_space<semaphore_mem>>) attributes {dimension_semantics = [#tpu.dimension_semantics<core_parallel>, #tpu.dimension_semantics<subcore_parallel>], iteration_bounds = array<i64: 2, 16>, scalar_prefetch = 0 : i64, scratch_operands = 9 : i64, tpu.core_type = #tpu.core_type<sc_vector_subcore>, window_params = [{transform_indices = #map}, {transform_indices = #map}, {transform_indices = #map1}]} {
    %mul3A = arith.constant 2 : i32
    %mul3A_0 = arith.muli %arg1, %mul3A : i32
    %add3A = arith.addi %mul3A_0, %arg0 : i32
    %mul3A_1 = arith.constant 512 : i32
    %mul3A_2 = arith.muli %add3A, %mul3A_1 : i32
    %mul3A_3 = arith.constant 4 : i32
    %mul3A_4 = arith.muli %add3A, %mul3A_3 : i32
    "tpu.region"() ({
      %run_scoped3A = tpu.sem_alloc : memref<!tpu.dma_semaphore, #tpu.memory_space<semaphore_mem>>
      %dma_start3A_240 = arith.constant 0 : i32
      %dma_start3A_241 = tpu.memref_slice %arg3[%dma_start3A_240, %mul3A_2] : memref<50x16384xi32, #tpu.memory_space<hbm>> -> memref<50x512xi32, #tpu.memory_space<hbm>>
      %dma_start3A_242 = arith.constant 0 : i32
      %dma_start3A_243 = tpu.memref_slice %arg3[%dma_start3A_242, %mul3A_2] : memref<50x16384xi32, #tpu.memory_space<hbm>> -> memref<50x512xi32, #tpu.memory_space<hbm>>
      tpu.enqueue_dma source(%dma_start3A_243 : memref<50x512xi32, #tpu.memory_space<hbm>>) target(%arg5 : memref<50x512xi32, #tpu.memory_space<vmem>>) target_semaphore(%run_scoped3A : memref<!tpu.dma_semaphore, #tpu.memory_space<semaphore_mem>>)
      %dma_wait3A_244 = arith.constant 0 : i32
      %dma_wait3A_245 = tpu.memref_slice %arg3[%dma_wait3A_244, %mul3A_2] : memref<50x16384xi32, #tpu.memory_space<hbm>> -> memref<50x512xi32, #tpu.memory_space<hbm>>
      %dma_wait3A_246 = arith.constant 0 : i32
      %dma_wait3A_247 = tpu.memref_slice %arg3[%dma_wait3A_246, %mul3A_2] : memref<50x16384xi32, #tpu.memory_space<hbm>> -> memref<50x512xi32, #tpu.memory_space<hbm>>
      tpu.wait_dma2 semaphore(%run_scoped3A : memref<!tpu.dma_semaphore, #tpu.memory_space<semaphore_mem>>) src(%dma_wait3A_247 : memref<50x512xi32, #tpu.memory_space<hbm>>) dst(%arg5 : memref<50x512xi32, #tpu.memory_space<vmem>>)
      tpu.yield
    }) : () -> ()
    %iota3A = tpu.iota {dimensions = array<i32: 0>} : vector<16xi32>
    %dma_start3A = arith.constant 0 : i32
    %dma_start3A_5 = arith.constant 0 : i32
    %dma_start3A_6 = arith.constant 0 : i32
    %dma_start3A_7 = arith.constant 0 : i32
    %dma_start3A_8 = tpu.memref_slice %arg6[%dma_start3A_5, %dma_start3A_6, %dma_start3A_7] : memref<4x128x64xf32, #tpu.memory_space<vmem>> -> memref<1x128x64xf32, #tpu.memory_space<vmem>>
    %dma_start3A_9 = tpu.memref_squeeze %dma_start3A_8 : memref<1x128x64xf32, #tpu.memory_space<vmem>> -> memref<128x64xf32, #tpu.memory_space<vmem>>
    %dma_start3A_10 = arith.constant 0 : i32
    %dma_start3A_11 = tpu.memref_slice %arg5[%dma_start3A, %dma_start3A_10] : memref<50x512xi32, #tpu.memory_space<vmem>> -> memref<1x128xi32, #tpu.memory_space<vmem>>
    %dma_start3A_12 = tpu.memref_squeeze %dma_start3A_11 : memref<1x128xi32, #tpu.memory_space<vmem>> -> memref<128xi32, #tpu.memory_space<vmem>>
    %dma_start3A_13 = arith.constant 0 : i32
    %dma_start3A_14 = arith.constant 0 : i32
    %dma_start3A_15 = tpu.memref_slice %arg2[%dma_start3A_13, %dma_start3A_14] : memref<1000000x64xf32, #tpu.memory_space<hbm>> -> memref<1000000x64xf32, #tpu.memory_space<hbm>>
    tpu.enqueue_indirect_dma source(%dma_start3A_15 : memref<1000000x64xf32, #tpu.memory_space<hbm>>) target(%dma_start3A_9 : memref<128x64xf32, #tpu.memory_space<vmem>>) offsets(%dma_start3A_12 : memref<128xi32, #tpu.memory_space<vmem>>) semaphore(%arg8 : memref<!tpu.dma_semaphore, #tpu.memory_space<semaphore_mem>>)
    %dma_start3A_16 = arith.constant 0 : i32
    %dma_start3A_17 = arith.constant 1 : i32
    %dma_start3A_18 = arith.constant 0 : i32
    %dma_start3A_19 = arith.constant 0 : i32
    %dma_start3A_20 = tpu.memref_slice %arg6[%dma_start3A_17, %dma_start3A_18, %dma_start3A_19] : memref<4x128x64xf32, #tpu.memory_space<vmem>> -> memref<1x128x64xf32, #tpu.memory_space<vmem>>
    %dma_start3A_21 = tpu.memref_squeeze %dma_start3A_20 : memref<1x128x64xf32, #tpu.memory_space<vmem>> -> memref<128x64xf32, #tpu.memory_space<vmem>>
    %dma_start3A_22 = arith.constant 128 : i32
    %dma_start3A_23 = tpu.memref_slice %arg5[%dma_start3A_16, %dma_start3A_22] : memref<50x512xi32, #tpu.memory_space<vmem>> -> memref<1x128xi32, #tpu.memory_space<vmem>>
    %dma_start3A_24 = tpu.memref_squeeze %dma_start3A_23 : memref<1x128xi32, #tpu.memory_space<vmem>> -> memref<128xi32, #tpu.memory_space<vmem>>
    %dma_start3A_25 = arith.constant 0 : i32
    %dma_start3A_26 = arith.constant 0 : i32
    %dma_start3A_27 = tpu.memref_slice %arg2[%dma_start3A_25, %dma_start3A_26] : memref<1000000x64xf32, #tpu.memory_space<hbm>> -> memref<1000000x64xf32, #tpu.memory_space<hbm>>
    tpu.enqueue_indirect_dma source(%dma_start3A_27 : memref<1000000x64xf32, #tpu.memory_space<hbm>>) target(%dma_start3A_21 : memref<128x64xf32, #tpu.memory_space<vmem>>) offsets(%dma_start3A_24 : memref<128xi32, #tpu.memory_space<vmem>>) semaphore(%arg9 : memref<!tpu.dma_semaphore, #tpu.memory_space<semaphore_mem>>)
    %dma_start3A_28 = arith.constant 0 : i32
    %dma_start3A_29 = arith.constant 2 : i32
    %dma_start3A_30 = arith.constant 0 : i32
    %dma_start3A_31 = arith.constant 0 : i32
    %dma_start3A_32 = tpu.memref_slice %arg6[%dma_start3A_29, %dma_start3A_30, %dma_start3A_31] : memref<4x128x64xf32, #tpu.memory_space<vmem>> -> memref<1x128x64xf32, #tpu.memory_space<vmem>>
    %dma_start3A_33 = tpu.memref_squeeze %dma_start3A_32 : memref<1x128x64xf32, #tpu.memory_space<vmem>> -> memref<128x64xf32, #tpu.memory_space<vmem>>
    %dma_start3A_34 = arith.constant 256 : i32
    %dma_start3A_35 = tpu.memref_slice %arg5[%dma_start3A_28, %dma_start3A_34] : memref<50x512xi32, #tpu.memory_space<vmem>> -> memref<1x128xi32, #tpu.memory_space<vmem>>
    %dma_start3A_36 = tpu.memref_squeeze %dma_start3A_35 : memref<1x128xi32, #tpu.memory_space<vmem>> -> memref<128xi32, #tpu.memory_space<vmem>>
    %dma_start3A_37 = arith.constant 0 : i32
    %dma_start3A_38 = arith.constant 0 : i32
    %dma_start3A_39 = tpu.memref_slice %arg2[%dma_start3A_37, %dma_start3A_38] : memref<1000000x64xf32, #tpu.memory_space<hbm>> -> memref<1000000x64xf32, #tpu.memory_space<hbm>>
    tpu.enqueue_indirect_dma source(%dma_start3A_39 : memref<1000000x64xf32, #tpu.memory_space<hbm>>) target(%dma_start3A_33 : memref<128x64xf32, #tpu.memory_space<vmem>>) offsets(%dma_start3A_36 : memref<128xi32, #tpu.memory_space<vmem>>) semaphore(%arg10 : memref<!tpu.dma_semaphore, #tpu.memory_space<semaphore_mem>>)
    %dma_start3A_40 = arith.constant 0 : i32
    %dma_start3A_41 = arith.constant 3 : i32
    %dma_start3A_42 = arith.constant 0 : i32
    %dma_start3A_43 = arith.constant 0 : i32
    %dma_start3A_44 = tpu.memref_slice %arg6[%dma_start3A_41, %dma_start3A_42, %dma_start3A_43] : memref<4x128x64xf32, #tpu.memory_space<vmem>> -> memref<1x128x64xf32, #tpu.memory_space<vmem>>
    %dma_start3A_45 = tpu.memref_squeeze %dma_start3A_44 : memref<1x128x64xf32, #tpu.memory_space<vmem>> -> memref<128x64xf32, #tpu.memory_space<vmem>>
    %dma_start3A_46 = arith.constant 384 : i32
    %dma_start3A_47 = tpu.memref_slice %arg5[%dma_start3A_40, %dma_start3A_46] : memref<50x512xi32, #tpu.memory_space<vmem>> -> memref<1x128xi32, #tpu.memory_space<vmem>>
    %dma_start3A_48 = tpu.memref_squeeze %dma_start3A_47 : memref<1x128xi32, #tpu.memory_space<vmem>> -> memref<128xi32, #tpu.memory_space<vmem>>
    %dma_start3A_49 = arith.constant 0 : i32
    %dma_start3A_50 = arith.constant 0 : i32
    %dma_start3A_51 = tpu.memref_slice %arg2[%dma_start3A_49, %dma_start3A_50] : memref<1000000x64xf32, #tpu.memory_space<hbm>> -> memref<1000000x64xf32, #tpu.memory_space<hbm>>
    tpu.enqueue_indirect_dma source(%dma_start3A_51 : memref<1000000x64xf32, #tpu.memory_space<hbm>>) target(%dma_start3A_45 : memref<128x64xf32, #tpu.memory_space<vmem>>) offsets(%dma_start3A_48 : memref<128xi32, #tpu.memory_space<vmem>>) semaphore(%arg11 : memref<!tpu.dma_semaphore, #tpu.memory_space<semaphore_mem>>)
    %scan3A = arith.constant 0 : i32
    %scan3A_52 = arith.constant 0 : i32
    %scan3A_53 = arith.constant 25 : i32
    %scan3A_54 = arith.addi %scan3A_52, %scan3A_53 : i32
    %scan3A_55 = arith.constant 1 : i32
    scf.for %scan3A_240 = %scan3A_52 to %scan3A_54 step %scan3A_55  : i32 {
      %mul3A_241 = arith.constant 2 : i32
      %mul3A_242 = arith.muli %scan3A_240, %mul3A_241 : i32
      %add3A_243 = arith.constant 0 : i32
      %add3A_244 = arith.addi %mul3A_242, %add3A_243 : i32
      %gt3A = arith.constant 0 : i32
      %gt3A_245 = arith.cmpi sgt, %scan3A_240, %gt3A : i32
      %convert_element_type3A = arith.extui %gt3A_245 : i1 to i32
      %cond3A = arith.constant 0 : i32
      %cond3A_246 = arith.cmpi ne, %convert_element_type3A, %cond3A : i32
      scf.if %cond3A_246 {
        %dma_wait3A_614 = arith.constant 0 : i32
        %dma_wait3A_615 = arith.constant 0 : i32
        %dma_wait3A_616 = arith.constant 0 : i32
        %dma_wait3A_617 = arith.constant 0 : i32
        %dma_wait3A_618 = arith.constant 0 : i32
        %dma_wait3A_619 = arith.constant 0 : i32
        %dma_wait3A_620 = tpu.memref_slice %arg7[%dma_wait3A_614, %dma_wait3A_617, %dma_wait3A_618, %dma_wait3A_619] : memref<2x8x8x513xf32, #tpu.memory_space<vmem>> -> memref<1x8x8x128xf32, #tpu.memory_space<vmem>>
        %dma_wait3A_621 = tpu.memref_squeeze %dma_wait3A_620 : memref<1x8x8x128xf32, #tpu.memory_space<vmem>> -> memref<8x8x128xf32, #tpu.memory_space<vmem>>
        %dma_wait3A_622 = arith.constant 0 : i32
        %dma_wait3A_623 = arith.constant 0 : i32
        %dma_wait3A_624 = arith.constant 0 : i32
        %dma_wait3A_625 = tpu.memref_slice %arg4[%dma_wait3A_615, %dma_wait3A_622, %dma_wait3A_616, %dma_wait3A_623, %dma_wait3A_624] : memref<50x8x128x8x128xf32, #tpu.memory_space<hbm>> -> memref<1x8x1x8x128xf32, #tpu.memory_space<hbm>>
        %dma_wait3A_626 = tpu.memref_squeeze %dma_wait3A_625 : memref<1x8x1x8x128xf32, #tpu.memory_space<hbm>> -> memref<8x8x128xf32, #tpu.memory_space<hbm>>
        %dma_wait3A_627 = arith.constant 0 : i32
        %dma_wait3A_628 = arith.constant 0 : i32
        %dma_wait3A_629 = arith.constant 0 : i32
        %dma_wait3A_630 = tpu.memref_slice %arg4[%dma_wait3A_615, %dma_wait3A_627, %dma_wait3A_616, %dma_wait3A_628, %dma_wait3A_629] : memref<50x8x128x8x128xf32, #tpu.memory_space<hbm>> -> memref<1x8x1x8x128xf32, #tpu.memory_space<hbm>>
        %dma_wait3A_631 = tpu.memref_squeeze %dma_wait3A_630 : memref<1x8x1x8x128xf32, #tpu.memory_space<hbm>> -> memref<8x8x128xf32, #tpu.memory_space<hbm>>
        %dma_wait3A_632 = arith.constant 0 : i32
        %dma_wait3A_633 = arith.constant 0 : i32
        %dma_wait3A_634 = arith.constant 0 : i32
        %dma_wait3A_635 = tpu.memref_slice %arg7[%dma_wait3A_614, %dma_wait3A_632, %dma_wait3A_633, %dma_wait3A_634] : memref<2x8x8x513xf32, #tpu.memory_space<vmem>> -> memref<1x8x8x128xf32, #tpu.memory_space<vmem>>
        %dma_wait3A_636 = tpu.memref_squeeze %dma_wait3A_635 : memref<1x8x8x128xf32, #tpu.memory_space<vmem>> -> memref<8x8x128xf32, #tpu.memory_space<vmem>>
        tpu.wait_dma2 semaphore(%arg12 : memref<!tpu.dma_semaphore, #tpu.memory_space<semaphore_mem>>) src(%dma_wait3A_636 : memref<8x8x128xf32, #tpu.memory_space<vmem>>) dst(%dma_wait3A_631 : memref<8x8x128xf32, #tpu.memory_space<hbm>>)
        %dma_wait3A_637 = arith.constant 0 : i32
        %dma_wait3A_638 = arith.constant 0 : i32
        %dma_wait3A_639 = arith.constant 0 : i32
        %dma_wait3A_640 = arith.constant 0 : i32
        %dma_wait3A_641 = arith.constant 0 : i32
        %dma_wait3A_642 = arith.constant 0 : i32
        %dma_wait3A_643 = tpu.memref_slice %arg7[%dma_wait3A_637, %dma_wait3A_640, %dma_wait3A_641, %dma_wait3A_642] : memref<2x8x8x513xf32, #tpu.memory_space<vmem>> -> memref<1x8x8x128xf32, #tpu.memory_space<vmem>>
        %dma_wait3A_644 = tpu.memref_squeeze %dma_wait3A_643 : memref<1x8x8x128xf32, #tpu.memory_space<vmem>> -> memref<8x8x128xf32, #tpu.memory_space<vmem>>
        %dma_wait3A_645 = arith.constant 0 : i32
        %dma_wait3A_646 = arith.constant 0 : i32
        %dma_wait3A_647 = arith.constant 0 : i32
        %dma_wait3A_648 = tpu.memref_slice %arg4[%dma_wait3A_638, %dma_wait3A_645, %dma_wait3A_639, %dma_wait3A_646, %dma_wait3A_647] : memref<50x8x128x8x128xf32, #tpu.memory_space<hbm>> -> memref<1x8x1x8x128xf32, #tpu.memory_space<hbm>>
        %dma_wait3A_649 = tpu.memref_squeeze %dma_wait3A_648 : memref<1x8x1x8x128xf32, #tpu.memory_space<hbm>> -> memref<8x8x128xf32, #tpu.memory_space<hbm>>
        %dma_wait3A_650 = arith.constant 0 : i32
        %dma_wait3A_651 = arith.constant 0 : i32
        %dma_wait3A_652 = arith.constant 0 : i32
        %dma_wait3A_653 = tpu.memref_slice %arg4[%dma_wait3A_638, %dma_wait3A_650, %dma_wait3A_639, %dma_wait3A_651, %dma_wait3A_652] : memref<50x8x128x8x128xf32, #tpu.memory_space<hbm>> -> memref<1x8x1x8x128xf32, #tpu.memory_space<hbm>>
        %dma_wait3A_654 = tpu.memref_squeeze %dma_wait3A_653 : memref<1x8x1x8x128xf32, #tpu.memory_space<hbm>> -> memref<8x8x128xf32, #tpu.memory_space<hbm>>
        %dma_wait3A_655 = arith.constant 0 : i32
        %dma_wait3A_656 = arith.constant 0 : i32
        %dma_wait3A_657 = arith.constant 0 : i32
        %dma_wait3A_658 = tpu.memref_slice %arg7[%dma_wait3A_637, %dma_wait3A_655, %dma_wait3A_656, %dma_wait3A_657] : memref<2x8x8x513xf32, #tpu.memory_space<vmem>> -> memref<1x8x8x128xf32, #tpu.memory_space<vmem>>
        %dma_wait3A_659 = tpu.memref_squeeze %dma_wait3A_658 : memref<1x8x8x128xf32, #tpu.memory_space<vmem>> -> memref<8x8x128xf32, #tpu.memory_space<vmem>>
        tpu.wait_dma2 semaphore(%arg12 : memref<!tpu.dma_semaphore, #tpu.memory_space<semaphore_mem>>) src(%dma_wait3A_659 : memref<8x8x128xf32, #tpu.memory_space<vmem>>) dst(%dma_wait3A_654 : memref<8x8x128xf32, #tpu.memory_space<hbm>>)
        %dma_wait3A_660 = arith.constant 0 : i32
        %dma_wait3A_661 = arith.constant 0 : i32
        %dma_wait3A_662 = arith.constant 0 : i32
        %dma_wait3A_663 = arith.constant 0 : i32
        %dma_wait3A_664 = arith.constant 0 : i32
        %dma_wait3A_665 = arith.constant 0 : i32
        %dma_wait3A_666 = tpu.memref_slice %arg7[%dma_wait3A_660, %dma_wait3A_663, %dma_wait3A_664, %dma_wait3A_665] : memref<2x8x8x513xf32, #tpu.memory_space<vmem>> -> memref<1x8x8x128xf32, #tpu.memory_space<vmem>>
        %dma_wait3A_667 = tpu.memref_squeeze %dma_wait3A_666 : memref<1x8x8x128xf32, #tpu.memory_space<vmem>> -> memref<8x8x128xf32, #tpu.memory_space<vmem>>
        %dma_wait3A_668 = arith.constant 0 : i32
        %dma_wait3A_669 = arith.constant 0 : i32
        %dma_wait3A_670 = arith.constant 0 : i32
        %dma_wait3A_671 = tpu.memref_slice %arg4[%dma_wait3A_661, %dma_wait3A_668, %dma_wait3A_662, %dma_wait3A_669, %dma_wait3A_670] : memref<50x8x128x8x128xf32, #tpu.memory_space<hbm>> -> memref<1x8x1x8x128xf32, #tpu.memory_space<hbm>>
        %dma_wait3A_672 = tpu.memref_squeeze %dma_wait3A_671 : memref<1x8x1x8x128xf32, #tpu.memory_space<hbm>> -> memref<8x8x128xf32, #tpu.memory_space<hbm>>
        %dma_wait3A_673 = arith.constant 0 : i32
        %dma_wait3A_674 = arith.constant 0 : i32
        %dma_wait3A_675 = arith.constant 0 : i32
        %dma_wait3A_676 = tpu.memref_slice %arg4[%dma_wait3A_661, %dma_wait3A_673, %dma_wait3A_662, %dma_wait3A_674, %dma_wait3A_675] : memref<50x8x128x8x128xf32, #tpu.memory_space<hbm>> -> memref<1x8x1x8x128xf32, #tpu.memory_space<hbm>>
        %dma_wait3A_677 = tpu.memref_squeeze %dma_wait3A_676 : memref<1x8x1x8x128xf32, #tpu.memory_space<hbm>> -> memref<8x8x128xf32, #tpu.memory_space<hbm>>
        %dma_wait3A_678 = arith.constant 0 : i32
        %dma_wait3A_679 = arith.constant 0 : i32
        %dma_wait3A_680 = arith.constant 0 : i32
        %dma_wait3A_681 = tpu.memref_slice %arg7[%dma_wait3A_660, %dma_wait3A_678, %dma_wait3A_679, %dma_wait3A_680] : memref<2x8x8x513xf32, #tpu.memory_space<vmem>> -> memref<1x8x8x128xf32, #tpu.memory_space<vmem>>
        %dma_wait3A_682 = tpu.memref_squeeze %dma_wait3A_681 : memref<1x8x8x128xf32, #tpu.memory_space<vmem>> -> memref<8x8x128xf32, #tpu.memory_space<vmem>>
        tpu.wait_dma2 semaphore(%arg12 : memref<!tpu.dma_semaphore, #tpu.memory_space<semaphore_mem>>) src(%dma_wait3A_682 : memref<8x8x128xf32, #tpu.memory_space<vmem>>) dst(%dma_wait3A_677 : memref<8x8x128xf32, #tpu.memory_space<hbm>>)
        %dma_wait3A_683 = arith.constant 0 : i32
        %dma_wait3A_684 = arith.constant 0 : i32
        %dma_wait3A_685 = arith.constant 0 : i32
        %dma_wait3A_686 = arith.constant 0 : i32
        %dma_wait3A_687 = arith.constant 0 : i32
        %dma_wait3A_688 = arith.constant 0 : i32
        %dma_wait3A_689 = tpu.memref_slice %arg7[%dma_wait3A_683, %dma_wait3A_686, %dma_wait3A_687, %dma_wait3A_688] : memref<2x8x8x513xf32, #tpu.memory_space<vmem>> -> memref<1x8x8x128xf32, #tpu.memory_space<vmem>>
        %dma_wait3A_690 = tpu.memref_squeeze %dma_wait3A_689 : memref<1x8x8x128xf32, #tpu.memory_space<vmem>> -> memref<8x8x128xf32, #tpu.memory_space<vmem>>
        %dma_wait3A_691 = arith.constant 0 : i32
        %dma_wait3A_692 = arith.constant 0 : i32
        %dma_wait3A_693 = arith.constant 0 : i32
        %dma_wait3A_694 = tpu.memref_slice %arg4[%dma_wait3A_684, %dma_wait3A_691, %dma_wait3A_685, %dma_wait3A_692, %dma_wait3A_693] : memref<50x8x128x8x128xf32, #tpu.memory_space<hbm>> -> memref<1x8x1x8x128xf32, #tpu.memory_space<hbm>>
        %dma_wait3A_695 = tpu.memref_squeeze %dma_wait3A_694 : memref<1x8x1x8x128xf32, #tpu.memory_space<hbm>> -> memref<8x8x128xf32, #tpu.memory_space<hbm>>
        %dma_wait3A_696 = arith.constant 0 : i32
        %dma_wait3A_697 = arith.constant 0 : i32
        %dma_wait3A_698 = arith.constant 0 : i32
        %dma_wait3A_699 = tpu.memref_slice %arg4[%dma_wait3A_684, %dma_wait3A_696, %dma_wait3A_685, %dma_wait3A_697, %dma_wait3A_698] : memref<50x8x128x8x128xf32, #tpu.memory_space<hbm>> -> memref<1x8x1x8x128xf32, #tpu.memory_space<hbm>>
        %dma_wait3A_700 = tpu.memref_squeeze %dma_wait3A_699 : memref<1x8x1x8x128xf32, #tpu.memory_space<hbm>> -> memref<8x8x128xf32, #tpu.memory_space<hbm>>
        %dma_wait3A_701 = arith.constant 0 : i32
        %dma_wait3A_702 = arith.constant 0 : i32
        %dma_wait3A_703 = arith.constant 0 : i32
        %dma_wait3A_704 = tpu.memref_slice %arg7[%dma_wait3A_683, %dma_wait3A_701, %dma_wait3A_702, %dma_wait3A_703] : memref<2x8x8x513xf32, #tpu.memory_space<vmem>> -> memref<1x8x8x128xf32, #tpu.memory_space<vmem>>
        %dma_wait3A_705 = tpu.memref_squeeze %dma_wait3A_704 : memref<1x8x8x128xf32, #tpu.memory_space<vmem>> -> memref<8x8x128xf32, #tpu.memory_space<vmem>>
        tpu.wait_dma2 semaphore(%arg12 : memref<!tpu.dma_semaphore, #tpu.memory_space<semaphore_mem>>) src(%dma_wait3A_705 : memref<8x8x128xf32, #tpu.memory_space<vmem>>) dst(%dma_wait3A_700 : memref<8x8x128xf32, #tpu.memory_space<hbm>>)
      } else {
      }
      %dma_wait3A_247 = arith.constant 0 : i32
      %dma_wait3A_248 = arith.constant 0 : i32
      %dma_wait3A_249 = arith.constant 0 : i32
      %dma_wait3A_250 = arith.constant 0 : i32
      %dma_wait3A_251 = tpu.memref_slice %arg6[%dma_wait3A_248, %dma_wait3A_249, %dma_wait3A_250] : memref<4x128x64xf32, #tpu.memory_space<vmem>> -> memref<1x128x64xf32, #tpu.memory_space<vmem>>
      %dma_wait3A_252 = tpu.memref_squeeze %dma_wait3A_251 : memref<1x128x64xf32, #tpu.memory_space<vmem>> -> memref<128x64xf32, #tpu.memory_space<vmem>>
      %dma_wait3A_253 = arith.constant 0 : i32
      %dma_wait3A_254 = tpu.memref_slice %arg5[%dma_wait3A_247, %dma_wait3A_253] : memref<50x512xi32, #tpu.memory_space<vmem>> -> memref<1x128xi32, #tpu.memory_space<vmem>>
      %dma_wait3A_255 = tpu.memref_squeeze %dma_wait3A_254 : memref<1x128xi32, #tpu.memory_space<vmem>> -> memref<128xi32, #tpu.memory_space<vmem>>
      %dma_wait3A_256 = arith.constant 0 : i32
      %dma_wait3A_257 = arith.constant 0 : i32
      %dma_wait3A_258 = tpu.memref_slice %arg2[%dma_wait3A_256, %dma_wait3A_257] : memref<1000000x64xf32, #tpu.memory_space<hbm>> -> memref<1000000x64xf32, #tpu.memory_space<hbm>>
      tpu.wait_indirect_dma semaphore(%arg8 : memref<!tpu.dma_semaphore, #tpu.memory_space<semaphore_mem>>) src(%dma_wait3A_258 : memref<1000000x64xf32, #tpu.memory_space<hbm>>) dst(%dma_wait3A_252 : memref<128x64xf32, #tpu.memory_space<vmem>>)
      %parallel_loop3A = arith.constant 0 : i32
      %parallel_loop3A_259 = arith.constant 128 : i32
      %parallel_loop3A_260 = arith.constant 1 : i32
      %parallel_loop3A_261 = arith.constant 0 : i32
      %parallel_loop3A_262 = arith.constant 0 : i32
      scf.for %parallel_loop3A_614 = %parallel_loop3A to %parallel_loop3A_259 step %parallel_loop3A_260  : i32 {
        %parallel_loop3A_615 = arith.constant 0 : i32
        %parallel_loop3A_616 = arith.addi %parallel_loop3A_615, %parallel_loop3A_614 : i32
        %parallel_loop3A_617 = vector.broadcast %parallel_loop3A_616 : i32 to vector<16xi32>
        %parallel_loop3A_618 = arith.constant 0 : i32
        %parallel_loop3A_619 = vector.broadcast %parallel_loop3A_618 : i32 to vector<16xi32>
        %parallel_loop3A_620 = arith.addi %iota3A, %parallel_loop3A_619 : vector<16xi32>
        %parallel_loop3A_621 = arith.constant 0 : i32
        %parallel_loop3A_622 = arith.constant 0 : i32
        %parallel_loop3A_623 = tpu.memref_slice %arg6[%parallel_loop3A_261, %parallel_loop3A_621, %parallel_loop3A_622] : memref<4x128x64xf32, #tpu.memory_space<vmem>> -> memref<1x128x64xf32, #tpu.memory_space<vmem>>
        %parallel_loop3A_624 = tpu.memref_squeeze %parallel_loop3A_623 : memref<1x128x64xf32, #tpu.memory_space<vmem>> -> memref<128x64xf32, #tpu.memory_space<vmem>>
        %parallel_loop3A_625 = arith.index_cast %parallel_loop3A_614 : i32 to index
        %parallel_loop3A_626 = arith.constant 0 : index
        %parallel_loop3A_627 = tpu.vector_load %parallel_loop3A_624[%parallel_loop3A_625, %parallel_loop3A_626] {strides = array<i32>} : memref<128x64xf32, #tpu.memory_space<vmem>>, vector<16xf32>,
        %parallel_loop3A_628 = arith.constant 8.000000e+00 : f32
        %parallel_loop3A_629 = vector.broadcast %parallel_loop3A_628 : f32 to vector<16xf32>
        %parallel_loop3A_630 = arith.mulf %parallel_loop3A_627, %parallel_loop3A_629 : vector<16xf32>
        %parallel_loop3A_631 = arith.constant 3 : i32
        %parallel_loop3A_632 = vector.broadcast %parallel_loop3A_631 : i32 to vector<16xi32>
        %parallel_loop3A_633 = arith.shrsi %parallel_loop3A_620, %parallel_loop3A_632 : vector<16xi32>
        %parallel_loop3A_634 = arith.constant 7 : i32
        %parallel_loop3A_635 = vector.broadcast %parallel_loop3A_634 : i32 to vector<16xi32>
        %parallel_loop3A_636 = arith.andi %parallel_loop3A_620, %parallel_loop3A_635 : vector<16xi32>
        %parallel_loop3A_637 = arith.constant 0 : i32
        %parallel_loop3A_638 = arith.constant 0 : i32
        %parallel_loop3A_639 = arith.constant 0 : i32
        %parallel_loop3A_640 = tpu.memref_slice %arg7[%parallel_loop3A_262, %parallel_loop3A_637, %parallel_loop3A_638, %parallel_loop3A_639] : memref<2x8x8x513xf32, #tpu.memory_space<vmem>> -> memref<1x8x8x513xf32, #tpu.memory_space<vmem>>
        %parallel_loop3A_641 = tpu.memref_squeeze %parallel_loop3A_640 : memref<1x8x8x513xf32, #tpu.memory_space<vmem>> -> memref<8x8x513xf32, #tpu.memory_space<vmem>>
        tpu.vector_store_idx %parallel_loop3A_641[%parallel_loop3A_633, %parallel_loop3A_636, %parallel_loop3A_617], %parallel_loop3A_630 : memref<8x8x513xf32, #tpu.memory_space<vmem>>[vector<16xi32>, vector<16xi32>, vector<16xi32>], vector<16xf32>,
        %parallel_loop3A_642 = arith.constant 16 : i32
        %parallel_loop3A_643 = vector.broadcast %parallel_loop3A_642 : i32 to vector<16xi32>
        %parallel_loop3A_644 = arith.addi %iota3A, %parallel_loop3A_643 : vector<16xi32>
        %parallel_loop3A_645 = arith.constant 0 : i32
        %parallel_loop3A_646 = arith.constant 0 : i32
        %parallel_loop3A_647 = tpu.memref_slice %arg6[%parallel_loop3A_261, %parallel_loop3A_645, %parallel_loop3A_646] : memref<4x128x64xf32, #tpu.memory_space<vmem>> -> memref<1x128x64xf32, #tpu.memory_space<vmem>>
        %parallel_loop3A_648 = tpu.memref_squeeze %parallel_loop3A_647 : memref<1x128x64xf32, #tpu.memory_space<vmem>> -> memref<128x64xf32, #tpu.memory_space<vmem>>
        %parallel_loop3A_649 = arith.index_cast %parallel_loop3A_614 : i32 to index
        %parallel_loop3A_650 = arith.constant 16 : index
        %parallel_loop3A_651 = tpu.vector_load %parallel_loop3A_648[%parallel_loop3A_649, %parallel_loop3A_650] {strides = array<i32>} : memref<128x64xf32, #tpu.memory_space<vmem>>, vector<16xf32>,
        %parallel_loop3A_652 = arith.constant 8.000000e+00 : f32
        %parallel_loop3A_653 = vector.broadcast %parallel_loop3A_652 : f32 to vector<16xf32>
        %parallel_loop3A_654 = arith.mulf %parallel_loop3A_651, %parallel_loop3A_653 : vector<16xf32>
        %parallel_loop3A_655 = arith.constant 3 : i32
        %parallel_loop3A_656 = vector.broadcast %parallel_loop3A_655 : i32 to vector<16xi32>
        %parallel_loop3A_657 = arith.shrsi %parallel_loop3A_644, %parallel_loop3A_656 : vector<16xi32>
        %parallel_loop3A_658 = arith.constant 7 : i32
        %parallel_loop3A_659 = vector.broadcast %parallel_loop3A_658 : i32 to vector<16xi32>
        %parallel_loop3A_660 = arith.andi %parallel_loop3A_644, %parallel_loop3A_659 : vector<16xi32>
        %parallel_loop3A_661 = arith.constant 0 : i32
        %parallel_loop3A_662 = arith.constant 0 : i32
        %parallel_loop3A_663 = arith.constant 0 : i32
        %parallel_loop3A_664 = tpu.memref_slice %arg7[%parallel_loop3A_262, %parallel_loop3A_661, %parallel_loop3A_662, %parallel_loop3A_663] : memref<2x8x8x513xf32, #tpu.memory_space<vmem>> -> memref<1x8x8x513xf32, #tpu.memory_space<vmem>>
        %parallel_loop3A_665 = tpu.memref_squeeze %parallel_loop3A_664 : memref<1x8x8x513xf32, #tpu.memory_space<vmem>> -> memref<8x8x513xf32, #tpu.memory_space<vmem>>
        tpu.vector_store_idx %parallel_loop3A_665[%parallel_loop3A_657, %parallel_loop3A_660, %parallel_loop3A_617], %parallel_loop3A_654 : memref<8x8x513xf32, #tpu.memory_space<vmem>>[vector<16xi32>, vector<16xi32>, vector<16xi32>], vector<16xf32>,
        %parallel_loop3A_666 = arith.constant 32 : i32
        %parallel_loop3A_667 = vector.broadcast %parallel_loop3A_666 : i32 to vector<16xi32>
        %parallel_loop3A_668 = arith.addi %iota3A, %parallel_loop3A_667 : vector<16xi32>
        %parallel_loop3A_669 = arith.constant 0 : i32
        %parallel_loop3A_670 = arith.constant 0 : i32
        %parallel_loop3A_671 = tpu.memref_slice %arg6[%parallel_loop3A_261, %parallel_loop3A_669, %parallel_loop3A_670] : memref<4x128x64xf32, #tpu.memory_space<vmem>> -> memref<1x128x64xf32, #tpu.memory_space<vmem>>
        %parallel_loop3A_672 = tpu.memref_squeeze %parallel_loop3A_671 : memref<1x128x64xf32, #tpu.memory_space<vmem>> -> memref<128x64xf32, #tpu.memory_space<vmem>>
        %parallel_loop3A_673 = arith.index_cast %parallel_loop3A_614 : i32 to index
        %parallel_loop3A_674 = arith.constant 32 : index
        %parallel_loop3A_675 = tpu.vector_load %parallel_loop3A_672[%parallel_loop3A_673, %parallel_loop3A_674] {strides = array<i32>} : memref<128x64xf32, #tpu.memory_space<vmem>>, vector<16xf32>,
        %parallel_loop3A_676 = arith.constant 8.000000e+00 : f32
        %parallel_loop3A_677 = vector.broadcast %parallel_loop3A_676 : f32 to vector<16xf32>
        %parallel_loop3A_678 = arith.mulf %parallel_loop3A_675, %parallel_loop3A_677 : vector<16xf32>
        %parallel_loop3A_679 = arith.constant 3 : i32
        %parallel_loop3A_680 = vector.broadcast %parallel_loop3A_679 : i32 to vector<16xi32>
        %parallel_loop3A_681 = arith.shrsi %parallel_loop3A_668, %parallel_loop3A_680 : vector<16xi32>
        %parallel_loop3A_682 = arith.constant 7 : i32
        %parallel_loop3A_683 = vector.broadcast %parallel_loop3A_682 : i32 to vector<16xi32>
        %parallel_loop3A_684 = arith.andi %parallel_loop3A_668, %parallel_loop3A_683 : vector<16xi32>
        %parallel_loop3A_685 = arith.constant 0 : i32
        %parallel_loop3A_686 = arith.constant 0 : i32
        %parallel_loop3A_687 = arith.constant 0 : i32
        %parallel_loop3A_688 = tpu.memref_slice %arg7[%parallel_loop3A_262, %parallel_loop3A_685, %parallel_loop3A_686, %parallel_loop3A_687] : memref<2x8x8x513xf32, #tpu.memory_space<vmem>> -> memref<1x8x8x513xf32, #tpu.memory_space<vmem>>
        %parallel_loop3A_689 = tpu.memref_squeeze %parallel_loop3A_688 : memref<1x8x8x513xf32, #tpu.memory_space<vmem>> -> memref<8x8x513xf32, #tpu.memory_space<vmem>>
        tpu.vector_store_idx %parallel_loop3A_689[%parallel_loop3A_681, %parallel_loop3A_684, %parallel_loop3A_617], %parallel_loop3A_678 : memref<8x8x513xf32, #tpu.memory_space<vmem>>[vector<16xi32>, vector<16xi32>, vector<16xi32>], vector<16xf32>,
        %parallel_loop3A_690 = arith.constant 48 : i32
        %parallel_loop3A_691 = vector.broadcast %parallel_loop3A_690 : i32 to vector<16xi32>
        %parallel_loop3A_692 = arith.addi %iota3A, %parallel_loop3A_691 : vector<16xi32>
        %parallel_loop3A_693 = arith.constant 0 : i32
        %parallel_loop3A_694 = arith.constant 0 : i32
        %parallel_loop3A_695 = tpu.memref_slice %arg6[%parallel_loop3A_261, %parallel_loop3A_693, %parallel_loop3A_694] : memref<4x128x64xf32, #tpu.memory_space<vmem>> -> memref<1x128x64xf32, #tpu.memory_space<vmem>>
        %parallel_loop3A_696 = tpu.memref_squeeze %parallel_loop3A_695 : memref<1x128x64xf32, #tpu.memory_space<vmem>> -> memref<128x64xf32, #tpu.memory_space<vmem>>
        %parallel_loop3A_697 = arith.index_cast %parallel_loop3A_614 : i32 to index
        %parallel_loop3A_698 = arith.constant 48 : index
        %parallel_loop3A_699 = tpu.vector_load %parallel_loop3A_696[%parallel_loop3A_697, %parallel_loop3A_698] {strides = array<i32>} : memref<128x64xf32, #tpu.memory_space<vmem>>, vector<16xf32>,
        %parallel_loop3A_700 = arith.constant 8.000000e+00 : f32
        %parallel_loop3A_701 = vector.broadcast %parallel_loop3A_700 : f32 to vector<16xf32>
        %parallel_loop3A_702 = arith.mulf %parallel_loop3A_699, %parallel_loop3A_701 : vector<16xf32>
        %parallel_loop3A_703 = arith.constant 3 : i32
        %parallel_loop3A_704 = vector.broadcast %parallel_loop3A_703 : i32 to vector<16xi32>
        %parallel_loop3A_705 = arith.shrsi %parallel_loop3A_692, %parallel_loop3A_704 : vector<16xi32>
        %parallel_loop3A_706 = arith.constant 7 : i32
        %parallel_loop3A_707 = vector.broadcast %parallel_loop3A_706 : i32 to vector<16xi32>
        %parallel_loop3A_708 = arith.andi %parallel_loop3A_692, %parallel_loop3A_707 : vector<16xi32>
        %parallel_loop3A_709 = arith.constant 0 : i32
        %parallel_loop3A_710 = arith.constant 0 : i32
        %parallel_loop3A_711 = arith.constant 0 : i32
        %parallel_loop3A_712 = tpu.memref_slice %arg7[%parallel_loop3A_262, %parallel_loop3A_709, %parallel_loop3A_710, %parallel_loop3A_711] : memref<2x8x8x513xf32, #tpu.memory_space<vmem>> -> memref<1x8x8x513xf32, #tpu.memory_space<vmem>>
        %parallel_loop3A_713 = tpu.memref_squeeze %parallel_loop3A_712 : memref<1x8x8x513xf32, #tpu.memory_space<vmem>> -> memref<8x8x513xf32, #tpu.memory_space<vmem>>
        tpu.vector_store_idx %parallel_loop3A_713[%parallel_loop3A_705, %parallel_loop3A_708, %parallel_loop3A_617], %parallel_loop3A_702 : memref<8x8x513xf32, #tpu.memory_space<vmem>>[vector<16xi32>, vector<16xi32>, vector<16xi32>], vector<16xf32>,
      } {sc.loop_unroll_factor = 4 : i64, sc.parallel_access}
      %lt3A = arith.constant 49 : i32
      %lt3A_263 = arith.cmpi slt, %add3A_244, %lt3A : i32
      %convert_element_type3A_264 = arith.extui %lt3A_263 : i1 to i32
      %cond3A_265 = arith.constant 0 : i32
      %cond3A_266 = arith.cmpi ne, %convert_element_type3A_264, %cond3A_265 : i32
      scf.if %cond3A_266 {
        %add3A_614 = arith.constant 1 : i32
        %add3A_615 = arith.addi %add3A_244, %add3A_614 : i32
        %dma_start3A_616 = arith.constant 0 : i32
        %dma_start3A_617 = arith.constant 0 : i32
        %dma_start3A_618 = arith.constant 0 : i32
        %dma_start3A_619 = tpu.memref_slice %arg6[%dma_start3A_616, %dma_start3A_617, %dma_start3A_618] : memref<4x128x64xf32, #tpu.memory_space<vmem>> -> memref<1x128x64xf32, #tpu.memory_space<vmem>>
        %dma_start3A_620 = tpu.memref_squeeze %dma_start3A_619 : memref<1x128x64xf32, #tpu.memory_space<vmem>> -> memref<128x64xf32, #tpu.memory_space<vmem>>
        %dma_start3A_621 = arith.constant 0 : i32
        %dma_start3A_622 = tpu.memref_slice %arg5[%add3A_615, %dma_start3A_621] : memref<50x512xi32, #tpu.memory_space<vmem>> -> memref<1x128xi32, #tpu.memory_space<vmem>>
        %dma_start3A_623 = tpu.memref_squeeze %dma_start3A_622 : memref<1x128xi32, #tpu.memory_space<vmem>> -> memref<128xi32, #tpu.memory_space<vmem>>
        %dma_start3A_624 = arith.constant 0 : i32
        %dma_start3A_625 = arith.constant 0 : i32
        %dma_start3A_626 = tpu.memref_slice %arg2[%dma_start3A_624, %dma_start3A_625] : memref<1000000x64xf32, #tpu.memory_space<hbm>> -> memref<1000000x64xf32, #tpu.memory_space<hbm>>
        tpu.enqueue_indirect_dma source(%dma_start3A_626 : memref<1000000x64xf32, #tpu.memory_space<hbm>>) target(%dma_start3A_620 : memref<128x64xf32, #tpu.memory_space<vmem>>) offsets(%dma_start3A_623 : memref<128xi32, #tpu.memory_space<vmem>>) semaphore(%arg8 : memref<!tpu.dma_semaphore, #tpu.memory_space<semaphore_mem>>)
      } else {
      }
      %dma_wait3A_267 = arith.constant 0 : i32
      %dma_wait3A_268 = arith.constant 1 : i32
      %dma_wait3A_269 = arith.constant 0 : i32
      %dma_wait3A_270 = arith.constant 0 : i32
      %dma_wait3A_271 = tpu.memref_slice %arg6[%dma_wait3A_268, %dma_wait3A_269, %dma_wait3A_270] : memref<4x128x64xf32, #tpu.memory_space<vmem>> -> memref<1x128x64xf32, #tpu.memory_space<vmem>>
      %dma_wait3A_272 = tpu.memref_squeeze %dma_wait3A_271 : memref<1x128x64xf32, #tpu.memory_space<vmem>> -> memref<128x64xf32, #tpu.memory_space<vmem>>
      %dma_wait3A_273 = arith.constant 0 : i32
      %dma_wait3A_274 = tpu.memref_slice %arg5[%dma_wait3A_267, %dma_wait3A_273] : memref<50x512xi32, #tpu.memory_space<vmem>> -> memref<1x128xi32, #tpu.memory_space<vmem>>
      %dma_wait3A_275 = tpu.memref_squeeze %dma_wait3A_274 : memref<1x128xi32, #tpu.memory_space<vmem>> -> memref<128xi32, #tpu.memory_space<vmem>>
      %dma_wait3A_276 = arith.constant 0 : i32
      %dma_wait3A_277 = arith.constant 0 : i32
      %dma_wait3A_278 = tpu.memref_slice %arg2[%dma_wait3A_276, %dma_wait3A_277] : memref<1000000x64xf32, #tpu.memory_space<hbm>> -> memref<1000000x64xf32, #tpu.memory_space<hbm>>
      tpu.wait_indirect_dma semaphore(%arg9 : memref<!tpu.dma_semaphore, #tpu.memory_space<semaphore_mem>>) src(%dma_wait3A_278 : memref<1000000x64xf32, #tpu.memory_space<hbm>>) dst(%dma_wait3A_272 : memref<128x64xf32, #tpu.memory_space<vmem>>)
      %parallel_loop3A_279 = arith.constant 0 : i32
      %parallel_loop3A_280 = arith.constant 128 : i32
      %parallel_loop3A_281 = arith.constant 1 : i32
      %parallel_loop3A_282 = arith.constant 1 : i32
      %parallel_loop3A_283 = arith.constant 0 : i32
      scf.for %parallel_loop3A_614 = %parallel_loop3A_279 to %parallel_loop3A_280 step %parallel_loop3A_281  : i32 {
        %parallel_loop3A_615 = arith.constant 128 : i32
        %parallel_loop3A_616 = arith.addi %parallel_loop3A_615, %parallel_loop3A_614 : i32
        %parallel_loop3A_617 = vector.broadcast %parallel_loop3A_616 : i32 to vector<16xi32>
        %parallel_loop3A_618 = arith.constant 0 : i32
        %parallel_loop3A_619 = vector.broadcast %parallel_loop3A_618 : i32 to vector<16xi32>
        %parallel_loop3A_620 = arith.addi %iota3A, %parallel_loop3A_619 : vector<16xi32>
        %parallel_loop3A_621 = arith.constant 0 : i32
        %parallel_loop3A_622 = arith.constant 0 : i32
        %parallel_loop3A_623 = tpu.memref_slice %arg6[%parallel_loop3A_282, %parallel_loop3A_621, %parallel_loop3A_622] : memref<4x128x64xf32, #tpu.memory_space<vmem>> -> memref<1x128x64xf32, #tpu.memory_space<vmem>>
        %parallel_loop3A_624 = tpu.memref_squeeze %parallel_loop3A_623 : memref<1x128x64xf32, #tpu.memory_space<vmem>> -> memref<128x64xf32, #tpu.memory_space<vmem>>
        %parallel_loop3A_625 = arith.index_cast %parallel_loop3A_614 : i32 to index
        %parallel_loop3A_626 = arith.constant 0 : index
        %parallel_loop3A_627 = tpu.vector_load %parallel_loop3A_624[%parallel_loop3A_625, %parallel_loop3A_626] {strides = array<i32>} : memref<128x64xf32, #tpu.memory_space<vmem>>, vector<16xf32>,
        %parallel_loop3A_628 = arith.constant 8.000000e+00 : f32
        %parallel_loop3A_629 = vector.broadcast %parallel_loop3A_628 : f32 to vector<16xf32>
        %parallel_loop3A_630 = arith.mulf %parallel_loop3A_627, %parallel_loop3A_629 : vector<16xf32>
        %parallel_loop3A_631 = arith.constant 3 : i32
        %parallel_loop3A_632 = vector.broadcast %parallel_loop3A_631 : i32 to vector<16xi32>
        %parallel_loop3A_633 = arith.shrsi %parallel_loop3A_620, %parallel_loop3A_632 : vector<16xi32>
        %parallel_loop3A_634 = arith.constant 7 : i32
        %parallel_loop3A_635 = vector.broadcast %parallel_loop3A_634 : i32 to vector<16xi32>
        %parallel_loop3A_636 = arith.andi %parallel_loop3A_620, %parallel_loop3A_635 : vector<16xi32>
        %parallel_loop3A_637 = arith.constant 0 : i32
        %parallel_loop3A_638 = arith.constant 0 : i32
        %parallel_loop3A_639 = arith.constant 0 : i32
        %parallel_loop3A_640 = tpu.memref_slice %arg7[%parallel_loop3A_283, %parallel_loop3A_637, %parallel_loop3A_638, %parallel_loop3A_639] : memref<2x8x8x513xf32, #tpu.memory_space<vmem>> -> memref<1x8x8x513xf32, #tpu.memory_space<vmem>>
        %parallel_loop3A_641 = tpu.memref_squeeze %parallel_loop3A_640 : memref<1x8x8x513xf32, #tpu.memory_space<vmem>> -> memref<8x8x513xf32, #tpu.memory_space<vmem>>
        tpu.vector_store_idx %parallel_loop3A_641[%parallel_loop3A_633, %parallel_loop3A_636, %parallel_loop3A_617], %parallel_loop3A_630 : memref<8x8x513xf32, #tpu.memory_space<vmem>>[vector<16xi32>, vector<16xi32>, vector<16xi32>], vector<16xf32>,
        %parallel_loop3A_642 = arith.constant 16 : i32
        %parallel_loop3A_643 = vector.broadcast %parallel_loop3A_642 : i32 to vector<16xi32>
        %parallel_loop3A_644 = arith.addi %iota3A, %parallel_loop3A_643 : vector<16xi32>
        %parallel_loop3A_645 = arith.constant 0 : i32
        %parallel_loop3A_646 = arith.constant 0 : i32
        %parallel_loop3A_647 = tpu.memref_slice %arg6[%parallel_loop3A_282, %parallel_loop3A_645, %parallel_loop3A_646] : memref<4x128x64xf32, #tpu.memory_space<vmem>> -> memref<1x128x64xf32, #tpu.memory_space<vmem>>
        %parallel_loop3A_648 = tpu.memref_squeeze %parallel_loop3A_647 : memref<1x128x64xf32, #tpu.memory_space<vmem>> -> memref<128x64xf32, #tpu.memory_space<vmem>>
        %parallel_loop3A_649 = arith.index_cast %parallel_loop3A_614 : i32 to index
        %parallel_loop3A_650 = arith.constant 16 : index
        %parallel_loop3A_651 = tpu.vector_load %parallel_loop3A_648[%parallel_loop3A_649, %parallel_loop3A_650] {strides = array<i32>} : memref<128x64xf32, #tpu.memory_space<vmem>>, vector<16xf32>,
        %parallel_loop3A_652 = arith.constant 8.000000e+00 : f32
        %parallel_loop3A_653 = vector.broadcast %parallel_loop3A_652 : f32 to vector<16xf32>
        %parallel_loop3A_654 = arith.mulf %parallel_loop3A_651, %parallel_loop3A_653 : vector<16xf32>
        %parallel_loop3A_655 = arith.constant 3 : i32
        %parallel_loop3A_656 = vector.broadcast %parallel_loop3A_655 : i32 to vector<16xi32>
        %parallel_loop3A_657 = arith.shrsi %parallel_loop3A_644, %parallel_loop3A_656 : vector<16xi32>
        %parallel_loop3A_658 = arith.constant 7 : i32
        %parallel_loop3A_659 = vector.broadcast %parallel_loop3A_658 : i32 to vector<16xi32>
        %parallel_loop3A_660 = arith.andi %parallel_loop3A_644, %parallel_loop3A_659 : vector<16xi32>
        %parallel_loop3A_661 = arith.constant 0 : i32
        %parallel_loop3A_662 = arith.constant 0 : i32
        %parallel_loop3A_663 = arith.constant 0 : i32
        %parallel_loop3A_664 = tpu.memref_slice %arg7[%parallel_loop3A_283, %parallel_loop3A_661, %parallel_loop3A_662, %parallel_loop3A_663] : memref<2x8x8x513xf32, #tpu.memory_space<vmem>> -> memref<1x8x8x513xf32, #tpu.memory_space<vmem>>
        %parallel_loop3A_665 = tpu.memref_squeeze %parallel_loop3A_664 : memref<1x8x8x513xf32, #tpu.memory_space<vmem>> -> memref<8x8x513xf32, #tpu.memory_space<vmem>>
        tpu.vector_store_idx %parallel_loop3A_665[%parallel_loop3A_657, %parallel_loop3A_660, %parallel_loop3A_617], %parallel_loop3A_654 : memref<8x8x513xf32, #tpu.memory_space<vmem>>[vector<16xi32>, vector<16xi32>, vector<16xi32>], vector<16xf32>,
        %parallel_loop3A_666 = arith.constant 32 : i32
        %parallel_loop3A_667 = vector.broadcast %parallel_loop3A_666 : i32 to vector<16xi32>
        %parallel_loop3A_668 = arith.addi %iota3A, %parallel_loop3A_667 : vector<16xi32>
        %parallel_loop3A_669 = arith.constant 0 : i32
        %parallel_loop3A_670 = arith.constant 0 : i32
        %parallel_loop3A_671 = tpu.memref_slice %arg6[%parallel_loop3A_282, %parallel_loop3A_669, %parallel_loop3A_670] : memref<4x128x64xf32, #tpu.memory_space<vmem>> -> memref<1x128x64xf32, #tpu.memory_space<vmem>>
        %parallel_loop3A_672 = tpu.memref_squeeze %parallel_loop3A_671 : memref<1x128x64xf32, #tpu.memory_space<vmem>> -> memref<128x64xf32, #tpu.memory_space<vmem>>
        %parallel_loop3A_673 = arith.index_cast %parallel_loop3A_614 : i32 to index
        %parallel_loop3A_674 = arith.constant 32 : index
        %parallel_loop3A_675 = tpu.vector_load %parallel_loop3A_672[%parallel_loop3A_673, %parallel_loop3A_674] {strides = array<i32>} : memref<128x64xf32, #tpu.memory_space<vmem>>, vector<16xf32>,
        %parallel_loop3A_676 = arith.constant 8.000000e+00 : f32
        %parallel_loop3A_677 = vector.broadcast %parallel_loop3A_676 : f32 to vector<16xf32>
        %parallel_loop3A_678 = arith.mulf %parallel_loop3A_675, %parallel_loop3A_677 : vector<16xf32>
        %parallel_loop3A_679 = arith.constant 3 : i32
        %parallel_loop3A_680 = vector.broadcast %parallel_loop3A_679 : i32 to vector<16xi32>
        %parallel_loop3A_681 = arith.shrsi %parallel_loop3A_668, %parallel_loop3A_680 : vector<16xi32>
        %parallel_loop3A_682 = arith.constant 7 : i32
        %parallel_loop3A_683 = vector.broadcast %parallel_loop3A_682 : i32 to vector<16xi32>
        %parallel_loop3A_684 = arith.andi %parallel_loop3A_668, %parallel_loop3A_683 : vector<16xi32>
        %parallel_loop3A_685 = arith.constant 0 : i32
        %parallel_loop3A_686 = arith.constant 0 : i32
        %parallel_loop3A_687 = arith.constant 0 : i32
        %parallel_loop3A_688 = tpu.memref_slice %arg7[%parallel_loop3A_283, %parallel_loop3A_685, %parallel_loop3A_686, %parallel_loop3A_687] : memref<2x8x8x513xf32, #tpu.memory_space<vmem>> -> memref<1x8x8x513xf32, #tpu.memory_space<vmem>>
        %parallel_loop3A_689 = tpu.memref_squeeze %parallel_loop3A_688 : memref<1x8x8x513xf32, #tpu.memory_space<vmem>> -> memref<8x8x513xf32, #tpu.memory_space<vmem>>
        tpu.vector_store_idx %parallel_loop3A_689[%parallel_loop3A_681, %parallel_loop3A_684, %parallel_loop3A_617], %parallel_loop3A_678 : memref<8x8x513xf32, #tpu.memory_space<vmem>>[vector<16xi32>, vector<16xi32>, vector<16xi32>], vector<16xf32>,
        %parallel_loop3A_690 = arith.constant 48 : i32
        %parallel_loop3A_691 = vector.broadcast %parallel_loop3A_690 : i32 to vector<16xi32>
        %parallel_loop3A_692 = arith.addi %iota3A, %parallel_loop3A_691 : vector<16xi32>
        %parallel_loop3A_693 = arith.constant 0 : i32
        %parallel_loop3A_694 = arith.constant 0 : i32
        %parallel_loop3A_695 = tpu.memref_slice %arg6[%parallel_loop3A_282, %parallel_loop3A_693, %parallel_loop3A_694] : memref<4x128x64xf32, #tpu.memory_space<vmem>> -> memref<1x128x64xf32, #tpu.memory_space<vmem>>
        %parallel_loop3A_696 = tpu.memref_squeeze %parallel_loop3A_695 : memref<1x128x64xf32, #tpu.memory_space<vmem>> -> memref<128x64xf32, #tpu.memory_space<vmem>>
        %parallel_loop3A_697 = arith.index_cast %parallel_loop3A_614 : i32 to index
        %parallel_loop3A_698 = arith.constant 48 : index
        %parallel_loop3A_699 = tpu.vector_load %parallel_loop3A_696[%parallel_loop3A_697, %parallel_loop3A_698] {strides = array<i32>} : memref<128x64xf32, #tpu.memory_space<vmem>>, vector<16xf32>,
        %parallel_loop3A_700 = arith.constant 8.000000e+00 : f32
        %parallel_loop3A_701 = vector.broadcast %parallel_loop3A_700 : f32 to vector<16xf32>
        %parallel_loop3A_702 = arith.mulf %parallel_loop3A_699, %parallel_loop3A_701 : vector<16xf32>
        %parallel_loop3A_703 = arith.constant 3 : i32
        %parallel_loop3A_704 = vector.broadcast %parallel_loop3A_703 : i32 to vector<16xi32>
        %parallel_loop3A_705 = arith.shrsi %parallel_loop3A_692, %parallel_loop3A_704 : vector<16xi32>
        %parallel_loop3A_706 = arith.constant 7 : i32
        %parallel_loop3A_707 = vector.broadcast %parallel_loop3A_706 : i32 to vector<16xi32>
        %parallel_loop3A_708 = arith.andi %parallel_loop3A_692, %parallel_loop3A_707 : vector<16xi32>
        %parallel_loop3A_709 = arith.constant 0 : i32
        %parallel_loop3A_710 = arith.constant 0 : i32
        %parallel_loop3A_711 = arith.constant 0 : i32
        %parallel_loop3A_712 = tpu.memref_slice %arg7[%parallel_loop3A_283, %parallel_loop3A_709, %parallel_loop3A_710, %parallel_loop3A_711] : memref<2x8x8x513xf32, #tpu.memory_space<vmem>> -> memref<1x8x8x513xf32, #tpu.memory_space<vmem>>
        %parallel_loop3A_713 = tpu.memref_squeeze %parallel_loop3A_712 : memref<1x8x8x513xf32, #tpu.memory_space<vmem>> -> memref<8x8x513xf32, #tpu.memory_space<vmem>>
        tpu.vector_store_idx %parallel_loop3A_713[%parallel_loop3A_705, %parallel_loop3A_708, %parallel_loop3A_617], %parallel_loop3A_702 : memref<8x8x513xf32, #tpu.memory_space<vmem>>[vector<16xi32>, vector<16xi32>, vector<16xi32>], vector<16xf32>,
      } {sc.loop_unroll_factor = 4 : i64, sc.parallel_access}
      %lt3A_284 = arith.constant 49 : i32
      %lt3A_285 = arith.cmpi slt, %add3A_244, %lt3A_284 : i32
      %convert_element_type3A_286 = arith.extui %lt3A_285 : i1 to i32
      %cond3A_287 = arith.constant 0 : i32
      %cond3A_288 = arith.cmpi ne, %convert_element_type3A_286, %cond3A_287 : i32
      scf.if %cond3A_288 {
        %add3A_614 = arith.constant 1 : i32
        %add3A_615 = arith.addi %add3A_244, %add3A_614 : i32
        %dma_start3A_616 = arith.constant 1 : i32
        %dma_start3A_617 = arith.constant 0 : i32
        %dma_start3A_618 = arith.constant 0 : i32
        %dma_start3A_619 = tpu.memref_slice %arg6[%dma_start3A_616, %dma_start3A_617, %dma_start3A_618] : memref<4x128x64xf32, #tpu.memory_space<vmem>> -> memref<1x128x64xf32, #tpu.memory_space<vmem>>
        %dma_start3A_620 = tpu.memref_squeeze %dma_start3A_619 : memref<1x128x64xf32, #tpu.memory_space<vmem>> -> memref<128x64xf32, #tpu.memory_space<vmem>>
        %dma_start3A_621 = arith.constant 128 : i32
        %dma_start3A_622 = tpu.memref_slice %arg5[%add3A_615, %dma_start3A_621] : memref<50x512xi32, #tpu.memory_space<vmem>> -> memref<1x128xi32, #tpu.memory_space<vmem>>
        %dma_start3A_623 = tpu.memref_squeeze %dma_start3A_622 : memref<1x128xi32, #tpu.memory_space<vmem>> -> memref<128xi32, #tpu.memory_space<vmem>>
        %dma_start3A_624 = arith.constant 0 : i32
        %dma_start3A_625 = arith.constant 0 : i32
        %dma_start3A_626 = tpu.memref_slice %arg2[%dma_start3A_624, %dma_start3A_625] : memref<1000000x64xf32, #tpu.memory_space<hbm>> -> memref<1000000x64xf32, #tpu.memory_space<hbm>>
        tpu.enqueue_indirect_dma source(%dma_start3A_626 : memref<1000000x64xf32, #tpu.memory_space<hbm>>) target(%dma_start3A_620 : memref<128x64xf32, #tpu.memory_space<vmem>>) offsets(%dma_start3A_623 : memref<128xi32, #tpu.memory_space<vmem>>) semaphore(%arg9 : memref<!tpu.dma_semaphore, #tpu.memory_space<semaphore_mem>>)
      } else {
      }
      %dma_wait3A_289 = arith.constant 0 : i32
      %dma_wait3A_290 = arith.constant 2 : i32
      %dma_wait3A_291 = arith.constant 0 : i32
      %dma_wait3A_292 = arith.constant 0 : i32
      %dma_wait3A_293 = tpu.memref_slice %arg6[%dma_wait3A_290, %dma_wait3A_291, %dma_wait3A_292] : memref<4x128x64xf32, #tpu.memory_space<vmem>> -> memref<1x128x64xf32, #tpu.memory_space<vmem>>
      %dma_wait3A_294 = tpu.memref_squeeze %dma_wait3A_293 : memref<1x128x64xf32, #tpu.memory_space<vmem>> -> memref<128x64xf32, #tpu.memory_space<vmem>>
      %dma_wait3A_295 = arith.constant 0 : i32
      %dma_wait3A_296 = tpu.memref_slice %arg5[%dma_wait3A_289, %dma_wait3A_295] : memref<50x512xi32, #tpu.memory_space<vmem>> -> memref<1x128xi32, #tpu.memory_space<vmem>>
      %dma_wait3A_297 = tpu.memref_squeeze %dma_wait3A_296 : memref<1x128xi32, #tpu.memory_space<vmem>> -> memref<128xi32, #tpu.memory_space<vmem>>
      %dma_wait3A_298 = arith.constant 0 : i32
      %dma_wait3A_299 = arith.constant 0 : i32
      %dma_wait3A_300 = tpu.memref_slice %arg2[%dma_wait3A_298, %dma_wait3A_299] : memref<1000000x64xf32, #tpu.memory_space<hbm>> -> memref<1000000x64xf32, #tpu.memory_space<hbm>>
      tpu.wait_indirect_dma semaphore(%arg10 : memref<!tpu.dma_semaphore, #tpu.memory_space<semaphore_mem>>) src(%dma_wait3A_300 : memref<1000000x64xf32, #tpu.memory_space<hbm>>) dst(%dma_wait3A_294 : memref<128x64xf32, #tpu.memory_space<vmem>>)
      %parallel_loop3A_301 = arith.constant 0 : i32
      %parallel_loop3A_302 = arith.constant 128 : i32
      %parallel_loop3A_303 = arith.constant 1 : i32
      %parallel_loop3A_304 = arith.constant 2 : i32
      %parallel_loop3A_305 = arith.constant 0 : i32
      scf.for %parallel_loop3A_614 = %parallel_loop3A_301 to %parallel_loop3A_302 step %parallel_loop3A_303  : i32 {
        %parallel_loop3A_615 = arith.constant 256 : i32
        %parallel_loop3A_616 = arith.addi %parallel_loop3A_615, %parallel_loop3A_614 : i32
        %parallel_loop3A_617 = vector.broadcast %parallel_loop3A_616 : i32 to vector<16xi32>
        %parallel_loop3A_618 = arith.constant 0 : i32
        %parallel_loop3A_619 = vector.broadcast %parallel_loop3A_618 : i32 to vector<16xi32>
        %parallel_loop3A_620 = arith.addi %iota3A, %parallel_loop3A_619 : vector<16xi32>
        %parallel_loop3A_621 = arith.constant 0 : i32
        %parallel_loop3A_622 = arith.constant 0 : i32
        %parallel_loop3A_623 = tpu.memref_slice %arg6[%parallel_loop3A_304, %parallel_loop3A_621, %parallel_loop3A_622] : memref<4x128x64xf32, #tpu.memory_space<vmem>> -> memref<1x128x64xf32, #tpu.memory_space<vmem>>
        %parallel_loop3A_624 = tpu.memref_squeeze %parallel_loop3A_623 : memref<1x128x64xf32, #tpu.memory_space<vmem>> -> memref<128x64xf32, #tpu.memory_space<vmem>>
        %parallel_loop3A_625 = arith.index_cast %parallel_loop3A_614 : i32 to index
        %parallel_loop3A_626 = arith.constant 0 : index
        %parallel_loop3A_627 = tpu.vector_load %parallel_loop3A_624[%parallel_loop3A_625, %parallel_loop3A_626] {strides = array<i32>} : memref<128x64xf32, #tpu.memory_space<vmem>>, vector<16xf32>,
        %parallel_loop3A_628 = arith.constant 8.000000e+00 : f32
        %parallel_loop3A_629 = vector.broadcast %parallel_loop3A_628 : f32 to vector<16xf32>
        %parallel_loop3A_630 = arith.mulf %parallel_loop3A_627, %parallel_loop3A_629 : vector<16xf32>
        %parallel_loop3A_631 = arith.constant 3 : i32
        %parallel_loop3A_632 = vector.broadcast %parallel_loop3A_631 : i32 to vector<16xi32>
        %parallel_loop3A_633 = arith.shrsi %parallel_loop3A_620, %parallel_loop3A_632 : vector<16xi32>
        %parallel_loop3A_634 = arith.constant 7 : i32
        %parallel_loop3A_635 = vector.broadcast %parallel_loop3A_634 : i32 to vector<16xi32>
        %parallel_loop3A_636 = arith.andi %parallel_loop3A_620, %parallel_loop3A_635 : vector<16xi32>
        %parallel_loop3A_637 = arith.constant 0 : i32
        %parallel_loop3A_638 = arith.constant 0 : i32
        %parallel_loop3A_639 = arith.constant 0 : i32
        %parallel_loop3A_640 = tpu.memref_slice %arg7[%parallel_loop3A_305, %parallel_loop3A_637, %parallel_loop3A_638, %parallel_loop3A_639] : memref<2x8x8x513xf32, #tpu.memory_space<vmem>> -> memref<1x8x8x513xf32, #tpu.memory_space<vmem>>
        %parallel_loop3A_641 = tpu.memref_squeeze %parallel_loop3A_640 : memref<1x8x8x513xf32, #tpu.memory_space<vmem>> -> memref<8x8x513xf32, #tpu.memory_space<vmem>>
        tpu.vector_store_idx %parallel_loop3A_641[%parallel_loop3A_633, %parallel_loop3A_636, %parallel_loop3A_617], %parallel_loop3A_630 : memref<8x8x513xf32, #tpu.memory_space<vmem>>[vector<16xi32>, vector<16xi32>, vector<16xi32>], vector<16xf32>,
        %parallel_loop3A_642 = arith.constant 16 : i32
        %parallel_loop3A_643 = vector.broadcast %parallel_loop3A_642 : i32 to vector<16xi32>
        %parallel_loop3A_644 = arith.addi %iota3A, %parallel_loop3A_643 : vector<16xi32>
        %parallel_loop3A_645 = arith.constant 0 : i32
        %parallel_loop3A_646 = arith.constant 0 : i32
        %parallel_loop3A_647 = tpu.memref_slice %arg6[%parallel_loop3A_304, %parallel_loop3A_645, %parallel_loop3A_646] : memref<4x128x64xf32, #tpu.memory_space<vmem>> -> memref<1x128x64xf32, #tpu.memory_space<vmem>>
        %parallel_loop3A_648 = tpu.memref_squeeze %parallel_loop3A_647 : memref<1x128x64xf32, #tpu.memory_space<vmem>> -> memref<128x64xf32, #tpu.memory_space<vmem>>
        %parallel_loop3A_649 = arith.index_cast %parallel_loop3A_614 : i32 to index
        %parallel_loop3A_650 = arith.constant 16 : index
        %parallel_loop3A_651 = tpu.vector_load %parallel_loop3A_648[%parallel_loop3A_649, %parallel_loop3A_650] {strides = array<i32>} : memref<128x64xf32, #tpu.memory_space<vmem>>, vector<16xf32>,
        %parallel_loop3A_652 = arith.constant 8.000000e+00 : f32
        %parallel_loop3A_653 = vector.broadcast %parallel_loop3A_652 : f32 to vector<16xf32>
        %parallel_loop3A_654 = arith.mulf %parallel_loop3A_651, %parallel_loop3A_653 : vector<16xf32>
        %parallel_loop3A_655 = arith.constant 3 : i32
        %parallel_loop3A_656 = vector.broadcast %parallel_loop3A_655 : i32 to vector<16xi32>
        %parallel_loop3A_657 = arith.shrsi %parallel_loop3A_644, %parallel_loop3A_656 : vector<16xi32>
        %parallel_loop3A_658 = arith.constant 7 : i32
        %parallel_loop3A_659 = vector.broadcast %parallel_loop3A_658 : i32 to vector<16xi32>
        %parallel_loop3A_660 = arith.andi %parallel_loop3A_644, %parallel_loop3A_659 : vector<16xi32>
        %parallel_loop3A_661 = arith.constant 0 : i32
        %parallel_loop3A_662 = arith.constant 0 : i32
        %parallel_loop3A_663 = arith.constant 0 : i32
        %parallel_loop3A_664 = tpu.memref_slice %arg7[%parallel_loop3A_305, %parallel_loop3A_661, %parallel_loop3A_662, %parallel_loop3A_663] : memref<2x8x8x513xf32, #tpu.memory_space<vmem>> -> memref<1x8x8x513xf32, #tpu.memory_space<vmem>>
        %parallel_loop3A_665 = tpu.memref_squeeze %parallel_loop3A_664 : memref<1x8x8x513xf32, #tpu.memory_space<vmem>> -> memref<8x8x513xf32, #tpu.memory_space<vmem>>
        tpu.vector_store_idx %parallel_loop3A_665[%parallel_loop3A_657, %parallel_loop3A_660, %parallel_loop3A_617], %parallel_loop3A_654 : memref<8x8x513xf32, #tpu.memory_space<vmem>>[vector<16xi32>, vector<16xi32>, vector<16xi32>], vector<16xf32>,
        %parallel_loop3A_666 = arith.constant 32 : i32
        %parallel_loop3A_667 = vector.broadcast %parallel_loop3A_666 : i32 to vector<16xi32>
        %parallel_loop3A_668 = arith.addi %iota3A, %parallel_loop3A_667 : vector<16xi32>
        %parallel_loop3A_669 = arith.constant 0 : i32
        %parallel_loop3A_670 = arith.constant 0 : i32
        %parallel_loop3A_671 = tpu.memref_slice %arg6[%parallel_loop3A_304, %parallel_loop3A_669, %parallel_loop3A_670] : memref<4x128x64xf32, #tpu.memory_space<vmem>> -> memref<1x128x64xf32, #tpu.memory_space<vmem>>
        %parallel_loop3A_672 = tpu.memref_squeeze %parallel_loop3A_671 : memref<1x128x64xf32, #tpu.memory_space<vmem>> -> memref<128x64xf32, #tpu.memory_space<vmem>>
        %parallel_loop3A_673 = arith.index_cast %parallel_loop3A_614 : i32 to index
        %parallel_loop3A_674 = arith.constant 32 : index
        %parallel_loop3A_675 = tpu.vector_load %parallel_loop3A_672[%parallel_loop3A_673, %parallel_loop3A_674] {strides = array<i32>} : memref<128x64xf32, #tpu.memory_space<vmem>>, vector<16xf32>,
        %parallel_loop3A_676 = arith.constant 8.000000e+00 : f32
        %parallel_loop3A_677 = vector.broadcast %parallel_loop3A_676 : f32 to vector<16xf32>
        %parallel_loop3A_678 = arith.mulf %parallel_loop3A_675, %parallel_loop3A_677 : vector<16xf32>
        %parallel_loop3A_679 = arith.constant 3 : i32
        %parallel_loop3A_680 = vector.broadcast %parallel_loop3A_679 : i32 to vector<16xi32>
        %parallel_loop3A_681 = arith.shrsi %parallel_loop3A_668, %parallel_loop3A_680 : vector<16xi32>
        %parallel_loop3A_682 = arith.constant 7 : i32
        %parallel_loop3A_683 = vector.broadcast %parallel_loop3A_682 : i32 to vector<16xi32>
        %parallel_loop3A_684 = arith.andi %parallel_loop3A_668, %parallel_loop3A_683 : vector<16xi32>
        %parallel_loop3A_685 = arith.constant 0 : i32
        %parallel_loop3A_686 = arith.constant 0 : i32
        %parallel_loop3A_687 = arith.constant 0 : i32
        %parallel_loop3A_688 = tpu.memref_slice %arg7[%parallel_loop3A_305, %parallel_loop3A_685, %parallel_loop3A_686, %parallel_loop3A_687] : memref<2x8x8x513xf32, #tpu.memory_space<vmem>> -> memref<1x8x8x513xf32, #tpu.memory_space<vmem>>
        %parallel_loop3A_689 = tpu.memref_squeeze %parallel_loop3A_688 : memref<1x8x8x513xf32, #tpu.memory_space<vmem>> -> memref<8x8x513xf32, #tpu.memory_space<vmem>>
        tpu.vector_store_idx %parallel_loop3A_689[%parallel_loop3A_681, %parallel_loop3A_684, %parallel_loop3A_617], %parallel_loop3A_678 : memref<8x8x513xf32, #tpu.memory_space<vmem>>[vector<16xi32>, vector<16xi32>, vector<16xi32>], vector<16xf32>,
        %parallel_loop3A_690 = arith.constant 48 : i32
        %parallel_loop3A_691 = vector.broadcast %parallel_loop3A_690 : i32 to vector<16xi32>
        %parallel_loop3A_692 = arith.addi %iota3A, %parallel_loop3A_691 : vector<16xi32>
        %parallel_loop3A_693 = arith.constant 0 : i32
        %parallel_loop3A_694 = arith.constant 0 : i32
        %parallel_loop3A_695 = tpu.memref_slice %arg6[%parallel_loop3A_304, %parallel_loop3A_693, %parallel_loop3A_694] : memref<4x128x64xf32, #tpu.memory_space<vmem>> -> memref<1x128x64xf32, #tpu.memory_space<vmem>>
        %parallel_loop3A_696 = tpu.memref_squeeze %parallel_loop3A_695 : memref<1x128x64xf32, #tpu.memory_space<vmem>> -> memref<128x64xf32, #tpu.memory_space<vmem>>
        %parallel_loop3A_697 = arith.index_cast %parallel_loop3A_614 : i32 to index
        %parallel_loop3A_698 = arith.constant 48 : index
        %parallel_loop3A_699 = tpu.vector_load %parallel_loop3A_696[%parallel_loop3A_697, %parallel_loop3A_698] {strides = array<i32>} : memref<128x64xf32, #tpu.memory_space<vmem>>, vector<16xf32>,
        %parallel_loop3A_700 = arith.constant 8.000000e+00 : f32
        %parallel_loop3A_701 = vector.broadcast %parallel_loop3A_700 : f32 to vector<16xf32>
        %parallel_loop3A_702 = arith.mulf %parallel_loop3A_699, %parallel_loop3A_701 : vector<16xf32>
        %parallel_loop3A_703 = arith.constant 3 : i32
        %parallel_loop3A_704 = vector.broadcast %parallel_loop3A_703 : i32 to vector<16xi32>
        %parallel_loop3A_705 = arith.shrsi %parallel_loop3A_692, %parallel_loop3A_704 : vector<16xi32>
        %parallel_loop3A_706 = arith.constant 7 : i32
        %parallel_loop3A_707 = vector.broadcast %parallel_loop3A_706 : i32 to vector<16xi32>
        %parallel_loop3A_708 = arith.andi %parallel_loop3A_692, %parallel_loop3A_707 : vector<16xi32>
        %parallel_loop3A_709 = arith.constant 0 : i32
        %parallel_loop3A_710 = arith.constant 0 : i32
        %parallel_loop3A_711 = arith.constant 0 : i32
        %parallel_loop3A_712 = tpu.memref_slice %arg7[%parallel_loop3A_305, %parallel_loop3A_709, %parallel_loop3A_710, %parallel_loop3A_711] : memref<2x8x8x513xf32, #tpu.memory_space<vmem>> -> memref<1x8x8x513xf32, #tpu.memory_space<vmem>>
        %parallel_loop3A_713 = tpu.memref_squeeze %parallel_loop3A_712 : memref<1x8x8x513xf32, #tpu.memory_space<vmem>> -> memref<8x8x513xf32, #tpu.memory_space<vmem>>
        tpu.vector_store_idx %parallel_loop3A_713[%parallel_loop3A_705, %parallel_loop3A_708, %parallel_loop3A_617], %parallel_loop3A_702 : memref<8x8x513xf32, #tpu.memory_space<vmem>>[vector<16xi32>, vector<16xi32>, vector<16xi32>], vector<16xf32>,
      } {sc.loop_unroll_factor = 4 : i64, sc.parallel_access}
      %lt3A_306 = arith.constant 49 : i32
      %lt3A_307 = arith.cmpi slt, %add3A_244, %lt3A_306 : i32
      %convert_element_type3A_308 = arith.extui %lt3A_307 : i1 to i32
      %cond3A_309 = arith.constant 0 : i32
      %cond3A_310 = arith.cmpi ne, %convert_element_type3A_308, %cond3A_309 : i32
      scf.if %cond3A_310 {
        %add3A_614 = arith.constant 1 : i32
        %add3A_615 = arith.addi %add3A_244, %add3A_614 : i32
        %dma_start3A_616 = arith.constant 2 : i32
        %dma_start3A_617 = arith.constant 0 : i32
        %dma_start3A_618 = arith.constant 0 : i32
        %dma_start3A_619 = tpu.memref_slice %arg6[%dma_start3A_616, %dma_start3A_617, %dma_start3A_618] : memref<4x128x64xf32, #tpu.memory_space<vmem>> -> memref<1x128x64xf32, #tpu.memory_space<vmem>>
        %dma_start3A_620 = tpu.memref_squeeze %dma_start3A_619 : memref<1x128x64xf32, #tpu.memory_space<vmem>> -> memref<128x64xf32, #tpu.memory_space<vmem>>
        %dma_start3A_621 = arith.constant 256 : i32
        %dma_start3A_622 = tpu.memref_slice %arg5[%add3A_615, %dma_start3A_621] : memref<50x512xi32, #tpu.memory_space<vmem>> -> memref<1x128xi32, #tpu.memory_space<vmem>>
        %dma_start3A_623 = tpu.memref_squeeze %dma_start3A_622 : memref<1x128xi32, #tpu.memory_space<vmem>> -> memref<128xi32, #tpu.memory_space<vmem>>
        %dma_start3A_624 = arith.constant 0 : i32
        %dma_start3A_625 = arith.constant 0 : i32
        %dma_start3A_626 = tpu.memref_slice %arg2[%dma_start3A_624, %dma_start3A_625] : memref<1000000x64xf32, #tpu.memory_space<hbm>> -> memref<1000000x64xf32, #tpu.memory_space<hbm>>
        tpu.enqueue_indirect_dma source(%dma_start3A_626 : memref<1000000x64xf32, #tpu.memory_space<hbm>>) target(%dma_start3A_620 : memref<128x64xf32, #tpu.memory_space<vmem>>) offsets(%dma_start3A_623 : memref<128xi32, #tpu.memory_space<vmem>>) semaphore(%arg10 : memref<!tpu.dma_semaphore, #tpu.memory_space<semaphore_mem>>)
      } else {
      }
      %dma_wait3A_311 = arith.constant 0 : i32
      %dma_wait3A_312 = arith.constant 3 : i32
      %dma_wait3A_313 = arith.constant 0 : i32
      %dma_wait3A_314 = arith.constant 0 : i32
      %dma_wait3A_315 = tpu.memref_slice %arg6[%dma_wait3A_312, %dma_wait3A_313, %dma_wait3A_314] : memref<4x128x64xf32, #tpu.memory_space<vmem>> -> memref<1x128x64xf32, #tpu.memory_space<vmem>>
      %dma_wait3A_316 = tpu.memref_squeeze %dma_wait3A_315 : memref<1x128x64xf32, #tpu.memory_space<vmem>> -> memref<128x64xf32, #tpu.memory_space<vmem>>
      %dma_wait3A_317 = arith.constant 0 : i32
      %dma_wait3A_318 = tpu.memref_slice %arg5[%dma_wait3A_311, %dma_wait3A_317] : memref<50x512xi32, #tpu.memory_space<vmem>> -> memref<1x128xi32, #tpu.memory_space<vmem>>
      %dma_wait3A_319 = tpu.memref_squeeze %dma_wait3A_318 : memref<1x128xi32, #tpu.memory_space<vmem>> -> memref<128xi32, #tpu.memory_space<vmem>>
      %dma_wait3A_320 = arith.constant 0 : i32
      %dma_wait3A_321 = arith.constant 0 : i32
      %dma_wait3A_322 = tpu.memref_slice %arg2[%dma_wait3A_320, %dma_wait3A_321] : memref<1000000x64xf32, #tpu.memory_space<hbm>> -> memref<1000000x64xf32, #tpu.memory_space<hbm>>
      tpu.wait_indirect_dma semaphore(%arg11 : memref<!tpu.dma_semaphore, #tpu.memory_space<semaphore_mem>>) src(%dma_wait3A_322 : memref<1000000x64xf32, #tpu.memory_space<hbm>>) dst(%dma_wait3A_316 : memref<128x64xf32, #tpu.memory_space<vmem>>)
      %parallel_loop3A_323 = arith.constant 0 : i32
      %parallel_loop3A_324 = arith.constant 128 : i32
      %parallel_loop3A_325 = arith.constant 1 : i32
      %parallel_loop3A_326 = arith.constant 3 : i32
      %parallel_loop3A_327 = arith.constant 0 : i32
      scf.for %parallel_loop3A_614 = %parallel_loop3A_323 to %parallel_loop3A_324 step %parallel_loop3A_325  : i32 {
        %parallel_loop3A_615 = arith.constant 384 : i32
        %parallel_loop3A_616 = arith.addi %parallel_loop3A_615, %parallel_loop3A_614 : i32
        %parallel_loop3A_617 = vector.broadcast %parallel_loop3A_616 : i32 to vector<16xi32>
        %parallel_loop3A_618 = arith.constant 0 : i32
        %parallel_loop3A_619 = vector.broadcast %parallel_loop3A_618 : i32 to vector<16xi32>
        %parallel_loop3A_620 = arith.addi %iota3A, %parallel_loop3A_619 : vector<16xi32>
        %parallel_loop3A_621 = arith.constant 0 : i32
        %parallel_loop3A_622 = arith.constant 0 : i32
        %parallel_loop3A_623 = tpu.memref_slice %arg6[%parallel_loop3A_326, %parallel_loop3A_621, %parallel_loop3A_622] : memref<4x128x64xf32, #tpu.memory_space<vmem>> -> memref<1x128x64xf32, #tpu.memory_space<vmem>>
        %parallel_loop3A_624 = tpu.memref_squeeze %parallel_loop3A_623 : memref<1x128x64xf32, #tpu.memory_space<vmem>> -> memref<128x64xf32, #tpu.memory_space<vmem>>
        %parallel_loop3A_625 = arith.index_cast %parallel_loop3A_614 : i32 to index
        %parallel_loop3A_626 = arith.constant 0 : index
        %parallel_loop3A_627 = tpu.vector_load %parallel_loop3A_624[%parallel_loop3A_625, %parallel_loop3A_626] {strides = array<i32>} : memref<128x64xf32, #tpu.memory_space<vmem>>, vector<16xf32>,
        %parallel_loop3A_628 = arith.constant 8.000000e+00 : f32
        %parallel_loop3A_629 = vector.broadcast %parallel_loop3A_628 : f32 to vector<16xf32>
        %parallel_loop3A_630 = arith.mulf %parallel_loop3A_627, %parallel_loop3A_629 : vector<16xf32>
        %parallel_loop3A_631 = arith.constant 3 : i32
        %parallel_loop3A_632 = vector.broadcast %parallel_loop3A_631 : i32 to vector<16xi32>
        %parallel_loop3A_633 = arith.shrsi %parallel_loop3A_620, %parallel_loop3A_632 : vector<16xi32>
        %parallel_loop3A_634 = arith.constant 7 : i32
        %parallel_loop3A_635 = vector.broadcast %parallel_loop3A_634 : i32 to vector<16xi32>
        %parallel_loop3A_636 = arith.andi %parallel_loop3A_620, %parallel_loop3A_635 : vector<16xi32>
        %parallel_loop3A_637 = arith.constant 0 : i32
        %parallel_loop3A_638 = arith.constant 0 : i32
        %parallel_loop3A_639 = arith.constant 0 : i32
        %parallel_loop3A_640 = tpu.memref_slice %arg7[%parallel_loop3A_327, %parallel_loop3A_637, %parallel_loop3A_638, %parallel_loop3A_639] : memref<2x8x8x513xf32, #tpu.memory_space<vmem>> -> memref<1x8x8x513xf32, #tpu.memory_space<vmem>>
        %parallel_loop3A_641 = tpu.memref_squeeze %parallel_loop3A_640 : memref<1x8x8x513xf32, #tpu.memory_space<vmem>> -> memref<8x8x513xf32, #tpu.memory_space<vmem>>
        tpu.vector_store_idx %parallel_loop3A_641[%parallel_loop3A_633, %parallel_loop3A_636, %parallel_loop3A_617], %parallel_loop3A_630 : memref<8x8x513xf32, #tpu.memory_space<vmem>>[vector<16xi32>, vector<16xi32>, vector<16xi32>], vector<16xf32>,
        %parallel_loop3A_642 = arith.constant 16 : i32
        %parallel_loop3A_643 = vector.broadcast %parallel_loop3A_642 : i32 to vector<16xi32>
        %parallel_loop3A_644 = arith.addi %iota3A, %parallel_loop3A_643 : vector<16xi32>
        %parallel_loop3A_645 = arith.constant 0 : i32
        %parallel_loop3A_646 = arith.constant 0 : i32
        %parallel_loop3A_647 = tpu.memref_slice %arg6[%parallel_loop3A_326, %parallel_loop3A_645, %parallel_loop3A_646] : memref<4x128x64xf32, #tpu.memory_space<vmem>> -> memref<1x128x64xf32, #tpu.memory_space<vmem>>
        %parallel_loop3A_648 = tpu.memref_squeeze %parallel_loop3A_647 : memref<1x128x64xf32, #tpu.memory_space<vmem>> -> memref<128x64xf32, #tpu.memory_space<vmem>>
        %parallel_loop3A_649 = arith.index_cast %parallel_loop3A_614 : i32 to index
        %parallel_loop3A_650 = arith.constant 16 : index
        %parallel_loop3A_651 = tpu.vector_load %parallel_loop3A_648[%parallel_loop3A_649, %parallel_loop3A_650] {strides = array<i32>} : memref<128x64xf32, #tpu.memory_space<vmem>>, vector<16xf32>,
        %parallel_loop3A_652 = arith.constant 8.000000e+00 : f32
        %parallel_loop3A_653 = vector.broadcast %parallel_loop3A_652 : f32 to vector<16xf32>
        %parallel_loop3A_654 = arith.mulf %parallel_loop3A_651, %parallel_loop3A_653 : vector<16xf32>
        %parallel_loop3A_655 = arith.constant 3 : i32
        %parallel_loop3A_656 = vector.broadcast %parallel_loop3A_655 : i32 to vector<16xi32>
        %parallel_loop3A_657 = arith.shrsi %parallel_loop3A_644, %parallel_loop3A_656 : vector<16xi32>
        %parallel_loop3A_658 = arith.constant 7 : i32
        %parallel_loop3A_659 = vector.broadcast %parallel_loop3A_658 : i32 to vector<16xi32>
        %parallel_loop3A_660 = arith.andi %parallel_loop3A_644, %parallel_loop3A_659 : vector<16xi32>
        %parallel_loop3A_661 = arith.constant 0 : i32
        %parallel_loop3A_662 = arith.constant 0 : i32
        %parallel_loop3A_663 = arith.constant 0 : i32
        %parallel_loop3A_664 = tpu.memref_slice %arg7[%parallel_loop3A_327, %parallel_loop3A_661, %parallel_loop3A_662, %parallel_loop3A_663] : memref<2x8x8x513xf32, #tpu.memory_space<vmem>> -> memref<1x8x8x513xf32, #tpu.memory_space<vmem>>
        %parallel_loop3A_665 = tpu.memref_squeeze %parallel_loop3A_664 : memref<1x8x8x513xf32, #tpu.memory_space<vmem>> -> memref<8x8x513xf32, #tpu.memory_space<vmem>>
        tpu.vector_store_idx %parallel_loop3A_665[%parallel_loop3A_657, %parallel_loop3A_660, %parallel_loop3A_617], %parallel_loop3A_654 : memref<8x8x513xf32, #tpu.memory_space<vmem>>[vector<16xi32>, vector<16xi32>, vector<16xi32>], vector<16xf32>,
        %parallel_loop3A_666 = arith.constant 32 : i32
        %parallel_loop3A_667 = vector.broadcast %parallel_loop3A_666 : i32 to vector<16xi32>
        %parallel_loop3A_668 = arith.addi %iota3A, %parallel_loop3A_667 : vector<16xi32>
        %parallel_loop3A_669 = arith.constant 0 : i32
        %parallel_loop3A_670 = arith.constant 0 : i32
        %parallel_loop3A_671 = tpu.memref_slice %arg6[%parallel_loop3A_326, %parallel_loop3A_669, %parallel_loop3A_670] : memref<4x128x64xf32, #tpu.memory_space<vmem>> -> memref<1x128x64xf32, #tpu.memory_space<vmem>>
        %parallel_loop3A_672 = tpu.memref_squeeze %parallel_loop3A_671 : memref<1x128x64xf32, #tpu.memory_space<vmem>> -> memref<128x64xf32, #tpu.memory_space<vmem>>
        %parallel_loop3A_673 = arith.index_cast %parallel_loop3A_614 : i32 to index
        %parallel_loop3A_674 = arith.constant 32 : index
        %parallel_loop3A_675 = tpu.vector_load %parallel_loop3A_672[%parallel_loop3A_673, %parallel_loop3A_674] {strides = array<i32>} : memref<128x64xf32, #tpu.memory_space<vmem>>, vector<16xf32>,
        %parallel_loop3A_676 = arith.constant 8.000000e+00 : f32
        %parallel_loop3A_677 = vector.broadcast %parallel_loop3A_676 : f32 to vector<16xf32>
        %parallel_loop3A_678 = arith.mulf %parallel_loop3A_675, %parallel_loop3A_677 : vector<16xf32>
        %parallel_loop3A_679 = arith.constant 3 : i32
        %parallel_loop3A_680 = vector.broadcast %parallel_loop3A_679 : i32 to vector<16xi32>
        %parallel_loop3A_681 = arith.shrsi %parallel_loop3A_668, %parallel_loop3A_680 : vector<16xi32>
        %parallel_loop3A_682 = arith.constant 7 : i32
        %parallel_loop3A_683 = vector.broadcast %parallel_loop3A_682 : i32 to vector<16xi32>
        %parallel_loop3A_684 = arith.andi %parallel_loop3A_668, %parallel_loop3A_683 : vector<16xi32>
        %parallel_loop3A_685 = arith.constant 0 : i32
        %parallel_loop3A_686 = arith.constant 0 : i32
        %parallel_loop3A_687 = arith.constant 0 : i32
        %parallel_loop3A_688 = tpu.memref_slice %arg7[%parallel_loop3A_327, %parallel_loop3A_685, %parallel_loop3A_686, %parallel_loop3A_687] : memref<2x8x8x513xf32, #tpu.memory_space<vmem>> -> memref<1x8x8x513xf32, #tpu.memory_space<vmem>>
        %parallel_loop3A_689 = tpu.memref_squeeze %parallel_loop3A_688 : memref<1x8x8x513xf32, #tpu.memory_space<vmem>> -> memref<8x8x513xf32, #tpu.memory_space<vmem>>
        tpu.vector_store_idx %parallel_loop3A_689[%parallel_loop3A_681, %parallel_loop3A_684, %parallel_loop3A_617], %parallel_loop3A_678 : memref<8x8x513xf32, #tpu.memory_space<vmem>>[vector<16xi32>, vector<16xi32>, vector<16xi32>], vector<16xf32>,
        %parallel_loop3A_690 = arith.constant 48 : i32
        %parallel_loop3A_691 = vector.broadcast %parallel_loop3A_690 : i32 to vector<16xi32>
        %parallel_loop3A_692 = arith.addi %iota3A, %parallel_loop3A_691 : vector<16xi32>
        %parallel_loop3A_693 = arith.constant 0 : i32
        %parallel_loop3A_694 = arith.constant 0 : i32
        %parallel_loop3A_695 = tpu.memref_slice %arg6[%parallel_loop3A_326, %parallel_loop3A_693, %parallel_loop3A_694] : memref<4x128x64xf32, #tpu.memory_space<vmem>> -> memref<1x128x64xf32, #tpu.memory_space<vmem>>
        %parallel_loop3A_696 = tpu.memref_squeeze %parallel_loop3A_695 : memref<1x128x64xf32, #tpu.memory_space<vmem>> -> memref<128x64xf32, #tpu.memory_space<vmem>>
        %parallel_loop3A_697 = arith.index_cast %parallel_loop3A_614 : i32 to index
        %parallel_loop3A_698 = arith.constant 48 : index
        %parallel_loop3A_699 = tpu.vector_load %parallel_loop3A_696[%parallel_loop3A_697, %parallel_loop3A_698] {strides = array<i32>} : memref<128x64xf32, #tpu.memory_space<vmem>>, vector<16xf32>,
        %parallel_loop3A_700 = arith.constant 8.000000e+00 : f32
        %parallel_loop3A_701 = vector.broadcast %parallel_loop3A_700 : f32 to vector<16xf32>
        %parallel_loop3A_702 = arith.mulf %parallel_loop3A_699, %parallel_loop3A_701 : vector<16xf32>
        %parallel_loop3A_703 = arith.constant 3 : i32
        %parallel_loop3A_704 = vector.broadcast %parallel_loop3A_703 : i32 to vector<16xi32>
        %parallel_loop3A_705 = arith.shrsi %parallel_loop3A_692, %parallel_loop3A_704 : vector<16xi32>
        %parallel_loop3A_706 = arith.constant 7 : i32
        %parallel_loop3A_707 = vector.broadcast %parallel_loop3A_706 : i32 to vector<16xi32>
        %parallel_loop3A_708 = arith.andi %parallel_loop3A_692, %parallel_loop3A_707 : vector<16xi32>
        %parallel_loop3A_709 = arith.constant 0 : i32
        %parallel_loop3A_710 = arith.constant 0 : i32
        %parallel_loop3A_711 = arith.constant 0 : i32
        %parallel_loop3A_712 = tpu.memref_slice %arg7[%parallel_loop3A_327, %parallel_loop3A_709, %parallel_loop3A_710, %parallel_loop3A_711] : memref<2x8x8x513xf32, #tpu.memory_space<vmem>> -> memref<1x8x8x513xf32, #tpu.memory_space<vmem>>
        %parallel_loop3A_713 = tpu.memref_squeeze %parallel_loop3A_712 : memref<1x8x8x513xf32, #tpu.memory_space<vmem>> -> memref<8x8x513xf32, #tpu.memory_space<vmem>>
        tpu.vector_store_idx %parallel_loop3A_713[%parallel_loop3A_705, %parallel_loop3A_708, %parallel_loop3A_617], %parallel_loop3A_702 : memref<8x8x513xf32, #tpu.memory_space<vmem>>[vector<16xi32>, vector<16xi32>, vector<16xi32>], vector<16xf32>,
      } {sc.loop_unroll_factor = 4 : i64, sc.parallel_access}
      %lt3A_328 = arith.constant 49 : i32
      %lt3A_329 = arith.cmpi slt, %add3A_244, %lt3A_328 : i32
      %convert_element_type3A_330 = arith.extui %lt3A_329 : i1 to i32
      %cond3A_331 = arith.constant 0 : i32
      %cond3A_332 = arith.cmpi ne, %convert_element_type3A_330, %cond3A_331 : i32
      scf.if %cond3A_332 {
        %add3A_614 = arith.constant 1 : i32
        %add3A_615 = arith.addi %add3A_244, %add3A_614 : i32
        %dma_start3A_616 = arith.constant 3 : i32
        %dma_start3A_617 = arith.constant 0 : i32
        %dma_start3A_618 = arith.constant 0 : i32
        %dma_start3A_619 = tpu.memref_slice %arg6[%dma_start3A_616, %dma_start3A_617, %dma_start3A_618] : memref<4x128x64xf32, #tpu.memory_space<vmem>> -> memref<1x128x64xf32, #tpu.memory_space<vmem>>
        %dma_start3A_620 = tpu.memref_squeeze %dma_start3A_619 : memref<1x128x64xf32, #tpu.memory_space<vmem>> -> memref<128x64xf32, #tpu.memory_space<vmem>>
        %dma_start3A_621 = arith.constant 384 : i32
        %dma_start3A_622 = tpu.memref_slice %arg5[%add3A_615, %dma_start3A_621] : memref<50x512xi32, #tpu.memory_space<vmem>> -> memref<1x128xi32, #tpu.memory_space<vmem>>
        %dma_start3A_623 = tpu.memref_squeeze %dma_start3A_622 : memref<1x128xi32, #tpu.memory_space<vmem>> -> memref<128xi32, #tpu.memory_space<vmem>>
        %dma_start3A_624 = arith.constant 0 : i32
        %dma_start3A_625 = arith.constant 0 : i32
        %dma_start3A_626 = tpu.memref_slice %arg2[%dma_start3A_624, %dma_start3A_625] : memref<1000000x64xf32, #tpu.memory_space<hbm>> -> memref<1000000x64xf32, #tpu.memory_space<hbm>>
        tpu.enqueue_indirect_dma source(%dma_start3A_626 : memref<1000000x64xf32, #tpu.memory_space<hbm>>) target(%dma_start3A_620 : memref<128x64xf32, #tpu.memory_space<vmem>>) offsets(%dma_start3A_623 : memref<128xi32, #tpu.memory_space<vmem>>) semaphore(%arg11 : memref<!tpu.dma_semaphore, #tpu.memory_space<semaphore_mem>>)
      } else {
      }
      %add3A_333 = arith.constant 0 : i32
      %add3A_334 = arith.addi %mul3A_4, %add3A_333 : i32
      %dma_start3A_335 = arith.constant 0 : i32
      %dma_start3A_336 = arith.constant 0 : i32
      %dma_start3A_337 = arith.constant 0 : i32
      %dma_start3A_338 = arith.constant 0 : i32
      %dma_start3A_339 = tpu.memref_slice %arg7[%dma_start3A_335, %dma_start3A_336, %dma_start3A_337, %dma_start3A_338] : memref<2x8x8x513xf32, #tpu.memory_space<vmem>> -> memref<1x8x8x128xf32, #tpu.memory_space<vmem>>
      %dma_start3A_340 = tpu.memref_squeeze %dma_start3A_339 : memref<1x8x8x128xf32, #tpu.memory_space<vmem>> -> memref<8x8x128xf32, #tpu.memory_space<vmem>>
      %dma_start3A_341 = arith.constant 0 : i32
      %dma_start3A_342 = arith.constant 0 : i32
      %dma_start3A_343 = arith.constant 0 : i32
      %dma_start3A_344 = tpu.memref_slice %arg4[%add3A_244, %dma_start3A_341, %add3A_334, %dma_start3A_342, %dma_start3A_343] : memref<50x8x128x8x128xf32, #tpu.memory_space<hbm>> -> memref<1x8x1x8x128xf32, #tpu.memory_space<hbm>>
      %dma_start3A_345 = tpu.memref_squeeze %dma_start3A_344 : memref<1x8x1x8x128xf32, #tpu.memory_space<hbm>> -> memref<8x8x128xf32, #tpu.memory_space<hbm>>
      %dma_start3A_346 = arith.constant 0 : i32
      %dma_start3A_347 = arith.constant 0 : i32
      %dma_start3A_348 = arith.constant 0 : i32
      %dma_start3A_349 = tpu.memref_slice %arg4[%add3A_244, %dma_start3A_346, %add3A_334, %dma_start3A_347, %dma_start3A_348] : memref<50x8x128x8x128xf32, #tpu.memory_space<hbm>> -> memref<1x8x1x8x128xf32, #tpu.memory_space<hbm>>
      %dma_start3A_350 = tpu.memref_squeeze %dma_start3A_349 : memref<1x8x1x8x128xf32, #tpu.memory_space<hbm>> -> memref<8x8x128xf32, #tpu.memory_space<hbm>>
      %dma_start3A_351 = arith.constant 0 : i32
      %dma_start3A_352 = arith.constant 0 : i32
      %dma_start3A_353 = arith.constant 0 : i32
      %dma_start3A_354 = tpu.memref_slice %arg7[%dma_start3A_335, %dma_start3A_351, %dma_start3A_352, %dma_start3A_353] : memref<2x8x8x513xf32, #tpu.memory_space<vmem>> -> memref<1x8x8x128xf32, #tpu.memory_space<vmem>>
      %dma_start3A_355 = tpu.memref_squeeze %dma_start3A_354 : memref<1x8x8x128xf32, #tpu.memory_space<vmem>> -> memref<8x8x128xf32, #tpu.memory_space<vmem>>
      tpu.enqueue_dma source(%dma_start3A_355 : memref<8x8x128xf32, #tpu.memory_space<vmem>>) target(%dma_start3A_350 : memref<8x8x128xf32, #tpu.memory_space<hbm>>) target_semaphore(%arg12 : memref<!tpu.dma_semaphore, #tpu.memory_space<semaphore_mem>>)
      %add3A_356 = arith.constant 1 : i32
      %add3A_357 = arith.addi %mul3A_4, %add3A_356 : i32
      %dma_start3A_358 = arith.constant 0 : i32
      %dma_start3A_359 = arith.constant 0 : i32
      %dma_start3A_360 = arith.constant 0 : i32
      %dma_start3A_361 = arith.constant 128 : i32
      %dma_start3A_362 = tpu.memref_slice %arg7[%dma_start3A_358, %dma_start3A_359, %dma_start3A_360, %dma_start3A_361] : memref<2x8x8x513xf32, #tpu.memory_space<vmem>> -> memref<1x8x8x128xf32, #tpu.memory_space<vmem>>
      %dma_start3A_363 = tpu.memref_squeeze %dma_start3A_362 : memref<1x8x8x128xf32, #tpu.memory_space<vmem>> -> memref<8x8x128xf32, #tpu.memory_space<vmem>>
      %dma_start3A_364 = arith.constant 0 : i32
      %dma_start3A_365 = arith.constant 0 : i32
      %dma_start3A_366 = arith.constant 0 : i32
      %dma_start3A_367 = tpu.memref_slice %arg4[%add3A_244, %dma_start3A_364, %add3A_357, %dma_start3A_365, %dma_start3A_366] : memref<50x8x128x8x128xf32, #tpu.memory_space<hbm>> -> memref<1x8x1x8x128xf32, #tpu.memory_space<hbm>>
      %dma_start3A_368 = tpu.memref_squeeze %dma_start3A_367 : memref<1x8x1x8x128xf32, #tpu.memory_space<hbm>> -> memref<8x8x128xf32, #tpu.memory_space<hbm>>
      %dma_start3A_369 = arith.constant 0 : i32
      %dma_start3A_370 = arith.constant 0 : i32
      %dma_start3A_371 = arith.constant 0 : i32
      %dma_start3A_372 = tpu.memref_slice %arg4[%add3A_244, %dma_start3A_369, %add3A_357, %dma_start3A_370, %dma_start3A_371] : memref<50x8x128x8x128xf32, #tpu.memory_space<hbm>> -> memref<1x8x1x8x128xf32, #tpu.memory_space<hbm>>
      %dma_start3A_373 = tpu.memref_squeeze %dma_start3A_372 : memref<1x8x1x8x128xf32, #tpu.memory_space<hbm>> -> memref<8x8x128xf32, #tpu.memory_space<hbm>>
      %dma_start3A_374 = arith.constant 0 : i32
      %dma_start3A_375 = arith.constant 0 : i32
      %dma_start3A_376 = arith.constant 128 : i32
      %dma_start3A_377 = tpu.memref_slice %arg7[%dma_start3A_358, %dma_start3A_374, %dma_start3A_375, %dma_start3A_376] : memref<2x8x8x513xf32, #tpu.memory_space<vmem>> -> memref<1x8x8x128xf32, #tpu.memory_space<vmem>>
      %dma_start3A_378 = tpu.memref_squeeze %dma_start3A_377 : memref<1x8x8x128xf32, #tpu.memory_space<vmem>> -> memref<8x8x128xf32, #tpu.memory_space<vmem>>
      tpu.enqueue_dma source(%dma_start3A_378 : memref<8x8x128xf32, #tpu.memory_space<vmem>>) target(%dma_start3A_373 : memref<8x8x128xf32, #tpu.memory_space<hbm>>) target_semaphore(%arg12 : memref<!tpu.dma_semaphore, #tpu.memory_space<semaphore_mem>>)
      %add3A_379 = arith.constant 2 : i32
      %add3A_380 = arith.addi %mul3A_4, %add3A_379 : i32
      %dma_start3A_381 = arith.constant 0 : i32
      %dma_start3A_382 = arith.constant 0 : i32
      %dma_start3A_383 = arith.constant 0 : i32
      %dma_start3A_384 = arith.constant 256 : i32
      %dma_start3A_385 = tpu.memref_slice %arg7[%dma_start3A_381, %dma_start3A_382, %dma_start3A_383, %dma_start3A_384] : memref<2x8x8x513xf32, #tpu.memory_space<vmem>> -> memref<1x8x8x128xf32, #tpu.memory_space<vmem>>
      %dma_start3A_386 = tpu.memref_squeeze %dma_start3A_385 : memref<1x8x8x128xf32, #tpu.memory_space<vmem>> -> memref<8x8x128xf32, #tpu.memory_space<vmem>>
      %dma_start3A_387 = arith.constant 0 : i32
      %dma_start3A_388 = arith.constant 0 : i32
      %dma_start3A_389 = arith.constant 0 : i32
      %dma_start3A_390 = tpu.memref_slice %arg4[%add3A_244, %dma_start3A_387, %add3A_380, %dma_start3A_388, %dma_start3A_389] : memref<50x8x128x8x128xf32, #tpu.memory_space<hbm>> -> memref<1x8x1x8x128xf32, #tpu.memory_space<hbm>>
      %dma_start3A_391 = tpu.memref_squeeze %dma_start3A_390 : memref<1x8x1x8x128xf32, #tpu.memory_space<hbm>> -> memref<8x8x128xf32, #tpu.memory_space<hbm>>
      %dma_start3A_392 = arith.constant 0 : i32
      %dma_start3A_393 = arith.constant 0 : i32
      %dma_start3A_394 = arith.constant 0 : i32
      %dma_start3A_395 = tpu.memref_slice %arg4[%add3A_244, %dma_start3A_392, %add3A_380, %dma_start3A_393, %dma_start3A_394] : memref<50x8x128x8x128xf32, #tpu.memory_space<hbm>> -> memref<1x8x1x8x128xf32, #tpu.memory_space<hbm>>
      %dma_start3A_396 = tpu.memref_squeeze %dma_start3A_395 : memref<1x8x1x8x128xf32, #tpu.memory_space<hbm>> -> memref<8x8x128xf32, #tpu.memory_space<hbm>>
      %dma_start3A_397 = arith.constant 0 : i32
      %dma_start3A_398 = arith.constant 0 : i32
      %dma_start3A_399 = arith.constant 256 : i32
      %dma_start3A_400 = tpu.memref_slice %arg7[%dma_start3A_381, %dma_start3A_397, %dma_start3A_398, %dma_start3A_399] : memref<2x8x8x513xf32, #tpu.memory_space<vmem>> -> memref<1x8x8x128xf32, #tpu.memory_space<vmem>>
      %dma_start3A_401 = tpu.memref_squeeze %dma_start3A_400 : memref<1x8x8x128xf32, #tpu.memory_space<vmem>> -> memref<8x8x128xf32, #tpu.memory_space<vmem>>
      tpu.enqueue_dma source(%dma_start3A_401 : memref<8x8x128xf32, #tpu.memory_space<vmem>>) target(%dma_start3A_396 : memref<8x8x128xf32, #tpu.memory_space<hbm>>) target_semaphore(%arg12 : memref<!tpu.dma_semaphore, #tpu.memory_space<semaphore_mem>>)
      %add3A_402 = arith.constant 3 : i32
      %add3A_403 = arith.addi %mul3A_4, %add3A_402 : i32
      %dma_start3A_404 = arith.constant 0 : i32
      %dma_start3A_405 = arith.constant 0 : i32
      %dma_start3A_406 = arith.constant 0 : i32
      %dma_start3A_407 = arith.constant 384 : i32
      %dma_start3A_408 = tpu.memref_slice %arg7[%dma_start3A_404, %dma_start3A_405, %dma_start3A_406, %dma_start3A_407] : memref<2x8x8x513xf32, #tpu.memory_space<vmem>> -> memref<1x8x8x128xf32, #tpu.memory_space<vmem>>
      %dma_start3A_409 = tpu.memref_squeeze %dma_start3A_408 : memref<1x8x8x128xf32, #tpu.memory_space<vmem>> -> memref<8x8x128xf32, #tpu.memory_space<vmem>>
      %dma_start3A_410 = arith.constant 0 : i32
      %dma_start3A_411 = arith.constant 0 : i32
      %dma_start3A_412 = arith.constant 0 : i32
      %dma_start3A_413 = tpu.memref_slice %arg4[%add3A_244, %dma_start3A_410, %add3A_403, %dma_start3A_411, %dma_start3A_412] : memref<50x8x128x8x128xf32, #tpu.memory_space<hbm>> -> memref<1x8x1x8x128xf32, #tpu.memory_space<hbm>>
      %dma_start3A_414 = tpu.memref_squeeze %dma_start3A_413 : memref<1x8x1x8x128xf32, #tpu.memory_space<hbm>> -> memref<8x8x128xf32, #tpu.memory_space<hbm>>
      %dma_start3A_415 = arith.constant 0 : i32
      %dma_start3A_416 = arith.constant 0 : i32
      %dma_start3A_417 = arith.constant 0 : i32
      %dma_start3A_418 = tpu.memref_slice %arg4[%add3A_244, %dma_start3A_415, %add3A_403, %dma_start3A_416, %dma_start3A_417] : memref<50x8x128x8x128xf32, #tpu.memory_space<hbm>> -> memref<1x8x1x8x128xf32, #tpu.memory_space<hbm>>
      %dma_start3A_419 = tpu.memref_squeeze %dma_start3A_418 : memref<1x8x1x8x128xf32, #tpu.memory_space<hbm>> -> memref<8x8x128xf32, #tpu.memory_space<hbm>>
      %dma_start3A_420 = arith.constant 0 : i32
      %dma_start3A_421 = arith.constant 0 : i32
      %dma_start3A_422 = arith.constant 384 : i32
      %dma_start3A_423 = tpu.memref_slice %arg7[%dma_start3A_404, %dma_start3A_420, %dma_start3A_421, %dma_start3A_422] : memref<2x8x8x513xf32, #tpu.memory_space<vmem>> -> memref<1x8x8x128xf32, #tpu.memory_space<vmem>>
      %dma_start3A_424 = tpu.memref_squeeze %dma_start3A_423 : memref<1x8x8x128xf32, #tpu.memory_space<vmem>> -> memref<8x8x128xf32, #tpu.memory_space<vmem>>
      tpu.enqueue_dma source(%dma_start3A_424 : memref<8x8x128xf32, #tpu.memory_space<vmem>>) target(%dma_start3A_419 : memref<8x8x128xf32, #tpu.memory_space<hbm>>) target_semaphore(%arg12 : memref<!tpu.dma_semaphore, #tpu.memory_space<semaphore_mem>>)
      %mul3A_425 = arith.constant 2 : i32
      %mul3A_426 = arith.muli %scan3A_240, %mul3A_425 : i32
      %add3A_427 = arith.constant 1 : i32
      %add3A_428 = arith.addi %mul3A_426, %add3A_427 : i32
      %gt3A_429 = arith.constant 0 : i32
      %gt3A_430 = arith.cmpi sgt, %scan3A_240, %gt3A_429 : i32
      %convert_element_type3A_431 = arith.extui %gt3A_430 : i1 to i32
      %cond3A_432 = arith.constant 0 : i32
      %cond3A_433 = arith.cmpi ne, %convert_element_type3A_431, %cond3A_432 : i32
      scf.if %cond3A_433 {
        %dma_wait3A_614 = arith.constant 1 : i32
        %dma_wait3A_615 = arith.constant 0 : i32
        %dma_wait3A_616 = arith.constant 0 : i32
        %dma_wait3A_617 = arith.constant 0 : i32
        %dma_wait3A_618 = arith.constant 0 : i32
        %dma_wait3A_619 = arith.constant 0 : i32
        %dma_wait3A_620 = tpu.memref_slice %arg7[%dma_wait3A_614, %dma_wait3A_617, %dma_wait3A_618, %dma_wait3A_619] : memref<2x8x8x513xf32, #tpu.memory_space<vmem>> -> memref<1x8x8x128xf32, #tpu.memory_space<vmem>>
        %dma_wait3A_621 = tpu.memref_squeeze %dma_wait3A_620 : memref<1x8x8x128xf32, #tpu.memory_space<vmem>> -> memref<8x8x128xf32, #tpu.memory_space<vmem>>
        %dma_wait3A_622 = arith.constant 0 : i32
        %dma_wait3A_623 = arith.constant 0 : i32
        %dma_wait3A_624 = arith.constant 0 : i32
        %dma_wait3A_625 = tpu.memref_slice %arg4[%dma_wait3A_615, %dma_wait3A_622, %dma_wait3A_616, %dma_wait3A_623, %dma_wait3A_624] : memref<50x8x128x8x128xf32, #tpu.memory_space<hbm>> -> memref<1x8x1x8x128xf32, #tpu.memory_space<hbm>>
        %dma_wait3A_626 = tpu.memref_squeeze %dma_wait3A_625 : memref<1x8x1x8x128xf32, #tpu.memory_space<hbm>> -> memref<8x8x128xf32, #tpu.memory_space<hbm>>
        %dma_wait3A_627 = arith.constant 0 : i32
        %dma_wait3A_628 = arith.constant 0 : i32
        %dma_wait3A_629 = arith.constant 0 : i32
        %dma_wait3A_630 = tpu.memref_slice %arg4[%dma_wait3A_615, %dma_wait3A_627, %dma_wait3A_616, %dma_wait3A_628, %dma_wait3A_629] : memref<50x8x128x8x128xf32, #tpu.memory_space<hbm>> -> memref<1x8x1x8x128xf32, #tpu.memory_space<hbm>>
        %dma_wait3A_631 = tpu.memref_squeeze %dma_wait3A_630 : memref<1x8x1x8x128xf32, #tpu.memory_space<hbm>> -> memref<8x8x128xf32, #tpu.memory_space<hbm>>
        %dma_wait3A_632 = arith.constant 0 : i32
        %dma_wait3A_633 = arith.constant 0 : i32
        %dma_wait3A_634 = arith.constant 0 : i32
        %dma_wait3A_635 = tpu.memref_slice %arg7[%dma_wait3A_614, %dma_wait3A_632, %dma_wait3A_633, %dma_wait3A_634] : memref<2x8x8x513xf32, #tpu.memory_space<vmem>> -> memref<1x8x8x128xf32, #tpu.memory_space<vmem>>
        %dma_wait3A_636 = tpu.memref_squeeze %dma_wait3A_635 : memref<1x8x8x128xf32, #tpu.memory_space<vmem>> -> memref<8x8x128xf32, #tpu.memory_space<vmem>>
        tpu.wait_dma2 semaphore(%arg13 : memref<!tpu.dma_semaphore, #tpu.memory_space<semaphore_mem>>) src(%dma_wait3A_636 : memref<8x8x128xf32, #tpu.memory_space<vmem>>) dst(%dma_wait3A_631 : memref<8x8x128xf32, #tpu.memory_space<hbm>>)
        %dma_wait3A_637 = arith.constant 1 : i32
        %dma_wait3A_638 = arith.constant 0 : i32
        %dma_wait3A_639 = arith.constant 0 : i32
        %dma_wait3A_640 = arith.constant 0 : i32
        %dma_wait3A_641 = arith.constant 0 : i32
        %dma_wait3A_642 = arith.constant 0 : i32
        %dma_wait3A_643 = tpu.memref_slice %arg7[%dma_wait3A_637, %dma_wait3A_640, %dma_wait3A_641, %dma_wait3A_642] : memref<2x8x8x513xf32, #tpu.memory_space<vmem>> -> memref<1x8x8x128xf32, #tpu.memory_space<vmem>>
        %dma_wait3A_644 = tpu.memref_squeeze %dma_wait3A_643 : memref<1x8x8x128xf32, #tpu.memory_space<vmem>> -> memref<8x8x128xf32, #tpu.memory_space<vmem>>
        %dma_wait3A_645 = arith.constant 0 : i32
        %dma_wait3A_646 = arith.constant 0 : i32
        %dma_wait3A_647 = arith.constant 0 : i32
        %dma_wait3A_648 = tpu.memref_slice %arg4[%dma_wait3A_638, %dma_wait3A_645, %dma_wait3A_639, %dma_wait3A_646, %dma_wait3A_647] : memref<50x8x128x8x128xf32, #tpu.memory_space<hbm>> -> memref<1x8x1x8x128xf32, #tpu.memory_space<hbm>>
        %dma_wait3A_649 = tpu.memref_squeeze %dma_wait3A_648 : memref<1x8x1x8x128xf32, #tpu.memory_space<hbm>> -> memref<8x8x128xf32, #tpu.memory_space<hbm>>
        %dma_wait3A_650 = arith.constant 0 : i32
        %dma_wait3A_651 = arith.constant 0 : i32
        %dma_wait3A_652 = arith.constant 0 : i32
        %dma_wait3A_653 = tpu.memref_slice %arg4[%dma_wait3A_638, %dma_wait3A_650, %dma_wait3A_639, %dma_wait3A_651, %dma_wait3A_652] : memref<50x8x128x8x128xf32, #tpu.memory_space<hbm>> -> memref<1x8x1x8x128xf32, #tpu.memory_space<hbm>>
        %dma_wait3A_654 = tpu.memref_squeeze %dma_wait3A_653 : memref<1x8x1x8x128xf32, #tpu.memory_space<hbm>> -> memref<8x8x128xf32, #tpu.memory_space<hbm>>
        %dma_wait3A_655 = arith.constant 0 : i32
        %dma_wait3A_656 = arith.constant 0 : i32
        %dma_wait3A_657 = arith.constant 0 : i32
        %dma_wait3A_658 = tpu.memref_slice %arg7[%dma_wait3A_637, %dma_wait3A_655, %dma_wait3A_656, %dma_wait3A_657] : memref<2x8x8x513xf32, #tpu.memory_space<vmem>> -> memref<1x8x8x128xf32, #tpu.memory_space<vmem>>
        %dma_wait3A_659 = tpu.memref_squeeze %dma_wait3A_658 : memref<1x8x8x128xf32, #tpu.memory_space<vmem>> -> memref<8x8x128xf32, #tpu.memory_space<vmem>>
        tpu.wait_dma2 semaphore(%arg13 : memref<!tpu.dma_semaphore, #tpu.memory_space<semaphore_mem>>) src(%dma_wait3A_659 : memref<8x8x128xf32, #tpu.memory_space<vmem>>) dst(%dma_wait3A_654 : memref<8x8x128xf32, #tpu.memory_space<hbm>>)
        %dma_wait3A_660 = arith.constant 1 : i32
        %dma_wait3A_661 = arith.constant 0 : i32
        %dma_wait3A_662 = arith.constant 0 : i32
        %dma_wait3A_663 = arith.constant 0 : i32
        %dma_wait3A_664 = arith.constant 0 : i32
        %dma_wait3A_665 = arith.constant 0 : i32
        %dma_wait3A_666 = tpu.memref_slice %arg7[%dma_wait3A_660, %dma_wait3A_663, %dma_wait3A_664, %dma_wait3A_665] : memref<2x8x8x513xf32, #tpu.memory_space<vmem>> -> memref<1x8x8x128xf32, #tpu.memory_space<vmem>>
        %dma_wait3A_667 = tpu.memref_squeeze %dma_wait3A_666 : memref<1x8x8x128xf32, #tpu.memory_space<vmem>> -> memref<8x8x128xf32, #tpu.memory_space<vmem>>
        %dma_wait3A_668 = arith.constant 0 : i32
        %dma_wait3A_669 = arith.constant 0 : i32
        %dma_wait3A_670 = arith.constant 0 : i32
        %dma_wait3A_671 = tpu.memref_slice %arg4[%dma_wait3A_661, %dma_wait3A_668, %dma_wait3A_662, %dma_wait3A_669, %dma_wait3A_670] : memref<50x8x128x8x128xf32, #tpu.memory_space<hbm>> -> memref<1x8x1x8x128xf32, #tpu.memory_space<hbm>>
        %dma_wait3A_672 = tpu.memref_squeeze %dma_wait3A_671 : memref<1x8x1x8x128xf32, #tpu.memory_space<hbm>> -> memref<8x8x128xf32, #tpu.memory_space<hbm>>
        %dma_wait3A_673 = arith.constant 0 : i32
        %dma_wait3A_674 = arith.constant 0 : i32
        %dma_wait3A_675 = arith.constant 0 : i32
        %dma_wait3A_676 = tpu.memref_slice %arg4[%dma_wait3A_661, %dma_wait3A_673, %dma_wait3A_662, %dma_wait3A_674, %dma_wait3A_675] : memref<50x8x128x8x128xf32, #tpu.memory_space<hbm>> -> memref<1x8x1x8x128xf32, #tpu.memory_space<hbm>>
        %dma_wait3A_677 = tpu.memref_squeeze %dma_wait3A_676 : memref<1x8x1x8x128xf32, #tpu.memory_space<hbm>> -> memref<8x8x128xf32, #tpu.memory_space<hbm>>
        %dma_wait3A_678 = arith.constant 0 : i32
        %dma_wait3A_679 = arith.constant 0 : i32
        %dma_wait3A_680 = arith.constant 0 : i32
        %dma_wait3A_681 = tpu.memref_slice %arg7[%dma_wait3A_660, %dma_wait3A_678, %dma_wait3A_679, %dma_wait3A_680] : memref<2x8x8x513xf32, #tpu.memory_space<vmem>> -> memref<1x8x8x128xf32, #tpu.memory_space<vmem>>
        %dma_wait3A_682 = tpu.memref_squeeze %dma_wait3A_681 : memref<1x8x8x128xf32, #tpu.memory_space<vmem>> -> memref<8x8x128xf32, #tpu.memory_space<vmem>>
        tpu.wait_dma2 semaphore(%arg13 : memref<!tpu.dma_semaphore, #tpu.memory_space<semaphore_mem>>) src(%dma_wait3A_682 : memref<8x8x128xf32, #tpu.memory_space<vmem>>) dst(%dma_wait3A_677 : memref<8x8x128xf32, #tpu.memory_space<hbm>>)
        %dma_wait3A_683 = arith.constant 1 : i32
        %dma_wait3A_684 = arith.constant 0 : i32
        %dma_wait3A_685 = arith.constant 0 : i32
        %dma_wait3A_686 = arith.constant 0 : i32
        %dma_wait3A_687 = arith.constant 0 : i32
        %dma_wait3A_688 = arith.constant 0 : i32
        %dma_wait3A_689 = tpu.memref_slice %arg7[%dma_wait3A_683, %dma_wait3A_686, %dma_wait3A_687, %dma_wait3A_688] : memref<2x8x8x513xf32, #tpu.memory_space<vmem>> -> memref<1x8x8x128xf32, #tpu.memory_space<vmem>>
        %dma_wait3A_690 = tpu.memref_squeeze %dma_wait3A_689 : memref<1x8x8x128xf32, #tpu.memory_space<vmem>> -> memref<8x8x128xf32, #tpu.memory_space<vmem>>
        %dma_wait3A_691 = arith.constant 0 : i32
        %dma_wait3A_692 = arith.constant 0 : i32
        %dma_wait3A_693 = arith.constant 0 : i32
        %dma_wait3A_694 = tpu.memref_slice %arg4[%dma_wait3A_684, %dma_wait3A_691, %dma_wait3A_685, %dma_wait3A_692, %dma_wait3A_693] : memref<50x8x128x8x128xf32, #tpu.memory_space<hbm>> -> memref<1x8x1x8x128xf32, #tpu.memory_space<hbm>>
        %dma_wait3A_695 = tpu.memref_squeeze %dma_wait3A_694 : memref<1x8x1x8x128xf32, #tpu.memory_space<hbm>> -> memref<8x8x128xf32, #tpu.memory_space<hbm>>
        %dma_wait3A_696 = arith.constant 0 : i32
        %dma_wait3A_697 = arith.constant 0 : i32
        %dma_wait3A_698 = arith.constant 0 : i32
        %dma_wait3A_699 = tpu.memref_slice %arg4[%dma_wait3A_684, %dma_wait3A_696, %dma_wait3A_685, %dma_wait3A_697, %dma_wait3A_698] : memref<50x8x128x8x128xf32, #tpu.memory_space<hbm>> -> memref<1x8x1x8x128xf32, #tpu.memory_space<hbm>>
        %dma_wait3A_700 = tpu.memref_squeeze %dma_wait3A_699 : memref<1x8x1x8x128xf32, #tpu.memory_space<hbm>> -> memref<8x8x128xf32, #tpu.memory_space<hbm>>
        %dma_wait3A_701 = arith.constant 0 : i32
        %dma_wait3A_702 = arith.constant 0 : i32
        %dma_wait3A_703 = arith.constant 0 : i32
        %dma_wait3A_704 = tpu.memref_slice %arg7[%dma_wait3A_683, %dma_wait3A_701, %dma_wait3A_702, %dma_wait3A_703] : memref<2x8x8x513xf32, #tpu.memory_space<vmem>> -> memref<1x8x8x128xf32, #tpu.memory_space<vmem>>
        %dma_wait3A_705 = tpu.memref_squeeze %dma_wait3A_704 : memref<1x8x8x128xf32, #tpu.memory_space<vmem>> -> memref<8x8x128xf32, #tpu.memory_space<vmem>>
        tpu.wait_dma2 semaphore(%arg13 : memref<!tpu.dma_semaphore, #tpu.memory_space<semaphore_mem>>) src(%dma_wait3A_705 : memref<8x8x128xf32, #tpu.memory_space<vmem>>) dst(%dma_wait3A_700 : memref<8x8x128xf32, #tpu.memory_space<hbm>>)
      } else {
      }
      %dma_wait3A_434 = arith.constant 0 : i32
      %dma_wait3A_435 = arith.constant 0 : i32
      %dma_wait3A_436 = arith.constant 0 : i32
      %dma_wait3A_437 = arith.constant 0 : i32
      %dma_wait3A_438 = tpu.memref_slice %arg6[%dma_wait3A_435, %dma_wait3A_436, %dma_wait3A_437] : memref<4x128x64xf32, #tpu.memory_space<vmem>> -> memref<1x128x64xf32, #tpu.memory_space<vmem>>
      %dma_wait3A_439 = tpu.memref_squeeze %dma_wait3A_438 : memref<1x128x64xf32, #tpu.memory_space<vmem>> -> memref<128x64xf32, #tpu.memory_space<vmem>>
      %dma_wait3A_440 = arith.constant 0 : i32
      %dma_wait3A_441 = tpu.memref_slice %arg5[%dma_wait3A_434, %dma_wait3A_440] : memref<50x512xi32, #tpu.memory_space<vmem>> -> memref<1x128xi32, #tpu.memory_space<vmem>>
      %dma_wait3A_442 = tpu.memref_squeeze %dma_wait3A_441 : memref<1x128xi32, #tpu.memory_space<vmem>> -> memref<128xi32, #tpu.memory_space<vmem>>
      %dma_wait3A_443 = arith.constant 0 : i32
      %dma_wait3A_444 = arith.constant 0 : i32
      %dma_wait3A_445 = tpu.memref_slice %arg2[%dma_wait3A_443, %dma_wait3A_444] : memref<1000000x64xf32, #tpu.memory_space<hbm>> -> memref<1000000x64xf32, #tpu.memory_space<hbm>>
      tpu.wait_indirect_dma semaphore(%arg8 : memref<!tpu.dma_semaphore, #tpu.memory_space<semaphore_mem>>) src(%dma_wait3A_445 : memref<1000000x64xf32, #tpu.memory_space<hbm>>) dst(%dma_wait3A_439 : memref<128x64xf32, #tpu.memory_space<vmem>>)
      %parallel_loop3A_446 = arith.constant 0 : i32
      %parallel_loop3A_447 = arith.constant 128 : i32
      %parallel_loop3A_448 = arith.constant 1 : i32
      %parallel_loop3A_449 = arith.constant 0 : i32
      %parallel_loop3A_450 = arith.constant 1 : i32
      scf.for %parallel_loop3A_614 = %parallel_loop3A_446 to %parallel_loop3A_447 step %parallel_loop3A_448  : i32 {
        %parallel_loop3A_615 = arith.constant 0 : i32
        %parallel_loop3A_616 = arith.addi %parallel_loop3A_615, %parallel_loop3A_614 : i32
        %parallel_loop3A_617 = vector.broadcast %parallel_loop3A_616 : i32 to vector<16xi32>
        %parallel_loop3A_618 = arith.constant 0 : i32
        %parallel_loop3A_619 = vector.broadcast %parallel_loop3A_618 : i32 to vector<16xi32>
        %parallel_loop3A_620 = arith.addi %iota3A, %parallel_loop3A_619 : vector<16xi32>
        %parallel_loop3A_621 = arith.constant 0 : i32
        %parallel_loop3A_622 = arith.constant 0 : i32
        %parallel_loop3A_623 = tpu.memref_slice %arg6[%parallel_loop3A_449, %parallel_loop3A_621, %parallel_loop3A_622] : memref<4x128x64xf32, #tpu.memory_space<vmem>> -> memref<1x128x64xf32, #tpu.memory_space<vmem>>
        %parallel_loop3A_624 = tpu.memref_squeeze %parallel_loop3A_623 : memref<1x128x64xf32, #tpu.memory_space<vmem>> -> memref<128x64xf32, #tpu.memory_space<vmem>>
        %parallel_loop3A_625 = arith.index_cast %parallel_loop3A_614 : i32 to index
        %parallel_loop3A_626 = arith.constant 0 : index
        %parallel_loop3A_627 = tpu.vector_load %parallel_loop3A_624[%parallel_loop3A_625, %parallel_loop3A_626] {strides = array<i32>} : memref<128x64xf32, #tpu.memory_space<vmem>>, vector<16xf32>,
        %parallel_loop3A_628 = arith.constant 8.000000e+00 : f32
        %parallel_loop3A_629 = vector.broadcast %parallel_loop3A_628 : f32 to vector<16xf32>
        %parallel_loop3A_630 = arith.mulf %parallel_loop3A_627, %parallel_loop3A_629 : vector<16xf32>
        %parallel_loop3A_631 = arith.constant 3 : i32
        %parallel_loop3A_632 = vector.broadcast %parallel_loop3A_631 : i32 to vector<16xi32>
        %parallel_loop3A_633 = arith.shrsi %parallel_loop3A_620, %parallel_loop3A_632 : vector<16xi32>
        %parallel_loop3A_634 = arith.constant 7 : i32
        %parallel_loop3A_635 = vector.broadcast %parallel_loop3A_634 : i32 to vector<16xi32>
        %parallel_loop3A_636 = arith.andi %parallel_loop3A_620, %parallel_loop3A_635 : vector<16xi32>
        %parallel_loop3A_637 = arith.constant 0 : i32
        %parallel_loop3A_638 = arith.constant 0 : i32
        %parallel_loop3A_639 = arith.constant 0 : i32
        %parallel_loop3A_640 = tpu.memref_slice %arg7[%parallel_loop3A_450, %parallel_loop3A_637, %parallel_loop3A_638, %parallel_loop3A_639] : memref<2x8x8x513xf32, #tpu.memory_space<vmem>> -> memref<1x8x8x513xf32, #tpu.memory_space<vmem>>
        %parallel_loop3A_641 = tpu.memref_squeeze %parallel_loop3A_640 : memref<1x8x8x513xf32, #tpu.memory_space<vmem>> -> memref<8x8x513xf32, #tpu.memory_space<vmem>>
        tpu.vector_store_idx %parallel_loop3A_641[%parallel_loop3A_633, %parallel_loop3A_636, %parallel_loop3A_617], %parallel_loop3A_630 : memref<8x8x513xf32, #tpu.memory_space<vmem>>[vector<16xi32>, vector<16xi32>, vector<16xi32>], vector<16xf32>,
        %parallel_loop3A_642 = arith.constant 16 : i32
        %parallel_loop3A_643 = vector.broadcast %parallel_loop3A_642 : i32 to vector<16xi32>
        %parallel_loop3A_644 = arith.addi %iota3A, %parallel_loop3A_643 : vector<16xi32>
        %parallel_loop3A_645 = arith.constant 0 : i32
        %parallel_loop3A_646 = arith.constant 0 : i32
        %parallel_loop3A_647 = tpu.memref_slice %arg6[%parallel_loop3A_449, %parallel_loop3A_645, %parallel_loop3A_646] : memref<4x128x64xf32, #tpu.memory_space<vmem>> -> memref<1x128x64xf32, #tpu.memory_space<vmem>>
        %parallel_loop3A_648 = tpu.memref_squeeze %parallel_loop3A_647 : memref<1x128x64xf32, #tpu.memory_space<vmem>> -> memref<128x64xf32, #tpu.memory_space<vmem>>
        %parallel_loop3A_649 = arith.index_cast %parallel_loop3A_614 : i32 to index
        %parallel_loop3A_650 = arith.constant 16 : index
        %parallel_loop3A_651 = tpu.vector_load %parallel_loop3A_648[%parallel_loop3A_649, %parallel_loop3A_650] {strides = array<i32>} : memref<128x64xf32, #tpu.memory_space<vmem>>, vector<16xf32>,
        %parallel_loop3A_652 = arith.constant 8.000000e+00 : f32
        %parallel_loop3A_653 = vector.broadcast %parallel_loop3A_652 : f32 to vector<16xf32>
        %parallel_loop3A_654 = arith.mulf %parallel_loop3A_651, %parallel_loop3A_653 : vector<16xf32>
        %parallel_loop3A_655 = arith.constant 3 : i32
        %parallel_loop3A_656 = vector.broadcast %parallel_loop3A_655 : i32 to vector<16xi32>
        %parallel_loop3A_657 = arith.shrsi %parallel_loop3A_644, %parallel_loop3A_656 : vector<16xi32>
        %parallel_loop3A_658 = arith.constant 7 : i32
        %parallel_loop3A_659 = vector.broadcast %parallel_loop3A_658 : i32 to vector<16xi32>
        %parallel_loop3A_660 = arith.andi %parallel_loop3A_644, %parallel_loop3A_659 : vector<16xi32>
        %parallel_loop3A_661 = arith.constant 0 : i32
        %parallel_loop3A_662 = arith.constant 0 : i32
        %parallel_loop3A_663 = arith.constant 0 : i32
        %parallel_loop3A_664 = tpu.memref_slice %arg7[%parallel_loop3A_450, %parallel_loop3A_661, %parallel_loop3A_662, %parallel_loop3A_663] : memref<2x8x8x513xf32, #tpu.memory_space<vmem>> -> memref<1x8x8x513xf32, #tpu.memory_space<vmem>>
        %parallel_loop3A_665 = tpu.memref_squeeze %parallel_loop3A_664 : memref<1x8x8x513xf32, #tpu.memory_space<vmem>> -> memref<8x8x513xf32, #tpu.memory_space<vmem>>
        tpu.vector_store_idx %parallel_loop3A_665[%parallel_loop3A_657, %parallel_loop3A_660, %parallel_loop3A_617], %parallel_loop3A_654 : memref<8x8x513xf32, #tpu.memory_space<vmem>>[vector<16xi32>, vector<16xi32>, vector<16xi32>], vector<16xf32>,
        %parallel_loop3A_666 = arith.constant 32 : i32
        %parallel_loop3A_667 = vector.broadcast %parallel_loop3A_666 : i32 to vector<16xi32>
        %parallel_loop3A_668 = arith.addi %iota3A, %parallel_loop3A_667 : vector<16xi32>
        %parallel_loop3A_669 = arith.constant 0 : i32
        %parallel_loop3A_670 = arith.constant 0 : i32
        %parallel_loop3A_671 = tpu.memref_slice %arg6[%parallel_loop3A_449, %parallel_loop3A_669, %parallel_loop3A_670] : memref<4x128x64xf32, #tpu.memory_space<vmem>> -> memref<1x128x64xf32, #tpu.memory_space<vmem>>
        %parallel_loop3A_672 = tpu.memref_squeeze %parallel_loop3A_671 : memref<1x128x64xf32, #tpu.memory_space<vmem>> -> memref<128x64xf32, #tpu.memory_space<vmem>>
        %parallel_loop3A_673 = arith.index_cast %parallel_loop3A_614 : i32 to index
        %parallel_loop3A_674 = arith.constant 32 : index
        %parallel_loop3A_675 = tpu.vector_load %parallel_loop3A_672[%parallel_loop3A_673, %parallel_loop3A_674] {strides = array<i32>} : memref<128x64xf32, #tpu.memory_space<vmem>>, vector<16xf32>,
        %parallel_loop3A_676 = arith.constant 8.000000e+00 : f32
        %parallel_loop3A_677 = vector.broadcast %parallel_loop3A_676 : f32 to vector<16xf32>
        %parallel_loop3A_678 = arith.mulf %parallel_loop3A_675, %parallel_loop3A_677 : vector<16xf32>
        %parallel_loop3A_679 = arith.constant 3 : i32
        %parallel_loop3A_680 = vector.broadcast %parallel_loop3A_679 : i32 to vector<16xi32>
        %parallel_loop3A_681 = arith.shrsi %parallel_loop3A_668, %parallel_loop3A_680 : vector<16xi32>
        %parallel_loop3A_682 = arith.constant 7 : i32
        %parallel_loop3A_683 = vector.broadcast %parallel_loop3A_682 : i32 to vector<16xi32>
        %parallel_loop3A_684 = arith.andi %parallel_loop3A_668, %parallel_loop3A_683 : vector<16xi32>
        %parallel_loop3A_685 = arith.constant 0 : i32
        %parallel_loop3A_686 = arith.constant 0 : i32
        %parallel_loop3A_687 = arith.constant 0 : i32
        %parallel_loop3A_688 = tpu.memref_slice %arg7[%parallel_loop3A_450, %parallel_loop3A_685, %parallel_loop3A_686, %parallel_loop3A_687] : memref<2x8x8x513xf32, #tpu.memory_space<vmem>> -> memref<1x8x8x513xf32, #tpu.memory_space<vmem>>
        %parallel_loop3A_689 = tpu.memref_squeeze %parallel_loop3A_688 : memref<1x8x8x513xf32, #tpu.memory_space<vmem>> -> memref<8x8x513xf32, #tpu.memory_space<vmem>>
        tpu.vector_store_idx %parallel_loop3A_689[%parallel_loop3A_681, %parallel_loop3A_684, %parallel_loop3A_617], %parallel_loop3A_678 : memref<8x8x513xf32, #tpu.memory_space<vmem>>[vector<16xi32>, vector<16xi32>, vector<16xi32>], vector<16xf32>,
        %parallel_loop3A_690 = arith.constant 48 : i32
        %parallel_loop3A_691 = vector.broadcast %parallel_loop3A_690 : i32 to vector<16xi32>
        %parallel_loop3A_692 = arith.addi %iota3A, %parallel_loop3A_691 : vector<16xi32>
        %parallel_loop3A_693 = arith.constant 0 : i32
        %parallel_loop3A_694 = arith.constant 0 : i32
        %parallel_loop3A_695 = tpu.memref_slice %arg6[%parallel_loop3A_449, %parallel_loop3A_693, %parallel_loop3A_694] : memref<4x128x64xf32, #tpu.memory_space<vmem>> -> memref<1x128x64xf32, #tpu.memory_space<vmem>>
        %parallel_loop3A_696 = tpu.memref_squeeze %parallel_loop3A_695 : memref<1x128x64xf32, #tpu.memory_space<vmem>> -> memref<128x64xf32, #tpu.memory_space<vmem>>
        %parallel_loop3A_697 = arith.index_cast %parallel_loop3A_614 : i32 to index
        %parallel_loop3A_698 = arith.constant 48 : index
        %parallel_loop3A_699 = tpu.vector_load %parallel_loop3A_696[%parallel_loop3A_697, %parallel_loop3A_698] {strides = array<i32>} : memref<128x64xf32, #tpu.memory_space<vmem>>, vector<16xf32>,
        %parallel_loop3A_700 = arith.constant 8.000000e+00 : f32
        %parallel_loop3A_701 = vector.broadcast %parallel_loop3A_700 : f32 to vector<16xf32>
        %parallel_loop3A_702 = arith.mulf %parallel_loop3A_699, %parallel_loop3A_701 : vector<16xf32>
        %parallel_loop3A_703 = arith.constant 3 : i32
        %parallel_loop3A_704 = vector.broadcast %parallel_loop3A_703 : i32 to vector<16xi32>
        %parallel_loop3A_705 = arith.shrsi %parallel_loop3A_692, %parallel_loop3A_704 : vector<16xi32>
        %parallel_loop3A_706 = arith.constant 7 : i32
        %parallel_loop3A_707 = vector.broadcast %parallel_loop3A_706 : i32 to vector<16xi32>
        %parallel_loop3A_708 = arith.andi %parallel_loop3A_692, %parallel_loop3A_707 : vector<16xi32>
        %parallel_loop3A_709 = arith.constant 0 : i32
        %parallel_loop3A_710 = arith.constant 0 : i32
        %parallel_loop3A_711 = arith.constant 0 : i32
        %parallel_loop3A_712 = tpu.memref_slice %arg7[%parallel_loop3A_450, %parallel_loop3A_709, %parallel_loop3A_710, %parallel_loop3A_711] : memref<2x8x8x513xf32, #tpu.memory_space<vmem>> -> memref<1x8x8x513xf32, #tpu.memory_space<vmem>>
        %parallel_loop3A_713 = tpu.memref_squeeze %parallel_loop3A_712 : memref<1x8x8x513xf32, #tpu.memory_space<vmem>> -> memref<8x8x513xf32, #tpu.memory_space<vmem>>
        tpu.vector_store_idx %parallel_loop3A_713[%parallel_loop3A_705, %parallel_loop3A_708, %parallel_loop3A_617], %parallel_loop3A_702 : memref<8x8x513xf32, #tpu.memory_space<vmem>>[vector<16xi32>, vector<16xi32>, vector<16xi32>], vector<16xf32>,
      } {sc.loop_unroll_factor = 4 : i64, sc.parallel_access}
      %lt3A_451 = arith.constant 49 : i32
      %lt3A_452 = arith.cmpi slt, %add3A_428, %lt3A_451 : i32
      %convert_element_type3A_453 = arith.extui %lt3A_452 : i1 to i32
      %cond3A_454 = arith.constant 0 : i32
      %cond3A_455 = arith.cmpi ne, %convert_element_type3A_453, %cond3A_454 : i32
      scf.if %cond3A_455 {
        %add3A_614 = arith.constant 1 : i32
        %add3A_615 = arith.addi %add3A_428, %add3A_614 : i32
        %dma_start3A_616 = arith.constant 0 : i32
        %dma_start3A_617 = arith.constant 0 : i32
        %dma_start3A_618 = arith.constant 0 : i32
        %dma_start3A_619 = tpu.memref_slice %arg6[%dma_start3A_616, %dma_start3A_617, %dma_start3A_618] : memref<4x128x64xf32, #tpu.memory_space<vmem>> -> memref<1x128x64xf32, #tpu.memory_space<vmem>>
        %dma_start3A_620 = tpu.memref_squeeze %dma_start3A_619 : memref<1x128x64xf32, #tpu.memory_space<vmem>> -> memref<128x64xf32, #tpu.memory_space<vmem>>
        %dma_start3A_621 = arith.constant 0 : i32
        %dma_start3A_622 = tpu.memref_slice %arg5[%add3A_615, %dma_start3A_621] : memref<50x512xi32, #tpu.memory_space<vmem>> -> memref<1x128xi32, #tpu.memory_space<vmem>>
        %dma_start3A_623 = tpu.memref_squeeze %dma_start3A_622 : memref<1x128xi32, #tpu.memory_space<vmem>> -> memref<128xi32, #tpu.memory_space<vmem>>
        %dma_start3A_624 = arith.constant 0 : i32
        %dma_start3A_625 = arith.constant 0 : i32
        %dma_start3A_626 = tpu.memref_slice %arg2[%dma_start3A_624, %dma_start3A_625] : memref<1000000x64xf32, #tpu.memory_space<hbm>> -> memref<1000000x64xf32, #tpu.memory_space<hbm>>
        tpu.enqueue_indirect_dma source(%dma_start3A_626 : memref<1000000x64xf32, #tpu.memory_space<hbm>>) target(%dma_start3A_620 : memref<128x64xf32, #tpu.memory_space<vmem>>) offsets(%dma_start3A_623 : memref<128xi32, #tpu.memory_space<vmem>>) semaphore(%arg8 : memref<!tpu.dma_semaphore, #tpu.memory_space<semaphore_mem>>)
      } else {
      }
      %dma_wait3A_456 = arith.constant 0 : i32
      %dma_wait3A_457 = arith.constant 1 : i32
      %dma_wait3A_458 = arith.constant 0 : i32
      %dma_wait3A_459 = arith.constant 0 : i32
      %dma_wait3A_460 = tpu.memref_slice %arg6[%dma_wait3A_457, %dma_wait3A_458, %dma_wait3A_459] : memref<4x128x64xf32, #tpu.memory_space<vmem>> -> memref<1x128x64xf32, #tpu.memory_space<vmem>>
      %dma_wait3A_461 = tpu.memref_squeeze %dma_wait3A_460 : memref<1x128x64xf32, #tpu.memory_space<vmem>> -> memref<128x64xf32, #tpu.memory_space<vmem>>
      %dma_wait3A_462 = arith.constant 0 : i32
      %dma_wait3A_463 = tpu.memref_slice %arg5[%dma_wait3A_456, %dma_wait3A_462] : memref<50x512xi32, #tpu.memory_space<vmem>> -> memref<1x128xi32, #tpu.memory_space<vmem>>
      %dma_wait3A_464 = tpu.memref_squeeze %dma_wait3A_463 : memref<1x128xi32, #tpu.memory_space<vmem>> -> memref<128xi32, #tpu.memory_space<vmem>>
      %dma_wait3A_465 = arith.constant 0 : i32
      %dma_wait3A_466 = arith.constant 0 : i32
      %dma_wait3A_467 = tpu.memref_slice %arg2[%dma_wait3A_465, %dma_wait3A_466] : memref<1000000x64xf32, #tpu.memory_space<hbm>> -> memref<1000000x64xf32, #tpu.memory_space<hbm>>
      tpu.wait_indirect_dma semaphore(%arg9 : memref<!tpu.dma_semaphore, #tpu.memory_space<semaphore_mem>>) src(%dma_wait3A_467 : memref<1000000x64xf32, #tpu.memory_space<hbm>>) dst(%dma_wait3A_461 : memref<128x64xf32, #tpu.memory_space<vmem>>)
      %parallel_loop3A_468 = arith.constant 0 : i32
      %parallel_loop3A_469 = arith.constant 128 : i32
      %parallel_loop3A_470 = arith.constant 1 : i32
      %parallel_loop3A_471 = arith.constant 1 : i32
      %parallel_loop3A_472 = arith.constant 1 : i32
      scf.for %parallel_loop3A_614 = %parallel_loop3A_468 to %parallel_loop3A_469 step %parallel_loop3A_470  : i32 {
        %parallel_loop3A_615 = arith.constant 128 : i32
        %parallel_loop3A_616 = arith.addi %parallel_loop3A_615, %parallel_loop3A_614 : i32
        %parallel_loop3A_617 = vector.broadcast %parallel_loop3A_616 : i32 to vector<16xi32>
        %parallel_loop3A_618 = arith.constant 0 : i32
        %parallel_loop3A_619 = vector.broadcast %parallel_loop3A_618 : i32 to vector<16xi32>
        %parallel_loop3A_620 = arith.addi %iota3A, %parallel_loop3A_619 : vector<16xi32>
        %parallel_loop3A_621 = arith.constant 0 : i32
        %parallel_loop3A_622 = arith.constant 0 : i32
        %parallel_loop3A_623 = tpu.memref_slice %arg6[%parallel_loop3A_471, %parallel_loop3A_621, %parallel_loop3A_622] : memref<4x128x64xf32, #tpu.memory_space<vmem>> -> memref<1x128x64xf32, #tpu.memory_space<vmem>>
        %parallel_loop3A_624 = tpu.memref_squeeze %parallel_loop3A_623 : memref<1x128x64xf32, #tpu.memory_space<vmem>> -> memref<128x64xf32, #tpu.memory_space<vmem>>
        %parallel_loop3A_625 = arith.index_cast %parallel_loop3A_614 : i32 to index
        %parallel_loop3A_626 = arith.constant 0 : index
        %parallel_loop3A_627 = tpu.vector_load %parallel_loop3A_624[%parallel_loop3A_625, %parallel_loop3A_626] {strides = array<i32>} : memref<128x64xf32, #tpu.memory_space<vmem>>, vector<16xf32>,
        %parallel_loop3A_628 = arith.constant 8.000000e+00 : f32
        %parallel_loop3A_629 = vector.broadcast %parallel_loop3A_628 : f32 to vector<16xf32>
        %parallel_loop3A_630 = arith.mulf %parallel_loop3A_627, %parallel_loop3A_629 : vector<16xf32>
        %parallel_loop3A_631 = arith.constant 3 : i32
        %parallel_loop3A_632 = vector.broadcast %parallel_loop3A_631 : i32 to vector<16xi32>
        %parallel_loop3A_633 = arith.shrsi %parallel_loop3A_620, %parallel_loop3A_632 : vector<16xi32>
        %parallel_loop3A_634 = arith.constant 7 : i32
        %parallel_loop3A_635 = vector.broadcast %parallel_loop3A_634 : i32 to vector<16xi32>
        %parallel_loop3A_636 = arith.andi %parallel_loop3A_620, %parallel_loop3A_635 : vector<16xi32>
        %parallel_loop3A_637 = arith.constant 0 : i32
        %parallel_loop3A_638 = arith.constant 0 : i32
        %parallel_loop3A_639 = arith.constant 0 : i32
        %parallel_loop3A_640 = tpu.memref_slice %arg7[%parallel_loop3A_472, %parallel_loop3A_637, %parallel_loop3A_638, %parallel_loop3A_639] : memref<2x8x8x513xf32, #tpu.memory_space<vmem>> -> memref<1x8x8x513xf32, #tpu.memory_space<vmem>>
        %parallel_loop3A_641 = tpu.memref_squeeze %parallel_loop3A_640 : memref<1x8x8x513xf32, #tpu.memory_space<vmem>> -> memref<8x8x513xf32, #tpu.memory_space<vmem>>
        tpu.vector_store_idx %parallel_loop3A_641[%parallel_loop3A_633, %parallel_loop3A_636, %parallel_loop3A_617], %parallel_loop3A_630 : memref<8x8x513xf32, #tpu.memory_space<vmem>>[vector<16xi32>, vector<16xi32>, vector<16xi32>], vector<16xf32>,
        %parallel_loop3A_642 = arith.constant 16 : i32
        %parallel_loop3A_643 = vector.broadcast %parallel_loop3A_642 : i32 to vector<16xi32>
        %parallel_loop3A_644 = arith.addi %iota3A, %parallel_loop3A_643 : vector<16xi32>
        %parallel_loop3A_645 = arith.constant 0 : i32
        %parallel_loop3A_646 = arith.constant 0 : i32
        %parallel_loop3A_647 = tpu.memref_slice %arg6[%parallel_loop3A_471, %parallel_loop3A_645, %parallel_loop3A_646] : memref<4x128x64xf32, #tpu.memory_space<vmem>> -> memref<1x128x64xf32, #tpu.memory_space<vmem>>
        %parallel_loop3A_648 = tpu.memref_squeeze %parallel_loop3A_647 : memref<1x128x64xf32, #tpu.memory_space<vmem>> -> memref<128x64xf32, #tpu.memory_space<vmem>>
        %parallel_loop3A_649 = arith.index_cast %parallel_loop3A_614 : i32 to index
        %parallel_loop3A_650 = arith.constant 16 : index
        %parallel_loop3A_651 = tpu.vector_load %parallel_loop3A_648[%parallel_loop3A_649, %parallel_loop3A_650] {strides = array<i32>} : memref<128x64xf32, #tpu.memory_space<vmem>>, vector<16xf32>,
        %parallel_loop3A_652 = arith.constant 8.000000e+00 : f32
        %parallel_loop3A_653 = vector.broadcast %parallel_loop3A_652 : f32 to vector<16xf32>
        %parallel_loop3A_654 = arith.mulf %parallel_loop3A_651, %parallel_loop3A_653 : vector<16xf32>
        %parallel_loop3A_655 = arith.constant 3 : i32
        %parallel_loop3A_656 = vector.broadcast %parallel_loop3A_655 : i32 to vector<16xi32>
        %parallel_loop3A_657 = arith.shrsi %parallel_loop3A_644, %parallel_loop3A_656 : vector<16xi32>
        %parallel_loop3A_658 = arith.constant 7 : i32
        %parallel_loop3A_659 = vector.broadcast %parallel_loop3A_658 : i32 to vector<16xi32>
        %parallel_loop3A_660 = arith.andi %parallel_loop3A_644, %parallel_loop3A_659 : vector<16xi32>
        %parallel_loop3A_661 = arith.constant 0 : i32
        %parallel_loop3A_662 = arith.constant 0 : i32
        %parallel_loop3A_663 = arith.constant 0 : i32
        %parallel_loop3A_664 = tpu.memref_slice %arg7[%parallel_loop3A_472, %parallel_loop3A_661, %parallel_loop3A_662, %parallel_loop3A_663] : memref<2x8x8x513xf32, #tpu.memory_space<vmem>> -> memref<1x8x8x513xf32, #tpu.memory_space<vmem>>
        %parallel_loop3A_665 = tpu.memref_squeeze %parallel_loop3A_664 : memref<1x8x8x513xf32, #tpu.memory_space<vmem>> -> memref<8x8x513xf32, #tpu.memory_space<vmem>>
        tpu.vector_store_idx %parallel_loop3A_665[%parallel_loop3A_657, %parallel_loop3A_660, %parallel_loop3A_617], %parallel_loop3A_654 : memref<8x8x513xf32, #tpu.memory_space<vmem>>[vector<16xi32>, vector<16xi32>, vector<16xi32>], vector<16xf32>,
        %parallel_loop3A_666 = arith.constant 32 : i32
        %parallel_loop3A_667 = vector.broadcast %parallel_loop3A_666 : i32 to vector<16xi32>
        %parallel_loop3A_668 = arith.addi %iota3A, %parallel_loop3A_667 : vector<16xi32>
        %parallel_loop3A_669 = arith.constant 0 : i32
        %parallel_loop3A_670 = arith.constant 0 : i32
        %parallel_loop3A_671 = tpu.memref_slice %arg6[%parallel_loop3A_471, %parallel_loop3A_669, %parallel_loop3A_670] : memref<4x128x64xf32, #tpu.memory_space<vmem>> -> memref<1x128x64xf32, #tpu.memory_space<vmem>>
        %parallel_loop3A_672 = tpu.memref_squeeze %parallel_loop3A_671 : memref<1x128x64xf32, #tpu.memory_space<vmem>> -> memref<128x64xf32, #tpu.memory_space<vmem>>
        %parallel_loop3A_673 = arith.index_cast %parallel_loop3A_614 : i32 to index
        %parallel_loop3A_674 = arith.constant 32 : index
        %parallel_loop3A_675 = tpu.vector_load %parallel_loop3A_672[%parallel_loop3A_673, %parallel_loop3A_674] {strides = array<i32>} : memref<128x64xf32, #tpu.memory_space<vmem>>, vector<16xf32>,
        %parallel_loop3A_676 = arith.constant 8.000000e+00 : f32
        %parallel_loop3A_677 = vector.broadcast %parallel_loop3A_676 : f32 to vector<16xf32>
        %parallel_loop3A_678 = arith.mulf %parallel_loop3A_675, %parallel_loop3A_677 : vector<16xf32>
        %parallel_loop3A_679 = arith.constant 3 : i32
        %parallel_loop3A_680 = vector.broadcast %parallel_loop3A_679 : i32 to vector<16xi32>
        %parallel_loop3A_681 = arith.shrsi %parallel_loop3A_668, %parallel_loop3A_680 : vector<16xi32>
        %parallel_loop3A_682 = arith.constant 7 : i32
        %parallel_loop3A_683 = vector.broadcast %parallel_loop3A_682 : i32 to vector<16xi32>
        %parallel_loop3A_684 = arith.andi %parallel_loop3A_668, %parallel_loop3A_683 : vector<16xi32>
        %parallel_loop3A_685 = arith.constant 0 : i32
        %parallel_loop3A_686 = arith.constant 0 : i32
        %parallel_loop3A_687 = arith.constant 0 : i32
        %parallel_loop3A_688 = tpu.memref_slice %arg7[%parallel_loop3A_472, %parallel_loop3A_685, %parallel_loop3A_686, %parallel_loop3A_687] : memref<2x8x8x513xf32, #tpu.memory_space<vmem>> -> memref<1x8x8x513xf32, #tpu.memory_space<vmem>>
        %parallel_loop3A_689 = tpu.memref_squeeze %parallel_loop3A_688 : memref<1x8x8x513xf32, #tpu.memory_space<vmem>> -> memref<8x8x513xf32, #tpu.memory_space<vmem>>
        tpu.vector_store_idx %parallel_loop3A_689[%parallel_loop3A_681, %parallel_loop3A_684, %parallel_loop3A_617], %parallel_loop3A_678 : memref<8x8x513xf32, #tpu.memory_space<vmem>>[vector<16xi32>, vector<16xi32>, vector<16xi32>], vector<16xf32>,
        %parallel_loop3A_690 = arith.constant 48 : i32
        %parallel_loop3A_691 = vector.broadcast %parallel_loop3A_690 : i32 to vector<16xi32>
        %parallel_loop3A_692 = arith.addi %iota3A, %parallel_loop3A_691 : vector<16xi32>
        %parallel_loop3A_693 = arith.constant 0 : i32
        %parallel_loop3A_694 = arith.constant 0 : i32
        %parallel_loop3A_695 = tpu.memref_slice %arg6[%parallel_loop3A_471, %parallel_loop3A_693, %parallel_loop3A_694] : memref<4x128x64xf32, #tpu.memory_space<vmem>> -> memref<1x128x64xf32, #tpu.memory_space<vmem>>
        %parallel_loop3A_696 = tpu.memref_squeeze %parallel_loop3A_695 : memref<1x128x64xf32, #tpu.memory_space<vmem>> -> memref<128x64xf32, #tpu.memory_space<vmem>>
        %parallel_loop3A_697 = arith.index_cast %parallel_loop3A_614 : i32 to index
        %parallel_loop3A_698 = arith.constant 48 : index
        %parallel_loop3A_699 = tpu.vector_load %parallel_loop3A_696[%parallel_loop3A_697, %parallel_loop3A_698] {strides = array<i32>} : memref<128x64xf32, #tpu.memory_space<vmem>>, vector<16xf32>,
        %parallel_loop3A_700 = arith.constant 8.000000e+00 : f32
        %parallel_loop3A_701 = vector.broadcast %parallel_loop3A_700 : f32 to vector<16xf32>
        %parallel_loop3A_702 = arith.mulf %parallel_loop3A_699, %parallel_loop3A_701 : vector<16xf32>
        %parallel_loop3A_703 = arith.constant 3 : i32
        %parallel_loop3A_704 = vector.broadcast %parallel_loop3A_703 : i32 to vector<16xi32>
        %parallel_loop3A_705 = arith.shrsi %parallel_loop3A_692, %parallel_loop3A_704 : vector<16xi32>
        %parallel_loop3A_706 = arith.constant 7 : i32
        %parallel_loop3A_707 = vector.broadcast %parallel_loop3A_706 : i32 to vector<16xi32>
        %parallel_loop3A_708 = arith.andi %parallel_loop3A_692, %parallel_loop3A_707 : vector<16xi32>
        %parallel_loop3A_709 = arith.constant 0 : i32
        %parallel_loop3A_710 = arith.constant 0 : i32
        %parallel_loop3A_711 = arith.constant 0 : i32
        %parallel_loop3A_712 = tpu.memref_slice %arg7[%parallel_loop3A_472, %parallel_loop3A_709, %parallel_loop3A_710, %parallel_loop3A_711] : memref<2x8x8x513xf32, #tpu.memory_space<vmem>> -> memref<1x8x8x513xf32, #tpu.memory_space<vmem>>
        %parallel_loop3A_713 = tpu.memref_squeeze %parallel_loop3A_712 : memref<1x8x8x513xf32, #tpu.memory_space<vmem>> -> memref<8x8x513xf32, #tpu.memory_space<vmem>>
        tpu.vector_store_idx %parallel_loop3A_713[%parallel_loop3A_705, %parallel_loop3A_708, %parallel_loop3A_617], %parallel_loop3A_702 : memref<8x8x513xf32, #tpu.memory_space<vmem>>[vector<16xi32>, vector<16xi32>, vector<16xi32>], vector<16xf32>,
      } {sc.loop_unroll_factor = 4 : i64, sc.parallel_access}
      %lt3A_473 = arith.constant 49 : i32
      %lt3A_474 = arith.cmpi slt, %add3A_428, %lt3A_473 : i32
      %convert_element_type3A_475 = arith.extui %lt3A_474 : i1 to i32
      %cond3A_476 = arith.constant 0 : i32
      %cond3A_477 = arith.cmpi ne, %convert_element_type3A_475, %cond3A_476 : i32
      scf.if %cond3A_477 {
        %add3A_614 = arith.constant 1 : i32
        %add3A_615 = arith.addi %add3A_428, %add3A_614 : i32
        %dma_start3A_616 = arith.constant 1 : i32
        %dma_start3A_617 = arith.constant 0 : i32
        %dma_start3A_618 = arith.constant 0 : i32
        %dma_start3A_619 = tpu.memref_slice %arg6[%dma_start3A_616, %dma_start3A_617, %dma_start3A_618] : memref<4x128x64xf32, #tpu.memory_space<vmem>> -> memref<1x128x64xf32, #tpu.memory_space<vmem>>
        %dma_start3A_620 = tpu.memref_squeeze %dma_start3A_619 : memref<1x128x64xf32, #tpu.memory_space<vmem>> -> memref<128x64xf32, #tpu.memory_space<vmem>>
        %dma_start3A_621 = arith.constant 128 : i32
        %dma_start3A_622 = tpu.memref_slice %arg5[%add3A_615, %dma_start3A_621] : memref<50x512xi32, #tpu.memory_space<vmem>> -> memref<1x128xi32, #tpu.memory_space<vmem>>
        %dma_start3A_623 = tpu.memref_squeeze %dma_start3A_622 : memref<1x128xi32, #tpu.memory_space<vmem>> -> memref<128xi32, #tpu.memory_space<vmem>>
        %dma_start3A_624 = arith.constant 0 : i32
        %dma_start3A_625 = arith.constant 0 : i32
        %dma_start3A_626 = tpu.memref_slice %arg2[%dma_start3A_624, %dma_start3A_625] : memref<1000000x64xf32, #tpu.memory_space<hbm>> -> memref<1000000x64xf32, #tpu.memory_space<hbm>>
        tpu.enqueue_indirect_dma source(%dma_start3A_626 : memref<1000000x64xf32, #tpu.memory_space<hbm>>) target(%dma_start3A_620 : memref<128x64xf32, #tpu.memory_space<vmem>>) offsets(%dma_start3A_623 : memref<128xi32, #tpu.memory_space<vmem>>) semaphore(%arg9 : memref<!tpu.dma_semaphore, #tpu.memory_space<semaphore_mem>>)
      } else {
      }
      %dma_wait3A_478 = arith.constant 0 : i32
      %dma_wait3A_479 = arith.constant 2 : i32
      %dma_wait3A_480 = arith.constant 0 : i32
      %dma_wait3A_481 = arith.constant 0 : i32
      %dma_wait3A_482 = tpu.memref_slice %arg6[%dma_wait3A_479, %dma_wait3A_480, %dma_wait3A_481] : memref<4x128x64xf32, #tpu.memory_space<vmem>> -> memref<1x128x64xf32, #tpu.memory_space<vmem>>
      %dma_wait3A_483 = tpu.memref_squeeze %dma_wait3A_482 : memref<1x128x64xf32, #tpu.memory_space<vmem>> -> memref<128x64xf32, #tpu.memory_space<vmem>>
      %dma_wait3A_484 = arith.constant 0 : i32
      %dma_wait3A_485 = tpu.memref_slice %arg5[%dma_wait3A_478, %dma_wait3A_484] : memref<50x512xi32, #tpu.memory_space<vmem>> -> memref<1x128xi32, #tpu.memory_space<vmem>>
      %dma_wait3A_486 = tpu.memref_squeeze %dma_wait3A_485 : memref<1x128xi32, #tpu.memory_space<vmem>> -> memref<128xi32, #tpu.memory_space<vmem>>
      %dma_wait3A_487 = arith.constant 0 : i32
      %dma_wait3A_488 = arith.constant 0 : i32
      %dma_wait3A_489 = tpu.memref_slice %arg2[%dma_wait3A_487, %dma_wait3A_488] : memref<1000000x64xf32, #tpu.memory_space<hbm>> -> memref<1000000x64xf32, #tpu.memory_space<hbm>>
      tpu.wait_indirect_dma semaphore(%arg10 : memref<!tpu.dma_semaphore, #tpu.memory_space<semaphore_mem>>) src(%dma_wait3A_489 : memref<1000000x64xf32, #tpu.memory_space<hbm>>) dst(%dma_wait3A_483 : memref<128x64xf32, #tpu.memory_space<vmem>>)
      %parallel_loop3A_490 = arith.constant 0 : i32
      %parallel_loop3A_491 = arith.constant 128 : i32
      %parallel_loop3A_492 = arith.constant 1 : i32
      %parallel_loop3A_493 = arith.constant 2 : i32
      %parallel_loop3A_494 = arith.constant 1 : i32
      scf.for %parallel_loop3A_614 = %parallel_loop3A_490 to %parallel_loop3A_491 step %parallel_loop3A_492  : i32 {
        %parallel_loop3A_615 = arith.constant 256 : i32
        %parallel_loop3A_616 = arith.addi %parallel_loop3A_615, %parallel_loop3A_614 : i32
        %parallel_loop3A_617 = vector.broadcast %parallel_loop3A_616 : i32 to vector<16xi32>
        %parallel_loop3A_618 = arith.constant 0 : i32
        %parallel_loop3A_619 = vector.broadcast %parallel_loop3A_618 : i32 to vector<16xi32>
        %parallel_loop3A_620 = arith.addi %iota3A, %parallel_loop3A_619 : vector<16xi32>
        %parallel_loop3A_621 = arith.constant 0 : i32
        %parallel_loop3A_622 = arith.constant 0 : i32
        %parallel_loop3A_623 = tpu.memref_slice %arg6[%parallel_loop3A_493, %parallel_loop3A_621, %parallel_loop3A_622] : memref<4x128x64xf32, #tpu.memory_space<vmem>> -> memref<1x128x64xf32, #tpu.memory_space<vmem>>
        %parallel_loop3A_624 = tpu.memref_squeeze %parallel_loop3A_623 : memref<1x128x64xf32, #tpu.memory_space<vmem>> -> memref<128x64xf32, #tpu.memory_space<vmem>>
        %parallel_loop3A_625 = arith.index_cast %parallel_loop3A_614 : i32 to index
        %parallel_loop3A_626 = arith.constant 0 : index
        %parallel_loop3A_627 = tpu.vector_load %parallel_loop3A_624[%parallel_loop3A_625, %parallel_loop3A_626] {strides = array<i32>} : memref<128x64xf32, #tpu.memory_space<vmem>>, vector<16xf32>,
        %parallel_loop3A_628 = arith.constant 8.000000e+00 : f32
        %parallel_loop3A_629 = vector.broadcast %parallel_loop3A_628 : f32 to vector<16xf32>
        %parallel_loop3A_630 = arith.mulf %parallel_loop3A_627, %parallel_loop3A_629 : vector<16xf32>
        %parallel_loop3A_631 = arith.constant 3 : i32
        %parallel_loop3A_632 = vector.broadcast %parallel_loop3A_631 : i32 to vector<16xi32>
        %parallel_loop3A_633 = arith.shrsi %parallel_loop3A_620, %parallel_loop3A_632 : vector<16xi32>
        %parallel_loop3A_634 = arith.constant 7 : i32
        %parallel_loop3A_635 = vector.broadcast %parallel_loop3A_634 : i32 to vector<16xi32>
        %parallel_loop3A_636 = arith.andi %parallel_loop3A_620, %parallel_loop3A_635 : vector<16xi32>
        %parallel_loop3A_637 = arith.constant 0 : i32
        %parallel_loop3A_638 = arith.constant 0 : i32
        %parallel_loop3A_639 = arith.constant 0 : i32
        %parallel_loop3A_640 = tpu.memref_slice %arg7[%parallel_loop3A_494, %parallel_loop3A_637, %parallel_loop3A_638, %parallel_loop3A_639] : memref<2x8x8x513xf32, #tpu.memory_space<vmem>> -> memref<1x8x8x513xf32, #tpu.memory_space<vmem>>
        %parallel_loop3A_641 = tpu.memref_squeeze %parallel_loop3A_640 : memref<1x8x8x513xf32, #tpu.memory_space<vmem>> -> memref<8x8x513xf32, #tpu.memory_space<vmem>>
        tpu.vector_store_idx %parallel_loop3A_641[%parallel_loop3A_633, %parallel_loop3A_636, %parallel_loop3A_617], %parallel_loop3A_630 : memref<8x8x513xf32, #tpu.memory_space<vmem>>[vector<16xi32>, vector<16xi32>, vector<16xi32>], vector<16xf32>,
        %parallel_loop3A_642 = arith.constant 16 : i32
        %parallel_loop3A_643 = vector.broadcast %parallel_loop3A_642 : i32 to vector<16xi32>
        %parallel_loop3A_644 = arith.addi %iota3A, %parallel_loop3A_643 : vector<16xi32>
        %parallel_loop3A_645 = arith.constant 0 : i32
        %parallel_loop3A_646 = arith.constant 0 : i32
        %parallel_loop3A_647 = tpu.memref_slice %arg6[%parallel_loop3A_493, %parallel_loop3A_645, %parallel_loop3A_646] : memref<4x128x64xf32, #tpu.memory_space<vmem>> -> memref<1x128x64xf32, #tpu.memory_space<vmem>>
        %parallel_loop3A_648 = tpu.memref_squeeze %parallel_loop3A_647 : memref<1x128x64xf32, #tpu.memory_space<vmem>> -> memref<128x64xf32, #tpu.memory_space<vmem>>
        %parallel_loop3A_649 = arith.index_cast %parallel_loop3A_614 : i32 to index
        %parallel_loop3A_650 = arith.constant 16 : index
        %parallel_loop3A_651 = tpu.vector_load %parallel_loop3A_648[%parallel_loop3A_649, %parallel_loop3A_650] {strides = array<i32>} : memref<128x64xf32, #tpu.memory_space<vmem>>, vector<16xf32>,
        %parallel_loop3A_652 = arith.constant 8.000000e+00 : f32
        %parallel_loop3A_653 = vector.broadcast %parallel_loop3A_652 : f32 to vector<16xf32>
        %parallel_loop3A_654 = arith.mulf %parallel_loop3A_651, %parallel_loop3A_653 : vector<16xf32>
        %parallel_loop3A_655 = arith.constant 3 : i32
        %parallel_loop3A_656 = vector.broadcast %parallel_loop3A_655 : i32 to vector<16xi32>
        %parallel_loop3A_657 = arith.shrsi %parallel_loop3A_644, %parallel_loop3A_656 : vector<16xi32>
        %parallel_loop3A_658 = arith.constant 7 : i32
        %parallel_loop3A_659 = vector.broadcast %parallel_loop3A_658 : i32 to vector<16xi32>
        %parallel_loop3A_660 = arith.andi %parallel_loop3A_644, %parallel_loop3A_659 : vector<16xi32>
        %parallel_loop3A_661 = arith.constant 0 : i32
        %parallel_loop3A_662 = arith.constant 0 : i32
        %parallel_loop3A_663 = arith.constant 0 : i32
        %parallel_loop3A_664 = tpu.memref_slice %arg7[%parallel_loop3A_494, %parallel_loop3A_661, %parallel_loop3A_662, %parallel_loop3A_663] : memref<2x8x8x513xf32, #tpu.memory_space<vmem>> -> memref<1x8x8x513xf32, #tpu.memory_space<vmem>>
        %parallel_loop3A_665 = tpu.memref_squeeze %parallel_loop3A_664 : memref<1x8x8x513xf32, #tpu.memory_space<vmem>> -> memref<8x8x513xf32, #tpu.memory_space<vmem>>
        tpu.vector_store_idx %parallel_loop3A_665[%parallel_loop3A_657, %parallel_loop3A_660, %parallel_loop3A_617], %parallel_loop3A_654 : memref<8x8x513xf32, #tpu.memory_space<vmem>>[vector<16xi32>, vector<16xi32>, vector<16xi32>], vector<16xf32>,
        %parallel_loop3A_666 = arith.constant 32 : i32
        %parallel_loop3A_667 = vector.broadcast %parallel_loop3A_666 : i32 to vector<16xi32>
        %parallel_loop3A_668 = arith.addi %iota3A, %parallel_loop3A_667 : vector<16xi32>
        %parallel_loop3A_669 = arith.constant 0 : i32
        %parallel_loop3A_670 = arith.constant 0 : i32
        %parallel_loop3A_671 = tpu.memref_slice %arg6[%parallel_loop3A_493, %parallel_loop3A_669, %parallel_loop3A_670] : memref<4x128x64xf32, #tpu.memory_space<vmem>> -> memref<1x128x64xf32, #tpu.memory_space<vmem>>
        %parallel_loop3A_672 = tpu.memref_squeeze %parallel_loop3A_671 : memref<1x128x64xf32, #tpu.memory_space<vmem>> -> memref<128x64xf32, #tpu.memory_space<vmem>>
        %parallel_loop3A_673 = arith.index_cast %parallel_loop3A_614 : i32 to index
        %parallel_loop3A_674 = arith.constant 32 : index
        %parallel_loop3A_675 = tpu.vector_load %parallel_loop3A_672[%parallel_loop3A_673, %parallel_loop3A_674] {strides = array<i32>} : memref<128x64xf32, #tpu.memory_space<vmem>>, vector<16xf32>,
        %parallel_loop3A_676 = arith.constant 8.000000e+00 : f32
        %parallel_loop3A_677 = vector.broadcast %parallel_loop3A_676 : f32 to vector<16xf32>
        %parallel_loop3A_678 = arith.mulf %parallel_loop3A_675, %parallel_loop3A_677 : vector<16xf32>
        %parallel_loop3A_679 = arith.constant 3 : i32
        %parallel_loop3A_680 = vector.broadcast %parallel_loop3A_679 : i32 to vector<16xi32>
        %parallel_loop3A_681 = arith.shrsi %parallel_loop3A_668, %parallel_loop3A_680 : vector<16xi32>
        %parallel_loop3A_682 = arith.constant 7 : i32
        %parallel_loop3A_683 = vector.broadcast %parallel_loop3A_682 : i32 to vector<16xi32>
        %parallel_loop3A_684 = arith.andi %parallel_loop3A_668, %parallel_loop3A_683 : vector<16xi32>
        %parallel_loop3A_685 = arith.constant 0 : i32
        %parallel_loop3A_686 = arith.constant 0 : i32
        %parallel_loop3A_687 = arith.constant 0 : i32
        %parallel_loop3A_688 = tpu.memref_slice %arg7[%parallel_loop3A_494, %parallel_loop3A_685, %parallel_loop3A_686, %parallel_loop3A_687] : memref<2x8x8x513xf32, #tpu.memory_space<vmem>> -> memref<1x8x8x513xf32, #tpu.memory_space<vmem>>
        %parallel_loop3A_689 = tpu.memref_squeeze %parallel_loop3A_688 : memref<1x8x8x513xf32, #tpu.memory_space<vmem>> -> memref<8x8x513xf32, #tpu.memory_space<vmem>>
        tpu.vector_store_idx %parallel_loop3A_689[%parallel_loop3A_681, %parallel_loop3A_684, %parallel_loop3A_617], %parallel_loop3A_678 : memref<8x8x513xf32, #tpu.memory_space<vmem>>[vector<16xi32>, vector<16xi32>, vector<16xi32>], vector<16xf32>,
        %parallel_loop3A_690 = arith.constant 48 : i32
        %parallel_loop3A_691 = vector.broadcast %parallel_loop3A_690 : i32 to vector<16xi32>
        %parallel_loop3A_692 = arith.addi %iota3A, %parallel_loop3A_691 : vector<16xi32>
        %parallel_loop3A_693 = arith.constant 0 : i32
        %parallel_loop3A_694 = arith.constant 0 : i32
        %parallel_loop3A_695 = tpu.memref_slice %arg6[%parallel_loop3A_493, %parallel_loop3A_693, %parallel_loop3A_694] : memref<4x128x64xf32, #tpu.memory_space<vmem>> -> memref<1x128x64xf32, #tpu.memory_space<vmem>>
        %parallel_loop3A_696 = tpu.memref_squeeze %parallel_loop3A_695 : memref<1x128x64xf32, #tpu.memory_space<vmem>> -> memref<128x64xf32, #tpu.memory_space<vmem>>
        %parallel_loop3A_697 = arith.index_cast %parallel_loop3A_614 : i32 to index
        %parallel_loop3A_698 = arith.constant 48 : index
        %parallel_loop3A_699 = tpu.vector_load %parallel_loop3A_696[%parallel_loop3A_697, %parallel_loop3A_698] {strides = array<i32>} : memref<128x64xf32, #tpu.memory_space<vmem>>, vector<16xf32>,
        %parallel_loop3A_700 = arith.constant 8.000000e+00 : f32
        %parallel_loop3A_701 = vector.broadcast %parallel_loop3A_700 : f32 to vector<16xf32>
        %parallel_loop3A_702 = arith.mulf %parallel_loop3A_699, %parallel_loop3A_701 : vector<16xf32>
        %parallel_loop3A_703 = arith.constant 3 : i32
        %parallel_loop3A_704 = vector.broadcast %parallel_loop3A_703 : i32 to vector<16xi32>
        %parallel_loop3A_705 = arith.shrsi %parallel_loop3A_692, %parallel_loop3A_704 : vector<16xi32>
        %parallel_loop3A_706 = arith.constant 7 : i32
        %parallel_loop3A_707 = vector.broadcast %parallel_loop3A_706 : i32 to vector<16xi32>
        %parallel_loop3A_708 = arith.andi %parallel_loop3A_692, %parallel_loop3A_707 : vector<16xi32>
        %parallel_loop3A_709 = arith.constant 0 : i32
        %parallel_loop3A_710 = arith.constant 0 : i32
        %parallel_loop3A_711 = arith.constant 0 : i32
        %parallel_loop3A_712 = tpu.memref_slice %arg7[%parallel_loop3A_494, %parallel_loop3A_709, %parallel_loop3A_710, %parallel_loop3A_711] : memref<2x8x8x513xf32, #tpu.memory_space<vmem>> -> memref<1x8x8x513xf32, #tpu.memory_space<vmem>>
        %parallel_loop3A_713 = tpu.memref_squeeze %parallel_loop3A_712 : memref<1x8x8x513xf32, #tpu.memory_space<vmem>> -> memref<8x8x513xf32, #tpu.memory_space<vmem>>
        tpu.vector_store_idx %parallel_loop3A_713[%parallel_loop3A_705, %parallel_loop3A_708, %parallel_loop3A_617], %parallel_loop3A_702 : memref<8x8x513xf32, #tpu.memory_space<vmem>>[vector<16xi32>, vector<16xi32>, vector<16xi32>], vector<16xf32>,
      } {sc.loop_unroll_factor = 4 : i64, sc.parallel_access}
      %lt3A_495 = arith.constant 49 : i32
      %lt3A_496 = arith.cmpi slt, %add3A_428, %lt3A_495 : i32
      %convert_element_type3A_497 = arith.extui %lt3A_496 : i1 to i32
      %cond3A_498 = arith.constant 0 : i32
      %cond3A_499 = arith.cmpi ne, %convert_element_type3A_497, %cond3A_498 : i32
      scf.if %cond3A_499 {
        %add3A_614 = arith.constant 1 : i32
        %add3A_615 = arith.addi %add3A_428, %add3A_614 : i32
        %dma_start3A_616 = arith.constant 2 : i32
        %dma_start3A_617 = arith.constant 0 : i32
        %dma_start3A_618 = arith.constant 0 : i32
        %dma_start3A_619 = tpu.memref_slice %arg6[%dma_start3A_616, %dma_start3A_617, %dma_start3A_618] : memref<4x128x64xf32, #tpu.memory_space<vmem>> -> memref<1x128x64xf32, #tpu.memory_space<vmem>>
        %dma_start3A_620 = tpu.memref_squeeze %dma_start3A_619 : memref<1x128x64xf32, #tpu.memory_space<vmem>> -> memref<128x64xf32, #tpu.memory_space<vmem>>
        %dma_start3A_621 = arith.constant 256 : i32
        %dma_start3A_622 = tpu.memref_slice %arg5[%add3A_615, %dma_start3A_621] : memref<50x512xi32, #tpu.memory_space<vmem>> -> memref<1x128xi32, #tpu.memory_space<vmem>>
        %dma_start3A_623 = tpu.memref_squeeze %dma_start3A_622 : memref<1x128xi32, #tpu.memory_space<vmem>> -> memref<128xi32, #tpu.memory_space<vmem>>
        %dma_start3A_624 = arith.constant 0 : i32
        %dma_start3A_625 = arith.constant 0 : i32
        %dma_start3A_626 = tpu.memref_slice %arg2[%dma_start3A_624, %dma_start3A_625] : memref<1000000x64xf32, #tpu.memory_space<hbm>> -> memref<1000000x64xf32, #tpu.memory_space<hbm>>
        tpu.enqueue_indirect_dma source(%dma_start3A_626 : memref<1000000x64xf32, #tpu.memory_space<hbm>>) target(%dma_start3A_620 : memref<128x64xf32, #tpu.memory_space<vmem>>) offsets(%dma_start3A_623 : memref<128xi32, #tpu.memory_space<vmem>>) semaphore(%arg10 : memref<!tpu.dma_semaphore, #tpu.memory_space<semaphore_mem>>)
      } else {
      }
      %dma_wait3A_500 = arith.constant 0 : i32
      %dma_wait3A_501 = arith.constant 3 : i32
      %dma_wait3A_502 = arith.constant 0 : i32
      %dma_wait3A_503 = arith.constant 0 : i32
      %dma_wait3A_504 = tpu.memref_slice %arg6[%dma_wait3A_501, %dma_wait3A_502, %dma_wait3A_503] : memref<4x128x64xf32, #tpu.memory_space<vmem>> -> memref<1x128x64xf32, #tpu.memory_space<vmem>>
      %dma_wait3A_505 = tpu.memref_squeeze %dma_wait3A_504 : memref<1x128x64xf32, #tpu.memory_space<vmem>> -> memref<128x64xf32, #tpu.memory_space<vmem>>
      %dma_wait3A_506 = arith.constant 0 : i32
      %dma_wait3A_507 = tpu.memref_slice %arg5[%dma_wait3A_500, %dma_wait3A_506] : memref<50x512xi32, #tpu.memory_space<vmem>> -> memref<1x128xi32, #tpu.memory_space<vmem>>
      %dma_wait3A_508 = tpu.memref_squeeze %dma_wait3A_507 : memref<1x128xi32, #tpu.memory_space<vmem>> -> memref<128xi32, #tpu.memory_space<vmem>>
      %dma_wait3A_509 = arith.constant 0 : i32
      %dma_wait3A_510 = arith.constant 0 : i32
      %dma_wait3A_511 = tpu.memref_slice %arg2[%dma_wait3A_509, %dma_wait3A_510] : memref<1000000x64xf32, #tpu.memory_space<hbm>> -> memref<1000000x64xf32, #tpu.memory_space<hbm>>
      tpu.wait_indirect_dma semaphore(%arg11 : memref<!tpu.dma_semaphore, #tpu.memory_space<semaphore_mem>>) src(%dma_wait3A_511 : memref<1000000x64xf32, #tpu.memory_space<hbm>>) dst(%dma_wait3A_505 : memref<128x64xf32, #tpu.memory_space<vmem>>)
      %parallel_loop3A_512 = arith.constant 0 : i32
      %parallel_loop3A_513 = arith.constant 128 : i32
      %parallel_loop3A_514 = arith.constant 1 : i32
      %parallel_loop3A_515 = arith.constant 3 : i32
      %parallel_loop3A_516 = arith.constant 1 : i32
      scf.for %parallel_loop3A_614 = %parallel_loop3A_512 to %parallel_loop3A_513 step %parallel_loop3A_514  : i32 {
        %parallel_loop3A_615 = arith.constant 384 : i32
        %parallel_loop3A_616 = arith.addi %parallel_loop3A_615, %parallel_loop3A_614 : i32
        %parallel_loop3A_617 = vector.broadcast %parallel_loop3A_616 : i32 to vector<16xi32>
        %parallel_loop3A_618 = arith.constant 0 : i32
        %parallel_loop3A_619 = vector.broadcast %parallel_loop3A_618 : i32 to vector<16xi32>
        %parallel_loop3A_620 = arith.addi %iota3A, %parallel_loop3A_619 : vector<16xi32>
        %parallel_loop3A_621 = arith.constant 0 : i32
        %parallel_loop3A_622 = arith.constant 0 : i32
        %parallel_loop3A_623 = tpu.memref_slice %arg6[%parallel_loop3A_515, %parallel_loop3A_621, %parallel_loop3A_622] : memref<4x128x64xf32, #tpu.memory_space<vmem>> -> memref<1x128x64xf32, #tpu.memory_space<vmem>>
        %parallel_loop3A_624 = tpu.memref_squeeze %parallel_loop3A_623 : memref<1x128x64xf32, #tpu.memory_space<vmem>> -> memref<128x64xf32, #tpu.memory_space<vmem>>
        %parallel_loop3A_625 = arith.index_cast %parallel_loop3A_614 : i32 to index
        %parallel_loop3A_626 = arith.constant 0 : index
        %parallel_loop3A_627 = tpu.vector_load %parallel_loop3A_624[%parallel_loop3A_625, %parallel_loop3A_626] {strides = array<i32>} : memref<128x64xf32, #tpu.memory_space<vmem>>, vector<16xf32>,
        %parallel_loop3A_628 = arith.constant 8.000000e+00 : f32
        %parallel_loop3A_629 = vector.broadcast %parallel_loop3A_628 : f32 to vector<16xf32>
        %parallel_loop3A_630 = arith.mulf %parallel_loop3A_627, %parallel_loop3A_629 : vector<16xf32>
        %parallel_loop3A_631 = arith.constant 3 : i32
        %parallel_loop3A_632 = vector.broadcast %parallel_loop3A_631 : i32 to vector<16xi32>
        %parallel_loop3A_633 = arith.shrsi %parallel_loop3A_620, %parallel_loop3A_632 : vector<16xi32>
        %parallel_loop3A_634 = arith.constant 7 : i32
        %parallel_loop3A_635 = vector.broadcast %parallel_loop3A_634 : i32 to vector<16xi32>
        %parallel_loop3A_636 = arith.andi %parallel_loop3A_620, %parallel_loop3A_635 : vector<16xi32>
        %parallel_loop3A_637 = arith.constant 0 : i32
        %parallel_loop3A_638 = arith.constant 0 : i32
        %parallel_loop3A_639 = arith.constant 0 : i32
        %parallel_loop3A_640 = tpu.memref_slice %arg7[%parallel_loop3A_516, %parallel_loop3A_637, %parallel_loop3A_638, %parallel_loop3A_639] : memref<2x8x8x513xf32, #tpu.memory_space<vmem>> -> memref<1x8x8x513xf32, #tpu.memory_space<vmem>>
        %parallel_loop3A_641 = tpu.memref_squeeze %parallel_loop3A_640 : memref<1x8x8x513xf32, #tpu.memory_space<vmem>> -> memref<8x8x513xf32, #tpu.memory_space<vmem>>
        tpu.vector_store_idx %parallel_loop3A_641[%parallel_loop3A_633, %parallel_loop3A_636, %parallel_loop3A_617], %parallel_loop3A_630 : memref<8x8x513xf32, #tpu.memory_space<vmem>>[vector<16xi32>, vector<16xi32>, vector<16xi32>], vector<16xf32>,
        %parallel_loop3A_642 = arith.constant 16 : i32
        %parallel_loop3A_643 = vector.broadcast %parallel_loop3A_642 : i32 to vector<16xi32>
        %parallel_loop3A_644 = arith.addi %iota3A, %parallel_loop3A_643 : vector<16xi32>
        %parallel_loop3A_645 = arith.constant 0 : i32
        %parallel_loop3A_646 = arith.constant 0 : i32
        %parallel_loop3A_647 = tpu.memref_slice %arg6[%parallel_loop3A_515, %parallel_loop3A_645, %parallel_loop3A_646] : memref<4x128x64xf32, #tpu.memory_space<vmem>> -> memref<1x128x64xf32, #tpu.memory_space<vmem>>
        %parallel_loop3A_648 = tpu.memref_squeeze %parallel_loop3A_647 : memref<1x128x64xf32, #tpu.memory_space<vmem>> -> memref<128x64xf32, #tpu.memory_space<vmem>>
        %parallel_loop3A_649 = arith.index_cast %parallel_loop3A_614 : i32 to index
        %parallel_loop3A_650 = arith.constant 16 : index
        %parallel_loop3A_651 = tpu.vector_load %parallel_loop3A_648[%parallel_loop3A_649, %parallel_loop3A_650] {strides = array<i32>} : memref<128x64xf32, #tpu.memory_space<vmem>>, vector<16xf32>,
        %parallel_loop3A_652 = arith.constant 8.000000e+00 : f32
        %parallel_loop3A_653 = vector.broadcast %parallel_loop3A_652 : f32 to vector<16xf32>
        %parallel_loop3A_654 = arith.mulf %parallel_loop3A_651, %parallel_loop3A_653 : vector<16xf32>
        %parallel_loop3A_655 = arith.constant 3 : i32
        %parallel_loop3A_656 = vector.broadcast %parallel_loop3A_655 : i32 to vector<16xi32>
        %parallel_loop3A_657 = arith.shrsi %parallel_loop3A_644, %parallel_loop3A_656 : vector<16xi32>
        %parallel_loop3A_658 = arith.constant 7 : i32
        %parallel_loop3A_659 = vector.broadcast %parallel_loop3A_658 : i32 to vector<16xi32>
        %parallel_loop3A_660 = arith.andi %parallel_loop3A_644, %parallel_loop3A_659 : vector<16xi32>
        %parallel_loop3A_661 = arith.constant 0 : i32
        %parallel_loop3A_662 = arith.constant 0 : i32
        %parallel_loop3A_663 = arith.constant 0 : i32
        %parallel_loop3A_664 = tpu.memref_slice %arg7[%parallel_loop3A_516, %parallel_loop3A_661, %parallel_loop3A_662, %parallel_loop3A_663] : memref<2x8x8x513xf32, #tpu.memory_space<vmem>> -> memref<1x8x8x513xf32, #tpu.memory_space<vmem>>
        %parallel_loop3A_665 = tpu.memref_squeeze %parallel_loop3A_664 : memref<1x8x8x513xf32, #tpu.memory_space<vmem>> -> memref<8x8x513xf32, #tpu.memory_space<vmem>>
        tpu.vector_store_idx %parallel_loop3A_665[%parallel_loop3A_657, %parallel_loop3A_660, %parallel_loop3A_617], %parallel_loop3A_654 : memref<8x8x513xf32, #tpu.memory_space<vmem>>[vector<16xi32>, vector<16xi32>, vector<16xi32>], vector<16xf32>,
        %parallel_loop3A_666 = arith.constant 32 : i32
        %parallel_loop3A_667 = vector.broadcast %parallel_loop3A_666 : i32 to vector<16xi32>
        %parallel_loop3A_668 = arith.addi %iota3A, %parallel_loop3A_667 : vector<16xi32>
        %parallel_loop3A_669 = arith.constant 0 : i32
        %parallel_loop3A_670 = arith.constant 0 : i32
        %parallel_loop3A_671 = tpu.memref_slice %arg6[%parallel_loop3A_515, %parallel_loop3A_669, %parallel_loop3A_670] : memref<4x128x64xf32, #tpu.memory_space<vmem>> -> memref<1x128x64xf32, #tpu.memory_space<vmem>>
        %parallel_loop3A_672 = tpu.memref_squeeze %parallel_loop3A_671 : memref<1x128x64xf32, #tpu.memory_space<vmem>> -> memref<128x64xf32, #tpu.memory_space<vmem>>
        %parallel_loop3A_673 = arith.index_cast %parallel_loop3A_614 : i32 to index
        %parallel_loop3A_674 = arith.constant 32 : index
        %parallel_loop3A_675 = tpu.vector_load %parallel_loop3A_672[%parallel_loop3A_673, %parallel_loop3A_674] {strides = array<i32>} : memref<128x64xf32, #tpu.memory_space<vmem>>, vector<16xf32>,
        %parallel_loop3A_676 = arith.constant 8.000000e+00 : f32
        %parallel_loop3A_677 = vector.broadcast %parallel_loop3A_676 : f32 to vector<16xf32>
        %parallel_loop3A_678 = arith.mulf %parallel_loop3A_675, %parallel_loop3A_677 : vector<16xf32>
        %parallel_loop3A_679 = arith.constant 3 : i32
        %parallel_loop3A_680 = vector.broadcast %parallel_loop3A_679 : i32 to vector<16xi32>
        %parallel_loop3A_681 = arith.shrsi %parallel_loop3A_668, %parallel_loop3A_680 : vector<16xi32>
        %parallel_loop3A_682 = arith.constant 7 : i32
        %parallel_loop3A_683 = vector.broadcast %parallel_loop3A_682 : i32 to vector<16xi32>
        %parallel_loop3A_684 = arith.andi %parallel_loop3A_668, %parallel_loop3A_683 : vector<16xi32>
        %parallel_loop3A_685 = arith.constant 0 : i32
        %parallel_loop3A_686 = arith.constant 0 : i32
        %parallel_loop3A_687 = arith.constant 0 : i32
        %parallel_loop3A_688 = tpu.memref_slice %arg7[%parallel_loop3A_516, %parallel_loop3A_685, %parallel_loop3A_686, %parallel_loop3A_687] : memref<2x8x8x513xf32, #tpu.memory_space<vmem>> -> memref<1x8x8x513xf32, #tpu.memory_space<vmem>>
        %parallel_loop3A_689 = tpu.memref_squeeze %parallel_loop3A_688 : memref<1x8x8x513xf32, #tpu.memory_space<vmem>> -> memref<8x8x513xf32, #tpu.memory_space<vmem>>
        tpu.vector_store_idx %parallel_loop3A_689[%parallel_loop3A_681, %parallel_loop3A_684, %parallel_loop3A_617], %parallel_loop3A_678 : memref<8x8x513xf32, #tpu.memory_space<vmem>>[vector<16xi32>, vector<16xi32>, vector<16xi32>], vector<16xf32>,
        %parallel_loop3A_690 = arith.constant 48 : i32
        %parallel_loop3A_691 = vector.broadcast %parallel_loop3A_690 : i32 to vector<16xi32>
        %parallel_loop3A_692 = arith.addi %iota3A, %parallel_loop3A_691 : vector<16xi32>
        %parallel_loop3A_693 = arith.constant 0 : i32
        %parallel_loop3A_694 = arith.constant 0 : i32
        %parallel_loop3A_695 = tpu.memref_slice %arg6[%parallel_loop3A_515, %parallel_loop3A_693, %parallel_loop3A_694] : memref<4x128x64xf32, #tpu.memory_space<vmem>> -> memref<1x128x64xf32, #tpu.memory_space<vmem>>
        %parallel_loop3A_696 = tpu.memref_squeeze %parallel_loop3A_695 : memref<1x128x64xf32, #tpu.memory_space<vmem>> -> memref<128x64xf32, #tpu.memory_space<vmem>>
        %parallel_loop3A_697 = arith.index_cast %parallel_loop3A_614 : i32 to index
        %parallel_loop3A_698 = arith.constant 48 : index
        %parallel_loop3A_699 = tpu.vector_load %parallel_loop3A_696[%parallel_loop3A_697, %parallel_loop3A_698] {strides = array<i32>} : memref<128x64xf32, #tpu.memory_space<vmem>>, vector<16xf32>,
        %parallel_loop3A_700 = arith.constant 8.000000e+00 : f32
        %parallel_loop3A_701 = vector.broadcast %parallel_loop3A_700 : f32 to vector<16xf32>
        %parallel_loop3A_702 = arith.mulf %parallel_loop3A_699, %parallel_loop3A_701 : vector<16xf32>
        %parallel_loop3A_703 = arith.constant 3 : i32
        %parallel_loop3A_704 = vector.broadcast %parallel_loop3A_703 : i32 to vector<16xi32>
        %parallel_loop3A_705 = arith.shrsi %parallel_loop3A_692, %parallel_loop3A_704 : vector<16xi32>
        %parallel_loop3A_706 = arith.constant 7 : i32
        %parallel_loop3A_707 = vector.broadcast %parallel_loop3A_706 : i32 to vector<16xi32>
        %parallel_loop3A_708 = arith.andi %parallel_loop3A_692, %parallel_loop3A_707 : vector<16xi32>
        %parallel_loop3A_709 = arith.constant 0 : i32
        %parallel_loop3A_710 = arith.constant 0 : i32
        %parallel_loop3A_711 = arith.constant 0 : i32
        %parallel_loop3A_712 = tpu.memref_slice %arg7[%parallel_loop3A_516, %parallel_loop3A_709, %parallel_loop3A_710, %parallel_loop3A_711] : memref<2x8x8x513xf32, #tpu.memory_space<vmem>> -> memref<1x8x8x513xf32, #tpu.memory_space<vmem>>
        %parallel_loop3A_713 = tpu.memref_squeeze %parallel_loop3A_712 : memref<1x8x8x513xf32, #tpu.memory_space<vmem>> -> memref<8x8x513xf32, #tpu.memory_space<vmem>>
        tpu.vector_store_idx %parallel_loop3A_713[%parallel_loop3A_705, %parallel_loop3A_708, %parallel_loop3A_617], %parallel_loop3A_702 : memref<8x8x513xf32, #tpu.memory_space<vmem>>[vector<16xi32>, vector<16xi32>, vector<16xi32>], vector<16xf32>,
      } {sc.loop_unroll_factor = 4 : i64, sc.parallel_access}
      %lt3A_517 = arith.constant 49 : i32
      %lt3A_518 = arith.cmpi slt, %add3A_428, %lt3A_517 : i32
      %convert_element_type3A_519 = arith.extui %lt3A_518 : i1 to i32
      %cond3A_520 = arith.constant 0 : i32
      %cond3A_521 = arith.cmpi ne, %convert_element_type3A_519, %cond3A_520 : i32
      scf.if %cond3A_521 {
        %add3A_614 = arith.constant 1 : i32
        %add3A_615 = arith.addi %add3A_428, %add3A_614 : i32
        %dma_start3A_616 = arith.constant 3 : i32
        %dma_start3A_617 = arith.constant 0 : i32
        %dma_start3A_618 = arith.constant 0 : i32
        %dma_start3A_619 = tpu.memref_slice %arg6[%dma_start3A_616, %dma_start3A_617, %dma_start3A_618] : memref<4x128x64xf32, #tpu.memory_space<vmem>> -> memref<1x128x64xf32, #tpu.memory_space<vmem>>
        %dma_start3A_620 = tpu.memref_squeeze %dma_start3A_619 : memref<1x128x64xf32, #tpu.memory_space<vmem>> -> memref<128x64xf32, #tpu.memory_space<vmem>>
        %dma_start3A_621 = arith.constant 384 : i32
        %dma_start3A_622 = tpu.memref_slice %arg5[%add3A_615, %dma_start3A_621] : memref<50x512xi32, #tpu.memory_space<vmem>> -> memref<1x128xi32, #tpu.memory_space<vmem>>
        %dma_start3A_623 = tpu.memref_squeeze %dma_start3A_622 : memref<1x128xi32, #tpu.memory_space<vmem>> -> memref<128xi32, #tpu.memory_space<vmem>>
        %dma_start3A_624 = arith.constant 0 : i32
        %dma_start3A_625 = arith.constant 0 : i32
        %dma_start3A_626 = tpu.memref_slice %arg2[%dma_start3A_624, %dma_start3A_625] : memref<1000000x64xf32, #tpu.memory_space<hbm>> -> memref<1000000x64xf32, #tpu.memory_space<hbm>>
        tpu.enqueue_indirect_dma source(%dma_start3A_626 : memref<1000000x64xf32, #tpu.memory_space<hbm>>) target(%dma_start3A_620 : memref<128x64xf32, #tpu.memory_space<vmem>>) offsets(%dma_start3A_623 : memref<128xi32, #tpu.memory_space<vmem>>) semaphore(%arg11 : memref<!tpu.dma_semaphore, #tpu.memory_space<semaphore_mem>>)
      } else {
      }
      %add3A_522 = arith.constant 0 : i32
      %add3A_523 = arith.addi %mul3A_4, %add3A_522 : i32
      %dma_start3A_524 = arith.constant 1 : i32
      %dma_start3A_525 = arith.constant 0 : i32
      %dma_start3A_526 = arith.constant 0 : i32
      %dma_start3A_527 = arith.constant 0 : i32
      %dma_start3A_528 = tpu.memref_slice %arg7[%dma_start3A_524, %dma_start3A_525, %dma_start3A_526, %dma_start3A_527] : memref<2x8x8x513xf32, #tpu.memory_space<vmem>> -> memref<1x8x8x128xf32, #tpu.memory_space<vmem>>
      %dma_start3A_529 = tpu.memref_squeeze %dma_start3A_528 : memref<1x8x8x128xf32, #tpu.memory_space<vmem>> -> memref<8x8x128xf32, #tpu.memory_space<vmem>>
      %dma_start3A_530 = arith.constant 0 : i32
      %dma_start3A_531 = arith.constant 0 : i32
      %dma_start3A_532 = arith.constant 0 : i32
      %dma_start3A_533 = tpu.memref_slice %arg4[%add3A_428, %dma_start3A_530, %add3A_523, %dma_start3A_531, %dma_start3A_532] : memref<50x8x128x8x128xf32, #tpu.memory_space<hbm>> -> memref<1x8x1x8x128xf32, #tpu.memory_space<hbm>>
      %dma_start3A_534 = tpu.memref_squeeze %dma_start3A_533 : memref<1x8x1x8x128xf32, #tpu.memory_space<hbm>> -> memref<8x8x128xf32, #tpu.memory_space<hbm>>
      %dma_start3A_535 = arith.constant 0 : i32
      %dma_start3A_536 = arith.constant 0 : i32
      %dma_start3A_537 = arith.constant 0 : i32
      %dma_start3A_538 = tpu.memref_slice %arg4[%add3A_428, %dma_start3A_535, %add3A_523, %dma_start3A_536, %dma_start3A_537] : memref<50x8x128x8x128xf32, #tpu.memory_space<hbm>> -> memref<1x8x1x8x128xf32, #tpu.memory_space<hbm>>
      %dma_start3A_539 = tpu.memref_squeeze %dma_start3A_538 : memref<1x8x1x8x128xf32, #tpu.memory_space<hbm>> -> memref<8x8x128xf32, #tpu.memory_space<hbm>>
      %dma_start3A_540 = arith.constant 0 : i32
      %dma_start3A_541 = arith.constant 0 : i32
      %dma_start3A_542 = arith.constant 0 : i32
      %dma_start3A_543 = tpu.memref_slice %arg7[%dma_start3A_524, %dma_start3A_540, %dma_start3A_541, %dma_start3A_542] : memref<2x8x8x513xf32, #tpu.memory_space<vmem>> -> memref<1x8x8x128xf32, #tpu.memory_space<vmem>>
      %dma_start3A_544 = tpu.memref_squeeze %dma_start3A_543 : memref<1x8x8x128xf32, #tpu.memory_space<vmem>> -> memref<8x8x128xf32, #tpu.memory_space<vmem>>
      tpu.enqueue_dma source(%dma_start3A_544 : memref<8x8x128xf32, #tpu.memory_space<vmem>>) target(%dma_start3A_539 : memref<8x8x128xf32, #tpu.memory_space<hbm>>) target_semaphore(%arg13 : memref<!tpu.dma_semaphore, #tpu.memory_space<semaphore_mem>>)
      %add3A_545 = arith.constant 1 : i32
      %add3A_546 = arith.addi %mul3A_4, %add3A_545 : i32
      %dma_start3A_547 = arith.constant 1 : i32
      %dma_start3A_548 = arith.constant 0 : i32
      %dma_start3A_549 = arith.constant 0 : i32
      %dma_start3A_550 = arith.constant 128 : i32
      %dma_start3A_551 = tpu.memref_slice %arg7[%dma_start3A_547, %dma_start3A_548, %dma_start3A_549, %dma_start3A_550] : memref<2x8x8x513xf32, #tpu.memory_space<vmem>> -> memref<1x8x8x128xf32, #tpu.memory_space<vmem>>
      %dma_start3A_552 = tpu.memref_squeeze %dma_start3A_551 : memref<1x8x8x128xf32, #tpu.memory_space<vmem>> -> memref<8x8x128xf32, #tpu.memory_space<vmem>>
      %dma_start3A_553 = arith.constant 0 : i32
      %dma_start3A_554 = arith.constant 0 : i32
      %dma_start3A_555 = arith.constant 0 : i32
      %dma_start3A_556 = tpu.memref_slice %arg4[%add3A_428, %dma_start3A_553, %add3A_546, %dma_start3A_554, %dma_start3A_555] : memref<50x8x128x8x128xf32, #tpu.memory_space<hbm>> -> memref<1x8x1x8x128xf32, #tpu.memory_space<hbm>>
      %dma_start3A_557 = tpu.memref_squeeze %dma_start3A_556 : memref<1x8x1x8x128xf32, #tpu.memory_space<hbm>> -> memref<8x8x128xf32, #tpu.memory_space<hbm>>
      %dma_start3A_558 = arith.constant 0 : i32
      %dma_start3A_559 = arith.constant 0 : i32
      %dma_start3A_560 = arith.constant 0 : i32
      %dma_start3A_561 = tpu.memref_slice %arg4[%add3A_428, %dma_start3A_558, %add3A_546, %dma_start3A_559, %dma_start3A_560] : memref<50x8x128x8x128xf32, #tpu.memory_space<hbm>> -> memref<1x8x1x8x128xf32, #tpu.memory_space<hbm>>
      %dma_start3A_562 = tpu.memref_squeeze %dma_start3A_561 : memref<1x8x1x8x128xf32, #tpu.memory_space<hbm>> -> memref<8x8x128xf32, #tpu.memory_space<hbm>>
      %dma_start3A_563 = arith.constant 0 : i32
      %dma_start3A_564 = arith.constant 0 : i32
      %dma_start3A_565 = arith.constant 128 : i32
      %dma_start3A_566 = tpu.memref_slice %arg7[%dma_start3A_547, %dma_start3A_563, %dma_start3A_564, %dma_start3A_565] : memref<2x8x8x513xf32, #tpu.memory_space<vmem>> -> memref<1x8x8x128xf32, #tpu.memory_space<vmem>>
      %dma_start3A_567 = tpu.memref_squeeze %dma_start3A_566 : memref<1x8x8x128xf32, #tpu.memory_space<vmem>> -> memref<8x8x128xf32, #tpu.memory_space<vmem>>
      tpu.enqueue_dma source(%dma_start3A_567 : memref<8x8x128xf32, #tpu.memory_space<vmem>>) target(%dma_start3A_562 : memref<8x8x128xf32, #tpu.memory_space<hbm>>) target_semaphore(%arg13 : memref<!tpu.dma_semaphore, #tpu.memory_space<semaphore_mem>>)
      %add3A_568 = arith.constant 2 : i32
      %add3A_569 = arith.addi %mul3A_4, %add3A_568 : i32
      %dma_start3A_570 = arith.constant 1 : i32
      %dma_start3A_571 = arith.constant 0 : i32
      %dma_start3A_572 = arith.constant 0 : i32
      %dma_start3A_573 = arith.constant 256 : i32
      %dma_start3A_574 = tpu.memref_slice %arg7[%dma_start3A_570, %dma_start3A_571, %dma_start3A_572, %dma_start3A_573] : memref<2x8x8x513xf32, #tpu.memory_space<vmem>> -> memref<1x8x8x128xf32, #tpu.memory_space<vmem>>
      %dma_start3A_575 = tpu.memref_squeeze %dma_start3A_574 : memref<1x8x8x128xf32, #tpu.memory_space<vmem>> -> memref<8x8x128xf32, #tpu.memory_space<vmem>>
      %dma_start3A_576 = arith.constant 0 : i32
      %dma_start3A_577 = arith.constant 0 : i32
      %dma_start3A_578 = arith.constant 0 : i32
      %dma_start3A_579 = tpu.memref_slice %arg4[%add3A_428, %dma_start3A_576, %add3A_569, %dma_start3A_577, %dma_start3A_578] : memref<50x8x128x8x128xf32, #tpu.memory_space<hbm>> -> memref<1x8x1x8x128xf32, #tpu.memory_space<hbm>>
      %dma_start3A_580 = tpu.memref_squeeze %dma_start3A_579 : memref<1x8x1x8x128xf32, #tpu.memory_space<hbm>> -> memref<8x8x128xf32, #tpu.memory_space<hbm>>
      %dma_start3A_581 = arith.constant 0 : i32
      %dma_start3A_582 = arith.constant 0 : i32
      %dma_start3A_583 = arith.constant 0 : i32
      %dma_start3A_584 = tpu.memref_slice %arg4[%add3A_428, %dma_start3A_581, %add3A_569, %dma_start3A_582, %dma_start3A_583] : memref<50x8x128x8x128xf32, #tpu.memory_space<hbm>> -> memref<1x8x1x8x128xf32, #tpu.memory_space<hbm>>
      %dma_start3A_585 = tpu.memref_squeeze %dma_start3A_584 : memref<1x8x1x8x128xf32, #tpu.memory_space<hbm>> -> memref<8x8x128xf32, #tpu.memory_space<hbm>>
      %dma_start3A_586 = arith.constant 0 : i32
      %dma_start3A_587 = arith.constant 0 : i32
      %dma_start3A_588 = arith.constant 256 : i32
      %dma_start3A_589 = tpu.memref_slice %arg7[%dma_start3A_570, %dma_start3A_586, %dma_start3A_587, %dma_start3A_588] : memref<2x8x8x513xf32, #tpu.memory_space<vmem>> -> memref<1x8x8x128xf32, #tpu.memory_space<vmem>>
      %dma_start3A_590 = tpu.memref_squeeze %dma_start3A_589 : memref<1x8x8x128xf32, #tpu.memory_space<vmem>> -> memref<8x8x128xf32, #tpu.memory_space<vmem>>
      tpu.enqueue_dma source(%dma_start3A_590 : memref<8x8x128xf32, #tpu.memory_space<vmem>>) target(%dma_start3A_585 : memref<8x8x128xf32, #tpu.memory_space<hbm>>) target_semaphore(%arg13 : memref<!tpu.dma_semaphore, #tpu.memory_space<semaphore_mem>>)
      %add3A_591 = arith.constant 3 : i32
      %add3A_592 = arith.addi %mul3A_4, %add3A_591 : i32
      %dma_start3A_593 = arith.constant 1 : i32
      %dma_start3A_594 = arith.constant 0 : i32
      %dma_start3A_595 = arith.constant 0 : i32
      %dma_start3A_596 = arith.constant 384 : i32
      %dma_start3A_597 = tpu.memref_slice %arg7[%dma_start3A_593, %dma_start3A_594, %dma_start3A_595, %dma_start3A_596] : memref<2x8x8x513xf32, #tpu.memory_space<vmem>> -> memref<1x8x8x128xf32, #tpu.memory_space<vmem>>
      %dma_start3A_598 = tpu.memref_squeeze %dma_start3A_597 : memref<1x8x8x128xf32, #tpu.memory_space<vmem>> -> memref<8x8x128xf32, #tpu.memory_space<vmem>>
      %dma_start3A_599 = arith.constant 0 : i32
      %dma_start3A_600 = arith.constant 0 : i32
      %dma_start3A_601 = arith.constant 0 : i32
      %dma_start3A_602 = tpu.memref_slice %arg4[%add3A_428, %dma_start3A_599, %add3A_592, %dma_start3A_600, %dma_start3A_601] : memref<50x8x128x8x128xf32, #tpu.memory_space<hbm>> -> memref<1x8x1x8x128xf32, #tpu.memory_space<hbm>>
      %dma_start3A_603 = tpu.memref_squeeze %dma_start3A_602 : memref<1x8x1x8x128xf32, #tpu.memory_space<hbm>> -> memref<8x8x128xf32, #tpu.memory_space<hbm>>
      %dma_start3A_604 = arith.constant 0 : i32
      %dma_start3A_605 = arith.constant 0 : i32
      %dma_start3A_606 = arith.constant 0 : i32
      %dma_start3A_607 = tpu.memref_slice %arg4[%add3A_428, %dma_start3A_604, %add3A_592, %dma_start3A_605, %dma_start3A_606] : memref<50x8x128x8x128xf32, #tpu.memory_space<hbm>> -> memref<1x8x1x8x128xf32, #tpu.memory_space<hbm>>
      %dma_start3A_608 = tpu.memref_squeeze %dma_start3A_607 : memref<1x8x1x8x128xf32, #tpu.memory_space<hbm>> -> memref<8x8x128xf32, #tpu.memory_space<hbm>>
      %dma_start3A_609 = arith.constant 0 : i32
      %dma_start3A_610 = arith.constant 0 : i32
      %dma_start3A_611 = arith.constant 384 : i32
      %dma_start3A_612 = tpu.memref_slice %arg7[%dma_start3A_593, %dma_start3A_609, %dma_start3A_610, %dma_start3A_611] : memref<2x8x8x513xf32, #tpu.memory_space<vmem>> -> memref<1x8x8x128xf32, #tpu.memory_space<vmem>>
      %dma_start3A_613 = tpu.memref_squeeze %dma_start3A_612 : memref<1x8x8x128xf32, #tpu.memory_space<vmem>> -> memref<8x8x128xf32, #tpu.memory_space<vmem>>
      tpu.enqueue_dma source(%dma_start3A_613 : memref<8x8x128xf32, #tpu.memory_space<vmem>>) target(%dma_start3A_608 : memref<8x8x128xf32, #tpu.memory_space<hbm>>) target_semaphore(%arg13 : memref<!tpu.dma_semaphore, #tpu.memory_space<semaphore_mem>>)
    }
    %scan3A_56 = arith.constant 25 : i32
    %dma_wait3A = arith.constant 0 : i32
    %dma_wait3A_57 = arith.constant 0 : i32
    %dma_wait3A_58 = arith.constant 0 : i32
    %dma_wait3A_59 = arith.constant 0 : i32
    %dma_wait3A_60 = arith.constant 0 : i32
    %dma_wait3A_61 = arith.constant 0 : i32
    %dma_wait3A_62 = tpu.memref_slice %arg7[%dma_wait3A, %dma_wait3A_59, %dma_wait3A_60, %dma_wait3A_61] : memref<2x8x8x513xf32, #tpu.memory_space<vmem>> -> memref<1x8x8x128xf32, #tpu.memory_space<vmem>>
    %dma_wait3A_63 = tpu.memref_squeeze %dma_wait3A_62 : memref<1x8x8x128xf32, #tpu.memory_space<vmem>> -> memref<8x8x128xf32, #tpu.memory_space<vmem>>
    %dma_wait3A_64 = arith.constant 0 : i32
    %dma_wait3A_65 = arith.constant 0 : i32
    %dma_wait3A_66 = arith.constant 0 : i32
    %dma_wait3A_67 = tpu.memref_slice %arg4[%dma_wait3A_57, %dma_wait3A_64, %dma_wait3A_58, %dma_wait3A_65, %dma_wait3A_66] : memref<50x8x128x8x128xf32, #tpu.memory_space<hbm>> -> memref<1x8x1x8x128xf32, #tpu.memory_space<hbm>>
    %dma_wait3A_68 = tpu.memref_squeeze %dma_wait3A_67 : memref<1x8x1x8x128xf32, #tpu.memory_space<hbm>> -> memref<8x8x128xf32, #tpu.memory_space<hbm>>
    %dma_wait3A_69 = arith.constant 0 : i32
    %dma_wait3A_70 = arith.constant 0 : i32
    %dma_wait3A_71 = arith.constant 0 : i32
    %dma_wait3A_72 = tpu.memref_slice %arg4[%dma_wait3A_57, %dma_wait3A_69, %dma_wait3A_58, %dma_wait3A_70, %dma_wait3A_71] : memref<50x8x128x8x128xf32, #tpu.memory_space<hbm>> -> memref<1x8x1x8x128xf32, #tpu.memory_space<hbm>>
    %dma_wait3A_73 = tpu.memref_squeeze %dma_wait3A_72 : memref<1x8x1x8x128xf32, #tpu.memory_space<hbm>> -> memref<8x8x128xf32, #tpu.memory_space<hbm>>
    %dma_wait3A_74 = arith.constant 0 : i32
    %dma_wait3A_75 = arith.constant 0 : i32
    %dma_wait3A_76 = arith.constant 0 : i32
    %dma_wait3A_77 = tpu.memref_slice %arg7[%dma_wait3A, %dma_wait3A_74, %dma_wait3A_75, %dma_wait3A_76] : memref<2x8x8x513xf32, #tpu.memory_space<vmem>> -> memref<1x8x8x128xf32, #tpu.memory_space<vmem>>
    %dma_wait3A_78 = tpu.memref_squeeze %dma_wait3A_77 : memref<1x8x8x128xf32, #tpu.memory_space<vmem>> -> memref<8x8x128xf32, #tpu.memory_space<vmem>>
    tpu.wait_dma2 semaphore(%arg12 : memref<!tpu.dma_semaphore, #tpu.memory_space<semaphore_mem>>) src(%dma_wait3A_78 : memref<8x8x128xf32, #tpu.memory_space<vmem>>) dst(%dma_wait3A_73 : memref<8x8x128xf32, #tpu.memory_space<hbm>>)
    %dma_wait3A_79 = arith.constant 0 : i32
    %dma_wait3A_80 = arith.constant 0 : i32
    %dma_wait3A_81 = arith.constant 0 : i32
    %dma_wait3A_82 = arith.constant 0 : i32
    %dma_wait3A_83 = arith.constant 0 : i32
    %dma_wait3A_84 = arith.constant 0 : i32
    %dma_wait3A_85 = tpu.memref_slice %arg7[%dma_wait3A_79, %dma_wait3A_82, %dma_wait3A_83, %dma_wait3A_84] : memref<2x8x8x513xf32, #tpu.memory_space<vmem>> -> memref<1x8x8x128xf32, #tpu.memory_space<vmem>>
    %dma_wait3A_86 = tpu.memref_squeeze %dma_wait3A_85 : memref<1x8x8x128xf32, #tpu.memory_space<vmem>> -> memref<8x8x128xf32, #tpu.memory_space<vmem>>
    %dma_wait3A_87 = arith.constant 0 : i32
    %dma_wait3A_88 = arith.constant 0 : i32
    %dma_wait3A_89 = arith.constant 0 : i32
    %dma_wait3A_90 = tpu.memref_slice %arg4[%dma_wait3A_80, %dma_wait3A_87, %dma_wait3A_81, %dma_wait3A_88, %dma_wait3A_89] : memref<50x8x128x8x128xf32, #tpu.memory_space<hbm>> -> memref<1x8x1x8x128xf32, #tpu.memory_space<hbm>>
    %dma_wait3A_91 = tpu.memref_squeeze %dma_wait3A_90 : memref<1x8x1x8x128xf32, #tpu.memory_space<hbm>> -> memref<8x8x128xf32, #tpu.memory_space<hbm>>
    %dma_wait3A_92 = arith.constant 0 : i32
    %dma_wait3A_93 = arith.constant 0 : i32
    %dma_wait3A_94 = arith.constant 0 : i32
    %dma_wait3A_95 = tpu.memref_slice %arg4[%dma_wait3A_80, %dma_wait3A_92, %dma_wait3A_81, %dma_wait3A_93, %dma_wait3A_94] : memref<50x8x128x8x128xf32, #tpu.memory_space<hbm>> -> memref<1x8x1x8x128xf32, #tpu.memory_space<hbm>>
    %dma_wait3A_96 = tpu.memref_squeeze %dma_wait3A_95 : memref<1x8x1x8x128xf32, #tpu.memory_space<hbm>> -> memref<8x8x128xf32, #tpu.memory_space<hbm>>
    %dma_wait3A_97 = arith.constant 0 : i32
    %dma_wait3A_98 = arith.constant 0 : i32
    %dma_wait3A_99 = arith.constant 0 : i32
    %dma_wait3A_100 = tpu.memref_slice %arg7[%dma_wait3A_79, %dma_wait3A_97, %dma_wait3A_98, %dma_wait3A_99] : memref<2x8x8x513xf32, #tpu.memory_space<vmem>> -> memref<1x8x8x128xf32, #tpu.memory_space<vmem>>
    %dma_wait3A_101 = tpu.memref_squeeze %dma_wait3A_100 : memref<1x8x8x128xf32, #tpu.memory_space<vmem>> -> memref<8x8x128xf32, #tpu.memory_space<vmem>>
    tpu.wait_dma2 semaphore(%arg12 : memref<!tpu.dma_semaphore, #tpu.memory_space<semaphore_mem>>) src(%dma_wait3A_101 : memref<8x8x128xf32, #tpu.memory_space<vmem>>) dst(%dma_wait3A_96 : memref<8x8x128xf32, #tpu.memory_space<hbm>>)
    %dma_wait3A_102 = arith.constant 0 : i32
    %dma_wait3A_103 = arith.constant 0 : i32
    %dma_wait3A_104 = arith.constant 0 : i32
    %dma_wait3A_105 = arith.constant 0 : i32
    %dma_wait3A_106 = arith.constant 0 : i32
    %dma_wait3A_107 = arith.constant 0 : i32
    %dma_wait3A_108 = tpu.memref_slice %arg7[%dma_wait3A_102, %dma_wait3A_105, %dma_wait3A_106, %dma_wait3A_107] : memref<2x8x8x513xf32, #tpu.memory_space<vmem>> -> memref<1x8x8x128xf32, #tpu.memory_space<vmem>>
    %dma_wait3A_109 = tpu.memref_squeeze %dma_wait3A_108 : memref<1x8x8x128xf32, #tpu.memory_space<vmem>> -> memref<8x8x128xf32, #tpu.memory_space<vmem>>
    %dma_wait3A_110 = arith.constant 0 : i32
    %dma_wait3A_111 = arith.constant 0 : i32
    %dma_wait3A_112 = arith.constant 0 : i32
    %dma_wait3A_113 = tpu.memref_slice %arg4[%dma_wait3A_103, %dma_wait3A_110, %dma_wait3A_104, %dma_wait3A_111, %dma_wait3A_112] : memref<50x8x128x8x128xf32, #tpu.memory_space<hbm>> -> memref<1x8x1x8x128xf32, #tpu.memory_space<hbm>>
    %dma_wait3A_114 = tpu.memref_squeeze %dma_wait3A_113 : memref<1x8x1x8x128xf32, #tpu.memory_space<hbm>> -> memref<8x8x128xf32, #tpu.memory_space<hbm>>
    %dma_wait3A_115 = arith.constant 0 : i32
    %dma_wait3A_116 = arith.constant 0 : i32
    %dma_wait3A_117 = arith.constant 0 : i32
    %dma_wait3A_118 = tpu.memref_slice %arg4[%dma_wait3A_103, %dma_wait3A_115, %dma_wait3A_104, %dma_wait3A_116, %dma_wait3A_117] : memref<50x8x128x8x128xf32, #tpu.memory_space<hbm>> -> memref<1x8x1x8x128xf32, #tpu.memory_space<hbm>>
    %dma_wait3A_119 = tpu.memref_squeeze %dma_wait3A_118 : memref<1x8x1x8x128xf32, #tpu.memory_space<hbm>> -> memref<8x8x128xf32, #tpu.memory_space<hbm>>
    %dma_wait3A_120 = arith.constant 0 : i32
    %dma_wait3A_121 = arith.constant 0 : i32
    %dma_wait3A_122 = arith.constant 0 : i32
    %dma_wait3A_123 = tpu.memref_slice %arg7[%dma_wait3A_102, %dma_wait3A_120, %dma_wait3A_121, %dma_wait3A_122] : memref<2x8x8x513xf32, #tpu.memory_space<vmem>> -> memref<1x8x8x128xf32, #tpu.memory_space<vmem>>
    %dma_wait3A_124 = tpu.memref_squeeze %dma_wait3A_123 : memref<1x8x8x128xf32, #tpu.memory_space<vmem>> -> memref<8x8x128xf32, #tpu.memory_space<vmem>>
    tpu.wait_dma2 semaphore(%arg12 : memref<!tpu.dma_semaphore, #tpu.memory_space<semaphore_mem>>) src(%dma_wait3A_124 : memref<8x8x128xf32, #tpu.memory_space<vmem>>) dst(%dma_wait3A_119 : memref<8x8x128xf32, #tpu.memory_space<hbm>>)
    %dma_wait3A_125 = arith.constant 0 : i32
    %dma_wait3A_126 = arith.constant 0 : i32
    %dma_wait3A_127 = arith.constant 0 : i32
    %dma_wait3A_128 = arith.constant 0 : i32
    %dma_wait3A_129 = arith.constant 0 : i32
    %dma_wait3A_130 = arith.constant 0 : i32
    %dma_wait3A_131 = tpu.memref_slice %arg7[%dma_wait3A_125, %dma_wait3A_128, %dma_wait3A_129, %dma_wait3A_130] : memref<2x8x8x513xf32, #tpu.memory_space<vmem>> -> memref<1x8x8x128xf32, #tpu.memory_space<vmem>>
    %dma_wait3A_132 = tpu.memref_squeeze %dma_wait3A_131 : memref<1x8x8x128xf32, #tpu.memory_space<vmem>> -> memref<8x8x128xf32, #tpu.memory_space<vmem>>
    %dma_wait3A_133 = arith.constant 0 : i32
    %dma_wait3A_134 = arith.constant 0 : i32
    %dma_wait3A_135 = arith.constant 0 : i32
    %dma_wait3A_136 = tpu.memref_slice %arg4[%dma_wait3A_126, %dma_wait3A_133, %dma_wait3A_127, %dma_wait3A_134, %dma_wait3A_135] : memref<50x8x128x8x128xf32, #tpu.memory_space<hbm>> -> memref<1x8x1x8x128xf32, #tpu.memory_space<hbm>>
    %dma_wait3A_137 = tpu.memref_squeeze %dma_wait3A_136 : memref<1x8x1x8x128xf32, #tpu.memory_space<hbm>> -> memref<8x8x128xf32, #tpu.memory_space<hbm>>
    %dma_wait3A_138 = arith.constant 0 : i32
    %dma_wait3A_139 = arith.constant 0 : i32
    %dma_wait3A_140 = arith.constant 0 : i32
    %dma_wait3A_141 = tpu.memref_slice %arg4[%dma_wait3A_126, %dma_wait3A_138, %dma_wait3A_127, %dma_wait3A_139, %dma_wait3A_140] : memref<50x8x128x8x128xf32, #tpu.memory_space<hbm>> -> memref<1x8x1x8x128xf32, #tpu.memory_space<hbm>>
    %dma_wait3A_142 = tpu.memref_squeeze %dma_wait3A_141 : memref<1x8x1x8x128xf32, #tpu.memory_space<hbm>> -> memref<8x8x128xf32, #tpu.memory_space<hbm>>
    %dma_wait3A_143 = arith.constant 0 : i32
    %dma_wait3A_144 = arith.constant 0 : i32
    %dma_wait3A_145 = arith.constant 0 : i32
    %dma_wait3A_146 = tpu.memref_slice %arg7[%dma_wait3A_125, %dma_wait3A_143, %dma_wait3A_144, %dma_wait3A_145] : memref<2x8x8x513xf32, #tpu.memory_space<vmem>> -> memref<1x8x8x128xf32, #tpu.memory_space<vmem>>
    %dma_wait3A_147 = tpu.memref_squeeze %dma_wait3A_146 : memref<1x8x8x128xf32, #tpu.memory_space<vmem>> -> memref<8x8x128xf32, #tpu.memory_space<vmem>>
    tpu.wait_dma2 semaphore(%arg12 : memref<!tpu.dma_semaphore, #tpu.memory_space<semaphore_mem>>) src(%dma_wait3A_147 : memref<8x8x128xf32, #tpu.memory_space<vmem>>) dst(%dma_wait3A_142 : memref<8x8x128xf32, #tpu.memory_space<hbm>>)
    %dma_wait3A_148 = arith.constant 1 : i32
    %dma_wait3A_149 = arith.constant 0 : i32
    %dma_wait3A_150 = arith.constant 0 : i32
    %dma_wait3A_151 = arith.constant 0 : i32
    %dma_wait3A_152 = arith.constant 0 : i32
    %dma_wait3A_153 = arith.constant 0 : i32
    %dma_wait3A_154 = tpu.memref_slice %arg7[%dma_wait3A_148, %dma_wait3A_151, %dma_wait3A_152, %dma_wait3A_153] : memref<2x8x8x513xf32, #tpu.memory_space<vmem>> -> memref<1x8x8x128xf32, #tpu.memory_space<vmem>>
    %dma_wait3A_155 = tpu.memref_squeeze %dma_wait3A_154 : memref<1x8x8x128xf32, #tpu.memory_space<vmem>> -> memref<8x8x128xf32, #tpu.memory_space<vmem>>
    %dma_wait3A_156 = arith.constant 0 : i32
    %dma_wait3A_157 = arith.constant 0 : i32
    %dma_wait3A_158 = arith.constant 0 : i32
    %dma_wait3A_159 = tpu.memref_slice %arg4[%dma_wait3A_149, %dma_wait3A_156, %dma_wait3A_150, %dma_wait3A_157, %dma_wait3A_158] : memref<50x8x128x8x128xf32, #tpu.memory_space<hbm>> -> memref<1x8x1x8x128xf32, #tpu.memory_space<hbm>>
    %dma_wait3A_160 = tpu.memref_squeeze %dma_wait3A_159 : memref<1x8x1x8x128xf32, #tpu.memory_space<hbm>> -> memref<8x8x128xf32, #tpu.memory_space<hbm>>
    %dma_wait3A_161 = arith.constant 0 : i32
    %dma_wait3A_162 = arith.constant 0 : i32
    %dma_wait3A_163 = arith.constant 0 : i32
    %dma_wait3A_164 = tpu.memref_slice %arg4[%dma_wait3A_149, %dma_wait3A_161, %dma_wait3A_150, %dma_wait3A_162, %dma_wait3A_163] : memref<50x8x128x8x128xf32, #tpu.memory_space<hbm>> -> memref<1x8x1x8x128xf32, #tpu.memory_space<hbm>>
    %dma_wait3A_165 = tpu.memref_squeeze %dma_wait3A_164 : memref<1x8x1x8x128xf32, #tpu.memory_space<hbm>> -> memref<8x8x128xf32, #tpu.memory_space<hbm>>
    %dma_wait3A_166 = arith.constant 0 : i32
    %dma_wait3A_167 = arith.constant 0 : i32
    %dma_wait3A_168 = arith.constant 0 : i32
    %dma_wait3A_169 = tpu.memref_slice %arg7[%dma_wait3A_148, %dma_wait3A_166, %dma_wait3A_167, %dma_wait3A_168] : memref<2x8x8x513xf32, #tpu.memory_space<vmem>> -> memref<1x8x8x128xf32, #tpu.memory_space<vmem>>
    %dma_wait3A_170 = tpu.memref_squeeze %dma_wait3A_169 : memref<1x8x8x128xf32, #tpu.memory_space<vmem>> -> memref<8x8x128xf32, #tpu.memory_space<vmem>>
    tpu.wait_dma2 semaphore(%arg13 : memref<!tpu.dma_semaphore, #tpu.memory_space<semaphore_mem>>) src(%dma_wait3A_170 : memref<8x8x128xf32, #tpu.memory_space<vmem>>) dst(%dma_wait3A_165 : memref<8x8x128xf32, #tpu.memory_space<hbm>>)
    %dma_wait3A_171 = arith.constant 1 : i32
    %dma_wait3A_172 = arith.constant 0 : i32
    %dma_wait3A_173 = arith.constant 0 : i32
    %dma_wait3A_174 = arith.constant 0 : i32
    %dma_wait3A_175 = arith.constant 0 : i32
    %dma_wait3A_176 = arith.constant 0 : i32
    %dma_wait3A_177 = tpu.memref_slice %arg7[%dma_wait3A_171, %dma_wait3A_174, %dma_wait3A_175, %dma_wait3A_176] : memref<2x8x8x513xf32, #tpu.memory_space<vmem>> -> memref<1x8x8x128xf32, #tpu.memory_space<vmem>>
    %dma_wait3A_178 = tpu.memref_squeeze %dma_wait3A_177 : memref<1x8x8x128xf32, #tpu.memory_space<vmem>> -> memref<8x8x128xf32, #tpu.memory_space<vmem>>
    %dma_wait3A_179 = arith.constant 0 : i32
    %dma_wait3A_180 = arith.constant 0 : i32
    %dma_wait3A_181 = arith.constant 0 : i32
    %dma_wait3A_182 = tpu.memref_slice %arg4[%dma_wait3A_172, %dma_wait3A_179, %dma_wait3A_173, %dma_wait3A_180, %dma_wait3A_181] : memref<50x8x128x8x128xf32, #tpu.memory_space<hbm>> -> memref<1x8x1x8x128xf32, #tpu.memory_space<hbm>>
    %dma_wait3A_183 = tpu.memref_squeeze %dma_wait3A_182 : memref<1x8x1x8x128xf32, #tpu.memory_space<hbm>> -> memref<8x8x128xf32, #tpu.memory_space<hbm>>
    %dma_wait3A_184 = arith.constant 0 : i32
    %dma_wait3A_185 = arith.constant 0 : i32
    %dma_wait3A_186 = arith.constant 0 : i32
    %dma_wait3A_187 = tpu.memref_slice %arg4[%dma_wait3A_172, %dma_wait3A_184, %dma_wait3A_173, %dma_wait3A_185, %dma_wait3A_186] : memref<50x8x128x8x128xf32, #tpu.memory_space<hbm>> -> memref<1x8x1x8x128xf32, #tpu.memory_space<hbm>>
    %dma_wait3A_188 = tpu.memref_squeeze %dma_wait3A_187 : memref<1x8x1x8x128xf32, #tpu.memory_space<hbm>> -> memref<8x8x128xf32, #tpu.memory_space<hbm>>
    %dma_wait3A_189 = arith.constant 0 : i32
    %dma_wait3A_190 = arith.constant 0 : i32
    %dma_wait3A_191 = arith.constant 0 : i32
    %dma_wait3A_192 = tpu.memref_slice %arg7[%dma_wait3A_171, %dma_wait3A_189, %dma_wait3A_190, %dma_wait3A_191] : memref<2x8x8x513xf32, #tpu.memory_space<vmem>> -> memref<1x8x8x128xf32, #tpu.memory_space<vmem>>
    %dma_wait3A_193 = tpu.memref_squeeze %dma_wait3A_192 : memref<1x8x8x128xf32, #tpu.memory_space<vmem>> -> memref<8x8x128xf32, #tpu.memory_space<vmem>>
    tpu.wait_dma2 semaphore(%arg13 : memref<!tpu.dma_semaphore, #tpu.memory_space<semaphore_mem>>) src(%dma_wait3A_193 : memref<8x8x128xf32, #tpu.memory_space<vmem>>) dst(%dma_wait3A_188 : memref<8x8x128xf32, #tpu.memory_space<hbm>>)
    %dma_wait3A_194 = arith.constant 1 : i32
    %dma_wait3A_195 = arith.constant 0 : i32
    %dma_wait3A_196 = arith.constant 0 : i32
    %dma_wait3A_197 = arith.constant 0 : i32
    %dma_wait3A_198 = arith.constant 0 : i32
    %dma_wait3A_199 = arith.constant 0 : i32
    %dma_wait3A_200 = tpu.memref_slice %arg7[%dma_wait3A_194, %dma_wait3A_197, %dma_wait3A_198, %dma_wait3A_199] : memref<2x8x8x513xf32, #tpu.memory_space<vmem>> -> memref<1x8x8x128xf32, #tpu.memory_space<vmem>>
    %dma_wait3A_201 = tpu.memref_squeeze %dma_wait3A_200 : memref<1x8x8x128xf32, #tpu.memory_space<vmem>> -> memref<8x8x128xf32, #tpu.memory_space<vmem>>
    %dma_wait3A_202 = arith.constant 0 : i32
    %dma_wait3A_203 = arith.constant 0 : i32
    %dma_wait3A_204 = arith.constant 0 : i32
    %dma_wait3A_205 = tpu.memref_slice %arg4[%dma_wait3A_195, %dma_wait3A_202, %dma_wait3A_196, %dma_wait3A_203, %dma_wait3A_204] : memref<50x8x128x8x128xf32, #tpu.memory_space<hbm>> -> memref<1x8x1x8x128xf32, #tpu.memory_space<hbm>>
    %dma_wait3A_206 = tpu.memref_squeeze %dma_wait3A_205 : memref<1x8x1x8x128xf32, #tpu.memory_space<hbm>> -> memref<8x8x128xf32, #tpu.memory_space<hbm>>
    %dma_wait3A_207 = arith.constant 0 : i32
    %dma_wait3A_208 = arith.constant 0 : i32
    %dma_wait3A_209 = arith.constant 0 : i32
    %dma_wait3A_210 = tpu.memref_slice %arg4[%dma_wait3A_195, %dma_wait3A_207, %dma_wait3A_196, %dma_wait3A_208, %dma_wait3A_209] : memref<50x8x128x8x128xf32, #tpu.memory_space<hbm>> -> memref<1x8x1x8x128xf32, #tpu.memory_space<hbm>>
    %dma_wait3A_211 = tpu.memref_squeeze %dma_wait3A_210 : memref<1x8x1x8x128xf32, #tpu.memory_space<hbm>> -> memref<8x8x128xf32, #tpu.memory_space<hbm>>
    %dma_wait3A_212 = arith.constant 0 : i32
    %dma_wait3A_213 = arith.constant 0 : i32
    %dma_wait3A_214 = arith.constant 0 : i32
    %dma_wait3A_215 = tpu.memref_slice %arg7[%dma_wait3A_194, %dma_wait3A_212, %dma_wait3A_213, %dma_wait3A_214] : memref<2x8x8x513xf32, #tpu.memory_space<vmem>> -> memref<1x8x8x128xf32, #tpu.memory_space<vmem>>
    %dma_wait3A_216 = tpu.memref_squeeze %dma_wait3A_215 : memref<1x8x8x128xf32, #tpu.memory_space<vmem>> -> memref<8x8x128xf32, #tpu.memory_space<vmem>>
    tpu.wait_dma2 semaphore(%arg13 : memref<!tpu.dma_semaphore, #tpu.memory_space<semaphore_mem>>) src(%dma_wait3A_216 : memref<8x8x128xf32, #tpu.memory_space<vmem>>) dst(%dma_wait3A_211 : memref<8x8x128xf32, #tpu.memory_space<hbm>>)
    %dma_wait3A_217 = arith.constant 1 : i32
    %dma_wait3A_218 = arith.constant 0 : i32
    %dma_wait3A_219 = arith.constant 0 : i32
    %dma_wait3A_220 = arith.constant 0 : i32
    %dma_wait3A_221 = arith.constant 0 : i32
    %dma_wait3A_222 = arith.constant 0 : i32
    %dma_wait3A_223 = tpu.memref_slice %arg7[%dma_wait3A_217, %dma_wait3A_220, %dma_wait3A_221, %dma_wait3A_222] : memref<2x8x8x513xf32, #tpu.memory_space<vmem>> -> memref<1x8x8x128xf32, #tpu.memory_space<vmem>>
    %dma_wait3A_224 = tpu.memref_squeeze %dma_wait3A_223 : memref<1x8x8x128xf32, #tpu.memory_space<vmem>> -> memref<8x8x128xf32, #tpu.memory_space<vmem>>
    %dma_wait3A_225 = arith.constant 0 : i32
    %dma_wait3A_226 = arith.constant 0 : i32
    %dma_wait3A_227 = arith.constant 0 : i32
    %dma_wait3A_228 = tpu.memref_slice %arg4[%dma_wait3A_218, %dma_wait3A_225, %dma_wait3A_219, %dma_wait3A_226, %dma_wait3A_227] : memref<50x8x128x8x128xf32, #tpu.memory_space<hbm>> -> memref<1x8x1x8x128xf32, #tpu.memory_space<hbm>>
    %dma_wait3A_229 = tpu.memref_squeeze %dma_wait3A_228 : memref<1x8x1x8x128xf32, #tpu.memory_space<hbm>> -> memref<8x8x128xf32, #tpu.memory_space<hbm>>
    %dma_wait3A_230 = arith.constant 0 : i32
    %dma_wait3A_231 = arith.constant 0 : i32
    %dma_wait3A_232 = arith.constant 0 : i32
    %dma_wait3A_233 = tpu.memref_slice %arg4[%dma_wait3A_218, %dma_wait3A_230, %dma_wait3A_219, %dma_wait3A_231, %dma_wait3A_232] : memref<50x8x128x8x128xf32, #tpu.memory_space<hbm>> -> memref<1x8x1x8x128xf32, #tpu.memory_space<hbm>>
    %dma_wait3A_234 = tpu.memref_squeeze %dma_wait3A_233 : memref<1x8x1x8x128xf32, #tpu.memory_space<hbm>> -> memref<8x8x128xf32, #tpu.memory_space<hbm>>
    %dma_wait3A_235 = arith.constant 0 : i32
    %dma_wait3A_236 = arith.constant 0 : i32
    %dma_wait3A_237 = arith.constant 0 : i32
    %dma_wait3A_238 = tpu.memref_slice %arg7[%dma_wait3A_217, %dma_wait3A_235, %dma_wait3A_236, %dma_wait3A_237] : memref<2x8x8x513xf32, #tpu.memory_space<vmem>> -> memref<1x8x8x128xf32, #tpu.memory_space<vmem>>
    %dma_wait3A_239 = tpu.memref_squeeze %dma_wait3A_238 : memref<1x8x8x128xf32, #tpu.memory_space<vmem>> -> memref<8x8x128xf32, #tpu.memory_space<vmem>>
    tpu.wait_dma2 semaphore(%arg13 : memref<!tpu.dma_semaphore, #tpu.memory_space<semaphore_mem>>) src(%dma_wait3A_239 : memref<8x8x128xf32, #tpu.memory_space<vmem>>) dst(%dma_wait3A_234 : memref<8x8x128xf32, #tpu.memory_space<hbm>>)
    return
  }
}

</mosaic_0001>

<sc_bundles>
// kernel: kernel.3.cloned.1.call-start
scs
__scs_entry_jumppad:
0x0: {  	(pc) =	sbr.rel $0x88, $3  }
0x1: {  	(tag) =	ssettag $0x0;
	lr =	simm.s32 $0x1  }
0x2: {  	[smem:$0x3F9F] =	sst lr;
	_ =	strace $0xD0000000  }
0x3: {  	_ = 	snop  }
0x4: {  	_ = 	snop  }
0x5: {  	_ = 	snop  }
0x6: {  	_ = 	snop  }
0x7: {  	_ = 	snop  }
__scs_overlays_trampoline_lowered:
0x8: {  	[smem:$0x3FAE] =	sst s0  }
0x9: {  	[smem:$0x3FAF] =	sst s1  }
0xa: {  	[smem:$0x3FB0] =	sst s2  }
0xb: {  	[smem:$0x3FB1] =	sst s3  }
0xc: {  	[smem:$0x3FB2] =	sst s4  }
0xd: {  	[smem:$0x3FB3] =	sst s5  }
0xe: {  	[smem:$0x3FB4] =	sst s6  }
0xf: {  	[smem:$0x3FB5] =	sst s7  }
0x10: {  	[smem:$0x3FB6] =	sst s8  }
0x11: {  	[smem:$0x3FB7] =	sst s9;
	s0 =	simm.s32 @!p0 $0x0  }
0x12: {  	s1 =	sld [smem:$0x3F9D];
	s0 =	simm.s32 @p0 $0x1  }
0x13: {  	[smem:$0x3FB8] =	sst s0;
	s0 =	simm.s32 @!p1 $0x0  }
0x14: {  	s2 =	sld [smem:$0x3F9C];
	s0 =	simm.s32 @p1 $0x1  }
0x15: {  	[smem:$0x3FB9] =	sst s0;
	s0 =	simm.s32 @!p2 $0x0  }
0x16: {  	s3 =	sld [smem:$0x3FDB];
	s0 =	simm.s32 @p2 $0x1  }
0x17: {  	s4 =	simm.s32 $0x1BF5;
	[smem:$0x3FBB] =	sst s0  }
0x18: {  	s0 =	sld [smem:$0x3F9E];
	_ =	swait.ge [sflag:s4], $0x0  }
0x19: {  	s7 =	sld [smem:$0x3F9F]  }
0x1a: {  	s8 =	sadd.s32 $0xFFFFE003, lr  }
0x1b: {  	s9 =	sadd.s32 $0xFFFFFEF7, lr;
	s5 =	simm.s32 $0xFFFFFFFF;
	p2 =	slt.u32 s8, $0xFFFFF086  }
0x1c: {  	p1 =	slt.u32 s9, $0xF7A;
	s5 =	simm.s32 @!p2 $0x0  }
0x1d: {  	s5 =	simm.s32 @p1 $0x1;
	p0 =	seq.s32 s7, s2  }
0x1e: {  	s7 =	smul.u32 @!p0 $0xF7A, s2;
	p2 =	seq.s32 @!p0 s5, $0x0  }
0x1f: {  	s9 =	smul.u32 $0xF7A, s1;
	s8 =	simm.s32 @!p0 $0x1BF5;
	p2 =	por !p2, p0  }
0x20: {  	[sflag:s8] =	ssyncset.s32 @!p0 $0xFFFFF086;
	s6 =	sadd.s32 @!p0 s3, s7;
	s7 =	simm.s32 @!p0 $0x108  }
0x21: {  	s3 =	sadd.s32 s3, s9;
	s6 =	sadd.s32 @!p0 $0x88, s6;
	s7 =	simm.s32 @p2 $0x1082  }
0x22: {  	[simem:s7], [sflag:s8] =	dma.local @!p0 [hbm:s6], $0xF7A  }
0x23: {  	s9 =	sor.u32 $0xD0000000, s2;
	s6 =	simm.s32 $0x108;
	_ =	swait.ge @!p0 [sflag:s8], $0x0  }
0x24: {  	s3 =	sadd.s32 $0x88, s3;
	s6 =	simm.s32 @!p1 $0x1082;
	[sflag:s4] =	ssyncset.s32 $0xFFFFF086  }
0x25: {  	[simem:s6], [sflag:s4] =	dma.local [hbm:s3], $0xF7A  }
0x26: {  	[smem:$0x3F9F] =	sst s1;
	(tag) =	ssettag s2;
	_ =	strace s9  }
0x27: {  	s1 =	sld [smem:$0x3FAF]  }
0x28: {  	s2 =	sld [smem:$0x3FB0]  }
0x29: {  	s4 =	sld [smem:$0x3FB2]  }
0x2a: {  	p0 =	seq.s32 s5, $0x0;
	s5 =	sld [smem:$0x3FB3]  }
0x2b: {  	s6 =	sld [smem:$0x3FB4]  }
0x2c: {  	s7 =	sld [smem:$0x3FB5]  }
0x2d: {  	s3 =	simm.s32 $0x108;
	s8 =	sld [smem:$0x3FB6]  }
0x2e: {  	s3 =	simm.s32 @!p0 $0x1082;
	s9 =	sld [smem:$0x3FB7]  }
0x2f: {  	lr =	sadd.s32 s0, s3;
	s0 =	sld [smem:$0x3FAE]  }
0x30: {  	s3 =	sld [smem:$0x3FB1]  }
0x31: {  	[smem:$0x3FBA] =	sst s10  }
0x32: {  	s10 =	sld [smem:$0x3FB8];
	_ =	sdelay $0x3  }
0x33: {  	p0 =	seq.s32 s10, $0x1;
	s10 =	sld [smem:$0x3FBA];
	_ =	sdelay $0x3  }
0x34: {  	[smem:$0x3FBA] =	sst s10  }
0x35: {  	s10 =	sld [smem:$0x3FB9];
	_ =	sdelay $0x3  }
0x36: {  	p1 =	seq.s32 s10, $0x1;
	s10 =	sld [smem:$0x3FBA];
	_ =	sdelay $0x3  }
0x37: {  	[smem:$0x3FBA] =	sst s10  }
0x38: {  	s10 =	sld [smem:$0x3FBB]  }
0x39: {  	_ = 	snop;
	(pc) =	sbr.ind lr, $3  }
0x3a: {  	_ = 	snop  }
0x3b: {  	_ = 	snop  }
0x3c: {  	p2 =	seq.s32 s10, $0x1;
	s10 =	sld [smem:$0x3FBA]  }
0x3d: {  	_ =	shalt  }
0x3e: {  	_ =	shalt  }
0x3f: {  	_ =	shalt  }
0x40: {  	_ =	shalt  }
0x41: {  	_ =	shalt  }
0x42: {  	_ =	shalt  }
0x43: {  	_ =	shalt  }
0x44: {  	_ =	shalt  }
0x45: {  	_ =	shalt  }
0x46: {  	_ =	shalt  }
0x47: {  	_ =	shalt  }
0x48: {  	_ =	shalt  }
0x49: {  	_ =	shalt  }
0x4a: {  	_ =	shalt  }
0x4b: {  	_ =	shalt  }
0x4c: {  	_ =	shalt  }
0x4d: {  	_ =	shalt  }
0x4e: {  	_ =	shalt  }
0x4f: {  	_ =	shalt  }
0x50: {  	_ =	shalt  }
0x51: {  	_ =	shalt  }
0x52: {  	_ =	shalt  }
0x53: {  	_ =	shalt  }
0x54: {  	_ =	shalt  }
0x55: {  	_ =	shalt  }
0x56: {  	_ =	shalt  }
0x57: {  	_ =	shalt  }
0x58: {  	_ =	shalt  }
0x59: {  	_ =	shalt  }
0x5a: {  	_ =	shalt  }
0x5b: {  	_ =	shalt  }
0x5c: {  	_ =	shalt  }
0x5d: {  	_ =	shalt  }
0x5e: {  	_ =	shalt  }
0x5f: {  	_ =	shalt  }
0x60: {  	_ =	shalt  }
0x61: {  	_ =	shalt  }
0x62: {  	_ =	shalt  }
0x63: {  	_ =	shalt  }
0x64: {  	_ =	shalt  }
0x65: {  	_ =	shalt  }
0x66: {  	_ =	shalt  }
0x67: {  	_ =	shalt  }
0x68: {  	_ =	shalt  }
0x69: {  	_ =	shalt  }
0x6a: {  	_ =	shalt  }
0x6b: {  	_ =	shalt  }
0x6c: {  	_ =	shalt  }
0x6d: {  	_ =	shalt  }
0x6e: {  	_ =	shalt  }
0x6f: {  	_ =	shalt  }
0x70: {  	_ =	shalt  }
0x71: {  	_ =	shalt  }
0x72: {  	_ =	shalt  }
0x73: {  	_ =	shalt  }
0x74: {  	_ =	shalt  }
0x75: {  	_ =	shalt  }
0x76: {  	_ =	shalt  }
0x77: {  	_ =	shalt  }
0x78: {  	_ =	shalt  }
0x79: {  	_ =	shalt  }
0x7a: {  	_ =	shalt  }
0x7b: {  	_ =	shalt  }
0x7c: {  	_ =	shalt  }
0x7d: {  	_ =	shalt  }
0x7e: {  	_ =	shalt  }
0x7f: {  	_ =	shalt  }
0x80: {  	_ =	shalt  }
0x81: {  	_ =	shalt  }
0x82: {  	_ =	shalt  }
0x83: {  	_ =	shalt  }
0x84: {  	_ =	shalt  }
0x85: {  	_ =	shalt  }
0x86: {  	_ =	shalt  }
0x87: {  	_ =	shalt  }
.Lfunc_end0:
.L_simem_size_0:
called_computation_lowered:
.L_overlay_start_0:
0x88: {  	s2 =	sld [smem:$0x3FD9]  }
0x89: {  	s3 =	sld [smem:$0x3FFE];
	_ =	sdelay $0x1  }
0x8a: {  	s1 =	srdreg.scid  }
0x8b: {  	s0 =	sand.u32 $0x1, s1  }
0x8c: {  	s17 =	sshll.u32 s0, $0xA;
	s2 =	sadd.s32 s3, s2  }
0x8d: {  	s2 =	sadd.s32 s2, s17  }
0x8e: {  	[smem:$0x3FC6] =	sst s2  }
0x8f: {  	_ = 	snop  }
0x90: {  	s2 =	sld [smem:$0x3FD0];
	(tm) =	ssettm $0x1  }
0x91: {  	s18 =	sld [smem:$0x3FFB];
	_ =	sdelay $0x3  }
0x92: {  	_ =	strace s18  }
0x93: {  	s3 =	sld [smem:$0x3FFC];
	_ =	sdelay $0x3  }
0x94: {  	_ =	strace s3  }
0x95: {  	s3 =	sld [smem:$0x3FFD];
	_ =	sdelay $0x3  }
0x96: {  	_ =	strace s3  }
0x97: {  	_ =	strace $0x8FFFFFFF  }
0x98: {  	s19 =	sld [smem:$0x3FDB];
	_ =	sdelay $0x1  }
0x99: {  	s4 =	simm.s32 $_scs_section_size  }
0x9a: {  	s5 =	simm.s32 $_size__tile_overlayer_lowered;
	s6 =	simm.s32 $_tile_overlayer_lowered  }
0x9b: {  	s22 =	simm.s32 $0x1BFF;
	s21 =	sshll.u32 s6, $0x1;
	s3 =	sadd.s32 s4, s19  }
0x9c: {  	s7 =	simm.s32 $0x0;
	s20 =	sshll.u32 s5, $0x1;
	s5 =	sadd.s32 s21, s3  }
0x9d: {  	[timem:s7], [sflag:s22] =	dma.local [hbm:s5], s20  }
0x9e: {  	_ =	swait.ge [sflag:s22], s20  }
0x9f: {  	s4 =	ssub.s32 $0x0, s20;
	[sflag:s22] =	ssyncset.done $0x0  }
0xa0: {  	[sflag:s22] =	ssyncadd.s32 s4;
	_ =	sdelay $0x1  }
0xa1: {  	s23 =	simm.s32 $0x1B8B  }
0xa2: {  	_ =	swait.ge [sflag:s23], $0x1  }
0xa3: {  	[sflag:s23] =	ssyncset.done $0x0  }
0xa4: {  	s25 =	simm.s32 $0x1B8E;
	s24 =	sld [smem:$0x3FFE];
	[sflag:s23] =	ssyncadd.s32 $0xFFFFFFFF  }
0xa5: {  	s26 =	simm.s32 $execute0_lowered;
	[smem:$0x3FD2] =	sst s25  }
0xa6: {  	s5 =	sshll.u32 s26, $0x1;
	_ =	strace $0x80000046;
	[dreg:$0x1] =	wrdreg $0xFFFFFFFF  }
0xa7: {  	s28 =	simm.s32 $_size_execute0_lowered;
	s3 =	sadd.s32 s3, s5;
	[dreg:$0x0] =	wrdreg $0x0  }
0xa8: {  	s5 =	sshll.u32 s28, $0x1;
	[dreg:$0x2] =	wrdreg s3  }
0xa9: {  	[dreg:$0x3] =	wrdreg s5  }
0xaa: {  	[dreg:$0x4] =	wrdreg $0xC0  }
0xab: {  	_ =	task [dreg:s7], $0x5FFFF  }
0xac: {  	[dreg:$0x1] =	wrdreg $0xFFFFFFFF  }
0xad: {  	[dreg:$0x0] =	wrdreg $0x60  }
0xae: {  	[dreg:$0x2] =	wrdreg s24  }
0xaf: {  	[dreg:$0x3] =	wrdreg s2  }
0xb0: {  	[dreg:$0x4] =	wrdreg $0x9  }
0xb1: {  	_ =	task.clear_ibuf [dreg:s7], $0x5FFFF;
	_ =	strace $0x90000046  }
0xb2: {  	s29 =	simm.s32 $0x9;
	_ =	strace $0x80000048  }
0xb3: {  	_ =	swait.ge [sflag:s29], $0x1  }
0xb4: {  	[sflag:s29] =	ssyncadd.s32 $0xFFFFFFFF  }
0xb5: {  	_ =	strace $0x90000048  }
0xb6: {  	_ =	sfence  }
0xb7: {  	s30 =	sld [smem:$0x0];
	_ =	sdelay $0x2  }
0xb8: {  	s31 =	sshll.u32 s1, $0xD;
	s1 =	sshrl.u32 s1, $0x2  }
0xb9: {  	s3 =	sand.u32 $0x4000, s31;
	s1 =	sadd.s32 s1, s30  }
0xba: {  	s0 =	sor.u32 s3, s0;
	s1 =	sshll.u32 s1, $0x11  }
0xbb: {  	s0 =	sor.u32 s1, s0  }
0xbc: {  	s0 =	sadd.s32 $0x8F2B, s0  }
0xbd: {  	[sflag:s0] =	ssyncadd.remote.s32 $0x1  }
0xbe: {  	_ =	sfence.sel $0xFFFF  }
0xbf: {  	[dreg:$0x0] =	wrdreg $0xFFFFFFFF;
	(pc) =	sbr.abs _section_cstart, $3  }
0xc0: {  	[dreg:$0x1] =	wrdreg $0xFFFFFFFF  }
0xc1: {  	_ =	task.clear_ibuf [dreg:s7], $0x2FFFF;
	_ =	strace $0x9FFFFFFF  }
0xc2: {  	(tm) =	ssettm $0x7FFFFFFF  }
0xc3: {  	_ =	shalt  }
tec
execute0_lowered:
.L_overlay_start_1:
0x0: {  	(tag) =	ssettag $0x1  }
0x1: {  	s0 =	rddreg [dreg:$0x0]  }
0x2: {  	s2 =	rddreg [dreg:$0x1]  }
0x3: {  	s3 =	simm.s32 $0x0;
	s1 =	srdreg.scid;
	s4 =	stileid.u32  }
0x4: {  	s14 =	simm.s32 $0x80;
	s15 =	simm.s32 $0x6400;
	s16 =	simm.s32 $0x8400  }
0x5: {  	s18 =	simm.s32 $0xA400;
	s20 =	simm.s32 $0xC400;
	s21 =	simm.s32 $0x1  }
0x6: {  	s22 =	simm.s32 $0xE400;
	s23 =	simm.s32 $0x2;
	s24 =	simm.s32 $0x3  }
0x7: {  	s25 =	simm.s32 $0x4;
	s26 =	simm.s32 $0x16600;
	s28 =	simm.s32 $0x5  }
0x8: {  	s29 =	simm.s32 $0x6;
	s1 =	sand.u32 $0x1, s1;
	s4 =	sshll.u32 s4, $0x1  }
0x9: {  	s30 =	simm.s32 $0x0;
	[smem:$0x7FF] =	sst s3;
	s5 =	sor.u32 s1, s4  }
0xa: {  	_ =	strace $0x80000047;
	s1 =	ssub.s32 $0x2, s1;
	s6 =	sshll.u32 s5, $0x6  }
0xb: {  	v0 =	vlaneseq.u32;
	s4 =	sadd.s32 $0xF42A00, s0;
	s7 =	sshrl.u32 s1, $0x1;
	s0 =	sadd.s32 s6, s0  }
0xc: {  	v0 =	vmul.u32 $0x208, v0;
	s5 =	sshll.u32 s5, $0xC;
	s1 =	ssub.s32 s1, s7;
	s0 =	sadd.s32 $0x600, s0  }
0xd: {  	s7 =	sor.u32 $0x400, s5;
	s31 =	smax.u32 s1, $0x1;
	[dreg:$0x3] =	wrdreg s0  }
0xe: {  	v1 =	vadd.s32 $0x2080, v0;
	v2 =	vadd.s32 $0x4100, v0;
	v3 =	vadd.s32 $0x6180, v0;
	s8 =	sor.u32 $0x800, s5;
	s9 =	sor.u32 $0xC00, s5;
	[dreg:$0x4] =	wrdreg s31  }
.LBB2_1:
0xf: {  	s0 =	rddreg [dreg:$0x3]  }
0x10: {  	s1 =	simm.s32 $0x200;
	s6 =	simm.s32 $0x4000;
	s13 =	simm.s32 $0x7  }
0x11: {  	[tilespmem:s3], [sflag:$0x7] =	stream.strided.gather [hbm4b:s0+s1], $0x6400, s6, s1, $0x38;
	[tilespmem:$0x1E800] =	vst v63  }
0x12: {  	_ =	swait.ge [sflag:s13], $0x6400  }
0x13: {  	[sflag:s13] =	ssyncset.done $0x0  }
0x14: {  	[sflag:s13] =	ssyncadd.s32 $0xFFFF9C00  }
0x15: {  	[tilespmem:s15], [sflag:$0x1] =	stream.indirect.gather [hbm4b:s4+s14], $0x40, s3, s14, $0xb8;
	[tilespmem:$0x1E800] =	vst v63  }
0x16: {  	_ = 	snop  }
0x17: {  	[tilespmem:s16], [sflag:$0x2] =	stream.indirect.gather [hbm4b:s4+s14], $0x40, s14, s14, $0xb8;
	[tilespmem:$0x1E800] =	vst v63  }
0x18: {  	s17 =	simm.s32 $0x100  }
0x19: {  	[tilespmem:s18], [sflag:$0x3] =	stream.indirect.gather [hbm4b:s4+s14], $0x40, s17, s14, $0xb8;
	[tilespmem:$0x1E800] =	vst v63  }
0x1a: {  	s19 =	simm.s32 $0x180;
	s31 =	simm.s32 $0x0  }
0x1b: {  	[tilespmem:s20], [sflag:$0x4] =	stream.indirect.gather [hbm4b:s4+s14], $0x40, s19, s14, $0xb8;
	[tilespmem:$0x1E800] =	vst v63  }
.LBB2_2:
0x1c: {  	p0 =	seq.s32 s31, $0x0  }
0x1d: {  	s0 =	simm.s32 @!p0 $0x5  }
0x1e: {  	_ =	swait.ge @!p0 [sflag:s0], $0x2000  }
0x1f: {  	[sflag:s0] =	ssyncset.done @!p0 $0x0  }
0x20: {  	[sflag:s0] =	ssyncadd.s32 @!p0 $0xFFFFE000  }
0x21: {  	_ =	swait.ge @!p0 [sflag:s0], $0x2000  }
0x22: {  	[sflag:s0] =	ssyncset.done @!p0 $0x0  }
0x23: {  	[sflag:s0] =	ssyncadd.s32 @!p0 $0xFFFFE000  }
0x24: {  	_ =	swait.ge @!p0 [sflag:s0], $0x2000  }
0x25: {  	[sflag:s0] =	ssyncset.done @!p0 $0x0  }
0x26: {  	[sflag:s0] =	ssyncadd.s32 @!p0 $0xFFFFE000  }
0x27: {  	_ =	swait.ge @!p0 [sflag:s0], $0x2000  }
0x28: {  	[sflag:s0] =	ssyncset.done @!p0 $0x0  }
0x29: {  	[sflag:s0] =	ssyncadd.s32 @!p0 $0xFFFFE000  }
0x2a: {  	_ =	swait.ge [sflag:s21], $0x2000  }
0x2b: {  	[sflag:s21] =	ssyncset.done $0x0  }
0x2c: {  	s1 =	simm.s32 $0x6480;
	s6 =	simm.s32 $0x3;
	[sflag:s21] =	ssyncadd.s32 $0xFFFFE000  }
0x2d: {  	v4 =	vmov s6;
	v5 =	vld [tilespmem:s1+$0x40]  }
0x2e: {  	v9 =	vand.u32 $0x7F, v4  }
0x2f: {  	s10 =	simm.s32 $0x0;
	v4 =	vadd.s32 v0, v9  }
0x30: {  	s11 =	simm.s32 $0x1;
	v6 =	vmov s10;
	s6 =	simm.s32 $0x2;
	v7 =	vld [tilespmem:s1+$0xFFFFFF80]  }
0x31: {  	v8 =	vand.u32 $0x7C, v6;
	v6 =	vmov s11;
	v11 =	vmov s6;
	v10 =	vld [tilespmem:s1+$0xFFFFFFC0]  }
0x32: {  	v12 =	vadd.s32 v0, v8;
	v15 =	vand.u32 $0x7D, v6;
	v6 =	vld [tilespmem:s1+$0x0];
	v5 =	vmul.f32 $8.000000000e+00, v5  }
0x33: {  	v17 =	vand.u32 $0x7E, v11;
	v13 =	vadd.s32 v0, v15  }
0x34: {  	v11 =	vadd.s32 v0, v17;
	[tilespmem:v4+s22+$0x0] =	vst.idx.msk $0xffff, v5  }
0x35: {  	v4 =	vmul.f32 $8.000000000e+00, v7;
	v5 =	vld [tilespmem:s1+$0x50]  }
0x36: {  	v7 =	vmul.f32 $8.000000000e+00, v10  }
0x37: {  	[tilespmem:v12+s22+$0x0] =	vst.idx.msk $0xffff, v4;
	v4 =	vmul.f32 $8.000000000e+00, v6;
	v6 =	vadd.s32 v1, v9  }
0x38: {  	[tilespmem:v13+s22+$0x0] =	vst.idx.msk $0xffff, v7;
	v10 =	vld [tilespmem:s1+$0xFFFFFF90]  }
0x39: {  	v7 =	vld [tilespmem:s1+$0xFFFFFFD0];
	[tilespmem:v11+s22+$0x0] =	vst.idx.msk $0xffff, v4  }
0x3a: {  	v11 =	vld [tilespmem:s1+$0x10];
	v4 =	vmul.f32 $8.000000000e+00, v5  }
0x3b: {  	s12 =	simm.s32 $0x4;
	s10 =	simm.s32 $0x7;
	s0 =	simm.s32 $0x6580;
	v12 =	vadd.s32 v1, v15  }
0x3c: {  	v14 =	vld [tilespmem:s0+$0x40];
	v13 =	vadd.s32 v1, v17;
	v5 =	vmov s12;
	[tilespmem:v6+s22+$0x0] =	vst.idx.msk $0xffff, v4;
	v6 =	vmov s10  }
0x3d: {  	v16 =	vadd.s32 v1, v8;
	v4 =	vand.u32 $0x7C, v5;
	v5 =	vand.u32 $0x7F, v6;
	v18 =	vld [tilespmem:s1+$0x60]  }
0x3e: {  	s13 =	simm.s32 $0x5;
	v22 =	vadd.s32 v2, v9;
	v19 =	vld [tilespmem:s0+$0xFFFFFF80];
	v6 =	vmul.f32 $8.000000000e+00, v7;
	v20 =	vadd.s32 v0, v5  }
0x3f: {  	s17 =	simm.s32 $0x6;
	v21 =	vld [tilespmem:s0+$0xFFFFFFC0];
	v10 =	vmul.f32 $8.000000000e+00, v10;
	v7 =	vmul.f32 $8.000000000e+00, v11;
	v11 =	vmov s13  }
0x40: {  	v23 =	vadd.s32 v0, v4;
	[tilespmem:v12+s22+$0x0] =	vst.idx.msk $0xffff, v6;
	v12 =	vmov s17;
	v6 =	vand.u32 $0x7D, v11;
	v11 =	vld [tilespmem:s0+$0x0]  }
0x41: {  	[tilespmem:v13+s22+$0x0] =	vst.idx.msk $0xffff, v7;
	v13 =	vadd.s32 v0, v6;
	v7 =	vand.u32 $0x7E, v12;
	v12 =	vmul.f32 $8.000000000e+00, v14;
	v14 =	vld [tilespmem:s1+$0xFFFFFFE0]  }
0x42: {  	[tilespmem:v16+s22+$0x0] =	vst.idx.msk $0xffff, v10;
	v10 =	vadd.s32 v0, v7;
	v16 =	vld [tilespmem:s1+$0x20];
	v18 =	vmul.f32 $8.000000000e+00, v18  }
0x43: {  	v19 =	vmul.f32 $8.000000000e+00, v19;
	[tilespmem:v20+s22+$0x0] =	vst.idx.msk $0xffff, v12;
	v12 =	vld [tilespmem:s1+$0xFFFFFFA0];
	v20 =	vadd.s32 v2, v15  }
0x44: {  	v25 =	vadd.s32 v2, v17;
	v21 =	vmul.f32 $8.000000000e+00, v21;
	v24 =	vld [tilespmem:s0+$0x50];
	[tilespmem:v22+s22+$0x0] =	vst.idx.msk $0xffff, v18  }
0x45: {  	[tilespmem:v23+s22+$0x0] =	vst.idx.msk $0xffff, v19;
	v19 =	vadd.s32 v2, v8;
	v11 =	vmul.f32 $8.000000000e+00, v11;
	v22 =	vld [tilespmem:s1+$0x70]  }
0x46: {  	v23 =	vld [tilespmem:s0+$0xFFFFFF90];
	[tilespmem:v13+s22+$0x0] =	vst.idx.msk $0xffff, v21;
	v21 =	vadd.s32 v1, v5;
	v14 =	vmul.f32 $8.000000000e+00, v14  }
0x47: {  	v27 =	vadd.s32 v3, v9;
	v26 =	vld [tilespmem:s0+$0xFFFFFFD0];
	[tilespmem:v10+s22+$0x0] =	vst.idx.msk $0xffff, v11;
	v10 =	vmul.f32 $8.000000000e+00, v16  }
0x48: {  	v18 =	vadd.s32 v1, v4;
	v13 =	vld [tilespmem:s0+$0x10];
	v9 =	vmul.f32 $8.000000000e+00, v12;
	[tilespmem:v20+s22+$0x0] =	vst.idx.msk $0xffff, v14  }
0x49: {  	s12 =	simm.s32 $0x8;
	v16 =	vadd.s32 v1, v6;
	[tilespmem:v25+s22+$0x0] =	vst.idx.msk $0xffff, v10;
	v14 =	vmul.f32 $8.000000000e+00, v24;
	v12 =	vld [tilespmem:s1+$0xFFFFFFF0]  }
0x4a: {  	v20 =	vmov s12;
	v10 =	vadd.s32 v1, v7;
	v11 =	vld [tilespmem:s1+$0x30];
	[tilespmem:v19+s22+$0x0] =	vst.idx.msk $0xffff, v9;
	v63 =	vmul.f32 $8.000000000e+00, v22  }
0x4b: {  	s19 =	simm.s32 $0xB;
	s11 =	simm.s32 $0x6680;
	v15 =	vadd.s32 v3, v15;
	v9 =	vand.u32 $0x7C, v20;
	v20 =	vmul.f32 $8.000000000e+00, v23;
	[tilespmem:v21+s22+$0x0] =	vst.idx.msk $0xffff, v14;
	v14 =	vld [tilespmem:s1+$0xFFFFFFB0]  }
0x4c: {  	v17 =	vadd.s32 v3, v17;
	s17 =	simm.s32 $0xC;
	v22 =	vmov s19;
	v19 =	vld [tilespmem:s11+$0x40];
	s1 =	sshll.u32 s31, $0x1;
	v21 =	vmul.f32 $8.000000000e+00, v26;
	[tilespmem:v27+s22+$0x0] =	vst.idx.msk $0xffff, v63  }
.LBB2_3:
0x4d: {  	p1 =	slt.u32 s17, $0x7C;
	s6 =	sadd.s32 $0x1, s12;
	v22 =	vand.u32 $0x7F, v22;
	[tilespmem:v18+s22+$0x0] =	vst.idx.msk $0xffff, v20;
	v13 =	vmul.f32 $8.000000000e+00, v13;
	v18 =	vld [tilespmem:s0+$0x60];
	v20 =	vadd.s32 v3, v8;
	v8 =	vmovc v4  }
0x4e: {  	v4 =	vmovc v9;
	v23 =	vld [tilespmem:s11+$0xFFFFFF80];
	v24 =	vmov s6;
	s6 =	sadd.s32 $0x2, s12;
	v25 =	vadd.s32 v0, v22;
	[tilespmem:v16+s22+$0x0] =	vst.idx.msk $0xffff, v21;
	v12 =	vmul.f32 $8.000000000e+00, v12;
	s12 =	smov.u32 s17  }
0x4f: {  	v9 =	vld [tilespmem:s11+$0xFFFFFFC0];
	v16 =	vmov s6;
	[tilespmem:v10+s22+$0x0] =	vst.idx.msk $0xffff, v13;
	v10 =	vadd.s32 v2, v5;
	v11 =	vmul.f32 $8.000000000e+00, v11  }
0x50: {  	v13 =	vadd.s32 v0, v4;
	v21 =	vand.u32 $0x7D, v24;
	v24 =	vld [tilespmem:s11+$0x0];
	v14 =	vmul.f32 $8.000000000e+00, v14;
	[tilespmem:v15+s22+$0x0] =	vst.idx.msk $0xffff, v12  }
0x51: {  	v12 =	vadd.s32 v0, v21;
	v26 =	vand.u32 $0x7E, v16;
	v15 =	vmul.f32 $8.000000000e+00, v19;
	v16 =	vld [tilespmem:s0+$0xFFFFFFE0];
	[tilespmem:v17+s22+$0x0] =	vst.idx.msk $0xffff, v11  }
0x52: {  	v11 =	vadd.s32 v0, v26;
	v17 =	vld [tilespmem:s0+$0x20];
	v18 =	vmul.f32 $8.000000000e+00, v18;
	[tilespmem:v20+s22+$0x0] =	vst.idx.msk $0xffff, v14  }
0x53: {  	v19 =	vadd.s32 v2, v6;
	v14 =	vmul.f32 $8.000000000e+00, v23;
	[tilespmem:v25+s22+$0x0] =	vst.idx.msk $0xffff, v15;
	v15 =	vld [tilespmem:s0+$0xFFFFFFA0]  }
0x54: {  	v23 =	vadd.s32 v2, v7;
	v9 =	vmul.f32 $8.000000000e+00, v9;
	v20 =	vld [tilespmem:s11+$0x50];
	[tilespmem:v10+s22+$0x0] =	vst.idx.msk $0xffff, v18  }
0x55: {  	[tilespmem:v13+s22+$0x0] =	vst.idx.msk $0xffff, v14;
	v10 =	vmul.f32 $8.000000000e+00, v24;
	v14 =	vadd.s32 v2, v8;
	v24 =	vld [tilespmem:s0+$0x70]  }
0x56: {  	v27 =	vadd.s32 v1, v22;
	v25 =	vld [tilespmem:s11+$0xFFFFFF90];
	[tilespmem:v12+s22+$0x0] =	vst.idx.msk $0xffff, v9;
	v9 =	vmul.f32 $8.000000000e+00, v16  }
0x57: {  	v29 =	vadd.s32 v3, v5;
	v5 =	vmov v22;
	v28 =	vld [tilespmem:s11+$0xFFFFFFD0];
	[tilespmem:v11+s22+$0x0] =	vst.idx.msk $0xffff, v10;
	v10 =	vmul.f32 $8.000000000e+00, v17  }
.Ltmp0:
0x58: {  	v18 =	vadd.s32 v1, v4;
	v13 =	vld [tilespmem:s11+$0x10];
	v11 =	vmul.f32 $8.000000000e+00, v15;
	[tilespmem:v19+s22+$0x0] =	vst.idx.msk $0xffff, v9;
	(pc) =	sbr.rel @p1 .LBB2_3-.Ltmp0, $4  }
0x59: {  	v16 =	vadd.s32 v1, v21;
	v15 =	vmul.f32 $8.000000000e+00, v20;
	v12 =	vld [tilespmem:s0+$0xFFFFFFF0];
	[tilespmem:v23+s22+$0x0] =	vst.idx.msk $0xffff, v10  }
0x5a: {  	v9 =	vmov s17;
	v10 =	vadd.s32 v1, v26;
	[tilespmem:v14+s22+$0x0] =	vst.idx.msk $0xffff, v11;
	v11 =	vld [tilespmem:s0+$0x30];
	v23 =	vmul.f32 $8.000000000e+00, v24  }
0x5b: {  	s6 =	sadd.s32 $0x3, s17;
	v9 =	vand.u32 $0x7C, v9;
	v20 =	vmul.f32 $8.000000000e+00, v25;
	[tilespmem:v27+s22+$0x0] =	vst.idx.msk $0xffff, v15;
	v14 =	vld [tilespmem:s0+$0xFFFFFFB0];
	v15 =	vadd.s32 v3, v6;
	v6 =	vmovc v21;
	s0 =	smov.u32 s11;
	s11 =	sadd.s32 $0x100, s11  }
0x5c: {  	v22 =	vmov s6;
	v17 =	vadd.s32 v3, v7;
	v7 =	vmovc v26;
	s17 =	sadd.s32 $0x4, s17;
	v19 =	vld [tilespmem:s11+$0x40];
	v21 =	vmul.f32 $8.000000000e+00, v28;
	[tilespmem:v29+s22+$0x0] =	vst.idx.msk $0xffff, v23  }
0x5d: {  	s6 =	sadd.s32 $0x1, s12  }
0x5e: {  	v22 =	vand.u32 $0x7F, v22;
	s10 =	sadd.s32 $0x2, s12;
	v24 =	vld [tilespmem:s11+$0xFFFFFFC0];
	v23 =	vmov s6  }
0x5f: {  	v27 =	vld [tilespmem:s11+$0x0];
	v25 =	vadd.s32 v0, v22;
	v26 =	vmov s10;
	v23 =	vand.u32 $0x7D, v23  }
0x60: {  	v28 =	vld [tilespmem:s11+$0xFFFFFF80];
	v26 =	vand.u32 $0x7E, v26;
	v29 =	vadd.s32 v0, v23  }
0x61: {  	v30 =	vadd.s32 v0, v26  }
0x62: {  	[tilespmem:v18+s22+$0x0] =	vst.idx.msk $0xffff, v20;
	v18 =	vadd.s32 v0, v9;
	v19 =	vmul.f32 $8.000000000e+00, v19  }
0x63: {  	[tilespmem:v16+s22+$0x0] =	vst.idx.msk $0xffff, v21;
	v16 =	vmul.f32 $8.000000000e+00, v24  }
0x64: {  	[tilespmem:v25+s22+$0x0] =	vst.idx.msk $0xffff, v19;
	v19 =	vmul.f32 $8.000000000e+00, v27  }
0x65: {  	v20 =	vmul.f32 $8.000000000e+00, v28;
	[tilespmem:v29+s22+$0x0] =	vst.idx.msk $0xffff, v16;
	v16 =	vld [tilespmem:s11+$0x50]  }
0x66: {  	v13 =	vmul.f32 $8.000000000e+00, v13;
	v8 =	vadd.s32 v3, v8;
	[tilespmem:v30+s22+$0x0] =	vst.idx.msk $0xffff, v19;
	v21 =	vld [tilespmem:s11+$0xFFFFFFD0]  }
0x67: {  	v12 =	vmul.f32 $8.000000000e+00, v12;
	[tilespmem:v18+s22+$0x0] =	vst.idx.msk $0xffff, v20;
	v18 =	vadd.s32 v1, v22;
	v19 =	vld [tilespmem:s11+$0x10]  }
0x68: {  	[tilespmem:v10+s22+$0x0] =	vst.idx.msk $0xffff, v13;
	v10 =	vmul.f32 $8.000000000e+00, v11;
	v13 =	vadd.s32 v1, v23;
	v11 =	vld [tilespmem:s11+$0xFFFFFF90]  }
0x69: {  	v14 =	vmul.f32 $8.000000000e+00, v14;
	[tilespmem:v15+s22+$0x0] =	vst.idx.msk $0xffff, v12;
	v12 =	vadd.s32 v1, v26;
	v20 =	vld [tilespmem:s0+$0x60]  }
0x6a: {  	v15 =	vld [tilespmem:s0+$0xFFFFFFE0];
	[tilespmem:v17+s22+$0x0] =	vst.idx.msk $0xffff, v10;
	v10 =	vadd.s32 v1, v9;
	v16 =	vmul.f32 $8.000000000e+00, v16  }
0x6b: {  	v59 =	vld [tilespmem:s0+$0x20];
	v17 =	vadd.s32 v2, v5;
	[tilespmem:v8+s22+$0x0] =	vst.idx.msk $0xffff, v14;
	v8 =	vmul.f32 $8.000000000e+00, v21  }
0x6c: {  	v14 =	vld [tilespmem:s0+$0xFFFFFFA0];
	v21 =	vadd.s32 v2, v6;
	[tilespmem:v18+s22+$0x0] =	vst.idx.msk $0xffff, v16;
	v16 =	vmul.f32 $8.000000000e+00, v19  }
0x6d: {  	v11 =	vmul.f32 $8.000000000e+00, v11;
	v18 =	vadd.s32 v2, v7;
	v19 =	vld [tilespmem:s11+$0x60];
	[tilespmem:v13+s22+$0x0] =	vst.idx.msk $0xffff, v8  }
0x6e: {  	v8 =	vmul.f32 $8.000000000e+00, v20;
	v13 =	vadd.s32 v2, v4;
	[tilespmem:v12+s22+$0x0] =	vst.idx.msk $0xffff, v16;
	v12 =	vld [tilespmem:s11+$0xFFFFFFE0]  }
0x6f: {  	v15 =	vmul.f32 $8.000000000e+00, v15;
	[tilespmem:v10+s22+$0x0] =	vst.idx.msk $0xffff, v11;
	v10 =	vadd.s32 v2, v22;
	v11 =	vld [tilespmem:s11+$0x20]  }
0x70: {  	v16 =	vld [tilespmem:s11+$0xFFFFFFA0];
	[tilespmem:v17+s22+$0x0] =	vst.idx.msk $0xffff, v8;
	v8 =	vmul.f32 $8.000000000e+00, v59;
	v17 =	vadd.s32 v2, v23  }
0x71: {  	v14 =	vmul.f32 $8.000000000e+00, v14;
	v20 =	vld [tilespmem:s0+$0x70];
	[tilespmem:v21+s22+$0x0] =	vst.idx.msk $0xffff, v15;
	v15 =	vadd.s32 v2, v26  }
0x72: {  	v21 =	vld [tilespmem:s0+$0xFFFFFFF0];
	[tilespmem:v18+s22+$0x0] =	vst.idx.msk $0xffff, v8;
	v18 =	vadd.s32 v2, v9;
	v8 =	vmul.f32 $8.000000000e+00, v19  }
0x73: {  	v5 =	vadd.s32 v3, v5;
	[tilespmem:v13+s22+$0x0] =	vst.idx.msk $0xffff, v14;
	v13 =	vld [tilespmem:s0+$0x30];
	v12 =	vmul.f32 $8.000000000e+00, v12  }
0x74: {  	v6 =	vadd.s32 v3, v6;
	v14 =	vld [tilespmem:s0+$0xFFFFFFB0];
	[tilespmem:v10+s22+$0x0] =	vst.idx.msk $0xffff, v8;
	v8 =	vmul.f32 $8.000000000e+00, v11  }
0x75: {  	v7 =	vadd.s32 v3, v7;
	v11 =	vmul.f32 $8.000000000e+00, v16;
	v10 =	vld [tilespmem:s11+$0x70];
	[tilespmem:v17+s22+$0x0] =	vst.idx.msk $0xffff, v12  }
0x76: {  	v4 =	vadd.s32 v3, v4;
	v12 =	vmul.f32 $8.000000000e+00, v20;
	v16 =	vld [tilespmem:s11+$0xFFFFFFF0];
	[tilespmem:v15+s22+$0x0] =	vst.idx.msk $0xffff, v8  }
0x77: {  	v8 =	vmul.f32 $8.000000000e+00, v21;
	v15 =	vadd.s32 v3, v22;
	[tilespmem:v18+s22+$0x0] =	vst.idx.msk $0xffff, v11;
	v11 =	vld [tilespmem:s11+$0x30]  }
0x78: {  	[tilespmem:v5+s22+$0x0] =	vst.idx.msk $0xffff, v12;
	v5 =	vmul.f32 $8.000000000e+00, v13;
	v12 =	vld [tilespmem:s11+$0xFFFFFFB0];
	v13 =	vadd.s32 v3, v23  }
0x79: {  	v14 =	vmul.f32 $8.000000000e+00, v14;
	[tilespmem:v6+s22+$0x0] =	vst.idx.msk $0xffff, v8;
	v6 =	vadd.s32 v3, v26  }
0x7a: {  	[tilespmem:v7+s22+$0x0] =	vst.idx.msk $0xffff, v5;
	v7 =	vadd.s32 v3, v9;
	v5 =	vmul.f32 $8.000000000e+00, v10  }
0x7b: {  	[tilespmem:v4+s22+$0x0] =	vst.idx.msk $0xffff, v14;
	v4 =	vmul.f32 $8.000000000e+00, v16  }
0x7c: {  	[tilespmem:v15+s22+$0x0] =	vst.idx.msk $0xffff, v5;
	v5 =	vmul.f32 $8.000000000e+00, v11  }
0x7d: {  	s11 =	sshll.u32 s31, $0xA;
	v8 =	vmul.f32 $8.000000000e+00, v12;
	[tilespmem:v13+s22+$0x0] =	vst.idx.msk $0xffff, v4  }
0x7e: {  	s0 =	sand.u32 $0x3FFFFC00, s11;
	[tilespmem:v6+s22+$0x0] =	vst.idx.msk $0xffff, v5  }
0x7f: {  	s12 =	sor.u32 $0x200, s0;
	[tilespmem:v7+s22+$0x0] =	vst.idx.msk $0xffff, v8  }
0x80: {  	[tilespmem:s15], [sflag:$0x1] =	stream.indirect.gather [hbm4b:s4+s14], $0x40, s12, s14, $0xb8;
	[tilespmem:$0x1E800] =	vst v63  }
0x81: {  	_ =	swait.ge [sflag:s23], $0x2000  }
0x82: {  	[sflag:s23] =	ssyncset.done $0x0  }
0x83: {  	s13 =	simm.s32 $0x83;
	s11 =	simm.s32 $0x84F0;
	[sflag:s23] =	ssyncadd.s32 $0xFFFFE000  }
0x84: {  	v4 =	vmov s13;
	v7 =	vld [tilespmem:s11+$0xFFFFFFD0]  }
0x85: {  	v11 =	vand.u32 $0xFF, v4  }
0x86: {  	s17 =	simm.s32 $0x80;
	v8 =	vadd.s32 v0, v11  }
0x87: {  	s19 =	simm.s32 $0x81;
	s10 =	simm.s32 $0x82;
	v4 =	vmov s17;
	v9 =	vld [tilespmem:s11+$0xFFFFFF10]  }
0x88: {  	v10 =	vmov s10;
	v5 =	vmov s19;
	v6 =	vand.u32 $0xFC, v4;
	v12 =	vld [tilespmem:s11+$0xFFFFFF50]  }
0x89: {  	v5 =	vand.u32 $0xFD, v5;
	v13 =	vadd.s32 v0, v6;
	v14 =	vld [tilespmem:s11+$0xFFFFFF90];
	v7 =	vmul.f32 $8.000000000e+00, v7  }
0x8a: {  	v4 =	vand.u32 $0xFE, v10;
	v15 =	vadd.s32 v0, v5  }
0x8b: {  	v10 =	vadd.s32 v0, v4;
	[tilespmem:v8+s22+$0x0] =	vst.idx.msk $0xffff, v7  }
0x8c: {  	v7 =	vmul.f32 $8.000000000e+00, v9;
	v8 =	vld [tilespmem:s11+$0xFFFFFFE0]  }
0x8d: {  	v9 =	vmul.f32 $8.000000000e+00, v12  }
0x8e: {  	v12 =	vadd.s32 v1, v11;
	[tilespmem:v13+s22+$0x0] =	vst.idx.msk $0xffff, v7;
	v7 =	vmul.f32 $8.000000000e+00, v14  }
0x8f: {  	[tilespmem:v15+s22+$0x0] =	vst.idx.msk $0xffff, v9;
	v13 =	vld [tilespmem:s11+$0xFFFFFF20]  }
0x90: {  	v9 =	vld [tilespmem:s11+$0xFFFFFF60];
	[tilespmem:v10+s22+$0x0] =	vst.idx.msk $0xffff, v7  }
0x91: {  	v10 =	vld [tilespmem:s11+$0xFFFFFFA0];
	v7 =	vmul.f32 $8.000000000e+00, v8  }
0x92: {  	s13 =	simm.s32 $0x87;
	s17 =	simm.s32 $0x85;
	s12 =	simm.s32 $0x85F0;
	v8 =	vadd.s32 v1, v6  }
0x93: {  	v17 =	vmov s17;
	v14 =	vadd.s32 v1, v5;
	[tilespmem:v12+s22+$0x0] =	vst.idx.msk $0xffff, v7;
	v7 =	vmov s13;
	v12 =	vld [tilespmem:s12+$0xFFFFFFD0]  }
0x94: {  	s10 =	simm.s32 $0x84;
	v23 =	vadd.s32 v2, v11;
	v16 =	vadd.s32 v1, v4;
	v7 =	vand.u32 $0xFF, v7;
	v18 =	vld [tilespmem:s11+$0xFFFFFFF0]  }
0x95: {  	v20 =	vld [tilespmem:s12+$0xFFFFFF10];
	v15 =	vmov s10;
	v13 =	vmul.f32 $8.000000000e+00, v13;
	v21 =	vadd.s32 v0, v7  }
0x96: {  	s19 =	simm.s32 $0x86;
	v19 =	vmul.f32 $8.000000000e+00, v9;
	v22 =	vmul.f32 $8.000000000e+00, v10;
	v10 =	vand.u32 $0xFC, v15;
	v15 =	vld [tilespmem:s12+$0xFFFFFF50]  }
0x97: {  	v9 =	vand.u32 $0xFD, v17;
	v17 =	vld [tilespmem:s12+$0xFFFFFF90];
	[tilespmem:v8+s22+$0x0] =	vst.idx.msk $0xffff, v13;
	v8 =	vmov s19;
	v13 =	vadd.s32 v0, v10  }
0x98: {  	v60 =	vadd.s32 v0, v9;
	[tilespmem:v14+s22+$0x0] =	vst.idx.msk $0xffff, v19;
	v8 =	vand.u32 $0xFE, v8;
	v61 =	vld [tilespmem:s11+$0xFFFFFF30];
	v12 =	vmul.f32 $8.000000000e+00, v12  }
0x99: {  	[tilespmem:v16+s22+$0x0] =	vst.idx.msk $0xffff, v22;
	v22 =	vld [tilespmem:s11+$0xFFFFFF70];
	v16 =	vadd.s32 v0, v8;
	v14 =	vmul.f32 $8.000000000e+00, v18  }
0x9a: {  	v62 =	vadd.s32 v2, v6;
	v63 =	vld [tilespmem:s11+$0xFFFFFFB0];
	v18 =	vmul.f32 $8.000000000e+00, v20;
	[tilespmem:v21+s22+$0x0] =	vst.idx.msk $0xffff, v12  }
0x9b: {  	v15 =	vmul.f32 $8.000000000e+00, v15;
	v19 =	vld [tilespmem:s12+$0xFFFFFFE0];
	[tilespmem:v23+s22+$0x0] =	vst.idx.msk $0xffff, v14;
	v14 =	vadd.s32 v2, v5  }
0x9c: {  	v17 =	vmul.f32 $8.000000000e+00, v17;
	[tilespmem:v13+s22+$0x0] =	vst.idx.msk $0xffff, v18;
	v13 =	vadd.s32 v2, v4;
	v12 =	vld [tilespmem:s11+$0x0]  }
0x9d: {  	v20 =	vadd.s32 v1, v7;
	v18 =	vld [tilespmem:s12+$0xFFFFFF20];
	[tilespmem:v60+s22+$0x0] =	vst.idx.msk $0xffff, v15;
	v23 =	vmul.f32 $8.000000000e+00, v61  }
0x9e: {  	v11 =	vadd.s32 v3, v11;
	v21 =	vmul.f32 $8.000000000e+00, v22;
	v15 =	vld [tilespmem:s12+$0xFFFFFF60];
	[tilespmem:v16+s22+$0x0] =	vst.idx.msk $0xffff, v17  }
0x9f: {  	s17 =	simm.s32 $0x4;
	v16 =	vadd.s32 v1, v10;
	v22 =	vmul.f32 $8.000000000e+00, v63;
	v17 =	vld [tilespmem:s12+$0xFFFFFFA0];
	[tilespmem:v62+s22+$0x0] =	vst.idx.msk $0xffff, v23  }
.LBB2_5:
0xa0: {  	s6 =	sadd.s32 $0x84, s17;
	v23 =	vadd.s32 v1, v9;
	v19 =	vmul.f32 $8.000000000e+00, v19;
	v24 =	vld [tilespmem:s11+$0xFFFFFF40];
	[tilespmem:v14+s22+$0x0] =	vst.idx.msk $0xffff, v21;
	s10 =	smov.u32 s17  }
0xa1: {  	v21 =	vadd.s32 v1, v8;
	v14 =	vmov s6;
	s6 =	sadd.s32 $0x85, s17;
	v25 =	vld [tilespmem:s11+$0xFFFFFF80];
	[tilespmem:v13+s22+$0x0] =	vst.idx.msk $0xffff, v22;
	v12 =	vmul.f32 $8.000000000e+00, v12  }
0xa2: {  	v13 =	vmov s6;
	s6 =	sadd.s32 $0x87, s17;
	v18 =	vmul.f32 $8.000000000e+00, v18;
	[tilespmem:v20+s22+$0x0] =	vst.idx.msk $0xffff, v19;
	v19 =	vadd.s32 v3, v6;
	v20 =	vld [tilespmem:s11+$0xFFFFFFC0];
	v6 =	vmovc v10;
	s11 =	smov.u32 s12;
	s12 =	sadd.s32 $0x100, s12  }
0xa3: {  	v26 =	vadd.s32 v3, v5;
	v5 =	vmovc v9;
	s17 =	sadd.s32 $0x4, s17;
	v10 =	vmov s6;
	v22 =	vld [tilespmem:s12+$0xFFFFFFD0];
	v15 =	vmul.f32 $8.000000000e+00, v15;
	[tilespmem:v11+s22+$0x0] =	vst.idx.msk $0xffff, v12  }
0xa4: {  	s6 =	sadd.s32 $0x86, s10;
	p1 =	slt.u32 s17, $0x7C;
	v12 =	vadd.s32 v3, v4;
	v4 =	vmovc v8;
	v27 =	vand.u32 $0xFF, v10;
	[tilespmem:v16+s22+$0x0] =	vst.idx.msk $0xffff, v18;
	v9 =	vmul.f32 $8.000000000e+00, v17;
	v11 =	vld [tilespmem:s11+$0xFFFFFFF0]  }
0xa5: {  	v8 =	vmov s6;
	v16 =	vld [tilespmem:s12+$0xFFFFFF10];
	v17 =	vadd.s32 v0, v27;
	[tilespmem:v23+s22+$0x0] =	vst.idx.msk $0xffff, v15;
	v15 =	vmul.f32 $8.000000000e+00, v24  }
0xa6: {  	v10 =	vand.u32 $0xFC, v14;
	v18 =	vadd.s32 v2, v7;
	v14 =	vld [tilespmem:s12+$0xFFFFFF50];
	[tilespmem:v21+s22+$0x0] =	vst.idx.msk $0xffff, v9;
	v21 =	vmul.f32 $8.000000000e+00, v25  }
0xa7: {  	v23 =	vadd.s32 v0, v10;
	v9 =	vand.u32 $0xFD, v13;
	v13 =	vld [tilespmem:s12+$0xFFFFFF90];
	[tilespmem:v19+s22+$0x0] =	vst.idx.msk $0xffff, v15;
	v15 =	vmul.f32 $8.000000000e+00, v20  }
0xa8: {  	v8 =	vand.u32 $0xFE, v8;
	v20 =	vadd.s32 v0, v9;
	v19 =	vmul.f32 $8.000000000e+00, v22;
	v22 =	vld [tilespmem:s11+$0xFFFFFF30];
	[tilespmem:v26+s22+$0x0] =	vst.idx.msk $0xffff, v21  }
0xa9: {  	v21 =	vadd.s32 v0, v8;
	v24 =	vld [tilespmem:s11+$0xFFFFFF70];
	v11 =	vmul.f32 $8.000000000e+00, v11;
	[tilespmem:v12+s22+$0x0] =	vst.idx.msk $0xffff, v15  }
0xaa: {  	v25 =	vadd.s32 v2, v6;
	v12 =	vmul.f32 $8.000000000e+00, v16;
	[tilespmem:v17+s22+$0x0] =	vst.idx.msk $0xffff, v19;
	v26 =	vld [tilespmem:s11+$0xFFFFFFB0]  }
.Ltmp1:
0xab: {  	v15 =	vmul.f32 $8.000000000e+00, v14;
	v19 =	vld [tilespmem:s12+$0xFFFFFFE0];
	v14 =	vadd.s32 v2, v5;
	[tilespmem:v18+s22+$0x0] =	vst.idx.msk $0xffff, v11;
	(pc) =	sbr.rel @p1 .LBB2_5-.Ltmp1, $4  }
0xac: {  	[tilespmem:v23+s22+$0x0] =	vst.idx.msk $0xffff, v12;
	v11 =	vmul.f32 $8.000000000e+00, v13;
	v13 =	vadd.s32 v2, v4;
	v12 =	vld [tilespmem:s11+$0x0]  }
0xad: {  	v18 =	vld [tilespmem:s12+$0xFFFFFF20];
	[tilespmem:v20+s22+$0x0] =	vst.idx.msk $0xffff, v15;
	v20 =	vadd.s32 v1, v27;
	v22 =	vmul.f32 $8.000000000e+00, v22  }
0xae: {  	v15 =	vld [tilespmem:s12+$0xFFFFFF60];
	[tilespmem:v21+s22+$0x0] =	vst.idx.msk $0xffff, v11;
	v21 =	vmul.f32 $8.000000000e+00, v24;
	v11 =	vadd.s32 v3, v7;
	v7 =	vmov v27  }
0xaf: {  	v16 =	vadd.s32 v1, v10;
	v17 =	vld [tilespmem:s12+$0xFFFFFFA0];
	[tilespmem:v25+s22+$0x0] =	vst.idx.msk $0xffff, v22;
	v22 =	vmul.f32 $8.000000000e+00, v26  }
0xb0: {  	_ = 	snop  }
0xb1: {  	v23 =	vadd.s32 v1, v9  }
0xb2: {  	v19 =	vmul.f32 $8.000000000e+00, v19;
	v24 =	vadd.s32 v1, v8  }
0xb3: {  	v18 =	vmul.f32 $8.000000000e+00, v18  }
0xb4: {  	[tilespmem:v20+s22+$0x0] =	vst.idx.msk $0xffff, v19;
	v15 =	vmul.f32 $8.000000000e+00, v15  }
0xb5: {  	[tilespmem:v16+s22+$0x0] =	vst.idx.msk $0xffff, v18;
	v16 =	vmul.f32 $8.000000000e+00, v17;
	v17 =	vld [tilespmem:s12+$0xFFFFFFF0]  }
0xb6: {  	[tilespmem:v23+s22+$0x0] =	vst.idx.msk $0xffff, v15;
	v15 =	vld [tilespmem:s12+$0xFFFFFF30]  }
0xb7: {  	[tilespmem:v24+s22+$0x0] =	vst.idx.msk $0xffff, v16;
	v16 =	vadd.s32 v2, v7;
	v18 =	vld [tilespmem:s12+$0xFFFFFF70]  }
0xb8: {  	v19 =	vadd.s32 v2, v10;
	v20 =	vld [tilespmem:s12+$0xFFFFFFB0]  }
0xb9: {  	v23 =	vadd.s32 v2, v9  }
0xba: {  	v62 =	vld [tilespmem:s11+$0xFFFFFF40];
	[tilespmem:v14+s22+$0x0] =	vst.idx.msk $0xffff, v21;
	v14 =	vmul.f32 $8.000000000e+00, v17;
	v17 =	vadd.s32 v2, v8  }
0xbb: {  	v21 =	vld [tilespmem:s11+$0xFFFFFF80];
	[tilespmem:v13+s22+$0x0] =	vst.idx.msk $0xffff, v22;
	v13 =	vmul.f32 $8.000000000e+00, v15  }
0xbc: {  	v6 =	vadd.s32 v3, v6;
	v15 =	vld [tilespmem:s11+$0xFFFFFFC0];
	[tilespmem:v16+s22+$0x0] =	vst.idx.msk $0xffff, v14;
	v14 =	vmul.f32 $8.000000000e+00, v18  }
0xbd: {  	v5 =	vadd.s32 v3, v5;
	v16 =	vld [tilespmem:s12+$0x0];
	[tilespmem:v19+s22+$0x0] =	vst.idx.msk $0xffff, v13;
	v13 =	vmul.f32 $8.000000000e+00, v20  }
0xbe: {  	v4 =	vadd.s32 v3, v4;
	v12 =	vmul.f32 $8.000000000e+00, v12;
	v18 =	vld [tilespmem:s12+$0xFFFFFF40];
	[tilespmem:v23+s22+$0x0] =	vst.idx.msk $0xffff, v14  }
0xbf: {  	v7 =	vadd.s32 v3, v7;
	v14 =	vmul.f32 $8.000000000e+00, v62;
	v19 =	vld [tilespmem:s12+$0xFFFFFF80];
	[tilespmem:v17+s22+$0x0] =	vst.idx.msk $0xffff, v13  }
0xc0: {  	v10 =	vadd.s32 v3, v10;
	[tilespmem:v11+s22+$0x0] =	vst.idx.msk $0xffff, v12;
	v11 =	vmul.f32 $8.000000000e+00, v21;
	v12 =	vld [tilespmem:s12+$0xFFFFFFC0]  }
0xc1: {  	v9 =	vadd.s32 v3, v9;
	[tilespmem:v6+s22+$0x0] =	vst.idx.msk $0xffff, v14;
	v6 =	vmul.f32 $8.000000000e+00, v15  }
0xc2: {  	[tilespmem:v5+s22+$0x0] =	vst.idx.msk $0xffff, v11;
	v8 =	vadd.s32 v3, v8;
	v5 =	vmul.f32 $8.000000000e+00, v16  }
0xc3: {  	[tilespmem:v4+s22+$0x0] =	vst.idx.msk $0xffff, v6;
	v4 =	vmul.f32 $8.000000000e+00, v18  }
0xc4: {  	[tilespmem:v7+s22+$0x0] =	vst.idx.msk $0xffff, v5;
	v5 =	vmul.f32 $8.000000000e+00, v19  }
0xc5: {  	[tilespmem:v10+s22+$0x0] =	vst.idx.msk $0xffff, v4;
	v4 =	vmul.f32 $8.000000000e+00, v12  }
0xc6: {  	[tilespmem:v9+s22+$0x0] =	vst.idx.msk $0xffff, v5  }
0xc7: {  	s6 =	sadd.s32 $0x280, s0;
	[tilespmem:v8+s22+$0x0] =	vst.idx.msk $0xffff, v4  }
0xc8: {  	[tilespmem:s16], [sflag:$0x2] =	stream.indirect.gather [hbm4b:s4+s14], $0x40, s6, s14, $0xb8;
	[tilespmem:$0x1E800] =	vst v63  }
0xc9: {  	_ =	swait.ge [sflag:s24], $0x2000  }
0xca: {  	[sflag:s24] =	ssyncset.done $0x0  }
0xcb: {  	s13 =	simm.s32 $0x103;
	s11 =	simm.s32 $0xA400;
	[sflag:s24] =	ssyncadd.s32 $0xFFFFE000  }
0xcc: {  	v4 =	vmov s13;
	v7 =	vld [tilespmem:s11+$0xC0]  }
0xcd: {  	v11 =	vand.u32 $0x17F, v4  }
0xce: {  	s17 =	simm.s32 $0x100;
	v8 =	vadd.s32 v0, v11  }
0xcf: {  	s19 =	simm.s32 $0x101;
	s10 =	simm.s32 $0x102;
	v4 =	vmov s17;
	v9 =	vld [tilespmem:s11+$0x0]  }
0xd0: {  	v10 =	vmov s10;
	v5 =	vmov s19;
	v6 =	vand.u32 $0x17C, v4;
	v12 =	vld [tilespmem:s11+$0x40]  }
0xd1: {  	v5 =	vand.u32 $0x17D, v5;
	v13 =	vadd.s32 v0, v6;
	v14 =	vld [tilespmem:s11+$0x80];
	v7 =	vmul.f32 $8.000000000e+00, v7  }
0xd2: {  	v15 =	vadd.s32 v0, v5;
	v4 =	vand.u32 $0x17E, v10  }
0xd3: {  	v10 =	vadd.s32 v0, v4;
	[tilespmem:v8+s22+$0x0] =	vst.idx.msk $0xffff, v7  }
0xd4: {  	v7 =	vmul.f32 $8.000000000e+00, v9;
	v8 =	vld [tilespmem:s11+$0xD0]  }
0xd5: {  	v9 =	vmul.f32 $8.000000000e+00, v12  }
0xd6: {  	v12 =	vadd.s32 v1, v11;
	[tilespmem:v13+s22+$0x0] =	vst.idx.msk $0xffff, v7;
	v7 =	vmul.f32 $8.000000000e+00, v14  }
0xd7: {  	[tilespmem:v15+s22+$0x0] =	vst.idx.msk $0xffff, v9;
	v13 =	vld [tilespmem:s11+$0x10]  }
0xd8: {  	v9 =	vld [tilespmem:s11+$0x50];
	[tilespmem:v10+s22+$0x0] =	vst.idx.msk $0xffff, v7  }
0xd9: {  	v10 =	vld [tilespmem:s11+$0x90];
	v7 =	vmul.f32 $8.000000000e+00, v8  }
0xda: {  	s12 =	simm.s32 $0xA500;
	s13 =	simm.s32 $0x107;
	s17 =	simm.s32 $0x105;
	v8 =	vadd.s32 v1, v6  }
0xdb: {  	v17 =	vmov s17;
	v14 =	vadd.s32 v1, v5;
	[tilespmem:v12+s22+$0x0] =	vst.idx.msk $0xffff, v7;
	v7 =	vmov s13;
	v12 =	vld [tilespmem:s12+$0xC0]  }
0xdc: {  	s10 =	simm.s32 $0x104;
	v23 =	vadd.s32 v2, v11;
	v16 =	vadd.s32 v1, v4;
	v7 =	vand.u32 $0x17F, v7;
	v18 =	vld [tilespmem:s11+$0xE0]  }
0xdd: {  	v20 =	vld [tilespmem:s12+$0x0];
	v15 =	vmov s10;
	v13 =	vmul.f32 $8.000000000e+00, v13;
	v21 =	vadd.s32 v0, v7  }
0xde: {  	s19 =	simm.s32 $0x106;
	v19 =	vmul.f32 $8.000000000e+00, v9;
	v22 =	vmul.f32 $8.000000000e+00, v10;
	v10 =	vand.u32 $0x17C, v15;
	v15 =	vld [tilespmem:s12+$0x40]  }
0xdf: {  	v9 =	vand.u32 $0x17D, v17;
	v17 =	vld [tilespmem:s12+$0x80];
	[tilespmem:v8+s22+$0x0] =	vst.idx.msk $0xffff, v13;
	v8 =	vmov s19;
	v13 =	vadd.s32 v0, v10  }
0xe0: {  	v63 =	vadd.s32 v0, v9;
	[tilespmem:v14+s22+$0x0] =	vst.idx.msk $0xffff, v19;
	v8 =	vand.u32 $0x17E, v8;
	v25 =	vld [tilespmem:s11+$0x20];
	v12 =	vmul.f32 $8.000000000e+00, v12  }
0xe1: {  	[tilespmem:v16+s22+$0x0] =	vst.idx.msk $0xffff, v22;
	v22 =	vld [tilespmem:s11+$0x60];
	v16 =	vadd.s32 v0, v8;
	v14 =	vmul.f32 $8.000000000e+00, v18  }
0xe2: {  	v26 =	vadd.s32 v2, v6;
	v27 =	vld [tilespmem:s11+$0xA0];
	v18 =	vmul.f32 $8.000000000e+00, v20;
	[tilespmem:v21+s22+$0x0] =	vst.idx.msk $0xffff, v12  }
0xe3: {  	v15 =	vmul.f32 $8.000000000e+00, v15;
	v19 =	vld [tilespmem:s12+$0xD0];
	[tilespmem:v23+s22+$0x0] =	vst.idx.msk $0xffff, v14;
	v14 =	vadd.s32 v2, v5  }
0xe4: {  	v17 =	vmul.f32 $8.000000000e+00, v17;
	[tilespmem:v13+s22+$0x0] =	vst.idx.msk $0xffff, v18;
	v13 =	vadd.s32 v2, v4;
	v12 =	vld [tilespmem:s11+$0xF0]  }
0xe5: {  	v20 =	vadd.s32 v1, v7;
	v18 =	vld [tilespmem:s12+$0x10];
	[tilespmem:v63+s22+$0x0] =	vst.idx.msk $0xffff, v15;
	v23 =	vmul.f32 $8.000000000e+00, v25  }
0xe6: {  	v11 =	vadd.s32 v3, v11;
	v21 =	vmul.f32 $8.000000000e+00, v22;
	v15 =	vld [tilespmem:s12+$0x50];
	[tilespmem:v16+s22+$0x0] =	vst.idx.msk $0xffff, v17  }
0xe7: {  	s17 =	simm.s32 $0x4;
	v16 =	vadd.s32 v1, v10;
	v22 =	vmul.f32 $8.000000000e+00, v27;
	v17 =	vld [tilespmem:s12+$0x90];
	[tilespmem:v26+s22+$0x0] =	vst.idx.msk $0xffff, v23  }
.LBB2_7:
0xe8: {  	s6 =	sadd.s32 $0x104, s17;
	v23 =	vadd.s32 v1, v9;
	v19 =	vmul.f32 $8.000000000e+00, v19;
	v24 =	vld [tilespmem:s11+$0x30];
	[tilespmem:v14+s22+$0x0] =	vst.idx.msk $0xffff, v21;
	s10 =	smov.u32 s17  }
0xe9: {  	v21 =	vadd.s32 v1, v8;
	v14 =	vmov s6;
	s6 =	sadd.s32 $0x105, s17;
	v25 =	vld [tilespmem:s11+$0x70];
	[tilespmem:v13+s22+$0x0] =	vst.idx.msk $0xffff, v22;
	v12 =	vmul.f32 $8.000000000e+00, v12  }
0xea: {  	v13 =	vmov s6;
	s6 =	sadd.s32 $0x107, s17;
	v18 =	vmul.f32 $8.000000000e+00, v18;
	[tilespmem:v20+s22+$0x0] =	vst.idx.msk $0xffff, v19;
	v19 =	vadd.s32 v3, v6;
	v20 =	vld [tilespmem:s11+$0xB0];
	v6 =	vmovc v10;
	s11 =	smov.u32 s12;
	s12 =	sadd.s32 $0x100, s12  }
0xeb: {  	v26 =	vadd.s32 v3, v5;
	v5 =	vmovc v9;
	s17 =	sadd.s32 $0x4, s17;
	v10 =	vmov s6;
	v22 =	vld [tilespmem:s12+$0xC0];
	v15 =	vmul.f32 $8.000000000e+00, v15;
	[tilespmem:v11+s22+$0x0] =	vst.idx.msk $0xffff, v12  }
0xec: {  	s6 =	sadd.s32 $0x106, s10;
	p1 =	slt.u32 s17, $0x7C;
	v12 =	vadd.s32 v3, v4;
	v4 =	vmovc v8;
	v27 =	vand.u32 $0x17F, v10;
	[tilespmem:v16+s22+$0x0] =	vst.idx.msk $0xffff, v18;
	v9 =	vmul.f32 $8.000000000e+00, v17;
	v11 =	vld [tilespmem:s11+$0xE0]  }
0xed: {  	v8 =	vmov s6;
	v16 =	vld [tilespmem:s12+$0x0];
	v17 =	vadd.s32 v0, v27;
	[tilespmem:v23+s22+$0x0] =	vst.idx.msk $0xffff, v15;
	v15 =	vmul.f32 $8.000000000e+00, v24  }
0xee: {  	v10 =	vand.u32 $0x17C, v14;
	v18 =	vadd.s32 v2, v7;
	v14 =	vld [tilespmem:s12+$0x40];
	[tilespmem:v21+s22+$0x0] =	vst.idx.msk $0xffff, v9;
	v21 =	vmul.f32 $8.000000000e+00, v25  }
0xef: {  	v23 =	vadd.s32 v0, v10;
	v9 =	vand.u32 $0x17D, v13;
	v13 =	vld [tilespmem:s12+$0x80];
	[tilespmem:v19+s22+$0x0] =	vst.idx.msk $0xffff, v15;
	v15 =	vmul.f32 $8.000000000e+00, v20  }
0xf0: {  	v8 =	vand.u32 $0x17E, v8;
	v20 =	vadd.s32 v0, v9;
	v19 =	vmul.f32 $8.000000000e+00, v22;
	v22 =	vld [tilespmem:s11+$0x20];
	[tilespmem:v26+s22+$0x0] =	vst.idx.msk $0xffff, v21  }
0xf1: {  	v21 =	vadd.s32 v0, v8;
	v24 =	vld [tilespmem:s11+$0x60];
	v11 =	vmul.f32 $8.000000000e+00, v11;
	[tilespmem:v12+s22+$0x0] =	vst.idx.msk $0xffff, v15  }
0xf2: {  	v25 =	vadd.s32 v2, v6;
	v12 =	vmul.f32 $8.000000000e+00, v16;
	[tilespmem:v17+s22+$0x0] =	vst.idx.msk $0xffff, v19;
	v26 =	vld [tilespmem:s11+$0xA0]  }
.Ltmp2:
0xf3: {  	v15 =	vmul.f32 $8.000000000e+00, v14;
	v19 =	vld [tilespmem:s12+$0xD0];
	v14 =	vadd.s32 v2, v5;
	[tilespmem:v18+s22+$0x0] =	vst.idx.msk $0xffff, v11;
	(pc) =	sbr.rel @p1 .LBB2_7-.Ltmp2, $4  }
0xf4: {  	[tilespmem:v23+s22+$0x0] =	vst.idx.msk $0xffff, v12;
	v11 =	vmul.f32 $8.000000000e+00, v13;
	v13 =	vadd.s32 v2, v4;
	v12 =	vld [tilespmem:s11+$0xF0]  }
0xf5: {  	v18 =	vld [tilespmem:s12+$0x10];
	[tilespmem:v20+s22+$0x0] =	vst.idx.msk $0xffff, v15;
	v20 =	vadd.s32 v1, v27;
	v22 =	vmul.f32 $8.000000000e+00, v22  }
0xf6: {  	v15 =	vld [tilespmem:s12+$0x50];
	[tilespmem:v21+s22+$0x0] =	vst.idx.msk $0xffff, v11;
	v21 =	vmul.f32 $8.000000000e+00, v24;
	v11 =	vadd.s32 v3, v7;
	v7 =	vmov v27  }
0xf7: {  	v16 =	vadd.s32 v1, v10;
	v17 =	vld [tilespmem:s12+$0x90];
	[tilespmem:v25+s22+$0x0] =	vst.idx.msk $0xffff, v22;
	v22 =	vmul.f32 $8.000000000e+00, v26  }
0xf8: {  	_ = 	snop  }
0xf9: {  	v23 =	vadd.s32 v1, v9  }
0xfa: {  	v19 =	vmul.f32 $8.000000000e+00, v19;
	v24 =	vadd.s32 v1, v8  }
0xfb: {  	v18 =	vmul.f32 $8.000000000e+00, v18  }
0xfc: {  	[tilespmem:v20+s22+$0x0] =	vst.idx.msk $0xffff, v19;
	v15 =	vmul.f32 $8.000000000e+00, v15  }
0xfd: {  	[tilespmem:v16+s22+$0x0] =	vst.idx.msk $0xffff, v18;
	v16 =	vmul.f32 $8.000000000e+00, v17;
	v17 =	vld [tilespmem:s12+$0xE0]  }
0xfe: {  	[tilespmem:v23+s22+$0x0] =	vst.idx.msk $0xffff, v15;
	v15 =	vld [tilespmem:s12+$0x20]  }
0xff: {  	[tilespmem:v24+s22+$0x0] =	vst.idx.msk $0xffff, v16;
	v16 =	vadd.s32 v2, v7;
	v18 =	vld [tilespmem:s12+$0x60]  }
0x100: {  	v19 =	vadd.s32 v2, v10;
	v20 =	vld [tilespmem:s12+$0xA0]  }
0x101: {  	v23 =	vadd.s32 v2, v9  }
0x102: {  	v62 =	vld [tilespmem:s11+$0x30];
	[tilespmem:v14+s22+$0x0] =	vst.idx.msk $0xffff, v21;
	v14 =	vmul.f32 $8.000000000e+00, v17;
	v17 =	vadd.s32 v2, v8  }
0x103: {  	v21 =	vld [tilespmem:s11+$0x70];
	[tilespmem:v13+s22+$0x0] =	vst.idx.msk $0xffff, v22;
	v13 =	vmul.f32 $8.000000000e+00, v15  }
0x104: {  	v6 =	vadd.s32 v3, v6;
	v15 =	vld [tilespmem:s11+$0xB0];
	[tilespmem:v16+s22+$0x0] =	vst.idx.msk $0xffff, v14;
	v14 =	vmul.f32 $8.000000000e+00, v18  }
0x105: {  	v5 =	vadd.s32 v3, v5;
	v16 =	vld [tilespmem:s12+$0xF0];
	[tilespmem:v19+s22+$0x0] =	vst.idx.msk $0xffff, v13;
	v13 =	vmul.f32 $8.000000000e+00, v20  }
0x106: {  	v4 =	vadd.s32 v3, v4;
	v12 =	vmul.f32 $8.000000000e+00, v12;
	v18 =	vld [tilespmem:s12+$0x30];
	[tilespmem:v23+s22+$0x0] =	vst.idx.msk $0xffff, v14  }
0x107: {  	v7 =	vadd.s32 v3, v7;
	v14 =	vmul.f32 $8.000000000e+00, v62;
	v19 =	vld [tilespmem:s12+$0x70];
	[tilespmem:v17+s22+$0x0] =	vst.idx.msk $0xffff, v13  }
0x108: {  	v10 =	vadd.s32 v3, v10;
	[tilespmem:v11+s22+$0x0] =	vst.idx.msk $0xffff, v12;
	v11 =	vmul.f32 $8.000000000e+00, v21;
	v12 =	vld [tilespmem:s12+$0xB0]  }
0x109: {  	v9 =	vadd.s32 v3, v9;
	[tilespmem:v6+s22+$0x0] =	vst.idx.msk $0xffff, v14;
	v6 =	vmul.f32 $8.000000000e+00, v15  }
0x10a: {  	[tilespmem:v5+s22+$0x0] =	vst.idx.msk $0xffff, v11;
	v8 =	vadd.s32 v3, v8;
	v5 =	vmul.f32 $8.000000000e+00, v16  }
0x10b: {  	[tilespmem:v4+s22+$0x0] =	vst.idx.msk $0xffff, v6;
	v4 =	vmul.f32 $8.000000000e+00, v18  }
0x10c: {  	[tilespmem:v7+s22+$0x0] =	vst.idx.msk $0xffff, v5;
	v5 =	vmul.f32 $8.000000000e+00, v19  }
0x10d: {  	[tilespmem:v10+s22+$0x0] =	vst.idx.msk $0xffff, v4;
	v4 =	vmul.f32 $8.000000000e+00, v12  }
0x10e: {  	[tilespmem:v9+s22+$0x0] =	vst.idx.msk $0xffff, v5  }
0x10f: {  	s6 =	sadd.s32 $0x300, s0;
	[tilespmem:v8+s22+$0x0] =	vst.idx.msk $0xffff, v4  }
0x110: {  	[tilespmem:s18], [sflag:$0x3] =	stream.indirect.gather [hbm4b:s4+s14], $0x40, s6, s14, $0xb8;
	[tilespmem:$0x1E800] =	vst v63  }
0x111: {  	_ =	swait.ge [sflag:s25], $0x2000  }
0x112: {  	[sflag:s25] =	ssyncset.done $0x0  }
0x113: {  	s13 =	simm.s32 $0x183;
	s11 =	simm.s32 $0xC400;
	[sflag:s25] =	ssyncadd.s32 $0xFFFFE000  }
0x114: {  	v4 =	vmov s13;
	v7 =	vld [tilespmem:s11+$0xC0]  }
0x115: {  	v11 =	vand.u32 $0x1FF, v4  }
0x116: {  	s17 =	simm.s32 $0x180;
	v8 =	vadd.s32 v0, v11  }
0x117: {  	s19 =	simm.s32 $0x181;
	s10 =	simm.s32 $0x182;
	v4 =	vmov s17;
	v9 =	vld [tilespmem:s11+$0x0]  }
0x118: {  	v10 =	vmov s10;
	v5 =	vmov s19;
	v6 =	vand.u32 $0x1FC, v4;
	v12 =	vld [tilespmem:s11+$0x40]  }
0x119: {  	v5 =	vand.u32 $0x1FD, v5;
	v13 =	vadd.s32 v0, v6;
	v14 =	vld [tilespmem:s11+$0x80];
	v7 =	vmul.f32 $8.000000000e+00, v7  }
0x11a: {  	v15 =	vadd.s32 v0, v5;
	v4 =	vand.u32 $0x1FE, v10  }
0x11b: {  	v10 =	vadd.s32 v0, v4;
	[tilespmem:v8+s22+$0x0] =	vst.idx.msk $0xffff, v7  }
0x11c: {  	v7 =	vmul.f32 $8.000000000e+00, v9;
	v8 =	vld [tilespmem:s11+$0xD0]  }
0x11d: {  	v9 =	vmul.f32 $8.000000000e+00, v12  }
0x11e: {  	v12 =	vadd.s32 v1, v11;
	[tilespmem:v13+s22+$0x0] =	vst.idx.msk $0xffff, v7;
	v7 =	vmul.f32 $8.000000000e+00, v14  }
0x11f: {  	[tilespmem:v15+s22+$0x0] =	vst.idx.msk $0xffff, v9;
	v13 =	vld [tilespmem:s11+$0x10]  }
0x120: {  	v9 =	vld [tilespmem:s11+$0x50];
	[tilespmem:v10+s22+$0x0] =	vst.idx.msk $0xffff, v7  }
0x121: {  	v10 =	vld [tilespmem:s11+$0x90];
	v7 =	vmul.f32 $8.000000000e+00, v8  }
0x122: {  	s12 =	simm.s32 $0xC500;
	s13 =	simm.s32 $0x187;
	s17 =	simm.s32 $0x185;
	v8 =	vadd.s32 v1, v6  }
0x123: {  	v17 =	vmov s17;
	v14 =	vadd.s32 v1, v5;
	[tilespmem:v12+s22+$0x0] =	vst.idx.msk $0xffff, v7;
	v7 =	vmov s13;
	v12 =	vld [tilespmem:s12+$0xC0]  }
0x124: {  	s10 =	simm.s32 $0x184;
	v23 =	vadd.s32 v2, v11;
	v16 =	vadd.s32 v1, v4;
	v7 =	vand.u32 $0x1FF, v7;
	v18 =	vld [tilespmem:s11+$0xE0]  }
0x125: {  	v20 =	vld [tilespmem:s12+$0x0];
	v15 =	vmov s10;
	v13 =	vmul.f32 $8.000000000e+00, v13;
	v21 =	vadd.s32 v0, v7  }
0x126: {  	s19 =	simm.s32 $0x186;
	v19 =	vmul.f32 $8.000000000e+00, v9;
	v22 =	vmul.f32 $8.000000000e+00, v10;
	v10 =	vand.u32 $0x1FC, v15;
	v15 =	vld [tilespmem:s12+$0x40]  }
0x127: {  	v9 =	vand.u32 $0x1FD, v17;
	v17 =	vld [tilespmem:s12+$0x80];
	[tilespmem:v8+s22+$0x0] =	vst.idx.msk $0xffff, v13;
	v8 =	vmov s19;
	v13 =	vadd.s32 v0, v10  }
0x128: {  	v63 =	vadd.s32 v0, v9;
	[tilespmem:v14+s22+$0x0] =	vst.idx.msk $0xffff, v19;
	v8 =	vand.u32 $0x1FE, v8;
	v25 =	vld [tilespmem:s11+$0x20];
	v12 =	vmul.f32 $8.000000000e+00, v12  }
0x129: {  	[tilespmem:v16+s22+$0x0] =	vst.idx.msk $0xffff, v22;
	v22 =	vld [tilespmem:s11+$0x60];
	v16 =	vadd.s32 v0, v8;
	v14 =	vmul.f32 $8.000000000e+00, v18  }
0x12a: {  	v26 =	vadd.s32 v2, v6;
	v27 =	vld [tilespmem:s11+$0xA0];
	v18 =	vmul.f32 $8.000000000e+00, v20;
	[tilespmem:v21+s22+$0x0] =	vst.idx.msk $0xffff, v12  }
0x12b: {  	v15 =	vmul.f32 $8.000000000e+00, v15;
	v19 =	vld [tilespmem:s12+$0xD0];
	[tilespmem:v23+s22+$0x0] =	vst.idx.msk $0xffff, v14;
	v14 =	vadd.s32 v2, v5  }
0x12c: {  	v17 =	vmul.f32 $8.000000000e+00, v17;
	[tilespmem:v13+s22+$0x0] =	vst.idx.msk $0xffff, v18;
	v13 =	vadd.s32 v2, v4;
	v12 =	vld [tilespmem:s11+$0xF0]  }
0x12d: {  	v20 =	vadd.s32 v1, v7;
	v18 =	vld [tilespmem:s12+$0x10];
	[tilespmem:v63+s22+$0x0] =	vst.idx.msk $0xffff, v15;
	v23 =	vmul.f32 $8.000000000e+00, v25  }
0x12e: {  	v11 =	vadd.s32 v3, v11;
	v21 =	vmul.f32 $8.000000000e+00, v22;
	v15 =	vld [tilespmem:s12+$0x50];
	[tilespmem:v16+s22+$0x0] =	vst.idx.msk $0xffff, v17  }
0x12f: {  	s17 =	simm.s32 $0x4;
	v16 =	vadd.s32 v1, v10;
	v22 =	vmul.f32 $8.000000000e+00, v27;
	v17 =	vld [tilespmem:s12+$0x90];
	[tilespmem:v26+s22+$0x0] =	vst.idx.msk $0xffff, v23  }
.LBB2_9:
0x130: {  	s6 =	sadd.s32 $0x184, s17;
	v23 =	vadd.s32 v1, v9;
	v19 =	vmul.f32 $8.000000000e+00, v19;
	v24 =	vld [tilespmem:s11+$0x30];
	[tilespmem:v14+s22+$0x0] =	vst.idx.msk $0xffff, v21;
	s10 =	smov.u32 s17  }
0x131: {  	v21 =	vadd.s32 v1, v8;
	v14 =	vmov s6;
	s6 =	sadd.s32 $0x185, s17;
	v25 =	vld [tilespmem:s11+$0x70];
	[tilespmem:v13+s22+$0x0] =	vst.idx.msk $0xffff, v22;
	v12 =	vmul.f32 $8.000000000e+00, v12  }
0x132: {  	v13 =	vmov s6;
	s6 =	sadd.s32 $0x187, s17;
	v18 =	vmul.f32 $8.000000000e+00, v18;
	[tilespmem:v20+s22+$0x0] =	vst.idx.msk $0xffff, v19;
	v19 =	vadd.s32 v3, v6;
	v20 =	vld [tilespmem:s11+$0xB0];
	v6 =	vmovc v10;
	s11 =	smov.u32 s12;
	s12 =	sadd.s32 $0x100, s12  }
0x133: {  	v26 =	vadd.s32 v3, v5;
	v5 =	vmovc v9;
	s17 =	sadd.s32 $0x4, s17;
	v10 =	vmov s6;
	v22 =	vld [tilespmem:s12+$0xC0];
	v15 =	vmul.f32 $8.000000000e+00, v15;
	[tilespmem:v11+s22+$0x0] =	vst.idx.msk $0xffff, v12  }
0x134: {  	s6 =	sadd.s32 $0x186, s10;
	p1 =	slt.u32 s17, $0x7C;
	v12 =	vadd.s32 v3, v4;
	v4 =	vmovc v8;
	v27 =	vand.u32 $0x1FF, v10;
	[tilespmem:v16+s22+$0x0] =	vst.idx.msk $0xffff, v18;
	v9 =	vmul.f32 $8.000000000e+00, v17;
	v11 =	vld [tilespmem:s11+$0xE0]  }
0x135: {  	v8 =	vmov s6;
	v16 =	vld [tilespmem:s12+$0x0];
	v17 =	vadd.s32 v0, v27;
	[tilespmem:v23+s22+$0x0] =	vst.idx.msk $0xffff, v15;
	v15 =	vmul.f32 $8.000000000e+00, v24  }
0x136: {  	v10 =	vand.u32 $0x1FC, v14;
	v18 =	vadd.s32 v2, v7;
	v14 =	vld [tilespmem:s12+$0x40];
	[tilespmem:v21+s22+$0x0] =	vst.idx.msk $0xffff, v9;
	v21 =	vmul.f32 $8.000000000e+00, v25  }
0x137: {  	v23 =	vadd.s32 v0, v10;
	v9 =	vand.u32 $0x1FD, v13;
	v13 =	vld [tilespmem:s12+$0x80];
	[tilespmem:v19+s22+$0x0] =	vst.idx.msk $0xffff, v15;
	v15 =	vmul.f32 $8.000000000e+00, v20  }
0x138: {  	v8 =	vand.u32 $0x1FE, v8;
	v20 =	vadd.s32 v0, v9;
	v19 =	vmul.f32 $8.000000000e+00, v22;
	v22 =	vld [tilespmem:s11+$0x20];
	[tilespmem:v26+s22+$0x0] =	vst.idx.msk $0xffff, v21  }
0x139: {  	v21 =	vadd.s32 v0, v8;
	v24 =	vld [tilespmem:s11+$0x60];
	v11 =	vmul.f32 $8.000000000e+00, v11;
	[tilespmem:v12+s22+$0x0] =	vst.idx.msk $0xffff, v15  }
0x13a: {  	v25 =	vadd.s32 v2, v6;
	v12 =	vmul.f32 $8.000000000e+00, v16;
	[tilespmem:v17+s22+$0x0] =	vst.idx.msk $0xffff, v19;
	v26 =	vld [tilespmem:s11+$0xA0]  }
.Ltmp3:
0x13b: {  	v15 =	vmul.f32 $8.000000000e+00, v14;
	v19 =	vld [tilespmem:s12+$0xD0];
	v14 =	vadd.s32 v2, v5;
	[tilespmem:v18+s22+$0x0] =	vst.idx.msk $0xffff, v11;
	(pc) =	sbr.rel @p1 .LBB2_9-.Ltmp3, $4  }
0x13c: {  	[tilespmem:v23+s22+$0x0] =	vst.idx.msk $0xffff, v12;
	v11 =	vmul.f32 $8.000000000e+00, v13;
	v13 =	vadd.s32 v2, v4;
	v12 =	vld [tilespmem:s11+$0xF0]  }
0x13d: {  	v18 =	vld [tilespmem:s12+$0x10];
	[tilespmem:v20+s22+$0x0] =	vst.idx.msk $0xffff, v15;
	v20 =	vadd.s32 v1, v27;
	v22 =	vmul.f32 $8.000000000e+00, v22  }
0x13e: {  	v15 =	vld [tilespmem:s12+$0x50];
	[tilespmem:v21+s22+$0x0] =	vst.idx.msk $0xffff, v11;
	v21 =	vmul.f32 $8.000000000e+00, v24;
	v11 =	vadd.s32 v3, v7;
	v7 =	vmov v27  }
0x13f: {  	v16 =	vadd.s32 v1, v10;
	v17 =	vld [tilespmem:s12+$0x90];
	[tilespmem:v25+s22+$0x0] =	vst.idx.msk $0xffff, v22;
	v22 =	vmul.f32 $8.000000000e+00, v26  }
0x140: {  	_ = 	snop  }
0x141: {  	v23 =	vadd.s32 v1, v9  }
0x142: {  	v19 =	vmul.f32 $8.000000000e+00, v19;
	v24 =	vadd.s32 v1, v8  }
0x143: {  	v18 =	vmul.f32 $8.000000000e+00, v18  }
0x144: {  	[tilespmem:v20+s22+$0x0] =	vst.idx.msk $0xffff, v19;
	v15 =	vmul.f32 $8.000000000e+00, v15  }
0x145: {  	v40 =	vld [tilespmem:s12+$0xE0];
	[tilespmem:v16+s22+$0x0] =	vst.idx.msk $0xffff, v18;
	v39 =	vmul.f32 $8.000000000e+00, v17  }
0x146: {  	[tilespmem:v23+s22+$0x0] =	vst.idx.msk $0xffff, v15;
	v41 =	vld [tilespmem:s12+$0x20]  }
0x147: {  	v42 =	vadd.s32 v2, v7;
	[tilespmem:v24+s22+$0x0] =	vst.idx.msk $0xffff, v39;
	v43 =	vld [tilespmem:s12+$0x60]  }
0x148: {  	v44 =	vadd.s32 v2, v10;
	v45 =	vld [tilespmem:s12+$0xA0]  }
0x149: {  	v46 =	vadd.s32 v2, v9  }
0x14a: {  	v47 =	vld [tilespmem:s11+$0x30];
	[tilespmem:v14+s22+$0x0] =	vst.idx.msk $0xffff, v21;
	v49 =	vadd.s32 v2, v8;
	v48 =	vmul.f32 $8.000000000e+00, v40  }
0x14b: {  	v21 =	vld [tilespmem:s11+$0x70];
	[tilespmem:v13+s22+$0x0] =	vst.idx.msk $0xffff, v22;
	v50 =	vmul.f32 $8.000000000e+00, v41  }
0x14c: {  	v6 =	vadd.s32 v3, v6;
	v51 =	vld [tilespmem:s11+$0xB0];
	[tilespmem:v42+s22+$0x0] =	vst.idx.msk $0xffff, v48;
	v52 =	vmul.f32 $8.000000000e+00, v43  }
0x14d: {  	v5 =	vadd.s32 v3, v5;
	v16 =	vld [tilespmem:s12+$0xF0];
	[tilespmem:v44+s22+$0x0] =	vst.idx.msk $0xffff, v50;
	v53 =	vmul.f32 $8.000000000e+00, v45  }
0x14e: {  	v4 =	vadd.s32 v3, v4;
	v12 =	vmul.f32 $8.000000000e+00, v12;
	v54 =	vld [tilespmem:s12+$0x30];
	[tilespmem:v46+s22+$0x0] =	vst.idx.msk $0xffff, v52  }
0x14f: {  	v56 =	vadd.s32 v3, v7;
	v55 =	vmul.f32 $8.000000000e+00, v47;
	v57 =	vld [tilespmem:s12+$0x70];
	[tilespmem:v49+s22+$0x0] =	vst.idx.msk $0xffff, v53  }
0x150: {  	v59 =	vadd.s32 v3, v10;
	[tilespmem:v11+s22+$0x0] =	vst.idx.msk $0xffff, v12;
	v58 =	vmul.f32 $8.000000000e+00, v21;
	v60 =	vld [tilespmem:s12+$0xB0]  }
0x151: {  	v62 =	vadd.s32 v3, v9;
	[tilespmem:v6+s22+$0x0] =	vst.idx.msk $0xffff, v55;
	v61 =	vmul.f32 $8.000000000e+00, v51  }
0x152: {  	v63 =	vadd.s32 v3, v8;
	[tilespmem:v5+s22+$0x0] =	vst.idx.msk $0xffff, v58;
	v5 =	vmul.f32 $8.000000000e+00, v16  }
0x153: {  	[tilespmem:v4+s22+$0x0] =	vst.idx.msk $0xffff, v61;
	v4 =	vmul.f32 $8.000000000e+00, v54  }
0x154: {  	[tilespmem:v56+s22+$0x0] =	vst.idx.msk $0xffff, v5;
	v5 =	vmul.f32 $8.000000000e+00, v57  }
0x155: {  	[tilespmem:v59+s22+$0x0] =	vst.idx.msk $0xffff, v4;
	v4 =	vmul.f32 $8.000000000e+00, v60  }
0x156: {  	s11 =	sshll.u32 s31, $0x15;
	[tilespmem:v62+s22+$0x0] =	vst.idx.msk $0xffff, v5  }
0x157: {  	s6 =	sadd.s32 $0x380, s0;
	s19 =	sor.u32 s5, s11;
	[tilespmem:v63+s22+$0x0] =	vst.idx.msk $0xffff, v4  }
0x158: {  	[tilespmem:s20], [sflag:$0x4] =	stream.indirect.gather [hbm4b:s4+s14], $0x40, s6, s14, $0xb8;
	[tilespmem:$0x1E800] =	vst v63  }
0x159: {  	s6 =	sshrl.u32 s19, $0x3  }
0x15a: {  	s10 =	simm.s32 $0xE400;
	s17 =	sadd.s32 s2, s6  }
0x15b: {  	[hbm4b:s17+s3] =	stream.linear.scatter [tilespmem:s10], [sflag:$0x5], $0x80, $0x38;
	[tilespmem:$0x1E800] =	vst v63  }
0x15c: {  	s12 =	simm.s32 $0xE608;
	s10 =	sadd.s32 $0x10, s17  }
0x15d: {  	[hbm4b:s10+s3] =	stream.linear.scatter [tilespmem:s12], [sflag:$0x5], $0x80, $0x38;
	[tilespmem:$0x1E800] =	vst v63  }
0x15e: {  	s13 =	simm.s32 $0xE810;
	s19 =	sadd.s32 $0x20, s17  }
0x15f: {  	[hbm4b:s19+s3] =	stream.linear.scatter [tilespmem:s13], [sflag:$0x5], $0x80, $0x38;
	[tilespmem:$0x1E800] =	vst v63  }
0x160: {  	s10 =	simm.s32 $0xEA18;
	s12 =	sadd.s32 $0x30, s17  }
0x161: {  	[hbm4b:s12+s3] =	stream.linear.scatter [tilespmem:s10], [sflag:$0x5], $0x80, $0x38;
	[tilespmem:$0x1E800] =	vst v63  }
0x162: {  	s13 =	simm.s32 $0xEC20;
	s19 =	sadd.s32 $0x40, s17  }
0x163: {  	[hbm4b:s19+s3] =	stream.linear.scatter [tilespmem:s13], [sflag:$0x5], $0x80, $0x38;
	[tilespmem:$0x1E800] =	vst v63  }
0x164: {  	s6 =	simm.s32 $0xF238;
	s10 =	simm.s32 $0xEE28;
	s12 =	sadd.s32 $0x50, s17  }
0x165: {  	[hbm4b:s12+s3] =	stream.linear.scatter [tilespmem:s10], [sflag:$0x5], $0x80, $0x38;
	[tilespmem:$0x1E800] =	vst v63  }
0x166: {  	s13 =	simm.s32 $0xF030;
	s19 =	sadd.s32 $0x60, s17;
	s12 =	simm.s32 $0x1040  }
0x167: {  	[hbm4b:s19+s3] =	stream.linear.scatter [tilespmem:s13], [sflag:$0x5], $0x80, $0x38;
	[tilespmem:$0x1E800] =	vst v63  }
0x168: {  	s10 =	sadd.s32 $0x70, s17;
	s17 =	sadd.s32 $0x4000, s17;
	s19 =	simm.s32 $0x8200  }
.LBB2_11:
0x169: {  	[hbm4b:s10+s3] =	stream.linear.scatter [tilespmem:s6], [sflag:$0x5], $0x80, $0x38;
	[tilespmem:$0x1E800] =	vst v63  }
0x16a: {  	s6 =	smov.u32 s12;
	s10 =	smov.u32 s19  }
0x16b: {  	s13 =	sadd.s32 $0x4100, s19;
	s12 =	sshra.s32 s10, $0x2;
	s10 =	sadd.s32 $0xE400, s6  }
0x16c: {  	[hbm4b:s17+s3] =	stream.linear.scatter [tilespmem:s10], [sflag:$0x5], $0x80, $0x38;
	[tilespmem:$0x1E800] =	vst v63  }
0x16d: {  	p1 =	sne.s32 s19, $0x1C700;
	s19 =	sadd.s32 $0x10, s17;
	s10 =	sadd.s32 $0xE608, s6  }
0x16e: {  	[hbm4b:s19+s3] =	stream.linear.scatter [tilespmem:s10], [sflag:$0x5], $0x80, $0x38;
	[tilespmem:$0x1E800] =	vst v63  }
0x16f: {  	s10 =	sadd.s32 $0xE810, s6;
	s19 =	sadd.s32 $0x20, s17  }
0x170: {  	[hbm4b:s19+s3] =	stream.linear.scatter [tilespmem:s10], [sflag:$0x5], $0x80, $0x38;
	[tilespmem:$0x1E800] =	vst v63  }
0x171: {  	s10 =	sadd.s32 $0xEA18, s6;
	s19 =	sadd.s32 $0x30, s17  }
0x172: {  	[hbm4b:s19+s3] =	stream.linear.scatter [tilespmem:s10], [sflag:$0x5], $0x80, $0x38;
	[tilespmem:$0x1E800] =	vst v63  }
0x173: {  	s10 =	sadd.s32 $0xEC20, s6;
	s19 =	sadd.s32 $0x40, s17  }
0x174: {  	[hbm4b:s19+s3] =	stream.linear.scatter [tilespmem:s10], [sflag:$0x5], $0x80, $0x38;
	[tilespmem:$0x1E800] =	vst v63  }
.Ltmp4:
0x175: {  	s10 =	sadd.s32 $0xEE28, s6;
	s19 =	sadd.s32 $0x50, s17;
	(pc) =	sbr.rel @p1 .LBB2_11-.Ltmp4, $4  }
0x176: {  	[hbm4b:s19+s3] =	stream.linear.scatter [tilespmem:s10], [sflag:$0x5], $0x80, $0x38;
	[tilespmem:$0x1E800] =	vst v63  }
0x177: {  	s10 =	sadd.s32 $0xF030, s6;
	s19 =	sadd.s32 $0x60, s17;
	s6 =	sadd.s32 $0xF238, s6  }
0x178: {  	[hbm4b:s19+s3] =	stream.linear.scatter [tilespmem:s10], [sflag:$0x5], $0x80, $0x38;
	[tilespmem:$0x1E800] =	vst v63  }
0x179: {  	s10 =	sadd.s32 $0x70, s17;
	s17 =	sadd.s32 $0x4000, s17;
	s19 =	smov.u32 s13  }
0x17a: {  	[hbm4b:s10+s3] =	stream.linear.scatter [tilespmem:s6], [sflag:$0x5], $0x80, $0x38;
	[tilespmem:$0x1E800] =	vst v63  }
0x17b: {  	s10 =	sadd.s32 $0xE400, s12  }
0x17c: {  	[hbm4b:s17+s3] =	stream.linear.scatter [tilespmem:s10], [sflag:$0x5], $0x80, $0x38;
	[tilespmem:$0x1E800] =	vst v63  }
0x17d: {  	s13 =	sadd.s32 $0xE608, s12;
	s19 =	sadd.s32 $0x10, s17  }
0x17e: {  	[hbm4b:s19+s3] =	stream.linear.scatter [tilespmem:s13], [sflag:$0x5], $0x80, $0x38;
	[tilespmem:$0x1E800] =	vst v63  }
0x17f: {  	s13 =	sadd.s32 $0xE810, s12;
	s19 =	sadd.s32 $0x20, s17  }
0x180: {  	[hbm4b:s19+s3] =	stream.linear.scatter [tilespmem:s13], [sflag:$0x5], $0x80, $0x38;
	[tilespmem:$0x1E800] =	vst v63  }
0x181: {  	s13 =	sadd.s32 $0xEA18, s12;
	s19 =	sadd.s32 $0x30, s17  }
0x182: {  	[hbm4b:s19+s3] =	stream.linear.scatter [tilespmem:s13], [sflag:$0x5], $0x80, $0x38;
	[tilespmem:$0x1E800] =	vst v63  }
0x183: {  	s13 =	sadd.s32 $0xEC20, s12;
	s19 =	sadd.s32 $0x40, s17  }
0x184: {  	[hbm4b:s19+s3] =	stream.linear.scatter [tilespmem:s13], [sflag:$0x5], $0x80, $0x38;
	[tilespmem:$0x1E800] =	vst v63  }
0x185: {  	s13 =	sadd.s32 $0xEE28, s12;
	s19 =	sadd.s32 $0x50, s17  }
0x186: {  	[hbm4b:s19+s3] =	stream.linear.scatter [tilespmem:s13], [sflag:$0x5], $0x80, $0x38;
	[tilespmem:$0x1E800] =	vst v63  }
0x187: {  	s13 =	sadd.s32 $0xF030, s12;
	s19 =	sadd.s32 $0x60, s17  }
0x188: {  	[hbm4b:s19+s3] =	stream.linear.scatter [tilespmem:s13], [sflag:$0x5], $0x80, $0x38;
	[tilespmem:$0x1E800] =	vst v63  }
0x189: {  	s13 =	sadd.s32 $0x70, s17;
	s17 =	sor.u32 s7, s11  }
0x18a: {  	s12 =	sadd.s32 $0xF238, s12;
	s6 =	sshrl.u32 s17, $0x3  }
0x18b: {  	[hbm4b:s13+s3] =	stream.linear.scatter [tilespmem:s12], [sflag:$0x5], $0x80, $0x38;
	[tilespmem:$0x1E800] =	vst v63  }
0x18c: {  	s19 =	simm.s32 $0xE480;
	s13 =	sadd.s32 s2, s6  }
0x18d: {  	[hbm4b:s13+s3] =	stream.linear.scatter [tilespmem:s19], [sflag:$0x5], $0x80, $0x38;
	[tilespmem:$0x1E800] =	vst v63  }
0x18e: {  	s10 =	simm.s32 $0xE688;
	s12 =	sadd.s32 $0x10, s13  }
0x18f: {  	[hbm4b:s12+s3] =	stream.linear.scatter [tilespmem:s10], [sflag:$0x5], $0x80, $0x38;
	[tilespmem:$0x1E800] =	vst v63  }
0x190: {  	s17 =	simm.s32 $0xE890;
	s19 =	sadd.s32 $0x20, s13  }
0x191: {  	[hbm4b:s19+s3] =	stream.linear.scatter [tilespmem:s17], [sflag:$0x5], $0x80, $0x38;
	[tilespmem:$0x1E800] =	vst v63  }
0x192: {  	s10 =	simm.s32 $0xEA98;
	s12 =	sadd.s32 $0x30, s13  }
0x193: {  	[hbm4b:s12+s3] =	stream.linear.scatter [tilespmem:s10], [sflag:$0x5], $0x80, $0x38;
	[tilespmem:$0x1E800] =	vst v63  }
0x194: {  	s17 =	simm.s32 $0xECA0;
	s19 =	sadd.s32 $0x40, s13  }
0x195: {  	[hbm4b:s19+s3] =	stream.linear.scatter [tilespmem:s17], [sflag:$0x5], $0x80, $0x38;
	[tilespmem:$0x1E800] =	vst v63  }
0x196: {  	s6 =	simm.s32 $0xF2B8;
	s10 =	simm.s32 $0xEEA8;
	s12 =	sadd.s32 $0x50, s13  }
0x197: {  	[hbm4b:s12+s3] =	stream.linear.scatter [tilespmem:s10], [sflag:$0x5], $0x80, $0x38;
	[tilespmem:$0x1E800] =	vst v63  }
0x198: {  	s17 =	simm.s32 $0xF0B0;
	s19 =	sadd.s32 $0x60, s13;
	s12 =	simm.s32 $0x1040  }
0x199: {  	[hbm4b:s19+s3] =	stream.linear.scatter [tilespmem:s17], [sflag:$0x5], $0x80, $0x38;
	[tilespmem:$0x1E800] =	vst v63  }
0x19a: {  	s10 =	sadd.s32 $0x70, s13;
	s19 =	simm.s32 $0x8200;
	s17 =	sadd.s32 $0x4000, s13  }
.LBB2_13:
0x19b: {  	[hbm4b:s10+s3] =	stream.linear.scatter [tilespmem:s6], [sflag:$0x5], $0x80, $0x38;
	[tilespmem:$0x1E800] =	vst v63  }
0x19c: {  	s6 =	smov.u32 s12;
	s10 =	smov.u32 s19  }
0x19d: {  	s13 =	sadd.s32 $0x4100, s19;
	s12 =	sshra.s32 s10, $0x2;
	s10 =	sadd.s32 $0xE480, s6  }
0x19e: {  	[hbm4b:s17+s3] =	stream.linear.scatter [tilespmem:s10], [sflag:$0x5], $0x80, $0x38;
	[tilespmem:$0x1E800] =	vst v63  }
0x19f: {  	p1 =	sne.s32 s19, $0x1C700;
	s19 =	sadd.s32 $0x10, s17;
	s10 =	sadd.s32 $0xE688, s6  }
0x1a0: {  	[hbm4b:s19+s3] =	stream.linear.scatter [tilespmem:s10], [sflag:$0x5], $0x80, $0x38;
	[tilespmem:$0x1E800] =	vst v63  }
0x1a1: {  	s10 =	sadd.s32 $0xE890, s6;
	s19 =	sadd.s32 $0x20, s17  }
0x1a2: {  	[hbm4b:s19+s3] =	stream.linear.scatter [tilespmem:s10], [sflag:$0x5], $0x80, $0x38;
	[tilespmem:$0x1E800] =	vst v63  }
0x1a3: {  	s10 =	sadd.s32 $0xEA98, s6;
	s19 =	sadd.s32 $0x30, s17  }
0x1a4: {  	[hbm4b:s19+s3] =	stream.linear.scatter [tilespmem:s10], [sflag:$0x5], $0x80, $0x38;
	[tilespmem:$0x1E800] =	vst v63  }
0x1a5: {  	s10 =	sadd.s32 $0xECA0, s6;
	s19 =	sadd.s32 $0x40, s17  }
0x1a6: {  	[hbm4b:s19+s3] =	stream.linear.scatter [tilespmem:s10], [sflag:$0x5], $0x80, $0x38;
	[tilespmem:$0x1E800] =	vst v63  }
.Ltmp5:
0x1a7: {  	s10 =	sadd.s32 $0xEEA8, s6;
	s19 =	sadd.s32 $0x50, s17;
	(pc) =	sbr.rel @p1 .LBB2_13-.Ltmp5, $4  }
0x1a8: {  	[hbm4b:s19+s3] =	stream.linear.scatter [tilespmem:s10], [sflag:$0x5], $0x80, $0x38;
	[tilespmem:$0x1E800] =	vst v63  }
0x1a9: {  	s10 =	sadd.s32 $0xF0B0, s6;
	s19 =	sadd.s32 $0x60, s17;
	s6 =	sadd.s32 $0xF2B8, s6  }
0x1aa: {  	[hbm4b:s19+s3] =	stream.linear.scatter [tilespmem:s10], [sflag:$0x5], $0x80, $0x38;
	[tilespmem:$0x1E800] =	vst v63  }
0x1ab: {  	s10 =	sadd.s32 $0x70, s17;
	s17 =	sadd.s32 $0x4000, s17;
	s19 =	smov.u32 s13  }
0x1ac: {  	[hbm4b:s10+s3] =	stream.linear.scatter [tilespmem:s6], [sflag:$0x5], $0x80, $0x38;
	[tilespmem:$0x1E800] =	vst v63  }
0x1ad: {  	s10 =	sadd.s32 $0xE480, s12  }
0x1ae: {  	[hbm4b:s17+s3] =	stream.linear.scatter [tilespmem:s10], [sflag:$0x5], $0x80, $0x38;
	[tilespmem:$0x1E800] =	vst v63  }
0x1af: {  	s13 =	sadd.s32 $0xE688, s12;
	s19 =	sadd.s32 $0x10, s17  }
0x1b0: {  	[hbm4b:s19+s3] =	stream.linear.scatter [tilespmem:s13], [sflag:$0x5], $0x80, $0x38;
	[tilespmem:$0x1E800] =	vst v63  }
0x1b1: {  	s13 =	sadd.s32 $0xE890, s12;
	s19 =	sadd.s32 $0x20, s17  }
0x1b2: {  	[hbm4b:s19+s3] =	stream.linear.scatter [tilespmem:s13], [sflag:$0x5], $0x80, $0x38;
	[tilespmem:$0x1E800] =	vst v63  }
0x1b3: {  	s13 =	sadd.s32 $0xEA98, s12;
	s19 =	sadd.s32 $0x30, s17  }
0x1b4: {  	[hbm4b:s19+s3] =	stream.linear.scatter [tilespmem:s13], [sflag:$0x5], $0x80, $0x38;
	[tilespmem:$0x1E800] =	vst v63  }
0x1b5: {  	s13 =	sadd.s32 $0xECA0, s12;
	s19 =	sadd.s32 $0x40, s17  }
0x1b6: {  	[hbm4b:s19+s3] =	stream.linear.scatter [tilespmem:s13], [sflag:$0x5], $0x80, $0x38;
	[tilespmem:$0x1E800] =	vst v63  }
0x1b7: {  	s13 =	sadd.s32 $0xEEA8, s12;
	s19 =	sadd.s32 $0x50, s17  }
0x1b8: {  	[hbm4b:s19+s3] =	stream.linear.scatter [tilespmem:s13], [sflag:$0x5], $0x80, $0x38;
	[tilespmem:$0x1E800] =	vst v63  }
0x1b9: {  	s13 =	sadd.s32 $0xF0B0, s12;
	s19 =	sadd.s32 $0x60, s17  }
0x1ba: {  	[hbm4b:s19+s3] =	stream.linear.scatter [tilespmem:s13], [sflag:$0x5], $0x80, $0x38;
	[tilespmem:$0x1E800] =	vst v63  }
0x1bb: {  	s13 =	sadd.s32 $0x70, s17;
	s17 =	sor.u32 s8, s11  }
0x1bc: {  	s12 =	sadd.s32 $0xF2B8, s12;
	s6 =	sshrl.u32 s17, $0x3  }
0x1bd: {  	[hbm4b:s13+s3] =	stream.linear.scatter [tilespmem:s12], [sflag:$0x5], $0x80, $0x38;
	[tilespmem:$0x1E800] =	vst v63  }
0x1be: {  	s19 =	simm.s32 $0xE500;
	s13 =	sadd.s32 s2, s6  }
0x1bf: {  	[hbm4b:s13+s3] =	stream.linear.scatter [tilespmem:s19], [sflag:$0x5], $0x80, $0x38;
	[tilespmem:$0x1E800] =	vst v63  }
0x1c0: {  	s10 =	simm.s32 $0xE708;
	s12 =	sadd.s32 $0x10, s13  }
0x1c1: {  	[hbm4b:s12+s3] =	stream.linear.scatter [tilespmem:s10], [sflag:$0x5], $0x80, $0x38;
	[tilespmem:$0x1E800] =	vst v63  }
0x1c2: {  	s17 =	simm.s32 $0xE910;
	s19 =	sadd.s32 $0x20, s13  }
0x1c3: {  	[hbm4b:s19+s3] =	stream.linear.scatter [tilespmem:s17], [sflag:$0x5], $0x80, $0x38;
	[tilespmem:$0x1E800] =	vst v63  }
0x1c4: {  	s10 =	simm.s32 $0xEB18;
	s12 =	sadd.s32 $0x30, s13  }
0x1c5: {  	[hbm4b:s12+s3] =	stream.linear.scatter [tilespmem:s10], [sflag:$0x5], $0x80, $0x38;
	[tilespmem:$0x1E800] =	vst v63  }
0x1c6: {  	s17 =	simm.s32 $0xED20;
	s19 =	sadd.s32 $0x40, s13  }
0x1c7: {  	[hbm4b:s19+s3] =	stream.linear.scatter [tilespmem:s17], [sflag:$0x5], $0x80, $0x38;
	[tilespmem:$0x1E800] =	vst v63  }
0x1c8: {  	s6 =	simm.s32 $0xF338;
	s10 =	simm.s32 $0xEF28;
	s12 =	sadd.s32 $0x50, s13  }
0x1c9: {  	[hbm4b:s12+s3] =	stream.linear.scatter [tilespmem:s10], [sflag:$0x5], $0x80, $0x38;
	[tilespmem:$0x1E800] =	vst v63  }
0x1ca: {  	s17 =	simm.s32 $0xF130;
	s19 =	sadd.s32 $0x60, s13;
	s12 =	simm.s32 $0x1040  }
0x1cb: {  	[hbm4b:s19+s3] =	stream.linear.scatter [tilespmem:s17], [sflag:$0x5], $0x80, $0x38;
	[tilespmem:$0x1E800] =	vst v63  }
0x1cc: {  	s10 =	sadd.s32 $0x70, s13;
	s19 =	simm.s32 $0x8200;
	s17 =	sadd.s32 $0x4000, s13  }
.LBB2_15:
0x1cd: {  	[hbm4b:s10+s3] =	stream.linear.scatter [tilespmem:s6], [sflag:$0x5], $0x80, $0x38;
	[tilespmem:$0x1E800] =	vst v63  }
0x1ce: {  	s6 =	smov.u32 s12;
	s10 =	smov.u32 s19  }
0x1cf: {  	s13 =	sadd.s32 $0x4100, s19;
	s12 =	sshra.s32 s10, $0x2;
	s10 =	sadd.s32 $0xE500, s6  }
0x1d0: {  	[hbm4b:s17+s3] =	stream.linear.scatter [tilespmem:s10], [sflag:$0x5], $0x80, $0x38;
	[tilespmem:$0x1E800] =	vst v63  }
0x1d1: {  	p1 =	sne.s32 s19, $0x1C700;
	s19 =	sadd.s32 $0x10, s17;
	s10 =	sadd.s32 $0xE708, s6  }
0x1d2: {  	[hbm4b:s19+s3] =	stream.linear.scatter [tilespmem:s10], [sflag:$0x5], $0x80, $0x38;
	[tilespmem:$0x1E800] =	vst v63  }
0x1d3: {  	s10 =	sadd.s32 $0xE910, s6;
	s19 =	sadd.s32 $0x20, s17  }
0x1d4: {  	[hbm4b:s19+s3] =	stream.linear.scatter [tilespmem:s10], [sflag:$0x5], $0x80, $0x38;
	[tilespmem:$0x1E800] =	vst v63  }
0x1d5: {  	s10 =	sadd.s32 $0xEB18, s6;
	s19 =	sadd.s32 $0x30, s17  }
0x1d6: {  	[hbm4b:s19+s3] =	stream.linear.scatter [tilespmem:s10], [sflag:$0x5], $0x80, $0x38;
	[tilespmem:$0x1E800] =	vst v63  }
0x1d7: {  	s10 =	sadd.s32 $0xED20, s6;
	s19 =	sadd.s32 $0x40, s17  }
0x1d8: {  	[hbm4b:s19+s3] =	stream.linear.scatter [tilespmem:s10], [sflag:$0x5], $0x80, $0x38;
	[tilespmem:$0x1E800] =	vst v63  }
.Ltmp6:
0x1d9: {  	s10 =	sadd.s32 $0xEF28, s6;
	s19 =	sadd.s32 $0x50, s17;
	(pc) =	sbr.rel @p1 .LBB2_15-.Ltmp6, $4  }
0x1da: {  	[hbm4b:s19+s3] =	stream.linear.scatter [tilespmem:s10], [sflag:$0x5], $0x80, $0x38;
	[tilespmem:$0x1E800] =	vst v63  }
0x1db: {  	s10 =	sadd.s32 $0xF130, s6;
	s19 =	sadd.s32 $0x60, s17;
	s6 =	sadd.s32 $0xF338, s6  }
0x1dc: {  	[hbm4b:s19+s3] =	stream.linear.scatter [tilespmem:s10], [sflag:$0x5], $0x80, $0x38;
	[tilespmem:$0x1E800] =	vst v63  }
0x1dd: {  	s10 =	sadd.s32 $0x70, s17;
	s17 =	sadd.s32 $0x4000, s17;
	s19 =	smov.u32 s13  }
0x1de: {  	[hbm4b:s10+s3] =	stream.linear.scatter [tilespmem:s6], [sflag:$0x5], $0x80, $0x38;
	[tilespmem:$0x1E800] =	vst v63  }
0x1df: {  	s10 =	sadd.s32 $0xE500, s12  }
0x1e0: {  	[hbm4b:s17+s3] =	stream.linear.scatter [tilespmem:s10], [sflag:$0x5], $0x80, $0x38;
	[tilespmem:$0x1E800] =	vst v63  }
0x1e1: {  	s13 =	sadd.s32 $0xE708, s12;
	s19 =	sadd.s32 $0x10, s17  }
0x1e2: {  	[hbm4b:s19+s3] =	stream.linear.scatter [tilespmem:s13], [sflag:$0x5], $0x80, $0x38;
	[tilespmem:$0x1E800] =	vst v63  }
0x1e3: {  	s13 =	sadd.s32 $0xE910, s12;
	s19 =	sadd.s32 $0x20, s17  }
0x1e4: {  	[hbm4b:s19+s3] =	stream.linear.scatter [tilespmem:s13], [sflag:$0x5], $0x80, $0x38;
	[tilespmem:$0x1E800] =	vst v63  }
0x1e5: {  	s13 =	sadd.s32 $0xEB18, s12;
	s19 =	sadd.s32 $0x30, s17  }
0x1e6: {  	[hbm4b:s19+s3] =	stream.linear.scatter [tilespmem:s13], [sflag:$0x5], $0x80, $0x38;
	[tilespmem:$0x1E800] =	vst v63  }
0x1e7: {  	s13 =	sadd.s32 $0xED20, s12;
	s19 =	sadd.s32 $0x40, s17  }
0x1e8: {  	[hbm4b:s19+s3] =	stream.linear.scatter [tilespmem:s13], [sflag:$0x5], $0x80, $0x38;
	[tilespmem:$0x1E800] =	vst v63  }
0x1e9: {  	s13 =	sadd.s32 $0xEF28, s12;
	s19 =	sadd.s32 $0x50, s17  }
0x1ea: {  	[hbm4b:s19+s3] =	stream.linear.scatter [tilespmem:s13], [sflag:$0x5], $0x80, $0x38;
	[tilespmem:$0x1E800] =	vst v63  }
0x1eb: {  	s13 =	sadd.s32 $0xF130, s12;
	s19 =	sadd.s32 $0x60, s17  }
0x1ec: {  	[hbm4b:s19+s3] =	stream.linear.scatter [tilespmem:s13], [sflag:$0x5], $0x80, $0x38;
	[tilespmem:$0x1E800] =	vst v63  }
0x1ed: {  	s19 =	sor.u32 s9, s11  }
0x1ee: {  	s17 =	sadd.s32 $0x70, s17;
	s13 =	sadd.s32 $0xF338, s12;
	s6 =	sshrl.u32 s19, $0x3  }
0x1ef: {  	[hbm4b:s17+s3] =	stream.linear.scatter [tilespmem:s13], [sflag:$0x5], $0x80, $0x38;
	[tilespmem:$0x1E800] =	vst v63  }
0x1f0: {  	s10 =	simm.s32 $0xE580;
	s12 =	sadd.s32 s2, s6  }
0x1f1: {  	[hbm4b:s12+s3] =	stream.linear.scatter [tilespmem:s10], [sflag:$0x5], $0x80, $0x38;
	[tilespmem:$0x1E800] =	vst v63  }
0x1f2: {  	s11 =	simm.s32 $0xE788;
	s13 =	sadd.s32 $0x10, s12  }
0x1f3: {  	[hbm4b:s13+s3] =	stream.linear.scatter [tilespmem:s11], [sflag:$0x5], $0x80, $0x38;
	[tilespmem:$0x1E800] =	vst v63  }
0x1f4: {  	s17 =	simm.s32 $0xE990;
	s19 =	sadd.s32 $0x20, s12  }
0x1f5: {  	[hbm4b:s19+s3] =	stream.linear.scatter [tilespmem:s17], [sflag:$0x5], $0x80, $0x38;
	[tilespmem:$0x1E800] =	vst v63  }
0x1f6: {  	s11 =	simm.s32 $0xEB98;
	s13 =	sadd.s32 $0x30, s12  }
0x1f7: {  	[hbm4b:s13+s3] =	stream.linear.scatter [tilespmem:s11], [sflag:$0x5], $0x80, $0x38;
	[tilespmem:$0x1E800] =	vst v63  }
0x1f8: {  	s17 =	simm.s32 $0xEDA0;
	s19 =	sadd.s32 $0x40, s12  }
0x1f9: {  	[hbm4b:s19+s3] =	stream.linear.scatter [tilespmem:s17], [sflag:$0x5], $0x80, $0x38;
	[tilespmem:$0x1E800] =	vst v63  }
0x1fa: {  	s6 =	simm.s32 $0xF3B8;
	s11 =	simm.s32 $0xEFA8;
	s13 =	sadd.s32 $0x50, s12  }
0x1fb: {  	[hbm4b:s13+s3] =	stream.linear.scatter [tilespmem:s11], [sflag:$0x5], $0x80, $0x38;
	[tilespmem:$0x1E800] =	vst v63  }
0x1fc: {  	s10 =	sadd.s32 $0x70, s12;
	s17 =	simm.s32 $0xF1B0;
	s19 =	sadd.s32 $0x60, s12  }
0x1fd: {  	[hbm4b:s19+s3] =	stream.linear.scatter [tilespmem:s17], [sflag:$0x5], $0x80, $0x38;
	[tilespmem:$0x1E800] =	vst v63  }
0x1fe: {  	s12 =	sadd.s32 $0x4000, s12;
	s11 =	simm.s32 $0x1040;
	s17 =	simm.s32 $0x8200  }
.LBB2_17:
0x1ff: {  	[hbm4b:s10+s3] =	stream.linear.scatter [tilespmem:s6], [sflag:$0x5], $0x80, $0x38;
	[tilespmem:$0x1E800] =	vst v63  }
0x200: {  	s6 =	smov.u32 s11;
	s10 =	smov.u32 s17  }
0x201: {  	s13 =	sadd.s32 $0x4100, s17;
	s11 =	sshra.s32 s10, $0x2;
	s10 =	sadd.s32 $0xE580, s6  }
0x202: {  	[hbm4b:s12+s3] =	stream.linear.scatter [tilespmem:s10], [sflag:$0x5], $0x80, $0x38;
	[tilespmem:$0x1E800] =	vst v63  }
0x203: {  	p1 =	sne.s32 s17, $0x1C700;
	s17 =	sadd.s32 $0x10, s12;
	s10 =	sadd.s32 $0xE788, s6  }
0x204: {  	[hbm4b:s17+s3] =	stream.linear.scatter [tilespmem:s10], [sflag:$0x5], $0x80, $0x38;
	[tilespmem:$0x1E800] =	vst v63  }
0x205: {  	s10 =	sadd.s32 $0xE990, s6;
	s17 =	sadd.s32 $0x20, s12  }
0x206: {  	[hbm4b:s17+s3] =	stream.linear.scatter [tilespmem:s10], [sflag:$0x5], $0x80, $0x38;
	[tilespmem:$0x1E800] =	vst v63  }
0x207: {  	s10 =	sadd.s32 $0xEB98, s6;
	s17 =	sadd.s32 $0x30, s12  }
0x208: {  	[hbm4b:s17+s3] =	stream.linear.scatter [tilespmem:s10], [sflag:$0x5], $0x80, $0x38;
	[tilespmem:$0x1E800] =	vst v63  }
0x209: {  	s10 =	sadd.s32 $0xEDA0, s6;
	s17 =	sadd.s32 $0x40, s12  }
0x20a: {  	[hbm4b:s17+s3] =	stream.linear.scatter [tilespmem:s10], [sflag:$0x5], $0x80, $0x38;
	[tilespmem:$0x1E800] =	vst v63  }
.Ltmp7:
0x20b: {  	s10 =	sadd.s32 $0xEFA8, s6;
	s17 =	sadd.s32 $0x50, s12;
	(pc) =	sbr.rel @p1 .LBB2_17-.Ltmp7, $4  }
0x20c: {  	[hbm4b:s17+s3] =	stream.linear.scatter [tilespmem:s10], [sflag:$0x5], $0x80, $0x38;
	[tilespmem:$0x1E800] =	vst v63  }
0x20d: {  	s10 =	sadd.s32 $0xF1B0, s6;
	s17 =	sadd.s32 $0x60, s12;
	s6 =	sadd.s32 $0xF3B8, s6  }
0x20e: {  	[hbm4b:s17+s3] =	stream.linear.scatter [tilespmem:s10], [sflag:$0x5], $0x80, $0x38;
	[tilespmem:$0x1E800] =	vst v63  }
0x20f: {  	s10 =	sadd.s32 $0x70, s12;
	s12 =	sadd.s32 $0x4000, s12;
	s17 =	smov.u32 s13  }
0x210: {  	[hbm4b:s10+s3] =	stream.linear.scatter [tilespmem:s6], [sflag:$0x5], $0x80, $0x38;
	[tilespmem:$0x1E800] =	vst v63  }
0x211: {  	s19 =	sadd.s32 $0xE580, s11  }
0x212: {  	[hbm4b:s12+s3] =	stream.linear.scatter [tilespmem:s19], [sflag:$0x5], $0x80, $0x38;
	[tilespmem:$0x1E800] =	vst v63  }
0x213: {  	s10 =	sadd.s32 $0xE788, s11;
	s13 =	sadd.s32 $0x10, s12  }
0x214: {  	[hbm4b:s13+s3] =	stream.linear.scatter [tilespmem:s10], [sflag:$0x5], $0x80, $0x38;
	[tilespmem:$0x1E800] =	vst v63  }
0x215: {  	s17 =	sadd.s32 $0xE990, s11;
	s19 =	sadd.s32 $0x20, s12  }
0x216: {  	[hbm4b:s19+s3] =	stream.linear.scatter [tilespmem:s17], [sflag:$0x5], $0x80, $0x38;
	[tilespmem:$0x1E800] =	vst v63  }
0x217: {  	s10 =	sadd.s32 $0xEB98, s11;
	s13 =	sadd.s32 $0x30, s12  }
0x218: {  	[hbm4b:s13+s3] =	stream.linear.scatter [tilespmem:s10], [sflag:$0x5], $0x80, $0x38;
	[tilespmem:$0x1E800] =	vst v63  }
0x219: {  	s17 =	sadd.s32 $0xEDA0, s11;
	s19 =	sadd.s32 $0x40, s12  }
0x21a: {  	[hbm4b:s19+s3] =	stream.linear.scatter [tilespmem:s17], [sflag:$0x5], $0x80, $0x38;
	[tilespmem:$0x1E800] =	vst v63  }
0x21b: {  	s10 =	sadd.s32 $0xEFA8, s11;
	s13 =	sadd.s32 $0x50, s12  }
0x21c: {  	[hbm4b:s13+s3] =	stream.linear.scatter [tilespmem:s10], [sflag:$0x5], $0x80, $0x38;
	[tilespmem:$0x1E800] =	vst v63  }
0x21d: {  	s17 =	sadd.s32 $0xF1B0, s11;
	s19 =	sadd.s32 $0x60, s12  }
0x21e: {  	[hbm4b:s19+s3] =	stream.linear.scatter [tilespmem:s17], [sflag:$0x5], $0x80, $0x38;
	[tilespmem:$0x1E800] =	vst v63  }
0x21f: {  	s6 =	simm.s32 @!p0 $0x6;
	s11 =	sadd.s32 $0xF3B8, s11;
	s13 =	sadd.s32 $0x70, s12  }
0x220: {  	[hbm4b:s13+s3] =	stream.linear.scatter [tilespmem:s11], [sflag:$0x5], $0x80, $0x38;
	[tilespmem:$0x1E800] =	vst v63  }
0x221: {  	_ =	swait.ge @!p0 [sflag:s6], $0x2000  }
0x222: {  	[sflag:s6] =	ssyncset.done @!p0 $0x0  }
0x223: {  	[sflag:s6] =	ssyncadd.s32 @!p0 $0xFFFFE000  }
0x224: {  	_ =	swait.ge @!p0 [sflag:s6], $0x2000  }
0x225: {  	[sflag:s6] =	ssyncset.done @!p0 $0x0  }
0x226: {  	[sflag:s6] =	ssyncadd.s32 @!p0 $0xFFFFE000  }
0x227: {  	_ =	swait.ge @!p0 [sflag:s6], $0x2000  }
0x228: {  	[sflag:s6] =	ssyncset.done @!p0 $0x0  }
0x229: {  	[sflag:s6] =	ssyncadd.s32 @!p0 $0xFFFFE000  }
0x22a: {  	_ =	swait.ge @!p0 [sflag:s6], $0x2000  }
0x22b: {  	[sflag:s6] =	ssyncset.done @!p0 $0x0  }
0x22c: {  	[sflag:s6] =	ssyncadd.s32 @!p0 $0xFFFFE000  }
0x22d: {  	_ =	swait.ge [sflag:s21], $0x2000  }
0x22e: {  	[sflag:s21] =	ssyncset.done $0x0  }
0x22f: {  	s19 =	simm.s32 $0x6480;
	s17 =	simm.s32 $0x3;
	[sflag:s21] =	ssyncadd.s32 $0xFFFFE000  }
0x230: {  	v4 =	vmov s17;
	v5 =	vld [tilespmem:s19+$0x40]  }
0x231: {  	v9 =	vand.u32 $0x7F, v4  }
0x232: {  	s10 =	simm.s32 $0x0;
	v4 =	vadd.s32 v0, v9  }
0x233: {  	s12 =	simm.s32 $0x2;
	v6 =	vmov s10;
	s11 =	simm.s32 $0x1;
	v7 =	vld [tilespmem:s19+$0xFFFFFF80]  }
0x234: {  	v11 =	vmov s12;
	v8 =	vand.u32 $0x7C, v6;
	v6 =	vmov s11;
	v10 =	vld [tilespmem:s19+$0xFFFFFFC0]  }
0x235: {  	v12 =	vadd.s32 v0, v8;
	v15 =	vand.u32 $0x7D, v6;
	v6 =	vld [tilespmem:s19+$0x0];
	v5 =	vmul.f32 $8.000000000e+00, v5  }
0x236: {  	v17 =	vand.u32 $0x7E, v11;
	v13 =	vadd.s32 v0, v15  }
0x237: {  	v11 =	vadd.s32 v0, v17;
	[tilespmem:v4+s26+$0x0] =	vst.idx.msk $0xffff, v5  }
0x238: {  	v4 =	vmul.f32 $8.000000000e+00, v7;
	v5 =	vld [tilespmem:s19+$0x50]  }
0x239: {  	v7 =	vmul.f32 $8.000000000e+00, v10  }
0x23a: {  	[tilespmem:v12+s26+$0x0] =	vst.idx.msk $0xffff, v4;
	v4 =	vmul.f32 $8.000000000e+00, v6;
	v6 =	vadd.s32 v1, v9  }
0x23b: {  	[tilespmem:v13+s26+$0x0] =	vst.idx.msk $0xffff, v7;
	v10 =	vld [tilespmem:s19+$0xFFFFFF90]  }
0x23c: {  	v7 =	vld [tilespmem:s19+$0xFFFFFFD0];
	[tilespmem:v11+s26+$0x0] =	vst.idx.msk $0xffff, v4  }
0x23d: {  	v11 =	vld [tilespmem:s19+$0x10];
	v4 =	vmul.f32 $8.000000000e+00, v5  }
0x23e: {  	s17 =	simm.s32 $0x7;
	s13 =	simm.s32 $0x4;
	s11 =	simm.s32 $0x6580;
	v12 =	vadd.s32 v1, v15  }
0x23f: {  	v14 =	vld [tilespmem:s11+$0x40];
	v13 =	vadd.s32 v1, v17;
	v5 =	vmov s13;
	[tilespmem:v6+s26+$0x0] =	vst.idx.msk $0xffff, v4;
	v6 =	vmov s17  }
0x240: {  	v16 =	vadd.s32 v1, v8;
	v4 =	vand.u32 $0x7C, v5;
	v5 =	vand.u32 $0x7F, v6;
	v18 =	vld [tilespmem:s19+$0x60]  }
0x241: {  	s10 =	simm.s32 $0x5;
	v22 =	vadd.s32 v2, v9;
	v19 =	vld [tilespmem:s11+$0xFFFFFF80];
	v6 =	vmul.f32 $8.000000000e+00, v7;
	v20 =	vadd.s32 v0, v5  }
0x242: {  	s12 =	simm.s32 $0x6;
	v21 =	vld [tilespmem:s11+$0xFFFFFFC0];
	v10 =	vmul.f32 $8.000000000e+00, v10;
	v7 =	vmul.f32 $8.000000000e+00, v11;
	v11 =	vmov s10  }
0x243: {  	v23 =	vadd.s32 v0, v4;
	[tilespmem:v12+s26+$0x0] =	vst.idx.msk $0xffff, v6;
	v12 =	vmov s12;
	v6 =	vand.u32 $0x7D, v11;
	v11 =	vld [tilespmem:s11+$0x0]  }
0x244: {  	[tilespmem:v13+s26+$0x0] =	vst.idx.msk $0xffff, v7;
	v13 =	vadd.s32 v0, v6;
	v7 =	vand.u32 $0x7E, v12;
	v12 =	vmul.f32 $8.000000000e+00, v14;
	v14 =	vld [tilespmem:s19+$0xFFFFFFE0]  }
0x245: {  	[tilespmem:v16+s26+$0x0] =	vst.idx.msk $0xffff, v10;
	v10 =	vadd.s32 v0, v7;
	v16 =	vld [tilespmem:s19+$0x20];
	v18 =	vmul.f32 $8.000000000e+00, v18  }
0x246: {  	v19 =	vmul.f32 $8.000000000e+00, v19;
	[tilespmem:v20+s26+$0x0] =	vst.idx.msk $0xffff, v12;
	v12 =	vld [tilespmem:s19+$0xFFFFFFA0];
	v20 =	vadd.s32 v2, v15  }
0x247: {  	v25 =	vadd.s32 v2, v17;
	v21 =	vmul.f32 $8.000000000e+00, v21;
	v24 =	vld [tilespmem:s11+$0x50];
	[tilespmem:v22+s26+$0x0] =	vst.idx.msk $0xffff, v18  }
0x248: {  	[tilespmem:v23+s26+$0x0] =	vst.idx.msk $0xffff, v19;
	v19 =	vadd.s32 v2, v8;
	v11 =	vmul.f32 $8.000000000e+00, v11;
	v22 =	vld [tilespmem:s19+$0x70]  }
0x249: {  	v23 =	vld [tilespmem:s11+$0xFFFFFF90];
	[tilespmem:v13+s26+$0x0] =	vst.idx.msk $0xffff, v21;
	v21 =	vadd.s32 v1, v5;
	v14 =	vmul.f32 $8.000000000e+00, v14  }
0x24a: {  	v27 =	vadd.s32 v3, v9;
	v26 =	vld [tilespmem:s11+$0xFFFFFFD0];
	[tilespmem:v10+s26+$0x0] =	vst.idx.msk $0xffff, v11;
	v10 =	vmul.f32 $8.000000000e+00, v16  }
0x24b: {  	v18 =	vadd.s32 v1, v4;
	v13 =	vld [tilespmem:s11+$0x10];
	v9 =	vmul.f32 $8.000000000e+00, v12;
	[tilespmem:v20+s26+$0x0] =	vst.idx.msk $0xffff, v14  }
0x24c: {  	s17 =	simm.s32 $0x8;
	v16 =	vadd.s32 v1, v6;
	[tilespmem:v25+s26+$0x0] =	vst.idx.msk $0xffff, v10;
	v14 =	vmul.f32 $8.000000000e+00, v24;
	v12 =	vld [tilespmem:s19+$0xFFFFFFF0]  }
0x24d: {  	v20 =	vmov s17;
	v10 =	vadd.s32 v1, v7;
	v11 =	vld [tilespmem:s19+$0x30];
	[tilespmem:v19+s26+$0x0] =	vst.idx.msk $0xffff, v9;
	v63 =	vmul.f32 $8.000000000e+00, v22  }
0x24e: {  	s13 =	simm.s32 $0xB;
	s12 =	simm.s32 $0x6680;
	v15 =	vadd.s32 v3, v15;
	v9 =	vand.u32 $0x7C, v20;
	v20 =	vmul.f32 $8.000000000e+00, v23;
	[tilespmem:v21+s26+$0x0] =	vst.idx.msk $0xffff, v14;
	v14 =	vld [tilespmem:s19+$0xFFFFFFB0]  }
0x24f: {  	s1 =	sor.u32 $0x1, s1;
	v17 =	vadd.s32 v3, v17;
	v22 =	vmov s13;
	v19 =	vld [tilespmem:s12+$0x40];
	s19 =	simm.s32 $0xC;
	v21 =	vmul.f32 $8.000000000e+00, v26;
	[tilespmem:v27+s26+$0x0] =	vst.idx.msk $0xffff, v63  }
.LBB2_19:
0x250: {  	p0 =	slt.u32 s19, $0x7C;
	s6 =	sadd.s32 $0x1, s17;
	v22 =	vand.u32 $0x7F, v22;
	[tilespmem:v18+s26+$0x0] =	vst.idx.msk $0xffff, v20;
	v13 =	vmul.f32 $8.000000000e+00, v13;
	v18 =	vld [tilespmem:s11+$0x60];
	v20 =	vadd.s32 v3, v8;
	v8 =	vmovc v4  }
0x251: {  	v4 =	vmovc v9;
	v23 =	vld [tilespmem:s12+$0xFFFFFF80];
	v24 =	vmov s6;
	s6 =	sadd.s32 $0x2, s17;
	v25 =	vadd.s32 v0, v22;
	[tilespmem:v16+s26+$0x0] =	vst.idx.msk $0xffff, v21;
	v12 =	vmul.f32 $8.000000000e+00, v12;
	s17 =	smov.u32 s19  }
0x252: {  	v9 =	vld [tilespmem:s12+$0xFFFFFFC0];
	v16 =	vmov s6;
	[tilespmem:v10+s26+$0x0] =	vst.idx.msk $0xffff, v13;
	v10 =	vadd.s32 v2, v5;
	v11 =	vmul.f32 $8.000000000e+00, v11  }
0x253: {  	v13 =	vadd.s32 v0, v4;
	v21 =	vand.u32 $0x7D, v24;
	v24 =	vld [tilespmem:s12+$0x0];
	v14 =	vmul.f32 $8.000000000e+00, v14;
	[tilespmem:v15+s26+$0x0] =	vst.idx.msk $0xffff, v12  }
0x254: {  	v12 =	vadd.s32 v0, v21;
	v26 =	vand.u32 $0x7E, v16;
	v15 =	vmul.f32 $8.000000000e+00, v19;
	v16 =	vld [tilespmem:s11+$0xFFFFFFE0];
	[tilespmem:v17+s26+$0x0] =	vst.idx.msk $0xffff, v11  }
0x255: {  	v11 =	vadd.s32 v0, v26;
	v17 =	vld [tilespmem:s11+$0x20];
	v18 =	vmul.f32 $8.000000000e+00, v18;
	[tilespmem:v20+s26+$0x0] =	vst.idx.msk $0xffff, v14  }
0x256: {  	v19 =	vadd.s32 v2, v6;
	v14 =	vmul.f32 $8.000000000e+00, v23;
	[tilespmem:v25+s26+$0x0] =	vst.idx.msk $0xffff, v15;
	v15 =	vld [tilespmem:s11+$0xFFFFFFA0]  }
0x257: {  	v23 =	vadd.s32 v2, v7;
	v9 =	vmul.f32 $8.000000000e+00, v9;
	v20 =	vld [tilespmem:s12+$0x50];
	[tilespmem:v10+s26+$0x0] =	vst.idx.msk $0xffff, v18  }
0x258: {  	[tilespmem:v13+s26+$0x0] =	vst.idx.msk $0xffff, v14;
	v10 =	vmul.f32 $8.000000000e+00, v24;
	v14 =	vadd.s32 v2, v8;
	v24 =	vld [tilespmem:s11+$0x70]  }
0x259: {  	v27 =	vadd.s32 v1, v22;
	v25 =	vld [tilespmem:s12+$0xFFFFFF90];
	[tilespmem:v12+s26+$0x0] =	vst.idx.msk $0xffff, v9;
	v9 =	vmul.f32 $8.000000000e+00, v16  }
0x25a: {  	v29 =	vadd.s32 v3, v5;
	v5 =	vmov v22;
	v28 =	vld [tilespmem:s12+$0xFFFFFFD0];
	[tilespmem:v11+s26+$0x0] =	vst.idx.msk $0xffff, v10;
	v10 =	vmul.f32 $8.000000000e+00, v17  }
.Ltmp8:
0x25b: {  	v18 =	vadd.s32 v1, v4;
	v13 =	vld [tilespmem:s12+$0x10];
	v11 =	vmul.f32 $8.000000000e+00, v15;
	[tilespmem:v19+s26+$0x0] =	vst.idx.msk $0xffff, v9;
	(pc) =	sbr.rel @p0 .LBB2_19-.Ltmp8, $4  }
0x25c: {  	v16 =	vadd.s32 v1, v21;
	v15 =	vmul.f32 $8.000000000e+00, v20;
	v12 =	vld [tilespmem:s11+$0xFFFFFFF0];
	[tilespmem:v23+s26+$0x0] =	vst.idx.msk $0xffff, v10  }
0x25d: {  	v9 =	vmov s19;
	v10 =	vadd.s32 v1, v26;
	[tilespmem:v14+s26+$0x0] =	vst.idx.msk $0xffff, v11;
	v11 =	vld [tilespmem:s11+$0x30];
	v23 =	vmul.f32 $8.000000000e+00, v24  }
0x25e: {  	s6 =	sadd.s32 $0x3, s19;
	v9 =	vand.u32 $0x7C, v9;
	v20 =	vmul.f32 $8.000000000e+00, v25;
	[tilespmem:v27+s26+$0x0] =	vst.idx.msk $0xffff, v15;
	v14 =	vld [tilespmem:s11+$0xFFFFFFB0];
	v15 =	vadd.s32 v3, v6;
	v6 =	vmovc v21;
	s11 =	smov.u32 s12;
	s12 =	sadd.s32 $0x100, s12  }
0x25f: {  	v22 =	vmov s6;
	v17 =	vadd.s32 v3, v7;
	v7 =	vmovc v26;
	s19 =	sadd.s32 $0x4, s19;
	v19 =	vld [tilespmem:s12+$0x40];
	v21 =	vmul.f32 $8.000000000e+00, v28;
	[tilespmem:v29+s26+$0x0] =	vst.idx.msk $0xffff, v23  }
0x260: {  	s6 =	sadd.s32 $0x1, s17  }
0x261: {  	v22 =	vand.u32 $0x7F, v22;
	s10 =	sadd.s32 $0x2, s17;
	v24 =	vld [tilespmem:s12+$0xFFFFFFC0];
	v23 =	vmov s6  }
0x262: {  	v27 =	vld [tilespmem:s12+$0x0];
	v25 =	vadd.s32 v0, v22;
	v26 =	vmov s10;
	v23 =	vand.u32 $0x7D, v23  }
0x263: {  	v28 =	vld [tilespmem:s12+$0xFFFFFF80];
	v26 =	vand.u32 $0x7E, v26;
	v29 =	vadd.s32 v0, v23  }
0x264: {  	v30 =	vadd.s32 v0, v26  }
0x265: {  	[tilespmem:v18+s26+$0x0] =	vst.idx.msk $0xffff, v20;
	v18 =	vadd.s32 v0, v9;
	v19 =	vmul.f32 $8.000000000e+00, v19  }
0x266: {  	[tilespmem:v16+s26+$0x0] =	vst.idx.msk $0xffff, v21;
	v16 =	vmul.f32 $8.000000000e+00, v24  }
0x267: {  	[tilespmem:v25+s26+$0x0] =	vst.idx.msk $0xffff, v19;
	v19 =	vmul.f32 $8.000000000e+00, v27  }
0x268: {  	v20 =	vmul.f32 $8.000000000e+00, v28;
	[tilespmem:v29+s26+$0x0] =	vst.idx.msk $0xffff, v16;
	v16 =	vld [tilespmem:s12+$0x50]  }
0x269: {  	v13 =	vmul.f32 $8.000000000e+00, v13;
	v8 =	vadd.s32 v3, v8;
	[tilespmem:v30+s26+$0x0] =	vst.idx.msk $0xffff, v19;
	v21 =	vld [tilespmem:s12+$0xFFFFFFD0]  }
0x26a: {  	v12 =	vmul.f32 $8.000000000e+00, v12;
	[tilespmem:v18+s26+$0x0] =	vst.idx.msk $0xffff, v20;
	v18 =	vadd.s32 v1, v22;
	v19 =	vld [tilespmem:s12+$0x10]  }
0x26b: {  	[tilespmem:v10+s26+$0x0] =	vst.idx.msk $0xffff, v13;
	v10 =	vmul.f32 $8.000000000e+00, v11;
	v13 =	vadd.s32 v1, v23;
	v11 =	vld [tilespmem:s12+$0xFFFFFF90]  }
0x26c: {  	v14 =	vmul.f32 $8.000000000e+00, v14;
	[tilespmem:v15+s26+$0x0] =	vst.idx.msk $0xffff, v12;
	v12 =	vadd.s32 v1, v26;
	v20 =	vld [tilespmem:s11+$0x60]  }
0x26d: {  	v15 =	vld [tilespmem:s11+$0xFFFFFFE0];
	[tilespmem:v17+s26+$0x0] =	vst.idx.msk $0xffff, v10;
	v10 =	vadd.s32 v1, v9;
	v16 =	vmul.f32 $8.000000000e+00, v16  }
0x26e: {  	v59 =	vld [tilespmem:s11+$0x20];
	v17 =	vadd.s32 v2, v5;
	[tilespmem:v8+s26+$0x0] =	vst.idx.msk $0xffff, v14;
	v8 =	vmul.f32 $8.000000000e+00, v21  }
0x26f: {  	v14 =	vld [tilespmem:s11+$0xFFFFFFA0];
	v21 =	vadd.s32 v2, v6;
	[tilespmem:v18+s26+$0x0] =	vst.idx.msk $0xffff, v16;
	v16 =	vmul.f32 $8.000000000e+00, v19  }
0x270: {  	v11 =	vmul.f32 $8.000000000e+00, v11;
	v18 =	vadd.s32 v2, v7;
	v19 =	vld [tilespmem:s12+$0x60];
	[tilespmem:v13+s26+$0x0] =	vst.idx.msk $0xffff, v8  }
0x271: {  	v8 =	vmul.f32 $8.000000000e+00, v20;
	v13 =	vadd.s32 v2, v4;
	[tilespmem:v12+s26+$0x0] =	vst.idx.msk $0xffff, v16;
	v12 =	vld [tilespmem:s12+$0xFFFFFFE0]  }
0x272: {  	v15 =	vmul.f32 $8.000000000e+00, v15;
	[tilespmem:v10+s26+$0x0] =	vst.idx.msk $0xffff, v11;
	v10 =	vadd.s32 v2, v22;
	v11 =	vld [tilespmem:s12+$0x20]  }
0x273: {  	v16 =	vld [tilespmem:s12+$0xFFFFFFA0];
	[tilespmem:v17+s26+$0x0] =	vst.idx.msk $0xffff, v8;
	v8 =	vmul.f32 $8.000000000e+00, v59;
	v17 =	vadd.s32 v2, v23  }
0x274: {  	v14 =	vmul.f32 $8.000000000e+00, v14;
	v20 =	vld [tilespmem:s11+$0x70];
	[tilespmem:v21+s26+$0x0] =	vst.idx.msk $0xffff, v15;
	v15 =	vadd.s32 v2, v26  }
0x275: {  	v21 =	vld [tilespmem:s11+$0xFFFFFFF0];
	[tilespmem:v18+s26+$0x0] =	vst.idx.msk $0xffff, v8;
	v18 =	vadd.s32 v2, v9;
	v8 =	vmul.f32 $8.000000000e+00, v19  }
0x276: {  	v5 =	vadd.s32 v3, v5;
	[tilespmem:v13+s26+$0x0] =	vst.idx.msk $0xffff, v14;
	v13 =	vld [tilespmem:s11+$0x30];
	v12 =	vmul.f32 $8.000000000e+00, v12  }
0x277: {  	v6 =	vadd.s32 v3, v6;
	v14 =	vld [tilespmem:s11+$0xFFFFFFB0];
	[tilespmem:v10+s26+$0x0] =	vst.idx.msk $0xffff, v8;
	v8 =	vmul.f32 $8.000000000e+00, v11  }
0x278: {  	v7 =	vadd.s32 v3, v7;
	v11 =	vmul.f32 $8.000000000e+00, v16;
	v10 =	vld [tilespmem:s12+$0x70];
	[tilespmem:v17+s26+$0x0] =	vst.idx.msk $0xffff, v12  }
0x279: {  	v4 =	vadd.s32 v3, v4;
	v12 =	vmul.f32 $8.000000000e+00, v20;
	v16 =	vld [tilespmem:s12+$0xFFFFFFF0];
	[tilespmem:v15+s26+$0x0] =	vst.idx.msk $0xffff, v8  }
0x27a: {  	v8 =	vmul.f32 $8.000000000e+00, v21;
	v15 =	vadd.s32 v3, v22;
	[tilespmem:v18+s26+$0x0] =	vst.idx.msk $0xffff, v11;
	v11 =	vld [tilespmem:s12+$0x30]  }
0x27b: {  	[tilespmem:v5+s26+$0x0] =	vst.idx.msk $0xffff, v12;
	v5 =	vmul.f32 $8.000000000e+00, v13;
	v12 =	vld [tilespmem:s12+$0xFFFFFFB0];
	v13 =	vadd.s32 v3, v23  }
0x27c: {  	v14 =	vmul.f32 $8.000000000e+00, v14;
	[tilespmem:v6+s26+$0x0] =	vst.idx.msk $0xffff, v8;
	v6 =	vadd.s32 v3, v26  }
0x27d: {  	[tilespmem:v7+s26+$0x0] =	vst.idx.msk $0xffff, v5;
	v7 =	vadd.s32 v3, v9;
	v5 =	vmul.f32 $8.000000000e+00, v10  }
0x27e: {  	[tilespmem:v4+s26+$0x0] =	vst.idx.msk $0xffff, v14;
	v4 =	vmul.f32 $8.000000000e+00, v16  }
0x27f: {  	[tilespmem:v15+s26+$0x0] =	vst.idx.msk $0xffff, v5;
	v5 =	vmul.f32 $8.000000000e+00, v11  }
0x280: {  	v8 =	vmul.f32 $8.000000000e+00, v12;
	[tilespmem:v13+s26+$0x0] =	vst.idx.msk $0xffff, v4  }
0x281: {  	p0 =	sgt.u32 s1, $0x30;
	[tilespmem:v6+s26+$0x0] =	vst.idx.msk $0xffff, v5  }
0x282: {  	s6 =	sadd.s32 @!p0 $0x400, s0;
	s10 =	simm.s32 @!p0 $0x80;
	s11 =	simm.s32 @!p0 $0x6400;
	[tilespmem:v7+s26+$0x0] =	vst.idx.msk $0xffff, v8  }
0x283: {  	[tilespmem:s11], [sflag:$0x1] =	stream.indirect.gather @!p0 [hbm4b:s4+s10], $0x40, s6, s10, $0xb8;
	[tilespmem:$0x1E800] =	vst v63  }
0x284: {  	_ =	swait.ge [sflag:s23], $0x2000  }
0x285: {  	[sflag:s23] =	ssyncset.done $0x0  }
0x286: {  	s12 =	simm.s32 $0x83;
	s11 =	simm.s32 $0x84F0;
	[sflag:s23] =	ssyncadd.s32 $0xFFFFE000  }
0x287: {  	v4 =	vmov s12;
	v7 =	vld [tilespmem:s11+$0xFFFFFFD0]  }
0x288: {  	v11 =	vand.u32 $0xFF, v4  }
0x289: {  	s13 =	simm.s32 $0x80;
	v8 =	vadd.s32 v0, v11  }
0x28a: {  	s17 =	simm.s32 $0x81;
	s19 =	simm.s32 $0x82;
	v4 =	vmov s13;
	v9 =	vld [tilespmem:s11+$0xFFFFFF10]  }
0x28b: {  	v10 =	vmov s19;
	v5 =	vmov s17;
	v6 =	vand.u32 $0xFC, v4;
	v12 =	vld [tilespmem:s11+$0xFFFFFF50]  }
0x28c: {  	v5 =	vand.u32 $0xFD, v5;
	v13 =	vadd.s32 v0, v6;
	v14 =	vld [tilespmem:s11+$0xFFFFFF90];
	v7 =	vmul.f32 $8.000000000e+00, v7  }
0x28d: {  	v4 =	vand.u32 $0xFE, v10;
	v15 =	vadd.s32 v0, v5  }
0x28e: {  	v10 =	vadd.s32 v0, v4;
	[tilespmem:v8+s26+$0x0] =	vst.idx.msk $0xffff, v7  }
0x28f: {  	v7 =	vmul.f32 $8.000000000e+00, v9;
	v8 =	vld [tilespmem:s11+$0xFFFFFFE0]  }
0x290: {  	v9 =	vmul.f32 $8.000000000e+00, v12  }
0x291: {  	v12 =	vadd.s32 v1, v11;
	[tilespmem:v13+s26+$0x0] =	vst.idx.msk $0xffff, v7;
	v7 =	vmul.f32 $8.000000000e+00, v14  }
0x292: {  	[tilespmem:v15+s26+$0x0] =	vst.idx.msk $0xffff, v9;
	v13 =	vld [tilespmem:s11+$0xFFFFFF20]  }
0x293: {  	v9 =	vld [tilespmem:s11+$0xFFFFFF60];
	[tilespmem:v10+s26+$0x0] =	vst.idx.msk $0xffff, v7  }
0x294: {  	v10 =	vld [tilespmem:s11+$0xFFFFFFA0];
	v7 =	vmul.f32 $8.000000000e+00, v8  }
0x295: {  	s12 =	simm.s32 $0x85F0;
	s13 =	simm.s32 $0x87;
	s17 =	simm.s32 $0x85;
	v8 =	vadd.s32 v1, v6  }
0x296: {  	v17 =	vmov s17;
	v14 =	vadd.s32 v1, v5;
	[tilespmem:v12+s26+$0x0] =	vst.idx.msk $0xffff, v7;
	v7 =	vmov s13;
	v12 =	vld [tilespmem:s12+$0xFFFFFFD0]  }
0x297: {  	s10 =	simm.s32 $0x84;
	v23 =	vadd.s32 v2, v11;
	v16 =	vadd.s32 v1, v4;
	v7 =	vand.u32 $0xFF, v7;
	v18 =	vld [tilespmem:s11+$0xFFFFFFF0]  }
0x298: {  	v20 =	vld [tilespmem:s12+$0xFFFFFF10];
	v15 =	vmov s10;
	v13 =	vmul.f32 $8.000000000e+00, v13;
	v21 =	vadd.s32 v0, v7  }
0x299: {  	s19 =	simm.s32 $0x86;
	v19 =	vmul.f32 $8.000000000e+00, v9;
	v22 =	vmul.f32 $8.000000000e+00, v10;
	v10 =	vand.u32 $0xFC, v15;
	v15 =	vld [tilespmem:s12+$0xFFFFFF50]  }
0x29a: {  	v9 =	vand.u32 $0xFD, v17;
	v17 =	vld [tilespmem:s12+$0xFFFFFF90];
	[tilespmem:v8+s26+$0x0] =	vst.idx.msk $0xffff, v13;
	v8 =	vmov s19;
	v13 =	vadd.s32 v0, v10  }
0x29b: {  	v60 =	vadd.s32 v0, v9;
	[tilespmem:v14+s26+$0x0] =	vst.idx.msk $0xffff, v19;
	v8 =	vand.u32 $0xFE, v8;
	v61 =	vld [tilespmem:s11+$0xFFFFFF30];
	v12 =	vmul.f32 $8.000000000e+00, v12  }
0x29c: {  	[tilespmem:v16+s26+$0x0] =	vst.idx.msk $0xffff, v22;
	v22 =	vld [tilespmem:s11+$0xFFFFFF70];
	v16 =	vadd.s32 v0, v8;
	v14 =	vmul.f32 $8.000000000e+00, v18  }
0x29d: {  	v62 =	vadd.s32 v2, v6;
	v63 =	vld [tilespmem:s11+$0xFFFFFFB0];
	v18 =	vmul.f32 $8.000000000e+00, v20;
	[tilespmem:v21+s26+$0x0] =	vst.idx.msk $0xffff, v12  }
0x29e: {  	v15 =	vmul.f32 $8.000000000e+00, v15;
	v19 =	vld [tilespmem:s12+$0xFFFFFFE0];
	[tilespmem:v23+s26+$0x0] =	vst.idx.msk $0xffff, v14;
	v14 =	vadd.s32 v2, v5  }
0x29f: {  	v17 =	vmul.f32 $8.000000000e+00, v17;
	[tilespmem:v13+s26+$0x0] =	vst.idx.msk $0xffff, v18;
	v13 =	vadd.s32 v2, v4;
	v12 =	vld [tilespmem:s11+$0x0]  }
0x2a0: {  	v20 =	vadd.s32 v1, v7;
	v18 =	vld [tilespmem:s12+$0xFFFFFF20];
	[tilespmem:v60+s26+$0x0] =	vst.idx.msk $0xffff, v15;
	v23 =	vmul.f32 $8.000000000e+00, v61  }
0x2a1: {  	v11 =	vadd.s32 v3, v11;
	v21 =	vmul.f32 $8.000000000e+00, v22;
	v15 =	vld [tilespmem:s12+$0xFFFFFF60];
	[tilespmem:v16+s26+$0x0] =	vst.idx.msk $0xffff, v17  }
0x2a2: {  	s17 =	simm.s32 $0x4;
	v16 =	vadd.s32 v1, v10;
	v22 =	vmul.f32 $8.000000000e+00, v63;
	v17 =	vld [tilespmem:s12+$0xFFFFFFA0];
	[tilespmem:v62+s26+$0x0] =	vst.idx.msk $0xffff, v23  }
.LBB2_21:
0x2a3: {  	s6 =	sadd.s32 $0x84, s17;
	v23 =	vadd.s32 v1, v9;
	v19 =	vmul.f32 $8.000000000e+00, v19;
	v24 =	vld [tilespmem:s11+$0xFFFFFF40];
	[tilespmem:v14+s26+$0x0] =	vst.idx.msk $0xffff, v21;
	s10 =	smov.u32 s17  }
0x2a4: {  	v21 =	vadd.s32 v1, v8;
	v14 =	vmov s6;
	s6 =	sadd.s32 $0x85, s17;
	v25 =	vld [tilespmem:s11+$0xFFFFFF80];
	[tilespmem:v13+s26+$0x0] =	vst.idx.msk $0xffff, v22;
	v12 =	vmul.f32 $8.000000000e+00, v12  }
0x2a5: {  	v13 =	vmov s6;
	s6 =	sadd.s32 $0x87, s17;
	v18 =	vmul.f32 $8.000000000e+00, v18;
	[tilespmem:v20+s26+$0x0] =	vst.idx.msk $0xffff, v19;
	v19 =	vadd.s32 v3, v6;
	v20 =	vld [tilespmem:s11+$0xFFFFFFC0];
	v6 =	vmovc v10;
	s11 =	smov.u32 s12;
	s12 =	sadd.s32 $0x100, s12  }
0x2a6: {  	v26 =	vadd.s32 v3, v5;
	v5 =	vmovc v9;
	s17 =	sadd.s32 $0x4, s17;
	v10 =	vmov s6;
	v22 =	vld [tilespmem:s12+$0xFFFFFFD0];
	v15 =	vmul.f32 $8.000000000e+00, v15;
	[tilespmem:v11+s26+$0x0] =	vst.idx.msk $0xffff, v12  }
0x2a7: {  	s6 =	sadd.s32 $0x86, s10;
	p1 =	slt.u32 s17, $0x7C;
	v12 =	vadd.s32 v3, v4;
	v4 =	vmovc v8;
	v27 =	vand.u32 $0xFF, v10;
	[tilespmem:v16+s26+$0x0] =	vst.idx.msk $0xffff, v18;
	v9 =	vmul.f32 $8.000000000e+00, v17;
	v11 =	vld [tilespmem:s11+$0xFFFFFFF0]  }
0x2a8: {  	v8 =	vmov s6;
	v16 =	vld [tilespmem:s12+$0xFFFFFF10];
	v17 =	vadd.s32 v0, v27;
	[tilespmem:v23+s26+$0x0] =	vst.idx.msk $0xffff, v15;
	v15 =	vmul.f32 $8.000000000e+00, v24  }
0x2a9: {  	v10 =	vand.u32 $0xFC, v14;
	v18 =	vadd.s32 v2, v7;
	v14 =	vld [tilespmem:s12+$0xFFFFFF50];
	[tilespmem:v21+s26+$0x0] =	vst.idx.msk $0xffff, v9;
	v21 =	vmul.f32 $8.000000000e+00, v25  }
0x2aa: {  	v23 =	vadd.s32 v0, v10;
	v9 =	vand.u32 $0xFD, v13;
	v13 =	vld [tilespmem:s12+$0xFFFFFF90];
	[tilespmem:v19+s26+$0x0] =	vst.idx.msk $0xffff, v15;
	v15 =	vmul.f32 $8.000000000e+00, v20  }
0x2ab: {  	v8 =	vand.u32 $0xFE, v8;
	v20 =	vadd.s32 v0, v9;
	v19 =	vmul.f32 $8.000000000e+00, v22;
	v22 =	vld [tilespmem:s11+$0xFFFFFF30];
	[tilespmem:v26+s26+$0x0] =	vst.idx.msk $0xffff, v21  }
0x2ac: {  	v21 =	vadd.s32 v0, v8;
	v24 =	vld [tilespmem:s11+$0xFFFFFF70];
	v11 =	vmul.f32 $8.000000000e+00, v11;
	[tilespmem:v12+s26+$0x0] =	vst.idx.msk $0xffff, v15  }
0x2ad: {  	v25 =	vadd.s32 v2, v6;
	v12 =	vmul.f32 $8.000000000e+00, v16;
	[tilespmem:v17+s26+$0x0] =	vst.idx.msk $0xffff, v19;
	v26 =	vld [tilespmem:s11+$0xFFFFFFB0]  }
.Ltmp9:
0x2ae: {  	v15 =	vmul.f32 $8.000000000e+00, v14;
	v19 =	vld [tilespmem:s12+$0xFFFFFFE0];
	v14 =	vadd.s32 v2, v5;
	[tilespmem:v18+s26+$0x0] =	vst.idx.msk $0xffff, v11;
	(pc) =	sbr.rel @p1 .LBB2_21-.Ltmp9, $4  }
0x2af: {  	[tilespmem:v23+s26+$0x0] =	vst.idx.msk $0xffff, v12;
	v11 =	vmul.f32 $8.000000000e+00, v13;
	v13 =	vadd.s32 v2, v4;
	v12 =	vld [tilespmem:s11+$0x0]  }
0x2b0: {  	v18 =	vld [tilespmem:s12+$0xFFFFFF20];
	[tilespmem:v20+s26+$0x0] =	vst.idx.msk $0xffff, v15;
	v20 =	vadd.s32 v1, v27;
	v22 =	vmul.f32 $8.000000000e+00, v22  }
0x2b1: {  	v15 =	vld [tilespmem:s12+$0xFFFFFF60];
	[tilespmem:v21+s26+$0x0] =	vst.idx.msk $0xffff, v11;
	v21 =	vmul.f32 $8.000000000e+00, v24;
	v11 =	vadd.s32 v3, v7;
	v7 =	vmov v27  }
0x2b2: {  	v16 =	vadd.s32 v1, v10;
	v17 =	vld [tilespmem:s12+$0xFFFFFFA0];
	[tilespmem:v25+s26+$0x0] =	vst.idx.msk $0xffff, v22;
	v22 =	vmul.f32 $8.000000000e+00, v26  }
0x2b3: {  	_ = 	snop  }
0x2b4: {  	v23 =	vadd.s32 v1, v9  }
0x2b5: {  	v19 =	vmul.f32 $8.000000000e+00, v19;
	v24 =	vadd.s32 v1, v8  }
0x2b6: {  	v18 =	vmul.f32 $8.000000000e+00, v18  }
0x2b7: {  	[tilespmem:v20+s26+$0x0] =	vst.idx.msk $0xffff, v19;
	v15 =	vmul.f32 $8.000000000e+00, v15  }
0x2b8: {  	[tilespmem:v16+s26+$0x0] =	vst.idx.msk $0xffff, v18;
	v16 =	vmul.f32 $8.000000000e+00, v17;
	v17 =	vld [tilespmem:s12+$0xFFFFFFF0]  }
0x2b9: {  	[tilespmem:v23+s26+$0x0] =	vst.idx.msk $0xffff, v15;
	v15 =	vld [tilespmem:s12+$0xFFFFFF30]  }
0x2ba: {  	[tilespmem:v24+s26+$0x0] =	vst.idx.msk $0xffff, v16;
	v16 =	vadd.s32 v2, v7;
	v18 =	vld [tilespmem:s12+$0xFFFFFF70]  }
0x2bb: {  	v19 =	vadd.s32 v2, v10;
	v20 =	vld [tilespmem:s12+$0xFFFFFFB0]  }
0x2bc: {  	v23 =	vadd.s32 v2, v9  }
0x2bd: {  	v62 =	vld [tilespmem:s11+$0xFFFFFF40];
	[tilespmem:v14+s26+$0x0] =	vst.idx.msk $0xffff, v21;
	v14 =	vmul.f32 $8.000000000e+00, v17;
	v17 =	vadd.s32 v2, v8  }
0x2be: {  	v21 =	vld [tilespmem:s11+$0xFFFFFF80];
	[tilespmem:v13+s26+$0x0] =	vst.idx.msk $0xffff, v22;
	v13 =	vmul.f32 $8.000000000e+00, v15  }
0x2bf: {  	v6 =	vadd.s32 v3, v6;
	v15 =	vld [tilespmem:s11+$0xFFFFFFC0];
	[tilespmem:v16+s26+$0x0] =	vst.idx.msk $0xffff, v14;
	v14 =	vmul.f32 $8.000000000e+00, v18  }
0x2c0: {  	v5 =	vadd.s32 v3, v5;
	v16 =	vld [tilespmem:s12+$0x0];
	[tilespmem:v19+s26+$0x0] =	vst.idx.msk $0xffff, v13;
	v13 =	vmul.f32 $8.000000000e+00, v20  }
0x2c1: {  	v4 =	vadd.s32 v3, v4;
	v12 =	vmul.f32 $8.000000000e+00, v12;
	v18 =	vld [tilespmem:s12+$0xFFFFFF40];
	[tilespmem:v23+s26+$0x0] =	vst.idx.msk $0xffff, v14  }
0x2c2: {  	v7 =	vadd.s32 v3, v7;
	v14 =	vmul.f32 $8.000000000e+00, v62;
	v19 =	vld [tilespmem:s12+$0xFFFFFF80];
	[tilespmem:v17+s26+$0x0] =	vst.idx.msk $0xffff, v13  }
0x2c3: {  	v10 =	vadd.s32 v3, v10;
	[tilespmem:v11+s26+$0x0] =	vst.idx.msk $0xffff, v12;
	v11 =	vmul.f32 $8.000000000e+00, v21;
	v12 =	vld [tilespmem:s12+$0xFFFFFFC0]  }
0x2c4: {  	v9 =	vadd.s32 v3, v9;
	[tilespmem:v6+s26+$0x0] =	vst.idx.msk $0xffff, v14;
	v6 =	vmul.f32 $8.000000000e+00, v15  }
0x2c5: {  	[tilespmem:v5+s26+$0x0] =	vst.idx.msk $0xffff, v11;
	v8 =	vadd.s32 v3, v8;
	v5 =	vmul.f32 $8.000000000e+00, v16  }
0x2c6: {  	[tilespmem:v4+s26+$0x0] =	vst.idx.msk $0xffff, v6;
	v4 =	vmul.f32 $8.000000000e+00, v18  }
0x2c7: {  	[tilespmem:v7+s26+$0x0] =	vst.idx.msk $0xffff, v5;
	v5 =	vmul.f32 $8.000000000e+00, v19  }
0x2c8: {  	[tilespmem:v10+s26+$0x0] =	vst.idx.msk $0xffff, v4;
	v4 =	vmul.f32 $8.000000000e+00, v12  }
0x2c9: {  	[tilespmem:v9+s26+$0x0] =	vst.idx.msk $0xffff, v5  }
0x2ca: {  	s6 =	sadd.s32 @!p0 $0x480, s0;
	s10 =	simm.s32 @!p0 $0x80;
	s11 =	simm.s32 @!p0 $0x8400;
	[tilespmem:v8+s26+$0x0] =	vst.idx.msk $0xffff, v4  }
0x2cb: {  	[tilespmem:s11], [sflag:$0x2] =	stream.indirect.gather @!p0 [hbm4b:s4+s10], $0x40, s6, s10, $0xb8;
	[tilespmem:$0x1E800] =	vst v63  }
0x2cc: {  	_ =	swait.ge [sflag:s24], $0x2000  }
0x2cd: {  	[sflag:s24] =	ssyncset.done $0x0  }
0x2ce: {  	s12 =	simm.s32 $0x103;
	s11 =	simm.s32 $0xA400;
	[sflag:s24] =	ssyncadd.s32 $0xFFFFE000  }
0x2cf: {  	v4 =	vmov s12;
	v7 =	vld [tilespmem:s11+$0xC0]  }
0x2d0: {  	v11 =	vand.u32 $0x17F, v4  }
0x2d1: {  	s13 =	simm.s32 $0x100;
	v8 =	vadd.s32 v0, v11  }
0x2d2: {  	s17 =	simm.s32 $0x101;
	s19 =	simm.s32 $0x102;
	v4 =	vmov s13;
	v9 =	vld [tilespmem:s11+$0x0]  }
0x2d3: {  	v10 =	vmov s19;
	v5 =	vmov s17;
	v6 =	vand.u32 $0x17C, v4;
	v12 =	vld [tilespmem:s11+$0x40]  }
0x2d4: {  	v5 =	vand.u32 $0x17D, v5;
	v13 =	vadd.s32 v0, v6;
	v14 =	vld [tilespmem:s11+$0x80];
	v7 =	vmul.f32 $8.000000000e+00, v7  }
0x2d5: {  	v15 =	vadd.s32 v0, v5;
	v4 =	vand.u32 $0x17E, v10  }
0x2d6: {  	v10 =	vadd.s32 v0, v4;
	[tilespmem:v8+s26+$0x0] =	vst.idx.msk $0xffff, v7  }
0x2d7: {  	v7 =	vmul.f32 $8.000000000e+00, v9;
	v8 =	vld [tilespmem:s11+$0xD0]  }
0x2d8: {  	v9 =	vmul.f32 $8.000000000e+00, v12  }
0x2d9: {  	v12 =	vadd.s32 v1, v11;
	[tilespmem:v13+s26+$0x0] =	vst.idx.msk $0xffff, v7;
	v7 =	vmul.f32 $8.000000000e+00, v14  }
0x2da: {  	[tilespmem:v15+s26+$0x0] =	vst.idx.msk $0xffff, v9;
	v13 =	vld [tilespmem:s11+$0x10]  }
0x2db: {  	v9 =	vld [tilespmem:s11+$0x50];
	[tilespmem:v10+s26+$0x0] =	vst.idx.msk $0xffff, v7  }
0x2dc: {  	v10 =	vld [tilespmem:s11+$0x90];
	v7 =	vmul.f32 $8.000000000e+00, v8  }
0x2dd: {  	s17 =	simm.s32 $0x105;
	s12 =	simm.s32 $0xA500;
	s13 =	simm.s32 $0x107;
	v8 =	vadd.s32 v1, v6  }
0x2de: {  	v17 =	vmov s17;
	v14 =	vadd.s32 v1, v5;
	[tilespmem:v12+s26+$0x0] =	vst.idx.msk $0xffff, v7;
	v7 =	vmov s13;
	v12 =	vld [tilespmem:s12+$0xC0]  }
0x2df: {  	s10 =	simm.s32 $0x104;
	v23 =	vadd.s32 v2, v11;
	v16 =	vadd.s32 v1, v4;
	v7 =	vand.u32 $0x17F, v7;
	v18 =	vld [tilespmem:s11+$0xE0]  }
0x2e0: {  	v20 =	vld [tilespmem:s12+$0x0];
	v15 =	vmov s10;
	v13 =	vmul.f32 $8.000000000e+00, v13;
	v21 =	vadd.s32 v0, v7  }
0x2e1: {  	s19 =	simm.s32 $0x106;
	v19 =	vmul.f32 $8.000000000e+00, v9;
	v22 =	vmul.f32 $8.000000000e+00, v10;
	v10 =	vand.u32 $0x17C, v15;
	v15 =	vld [tilespmem:s12+$0x40]  }
0x2e2: {  	v9 =	vand.u32 $0x17D, v17;
	v17 =	vld [tilespmem:s12+$0x80];
	[tilespmem:v8+s26+$0x0] =	vst.idx.msk $0xffff, v13;
	v8 =	vmov s19;
	v13 =	vadd.s32 v0, v10  }
0x2e3: {  	v63 =	vadd.s32 v0, v9;
	[tilespmem:v14+s26+$0x0] =	vst.idx.msk $0xffff, v19;
	v8 =	vand.u32 $0x17E, v8;
	v25 =	vld [tilespmem:s11+$0x20];
	v12 =	vmul.f32 $8.000000000e+00, v12  }
0x2e4: {  	[tilespmem:v16+s26+$0x0] =	vst.idx.msk $0xffff, v22;
	v22 =	vld [tilespmem:s11+$0x60];
	v16 =	vadd.s32 v0, v8;
	v14 =	vmul.f32 $8.000000000e+00, v18  }
0x2e5: {  	v26 =	vadd.s32 v2, v6;
	v27 =	vld [tilespmem:s11+$0xA0];
	v18 =	vmul.f32 $8.000000000e+00, v20;
	[tilespmem:v21+s26+$0x0] =	vst.idx.msk $0xffff, v12  }
0x2e6: {  	v15 =	vmul.f32 $8.000000000e+00, v15;
	v19 =	vld [tilespmem:s12+$0xD0];
	[tilespmem:v23+s26+$0x0] =	vst.idx.msk $0xffff, v14;
	v14 =	vadd.s32 v2, v5  }
0x2e7: {  	v17 =	vmul.f32 $8.000000000e+00, v17;
	[tilespmem:v13+s26+$0x0] =	vst.idx.msk $0xffff, v18;
	v13 =	vadd.s32 v2, v4;
	v12 =	vld [tilespmem:s11+$0xF0]  }
0x2e8: {  	v20 =	vadd.s32 v1, v7;
	v18 =	vld [tilespmem:s12+$0x10];
	[tilespmem:v63+s26+$0x0] =	vst.idx.msk $0xffff, v15;
	v23 =	vmul.f32 $8.000000000e+00, v25  }
0x2e9: {  	v11 =	vadd.s32 v3, v11;
	v21 =	vmul.f32 $8.000000000e+00, v22;
	v15 =	vld [tilespmem:s12+$0x50];
	[tilespmem:v16+s26+$0x0] =	vst.idx.msk $0xffff, v17  }
0x2ea: {  	s17 =	simm.s32 $0x4;
	v16 =	vadd.s32 v1, v10;
	v22 =	vmul.f32 $8.000000000e+00, v27;
	v17 =	vld [tilespmem:s12+$0x90];
	[tilespmem:v26+s26+$0x0] =	vst.idx.msk $0xffff, v23  }
.LBB2_23:
0x2eb: {  	s6 =	sadd.s32 $0x104, s17;
	v23 =	vadd.s32 v1, v9;
	v19 =	vmul.f32 $8.000000000e+00, v19;
	v24 =	vld [tilespmem:s11+$0x30];
	[tilespmem:v14+s26+$0x0] =	vst.idx.msk $0xffff, v21;
	s10 =	smov.u32 s17  }
0x2ec: {  	v21 =	vadd.s32 v1, v8;
	v14 =	vmov s6;
	s6 =	sadd.s32 $0x105, s17;
	v25 =	vld [tilespmem:s11+$0x70];
	[tilespmem:v13+s26+$0x0] =	vst.idx.msk $0xffff, v22;
	v12 =	vmul.f32 $8.000000000e+00, v12  }
0x2ed: {  	v13 =	vmov s6;
	s6 =	sadd.s32 $0x107, s17;
	v18 =	vmul.f32 $8.000000000e+00, v18;
	[tilespmem:v20+s26+$0x0] =	vst.idx.msk $0xffff, v19;
	v19 =	vadd.s32 v3, v6;
	v20 =	vld [tilespmem:s11+$0xB0];
	v6 =	vmovc v10;
	s11 =	smov.u32 s12;
	s12 =	sadd.s32 $0x100, s12  }
0x2ee: {  	v26 =	vadd.s32 v3, v5;
	v5 =	vmovc v9;
	s17 =	sadd.s32 $0x4, s17;
	v10 =	vmov s6;
	v22 =	vld [tilespmem:s12+$0xC0];
	v15 =	vmul.f32 $8.000000000e+00, v15;
	[tilespmem:v11+s26+$0x0] =	vst.idx.msk $0xffff, v12  }
0x2ef: {  	s6 =	sadd.s32 $0x106, s10;
	p1 =	slt.u32 s17, $0x7C;
	v12 =	vadd.s32 v3, v4;
	v4 =	vmovc v8;
	v27 =	vand.u32 $0x17F, v10;
	[tilespmem:v16+s26+$0x0] =	vst.idx.msk $0xffff, v18;
	v9 =	vmul.f32 $8.000000000e+00, v17;
	v11 =	vld [tilespmem:s11+$0xE0]  }
0x2f0: {  	v8 =	vmov s6;
	v16 =	vld [tilespmem:s12+$0x0];
	v17 =	vadd.s32 v0, v27;
	[tilespmem:v23+s26+$0x0] =	vst.idx.msk $0xffff, v15;
	v15 =	vmul.f32 $8.000000000e+00, v24  }
0x2f1: {  	v10 =	vand.u32 $0x17C, v14;
	v18 =	vadd.s32 v2, v7;
	v14 =	vld [tilespmem:s12+$0x40];
	[tilespmem:v21+s26+$0x0] =	vst.idx.msk $0xffff, v9;
	v21 =	vmul.f32 $8.000000000e+00, v25  }
0x2f2: {  	v23 =	vadd.s32 v0, v10;
	v9 =	vand.u32 $0x17D, v13;
	v13 =	vld [tilespmem:s12+$0x80];
	[tilespmem:v19+s26+$0x0] =	vst.idx.msk $0xffff, v15;
	v15 =	vmul.f32 $8.000000000e+00, v20  }
0x2f3: {  	v8 =	vand.u32 $0x17E, v8;
	v20 =	vadd.s32 v0, v9;
	v19 =	vmul.f32 $8.000000000e+00, v22;
	v22 =	vld [tilespmem:s11+$0x20];
	[tilespmem:v26+s26+$0x0] =	vst.idx.msk $0xffff, v21  }
0x2f4: {  	v21 =	vadd.s32 v0, v8;
	v24 =	vld [tilespmem:s11+$0x60];
	v11 =	vmul.f32 $8.000000000e+00, v11;
	[tilespmem:v12+s26+$0x0] =	vst.idx.msk $0xffff, v15  }
0x2f5: {  	v25 =	vadd.s32 v2, v6;
	v12 =	vmul.f32 $8.000000000e+00, v16;
	[tilespmem:v17+s26+$0x0] =	vst.idx.msk $0xffff, v19;
	v26 =	vld [tilespmem:s11+$0xA0]  }
.Ltmp10:
0x2f6: {  	v15 =	vmul.f32 $8.000000000e+00, v14;
	v19 =	vld [tilespmem:s12+$0xD0];
	v14 =	vadd.s32 v2, v5;
	[tilespmem:v18+s26+$0x0] =	vst.idx.msk $0xffff, v11;
	(pc) =	sbr.rel @p1 .LBB2_23-.Ltmp10, $4  }
0x2f7: {  	[tilespmem:v23+s26+$0x0] =	vst.idx.msk $0xffff, v12;
	v11 =	vmul.f32 $8.000000000e+00, v13;
	v13 =	vadd.s32 v2, v4;
	v12 =	vld [tilespmem:s11+$0xF0]  }
0x2f8: {  	v18 =	vld [tilespmem:s12+$0x10];
	[tilespmem:v20+s26+$0x0] =	vst.idx.msk $0xffff, v15;
	v20 =	vadd.s32 v1, v27;
	v22 =	vmul.f32 $8.000000000e+00, v22  }
0x2f9: {  	v15 =	vld [tilespmem:s12+$0x50];
	[tilespmem:v21+s26+$0x0] =	vst.idx.msk $0xffff, v11;
	v21 =	vmul.f32 $8.000000000e+00, v24;
	v11 =	vadd.s32 v3, v7;
	v7 =	vmov v27  }
0x2fa: {  	v16 =	vadd.s32 v1, v10;
	v17 =	vld [tilespmem:s12+$0x90];
	[tilespmem:v25+s26+$0x0] =	vst.idx.msk $0xffff, v22;
	v22 =	vmul.f32 $8.000000000e+00, v26  }
0x2fb: {  	_ = 	snop  }
0x2fc: {  	v23 =	vadd.s32 v1, v9  }
0x2fd: {  	v19 =	vmul.f32 $8.000000000e+00, v19;
	v24 =	vadd.s32 v1, v8  }
0x2fe: {  	v18 =	vmul.f32 $8.000000000e+00, v18  }
0x2ff: {  	[tilespmem:v20+s26+$0x0] =	vst.idx.msk $0xffff, v19;
	v15 =	vmul.f32 $8.000000000e+00, v15  }
0x300: {  	[tilespmem:v16+s26+$0x0] =	vst.idx.msk $0xffff, v18;
	v16 =	vmul.f32 $8.000000000e+00, v17;
	v17 =	vld [tilespmem:s12+$0xE0]  }
0x301: {  	[tilespmem:v23+s26+$0x0] =	vst.idx.msk $0xffff, v15;
	v15 =	vld [tilespmem:s12+$0x20]  }
0x302: {  	[tilespmem:v24+s26+$0x0] =	vst.idx.msk $0xffff, v16;
	v16 =	vadd.s32 v2, v7;
	v18 =	vld [tilespmem:s12+$0x60]  }
0x303: {  	v19 =	vadd.s32 v2, v10;
	v20 =	vld [tilespmem:s12+$0xA0]  }
0x304: {  	v23 =	vadd.s32 v2, v9  }
0x305: {  	v62 =	vld [tilespmem:s11+$0x30];
	[tilespmem:v14+s26+$0x0] =	vst.idx.msk $0xffff, v21;
	v14 =	vmul.f32 $8.000000000e+00, v17;
	v17 =	vadd.s32 v2, v8  }
0x306: {  	v21 =	vld [tilespmem:s11+$0x70];
	[tilespmem:v13+s26+$0x0] =	vst.idx.msk $0xffff, v22;
	v13 =	vmul.f32 $8.000000000e+00, v15  }
0x307: {  	v6 =	vadd.s32 v3, v6;
	v15 =	vld [tilespmem:s11+$0xB0];
	[tilespmem:v16+s26+$0x0] =	vst.idx.msk $0xffff, v14;
	v14 =	vmul.f32 $8.000000000e+00, v18  }
0x308: {  	v5 =	vadd.s32 v3, v5;
	v16 =	vld [tilespmem:s12+$0xF0];
	[tilespmem:v19+s26+$0x0] =	vst.idx.msk $0xffff, v13;
	v13 =	vmul.f32 $8.000000000e+00, v20  }
0x309: {  	v4 =	vadd.s32 v3, v4;
	v12 =	vmul.f32 $8.000000000e+00, v12;
	v18 =	vld [tilespmem:s12+$0x30];
	[tilespmem:v23+s26+$0x0] =	vst.idx.msk $0xffff, v14  }
0x30a: {  	v7 =	vadd.s32 v3, v7;
	v14 =	vmul.f32 $8.000000000e+00, v62;
	v19 =	vld [tilespmem:s12+$0x70];
	[tilespmem:v17+s26+$0x0] =	vst.idx.msk $0xffff, v13  }
0x30b: {  	v10 =	vadd.s32 v3, v10;
	[tilespmem:v11+s26+$0x0] =	vst.idx.msk $0xffff, v12;
	v11 =	vmul.f32 $8.000000000e+00, v21;
	v12 =	vld [tilespmem:s12+$0xB0]  }
0x30c: {  	v9 =	vadd.s32 v3, v9;
	[tilespmem:v6+s26+$0x0] =	vst.idx.msk $0xffff, v14;
	v6 =	vmul.f32 $8.000000000e+00, v15  }
0x30d: {  	[tilespmem:v5+s26+$0x0] =	vst.idx.msk $0xffff, v11;
	v8 =	vadd.s32 v3, v8;
	v5 =	vmul.f32 $8.000000000e+00, v16  }
0x30e: {  	[tilespmem:v4+s26+$0x0] =	vst.idx.msk $0xffff, v6;
	v4 =	vmul.f32 $8.000000000e+00, v18  }
0x30f: {  	[tilespmem:v7+s26+$0x0] =	vst.idx.msk $0xffff, v5;
	v5 =	vmul.f32 $8.000000000e+00, v19  }
0x310: {  	[tilespmem:v10+s26+$0x0] =	vst.idx.msk $0xffff, v4;
	v4 =	vmul.f32 $8.000000000e+00, v12  }
0x311: {  	[tilespmem:v9+s26+$0x0] =	vst.idx.msk $0xffff, v5  }
0x312: {  	s6 =	sadd.s32 @!p0 $0x500, s0;
	s10 =	simm.s32 @!p0 $0x80;
	s11 =	simm.s32 @!p0 $0xA400;
	[tilespmem:v8+s26+$0x0] =	vst.idx.msk $0xffff, v4  }
0x313: {  	[tilespmem:s11], [sflag:$0x3] =	stream.indirect.gather @!p0 [hbm4b:s4+s10], $0x40, s6, s10, $0xb8;
	[tilespmem:$0x1E800] =	vst v63  }
0x314: {  	_ =	swait.ge [sflag:s25], $0x2000  }
0x315: {  	[sflag:s25] =	ssyncset.done $0x0  }
0x316: {  	s12 =	simm.s32 $0x183;
	s11 =	simm.s32 $0xC400;
	[sflag:s25] =	ssyncadd.s32 $0xFFFFE000  }
0x317: {  	v4 =	vmov s12;
	v7 =	vld [tilespmem:s11+$0xC0]  }
0x318: {  	v11 =	vand.u32 $0x1FF, v4  }
0x319: {  	s13 =	simm.s32 $0x180;
	v8 =	vadd.s32 v0, v11  }
0x31a: {  	s17 =	simm.s32 $0x181;
	s19 =	simm.s32 $0x182;
	v4 =	vmov s13;
	v9 =	vld [tilespmem:s11+$0x0]  }
0x31b: {  	v10 =	vmov s19;
	v5 =	vmov s17;
	v6 =	vand.u32 $0x1FC, v4;
	v12 =	vld [tilespmem:s11+$0x40]  }
0x31c: {  	v5 =	vand.u32 $0x1FD, v5;
	v13 =	vadd.s32 v0, v6;
	v14 =	vld [tilespmem:s11+$0x80];
	v7 =	vmul.f32 $8.000000000e+00, v7  }
0x31d: {  	v15 =	vadd.s32 v0, v5;
	v4 =	vand.u32 $0x1FE, v10  }
0x31e: {  	v10 =	vadd.s32 v0, v4;
	[tilespmem:v8+s26+$0x0] =	vst.idx.msk $0xffff, v7  }
0x31f: {  	v7 =	vmul.f32 $8.000000000e+00, v9;
	v8 =	vld [tilespmem:s11+$0xD0]  }
0x320: {  	v9 =	vmul.f32 $8.000000000e+00, v12  }
0x321: {  	v12 =	vadd.s32 v1, v11;
	[tilespmem:v13+s26+$0x0] =	vst.idx.msk $0xffff, v7;
	v7 =	vmul.f32 $8.000000000e+00, v14  }
0x322: {  	[tilespmem:v15+s26+$0x0] =	vst.idx.msk $0xffff, v9;
	v13 =	vld [tilespmem:s11+$0x10]  }
0x323: {  	v9 =	vld [tilespmem:s11+$0x50];
	[tilespmem:v10+s26+$0x0] =	vst.idx.msk $0xffff, v7  }
0x324: {  	v10 =	vld [tilespmem:s11+$0x90];
	v7 =	vmul.f32 $8.000000000e+00, v8  }
0x325: {  	s17 =	simm.s32 $0x185;
	s12 =	simm.s32 $0xC500;
	s13 =	simm.s32 $0x187;
	v8 =	vadd.s32 v1, v6  }
0x326: {  	v17 =	vmov s17;
	v14 =	vadd.s32 v1, v5;
	[tilespmem:v12+s26+$0x0] =	vst.idx.msk $0xffff, v7;
	v7 =	vmov s13;
	v12 =	vld [tilespmem:s12+$0xC0]  }
0x327: {  	s10 =	simm.s32 $0x184;
	v23 =	vadd.s32 v2, v11;
	v16 =	vadd.s32 v1, v4;
	v7 =	vand.u32 $0x1FF, v7;
	v18 =	vld [tilespmem:s11+$0xE0]  }
0x328: {  	v20 =	vld [tilespmem:s12+$0x0];
	v15 =	vmov s10;
	v13 =	vmul.f32 $8.000000000e+00, v13;
	v21 =	vadd.s32 v0, v7  }
0x329: {  	s19 =	simm.s32 $0x186;
	v19 =	vmul.f32 $8.000000000e+00, v9;
	v22 =	vmul.f32 $8.000000000e+00, v10;
	v10 =	vand.u32 $0x1FC, v15;
	v15 =	vld [tilespmem:s12+$0x40]  }
0x32a: {  	v9 =	vand.u32 $0x1FD, v17;
	v17 =	vld [tilespmem:s12+$0x80];
	[tilespmem:v8+s26+$0x0] =	vst.idx.msk $0xffff, v13;
	v8 =	vmov s19;
	v13 =	vadd.s32 v0, v10  }
0x32b: {  	v63 =	vadd.s32 v0, v9;
	[tilespmem:v14+s26+$0x0] =	vst.idx.msk $0xffff, v19;
	v8 =	vand.u32 $0x1FE, v8;
	v25 =	vld [tilespmem:s11+$0x20];
	v12 =	vmul.f32 $8.000000000e+00, v12  }
0x32c: {  	[tilespmem:v16+s26+$0x0] =	vst.idx.msk $0xffff, v22;
	v22 =	vld [tilespmem:s11+$0x60];
	v16 =	vadd.s32 v0, v8;
	v14 =	vmul.f32 $8.000000000e+00, v18  }
0x32d: {  	v26 =	vadd.s32 v2, v6;
	v27 =	vld [tilespmem:s11+$0xA0];
	v18 =	vmul.f32 $8.000000000e+00, v20;
	[tilespmem:v21+s26+$0x0] =	vst.idx.msk $0xffff, v12  }
0x32e: {  	v15 =	vmul.f32 $8.000000000e+00, v15;
	v19 =	vld [tilespmem:s12+$0xD0];
	[tilespmem:v23+s26+$0x0] =	vst.idx.msk $0xffff, v14;
	v14 =	vadd.s32 v2, v5  }
0x32f: {  	v17 =	vmul.f32 $8.000000000e+00, v17;
	[tilespmem:v13+s26+$0x0] =	vst.idx.msk $0xffff, v18;
	v13 =	vadd.s32 v2, v4;
	v12 =	vld [tilespmem:s11+$0xF0]  }
0x330: {  	v20 =	vadd.s32 v1, v7;
	v18 =	vld [tilespmem:s12+$0x10];
	[tilespmem:v63+s26+$0x0] =	vst.idx.msk $0xffff, v15;
	v23 =	vmul.f32 $8.000000000e+00, v25  }
0x331: {  	v11 =	vadd.s32 v3, v11;
	v21 =	vmul.f32 $8.000000000e+00, v22;
	v15 =	vld [tilespmem:s12+$0x50];
	[tilespmem:v16+s26+$0x0] =	vst.idx.msk $0xffff, v17  }
0x332: {  	s17 =	simm.s32 $0x4;
	v16 =	vadd.s32 v1, v10;
	v22 =	vmul.f32 $8.000000000e+00, v27;
	v17 =	vld [tilespmem:s12+$0x90];
	[tilespmem:v26+s26+$0x0] =	vst.idx.msk $0xffff, v23  }
.LBB2_25:
0x333: {  	s6 =	sadd.s32 $0x184, s17;
	v23 =	vadd.s32 v1, v9;
	v19 =	vmul.f32 $8.000000000e+00, v19;
	v24 =	vld [tilespmem:s11+$0x30];
	[tilespmem:v14+s26+$0x0] =	vst.idx.msk $0xffff, v21;
	s10 =	smov.u32 s17  }
0x334: {  	v21 =	vadd.s32 v1, v8;
	v14 =	vmov s6;
	s6 =	sadd.s32 $0x185, s17;
	v25 =	vld [tilespmem:s11+$0x70];
	[tilespmem:v13+s26+$0x0] =	vst.idx.msk $0xffff, v22;
	v12 =	vmul.f32 $8.000000000e+00, v12  }
0x335: {  	v13 =	vmov s6;
	s6 =	sadd.s32 $0x187, s17;
	v18 =	vmul.f32 $8.000000000e+00, v18;
	[tilespmem:v20+s26+$0x0] =	vst.idx.msk $0xffff, v19;
	v19 =	vadd.s32 v3, v6;
	v20 =	vld [tilespmem:s11+$0xB0];
	v6 =	vmovc v10;
	s11 =	smov.u32 s12;
	s12 =	sadd.s32 $0x100, s12  }
0x336: {  	v26 =	vadd.s32 v3, v5;
	v5 =	vmovc v9;
	s17 =	sadd.s32 $0x4, s17;
	v10 =	vmov s6;
	v22 =	vld [tilespmem:s12+$0xC0];
	v15 =	vmul.f32 $8.000000000e+00, v15;
	[tilespmem:v11+s26+$0x0] =	vst.idx.msk $0xffff, v12  }
0x337: {  	s6 =	sadd.s32 $0x186, s10;
	p1 =	slt.u32 s17, $0x7C;
	v12 =	vadd.s32 v3, v4;
	v4 =	vmovc v8;
	v27 =	vand.u32 $0x1FF, v10;
	[tilespmem:v16+s26+$0x0] =	vst.idx.msk $0xffff, v18;
	v9 =	vmul.f32 $8.000000000e+00, v17;
	v11 =	vld [tilespmem:s11+$0xE0]  }
0x338: {  	v8 =	vmov s6;
	v16 =	vld [tilespmem:s12+$0x0];
	v17 =	vadd.s32 v0, v27;
	[tilespmem:v23+s26+$0x0] =	vst.idx.msk $0xffff, v15;
	v15 =	vmul.f32 $8.000000000e+00, v24  }
0x339: {  	v10 =	vand.u32 $0x1FC, v14;
	v18 =	vadd.s32 v2, v7;
	v14 =	vld [tilespmem:s12+$0x40];
	[tilespmem:v21+s26+$0x0] =	vst.idx.msk $0xffff, v9;
	v21 =	vmul.f32 $8.000000000e+00, v25  }
0x33a: {  	v23 =	vadd.s32 v0, v10;
	v9 =	vand.u32 $0x1FD, v13;
	v13 =	vld [tilespmem:s12+$0x80];
	[tilespmem:v19+s26+$0x0] =	vst.idx.msk $0xffff, v15;
	v15 =	vmul.f32 $8.000000000e+00, v20  }
0x33b: {  	v8 =	vand.u32 $0x1FE, v8;
	v20 =	vadd.s32 v0, v9;
	v19 =	vmul.f32 $8.000000000e+00, v22;
	v22 =	vld [tilespmem:s11+$0x20];
	[tilespmem:v26+s26+$0x0] =	vst.idx.msk $0xffff, v21  }
0x33c: {  	v21 =	vadd.s32 v0, v8;
	v24 =	vld [tilespmem:s11+$0x60];
	v11 =	vmul.f32 $8.000000000e+00, v11;
	[tilespmem:v12+s26+$0x0] =	vst.idx.msk $0xffff, v15  }
0x33d: {  	v25 =	vadd.s32 v2, v6;
	v12 =	vmul.f32 $8.000000000e+00, v16;
	[tilespmem:v17+s26+$0x0] =	vst.idx.msk $0xffff, v19;
	v26 =	vld [tilespmem:s11+$0xA0]  }
.Ltmp11:
0x33e: {  	v15 =	vmul.f32 $8.000000000e+00, v14;
	v19 =	vld [tilespmem:s12+$0xD0];
	v14 =	vadd.s32 v2, v5;
	[tilespmem:v18+s26+$0x0] =	vst.idx.msk $0xffff, v11;
	(pc) =	sbr.rel @p1 .LBB2_25-.Ltmp11, $4  }
0x33f: {  	[tilespmem:v23+s26+$0x0] =	vst.idx.msk $0xffff, v12;
	v11 =	vmul.f32 $8.000000000e+00, v13;
	v13 =	vadd.s32 v2, v4;
	v12 =	vld [tilespmem:s11+$0xF0]  }
0x340: {  	v18 =	vld [tilespmem:s12+$0x10];
	[tilespmem:v20+s26+$0x0] =	vst.idx.msk $0xffff, v15;
	v20 =	vadd.s32 v1, v27;
	v22 =	vmul.f32 $8.000000000e+00, v22  }
0x341: {  	v15 =	vld [tilespmem:s12+$0x50];
	[tilespmem:v21+s26+$0x0] =	vst.idx.msk $0xffff, v11;
	v21 =	vmul.f32 $8.000000000e+00, v24;
	v11 =	vadd.s32 v3, v7;
	v7 =	vmov v27  }
0x342: {  	v16 =	vadd.s32 v1, v10;
	v17 =	vld [tilespmem:s12+$0x90];
	[tilespmem:v25+s26+$0x0] =	vst.idx.msk $0xffff, v22;
	v22 =	vmul.f32 $8.000000000e+00, v26  }
0x343: {  	_ = 	snop  }
0x344: {  	v23 =	vadd.s32 v1, v9  }
0x345: {  	v19 =	vmul.f32 $8.000000000e+00, v19;
	v24 =	vadd.s32 v1, v8  }
0x346: {  	v18 =	vmul.f32 $8.000000000e+00, v18  }
0x347: {  	[tilespmem:v20+s26+$0x0] =	vst.idx.msk $0xffff, v19;
	v15 =	vmul.f32 $8.000000000e+00, v15  }
0x348: {  	v40 =	vld [tilespmem:s12+$0xE0];
	[tilespmem:v16+s26+$0x0] =	vst.idx.msk $0xffff, v18;
	v39 =	vmul.f32 $8.000000000e+00, v17  }
0x349: {  	[tilespmem:v23+s26+$0x0] =	vst.idx.msk $0xffff, v15;
	v41 =	vld [tilespmem:s12+$0x20]  }
0x34a: {  	v42 =	vadd.s32 v2, v7;
	[tilespmem:v24+s26+$0x0] =	vst.idx.msk $0xffff, v39;
	v43 =	vld [tilespmem:s12+$0x60]  }
0x34b: {  	v44 =	vadd.s32 v2, v10;
	v45 =	vld [tilespmem:s12+$0xA0]  }
0x34c: {  	v46 =	vadd.s32 v2, v9  }
0x34d: {  	v47 =	vld [tilespmem:s11+$0x30];
	[tilespmem:v14+s26+$0x0] =	vst.idx.msk $0xffff, v21;
	v49 =	vadd.s32 v2, v8;
	v48 =	vmul.f32 $8.000000000e+00, v40  }
0x34e: {  	v21 =	vld [tilespmem:s11+$0x70];
	[tilespmem:v13+s26+$0x0] =	vst.idx.msk $0xffff, v22;
	v50 =	vmul.f32 $8.000000000e+00, v41  }
0x34f: {  	v6 =	vadd.s32 v3, v6;
	v51 =	vld [tilespmem:s11+$0xB0];
	[tilespmem:v42+s26+$0x0] =	vst.idx.msk $0xffff, v48;
	v52 =	vmul.f32 $8.000000000e+00, v43  }
0x350: {  	v5 =	vadd.s32 v3, v5;
	v16 =	vld [tilespmem:s12+$0xF0];
	[tilespmem:v44+s26+$0x0] =	vst.idx.msk $0xffff, v50;
	v53 =	vmul.f32 $8.000000000e+00, v45  }
0x351: {  	v4 =	vadd.s32 v3, v4;
	v12 =	vmul.f32 $8.000000000e+00, v12;
	v54 =	vld [tilespmem:s12+$0x30];
	[tilespmem:v46+s26+$0x0] =	vst.idx.msk $0xffff, v52  }
0x352: {  	v56 =	vadd.s32 v3, v7;
	v55 =	vmul.f32 $8.000000000e+00, v47;
	v57 =	vld [tilespmem:s12+$0x70];
	[tilespmem:v49+s26+$0x0] =	vst.idx.msk $0xffff, v53  }
0x353: {  	v59 =	vadd.s32 v3, v10;
	[tilespmem:v11+s26+$0x0] =	vst.idx.msk $0xffff, v12;
	v58 =	vmul.f32 $8.000000000e+00, v21;
	v60 =	vld [tilespmem:s12+$0xB0]  }
0x354: {  	v62 =	vadd.s32 v3, v9;
	[tilespmem:v6+s26+$0x0] =	vst.idx.msk $0xffff, v55;
	v61 =	vmul.f32 $8.000000000e+00, v51  }
0x355: {  	v63 =	vadd.s32 v3, v8;
	[tilespmem:v5+s26+$0x0] =	vst.idx.msk $0xffff, v58;
	v5 =	vmul.f32 $8.000000000e+00, v16  }
0x356: {  	[tilespmem:v4+s26+$0x0] =	vst.idx.msk $0xffff, v61;
	v4 =	vmul.f32 $8.000000000e+00, v54  }
0x357: {  	[tilespmem:v56+s26+$0x0] =	vst.idx.msk $0xffff, v5;
	v5 =	vmul.f32 $8.000000000e+00, v57  }
0x358: {  	[tilespmem:v59+s26+$0x0] =	vst.idx.msk $0xffff, v4;
	v4 =	vmul.f32 $8.000000000e+00, v60  }
0x359: {  	[tilespmem:v62+s26+$0x0] =	vst.idx.msk $0xffff, v5  }
0x35a: {  	s0 =	sadd.s32 @!p0 $0x580, s0;
	s6 =	simm.s32 @!p0 $0x80;
	s10 =	simm.s32 @!p0 $0xC400;
	[tilespmem:v63+s26+$0x0] =	vst.idx.msk $0xffff, v4  }
0x35b: {  	[tilespmem:s10], [sflag:$0x4] =	stream.indirect.gather @!p0 [hbm4b:s4+s6], $0x40, s0, s6, $0xb8;
	[tilespmem:$0x1E800] =	vst v63  }
0x35c: {  	s0 =	sshll.u32 s1, $0x14  }
0x35d: {  	s1 =	sor.u32 s5, s0  }
0x35e: {  	s1 =	sshrl.u32 s1, $0x3  }
0x35f: {  	s19 =	simm.s32 $0x16600;
	s11 =	sadd.s32 s2, s1  }
0x360: {  	[hbm4b:s11+s3] =	stream.linear.scatter [tilespmem:s19], [sflag:$0x6], $0x80, $0x38;
	[tilespmem:$0x1E800] =	vst v63  }
0x361: {  	s6 =	simm.s32 $0x16808;
	s10 =	sadd.s32 $0x10, s11  }
0x362: {  	[hbm4b:s10+s3] =	stream.linear.scatter [tilespmem:s6], [sflag:$0x6], $0x80, $0x38;
	[tilespmem:$0x1E800] =	vst v63  }
0x363: {  	s17 =	simm.s32 $0x16C18;
	s12 =	simm.s32 $0x16A10;
	s13 =	sadd.s32 $0x20, s11  }
0x364: {  	[hbm4b:s13+s3] =	stream.linear.scatter [tilespmem:s12], [sflag:$0x6], $0x80, $0x38;
	[tilespmem:$0x1E800] =	vst v63  }
0x365: {  	s1 =	simm.s32 $0x1040;
	s19 =	sadd.s32 $0x30, s11;
	s6 =	simm.s32 $0x16E20  }
0x366: {  	[hbm4b:s19+s3] =	stream.linear.scatter [tilespmem:s17], [sflag:$0x6], $0x80, $0x38;
	[tilespmem:$0x1E800] =	vst v63  }
0x367: {  	s10 =	sadd.s32 $0x40, s11;
	s12 =	simm.s32 $0x17028;
	s13 =	sadd.s32 $0x50, s11  }
0x368: {  	[hbm4b:s10+s3] =	stream.linear.scatter [tilespmem:s6], [sflag:$0x6], $0x80, $0x38;
	[tilespmem:$0x1E800] =	vst v63  }
0x369: {  	s17 =	simm.s32 $0x17230;
	s19 =	sadd.s32 $0x60, s11;
	s6 =	simm.s32 $0x17438  }
0x36a: {  	[hbm4b:s13+s3] =	stream.linear.scatter [tilespmem:s12], [sflag:$0x6], $0x80, $0x38;
	[tilespmem:$0x1E800] =	vst v63  }
0x36b: {  	s10 =	sadd.s32 $0x70, s11;
	s11 =	sadd.s32 $0x4000, s11;
	s12 =	simm.s32 $0x8200  }
0x36c: {  	[hbm4b:s19+s3] =	stream.linear.scatter [tilespmem:s17], [sflag:$0x6], $0x80, $0x38;
	[tilespmem:$0x1E800] =	vst v63  }
.LBB2_27:
0x36d: {  	[hbm4b:s10+s3] =	stream.linear.scatter [tilespmem:s6], [sflag:$0x6], $0x80, $0x38;
	[tilespmem:$0x1E800] =	vst v63  }
0x36e: {  	s6 =	smov.u32 s1;
	s1 =	smov.u32 s12  }
0x36f: {  	s13 =	sadd.s32 $0x4100, s12;
	s1 =	sshra.s32 s1, $0x2;
	s10 =	sadd.s32 $0x16600, s6  }
0x370: {  	[hbm4b:s11+s3] =	stream.linear.scatter [tilespmem:s10], [sflag:$0x6], $0x80, $0x38;
	[tilespmem:$0x1E800] =	vst v63  }
0x371: {  	p0 =	sne.s32 s12, $0x1C700;
	s12 =	sadd.s32 $0x10, s11;
	s10 =	sadd.s32 $0x16808, s6  }
0x372: {  	[hbm4b:s12+s3] =	stream.linear.scatter [tilespmem:s10], [sflag:$0x6], $0x80, $0x38;
	[tilespmem:$0x1E800] =	vst v63  }
0x373: {  	s10 =	sadd.s32 $0x16A10, s6;
	s12 =	sadd.s32 $0x20, s11  }
0x374: {  	[hbm4b:s12+s3] =	stream.linear.scatter [tilespmem:s10], [sflag:$0x6], $0x80, $0x38;
	[tilespmem:$0x1E800] =	vst v63  }
0x375: {  	s10 =	sadd.s32 $0x16C18, s6;
	s12 =	sadd.s32 $0x30, s11  }
0x376: {  	[hbm4b:s12+s3] =	stream.linear.scatter [tilespmem:s10], [sflag:$0x6], $0x80, $0x38;
	[tilespmem:$0x1E800] =	vst v63  }
0x377: {  	s10 =	sadd.s32 $0x16E20, s6;
	s12 =	sadd.s32 $0x40, s11  }
0x378: {  	[hbm4b:s12+s3] =	stream.linear.scatter [tilespmem:s10], [sflag:$0x6], $0x80, $0x38;
	[tilespmem:$0x1E800] =	vst v63  }
.Ltmp12:
0x379: {  	s10 =	sadd.s32 $0x17028, s6;
	s12 =	sadd.s32 $0x50, s11;
	(pc) =	sbr.rel @p0 .LBB2_27-.Ltmp12, $4  }
0x37a: {  	[hbm4b:s12+s3] =	stream.linear.scatter [tilespmem:s10], [sflag:$0x6], $0x80, $0x38;
	[tilespmem:$0x1E800] =	vst v63  }
0x37b: {  	s10 =	sadd.s32 $0x17230, s6;
	s12 =	sadd.s32 $0x60, s11;
	s6 =	sadd.s32 $0x17438, s6  }
0x37c: {  	[hbm4b:s12+s3] =	stream.linear.scatter [tilespmem:s10], [sflag:$0x6], $0x80, $0x38;
	[tilespmem:$0x1E800] =	vst v63  }
0x37d: {  	s10 =	sadd.s32 $0x70, s11;
	s11 =	sadd.s32 $0x4000, s11;
	s12 =	smov.u32 s13  }
0x37e: {  	[hbm4b:s10+s3] =	stream.linear.scatter [tilespmem:s6], [sflag:$0x6], $0x80, $0x38;
	[tilespmem:$0x1E800] =	vst v63  }
0x37f: {  	s10 =	sadd.s32 $0x16600, s1  }
0x380: {  	[hbm4b:s11+s3] =	stream.linear.scatter [tilespmem:s10], [sflag:$0x6], $0x80, $0x38;
	[tilespmem:$0x1E800] =	vst v63  }
0x381: {  	s12 =	sadd.s32 $0x16808, s1;
	s13 =	sadd.s32 $0x10, s11  }
0x382: {  	[hbm4b:s13+s3] =	stream.linear.scatter [tilespmem:s12], [sflag:$0x6], $0x80, $0x38;
	[tilespmem:$0x1E800] =	vst v63  }
0x383: {  	s17 =	sadd.s32 $0x16A10, s1;
	s19 =	sadd.s32 $0x20, s11  }
0x384: {  	[hbm4b:s19+s3] =	stream.linear.scatter [tilespmem:s17], [sflag:$0x6], $0x80, $0x38;
	[tilespmem:$0x1E800] =	vst v63  }
0x385: {  	s12 =	sadd.s32 $0x16C18, s1;
	s13 =	sadd.s32 $0x30, s11  }
0x386: {  	[hbm4b:s13+s3] =	stream.linear.scatter [tilespmem:s12], [sflag:$0x6], $0x80, $0x38;
	[tilespmem:$0x1E800] =	vst v63  }
0x387: {  	s17 =	sadd.s32 $0x16E20, s1;
	s19 =	sadd.s32 $0x40, s11  }
0x388: {  	[hbm4b:s19+s3] =	stream.linear.scatter [tilespmem:s17], [sflag:$0x6], $0x80, $0x38;
	[tilespmem:$0x1E800] =	vst v63  }
0x389: {  	s12 =	sadd.s32 $0x17028, s1;
	s13 =	sadd.s32 $0x50, s11  }
0x38a: {  	[hbm4b:s13+s3] =	stream.linear.scatter [tilespmem:s12], [sflag:$0x6], $0x80, $0x38;
	[tilespmem:$0x1E800] =	vst v63  }
0x38b: {  	s17 =	sadd.s32 $0x17230, s1;
	s19 =	sadd.s32 $0x60, s11  }
0x38c: {  	[hbm4b:s19+s3] =	stream.linear.scatter [tilespmem:s17], [sflag:$0x6], $0x80, $0x38;
	[tilespmem:$0x1E800] =	vst v63  }
0x38d: {  	s17 =	sor.u32 s7, s0  }
0x38e: {  	s12 =	sadd.s32 $0x17438, s1;
	s13 =	sadd.s32 $0x70, s11;
	s1 =	sshrl.u32 s17, $0x3  }
0x38f: {  	[hbm4b:s13+s3] =	stream.linear.scatter [tilespmem:s12], [sflag:$0x6], $0x80, $0x38;
	[tilespmem:$0x1E800] =	vst v63  }
0x390: {  	s19 =	simm.s32 $0x16680;
	s11 =	sadd.s32 s2, s1  }
0x391: {  	[hbm4b:s11+s3] =	stream.linear.scatter [tilespmem:s19], [sflag:$0x6], $0x80, $0x38;
	[tilespmem:$0x1E800] =	vst v63  }
0x392: {  	s6 =	simm.s32 $0x16888;
	s10 =	sadd.s32 $0x10, s11  }
0x393: {  	[hbm4b:s10+s3] =	stream.linear.scatter [tilespmem:s6], [sflag:$0x6], $0x80, $0x38;
	[tilespmem:$0x1E800] =	vst v63  }
0x394: {  	s17 =	simm.s32 $0x16C98;
	s12 =	simm.s32 $0x16A90;
	s13 =	sadd.s32 $0x20, s11  }
0x395: {  	[hbm4b:s13+s3] =	stream.linear.scatter [tilespmem:s12], [sflag:$0x6], $0x80, $0x38;
	[tilespmem:$0x1E800] =	vst v63  }
0x396: {  	s1 =	simm.s32 $0x1040;
	s19 =	sadd.s32 $0x30, s11;
	s6 =	simm.s32 $0x16EA0  }
0x397: {  	[hbm4b:s19+s3] =	stream.linear.scatter [tilespmem:s17], [sflag:$0x6], $0x80, $0x38;
	[tilespmem:$0x1E800] =	vst v63  }
0x398: {  	s10 =	sadd.s32 $0x40, s11;
	s12 =	simm.s32 $0x170A8;
	s13 =	sadd.s32 $0x50, s11  }
0x399: {  	[hbm4b:s10+s3] =	stream.linear.scatter [tilespmem:s6], [sflag:$0x6], $0x80, $0x38;
	[tilespmem:$0x1E800] =	vst v63  }
0x39a: {  	s17 =	simm.s32 $0x172B0;
	s19 =	sadd.s32 $0x60, s11;
	s6 =	simm.s32 $0x174B8  }
0x39b: {  	[hbm4b:s13+s3] =	stream.linear.scatter [tilespmem:s12], [sflag:$0x6], $0x80, $0x38;
	[tilespmem:$0x1E800] =	vst v63  }
0x39c: {  	s10 =	sadd.s32 $0x70, s11;
	s11 =	sadd.s32 $0x4000, s11;
	s12 =	simm.s32 $0x8200  }
0x39d: {  	[hbm4b:s19+s3] =	stream.linear.scatter [tilespmem:s17], [sflag:$0x6], $0x80, $0x38;
	[tilespmem:$0x1E800] =	vst v63  }
.LBB2_29:
0x39e: {  	[hbm4b:s10+s3] =	stream.linear.scatter [tilespmem:s6], [sflag:$0x6], $0x80, $0x38;
	[tilespmem:$0x1E800] =	vst v63  }
0x39f: {  	s6 =	smov.u32 s1;
	s1 =	smov.u32 s12  }
0x3a0: {  	s13 =	sadd.s32 $0x4100, s12;
	s1 =	sshra.s32 s1, $0x2;
	s10 =	sadd.s32 $0x16680, s6  }
0x3a1: {  	[hbm4b:s11+s3] =	stream.linear.scatter [tilespmem:s10], [sflag:$0x6], $0x80, $0x38;
	[tilespmem:$0x1E800] =	vst v63  }
0x3a2: {  	p0 =	sne.s32 s12, $0x1C700;
	s12 =	sadd.s32 $0x10, s11;
	s10 =	sadd.s32 $0x16888, s6  }
0x3a3: {  	[hbm4b:s12+s3] =	stream.linear.scatter [tilespmem:s10], [sflag:$0x6], $0x80, $0x38;
	[tilespmem:$0x1E800] =	vst v63  }
0x3a4: {  	s10 =	sadd.s32 $0x16A90, s6;
	s12 =	sadd.s32 $0x20, s11  }
0x3a5: {  	[hbm4b:s12+s3] =	stream.linear.scatter [tilespmem:s10], [sflag:$0x6], $0x80, $0x38;
	[tilespmem:$0x1E800] =	vst v63  }
0x3a6: {  	s10 =	sadd.s32 $0x16C98, s6;
	s12 =	sadd.s32 $0x30, s11  }
0x3a7: {  	[hbm4b:s12+s3] =	stream.linear.scatter [tilespmem:s10], [sflag:$0x6], $0x80, $0x38;
	[tilespmem:$0x1E800] =	vst v63  }
0x3a8: {  	s10 =	sadd.s32 $0x16EA0, s6;
	s12 =	sadd.s32 $0x40, s11  }
0x3a9: {  	[hbm4b:s12+s3] =	stream.linear.scatter [tilespmem:s10], [sflag:$0x6], $0x80, $0x38;
	[tilespmem:$0x1E800] =	vst v63  }
.Ltmp13:
0x3aa: {  	s10 =	sadd.s32 $0x170A8, s6;
	s12 =	sadd.s32 $0x50, s11;
	(pc) =	sbr.rel @p0 .LBB2_29-.Ltmp13, $4  }
0x3ab: {  	[hbm4b:s12+s3] =	stream.linear.scatter [tilespmem:s10], [sflag:$0x6], $0x80, $0x38;
	[tilespmem:$0x1E800] =	vst v63  }
0x3ac: {  	s10 =	sadd.s32 $0x172B0, s6;
	s12 =	sadd.s32 $0x60, s11;
	s6 =	sadd.s32 $0x174B8, s6  }
0x3ad: {  	[hbm4b:s12+s3] =	stream.linear.scatter [tilespmem:s10], [sflag:$0x6], $0x80, $0x38;
	[tilespmem:$0x1E800] =	vst v63  }
0x3ae: {  	s10 =	sadd.s32 $0x70, s11;
	s11 =	sadd.s32 $0x4000, s11;
	s12 =	smov.u32 s13  }
0x3af: {  	[hbm4b:s10+s3] =	stream.linear.scatter [tilespmem:s6], [sflag:$0x6], $0x80, $0x38;
	[tilespmem:$0x1E800] =	vst v63  }
0x3b0: {  	s10 =	sadd.s32 $0x16680, s1  }
0x3b1: {  	[hbm4b:s11+s3] =	stream.linear.scatter [tilespmem:s10], [sflag:$0x6], $0x80, $0x38;
	[tilespmem:$0x1E800] =	vst v63  }
0x3b2: {  	s12 =	sadd.s32 $0x16888, s1;
	s13 =	sadd.s32 $0x10, s11  }
0x3b3: {  	[hbm4b:s13+s3] =	stream.linear.scatter [tilespmem:s12], [sflag:$0x6], $0x80, $0x38;
	[tilespmem:$0x1E800] =	vst v63  }
0x3b4: {  	s17 =	sadd.s32 $0x16A90, s1;
	s19 =	sadd.s32 $0x20, s11  }
0x3b5: {  	[hbm4b:s19+s3] =	stream.linear.scatter [tilespmem:s17], [sflag:$0x6], $0x80, $0x38;
	[tilespmem:$0x1E800] =	vst v63  }
0x3b6: {  	s12 =	sadd.s32 $0x16C98, s1;
	s13 =	sadd.s32 $0x30, s11  }
0x3b7: {  	[hbm4b:s13+s3] =	stream.linear.scatter [tilespmem:s12], [sflag:$0x6], $0x80, $0x38;
	[tilespmem:$0x1E800] =	vst v63  }
0x3b8: {  	s17 =	sadd.s32 $0x16EA0, s1;
	s19 =	sadd.s32 $0x40, s11  }
0x3b9: {  	[hbm4b:s19+s3] =	stream.linear.scatter [tilespmem:s17], [sflag:$0x6], $0x80, $0x38;
	[tilespmem:$0x1E800] =	vst v63  }
0x3ba: {  	s12 =	sadd.s32 $0x170A8, s1;
	s13 =	sadd.s32 $0x50, s11  }
0x3bb: {  	[hbm4b:s13+s3] =	stream.linear.scatter [tilespmem:s12], [sflag:$0x6], $0x80, $0x38;
	[tilespmem:$0x1E800] =	vst v63  }
0x3bc: {  	s17 =	sadd.s32 $0x172B0, s1;
	s19 =	sadd.s32 $0x60, s11  }
0x3bd: {  	[hbm4b:s19+s3] =	stream.linear.scatter [tilespmem:s17], [sflag:$0x6], $0x80, $0x38;
	[tilespmem:$0x1E800] =	vst v63  }
0x3be: {  	s17 =	sor.u32 s8, s0  }
0x3bf: {  	s12 =	sadd.s32 $0x174B8, s1;
	s13 =	sadd.s32 $0x70, s11;
	s1 =	sshrl.u32 s17, $0x3  }
0x3c0: {  	[hbm4b:s13+s3] =	stream.linear.scatter [tilespmem:s12], [sflag:$0x6], $0x80, $0x38;
	[tilespmem:$0x1E800] =	vst v63  }
0x3c1: {  	s19 =	simm.s32 $0x16700;
	s11 =	sadd.s32 s2, s1  }
0x3c2: {  	[hbm4b:s11+s3] =	stream.linear.scatter [tilespmem:s19], [sflag:$0x6], $0x80, $0x38;
	[tilespmem:$0x1E800] =	vst v63  }
0x3c3: {  	s6 =	simm.s32 $0x16908;
	s10 =	sadd.s32 $0x10, s11  }
0x3c4: {  	[hbm4b:s10+s3] =	stream.linear.scatter [tilespmem:s6], [sflag:$0x6], $0x80, $0x38;
	[tilespmem:$0x1E800] =	vst v63  }
0x3c5: {  	s17 =	simm.s32 $0x16D18;
	s12 =	simm.s32 $0x16B10;
	s13 =	sadd.s32 $0x20, s11  }
0x3c6: {  	[hbm4b:s13+s3] =	stream.linear.scatter [tilespmem:s12], [sflag:$0x6], $0x80, $0x38;
	[tilespmem:$0x1E800] =	vst v63  }
0x3c7: {  	s1 =	simm.s32 $0x1040;
	s19 =	sadd.s32 $0x30, s11;
	s6 =	simm.s32 $0x16F20  }
0x3c8: {  	[hbm4b:s19+s3] =	stream.linear.scatter [tilespmem:s17], [sflag:$0x6], $0x80, $0x38;
	[tilespmem:$0x1E800] =	vst v63  }
0x3c9: {  	s10 =	sadd.s32 $0x40, s11;
	s12 =	simm.s32 $0x17128;
	s13 =	sadd.s32 $0x50, s11  }
0x3ca: {  	[hbm4b:s10+s3] =	stream.linear.scatter [tilespmem:s6], [sflag:$0x6], $0x80, $0x38;
	[tilespmem:$0x1E800] =	vst v63  }
0x3cb: {  	s17 =	simm.s32 $0x17330;
	s19 =	sadd.s32 $0x60, s11;
	s6 =	simm.s32 $0x17538  }
0x3cc: {  	[hbm4b:s13+s3] =	stream.linear.scatter [tilespmem:s12], [sflag:$0x6], $0x80, $0x38;
	[tilespmem:$0x1E800] =	vst v63  }
0x3cd: {  	s10 =	sadd.s32 $0x70, s11;
	s11 =	sadd.s32 $0x4000, s11;
	s12 =	simm.s32 $0x8200  }
0x3ce: {  	[hbm4b:s19+s3] =	stream.linear.scatter [tilespmem:s17], [sflag:$0x6], $0x80, $0x38;
	[tilespmem:$0x1E800] =	vst v63  }
.LBB2_31:
0x3cf: {  	[hbm4b:s10+s3] =	stream.linear.scatter [tilespmem:s6], [sflag:$0x6], $0x80, $0x38;
	[tilespmem:$0x1E800] =	vst v63  }
0x3d0: {  	s6 =	smov.u32 s1;
	s1 =	smov.u32 s12  }
0x3d1: {  	s13 =	sadd.s32 $0x4100, s12;
	s1 =	sshra.s32 s1, $0x2;
	s10 =	sadd.s32 $0x16700, s6  }
0x3d2: {  	[hbm4b:s11+s3] =	stream.linear.scatter [tilespmem:s10], [sflag:$0x6], $0x80, $0x38;
	[tilespmem:$0x1E800] =	vst v63  }
0x3d3: {  	p0 =	sne.s32 s12, $0x1C700;
	s12 =	sadd.s32 $0x10, s11;
	s10 =	sadd.s32 $0x16908, s6  }
0x3d4: {  	[hbm4b:s12+s3] =	stream.linear.scatter [tilespmem:s10], [sflag:$0x6], $0x80, $0x38;
	[tilespmem:$0x1E800] =	vst v63  }
0x3d5: {  	s10 =	sadd.s32 $0x16B10, s6;
	s12 =	sadd.s32 $0x20, s11  }
0x3d6: {  	[hbm4b:s12+s3] =	stream.linear.scatter [tilespmem:s10], [sflag:$0x6], $0x80, $0x38;
	[tilespmem:$0x1E800] =	vst v63  }
0x3d7: {  	s10 =	sadd.s32 $0x16D18, s6;
	s12 =	sadd.s32 $0x30, s11  }
0x3d8: {  	[hbm4b:s12+s3] =	stream.linear.scatter [tilespmem:s10], [sflag:$0x6], $0x80, $0x38;
	[tilespmem:$0x1E800] =	vst v63  }
0x3d9: {  	s10 =	sadd.s32 $0x16F20, s6;
	s12 =	sadd.s32 $0x40, s11  }
0x3da: {  	[hbm4b:s12+s3] =	stream.linear.scatter [tilespmem:s10], [sflag:$0x6], $0x80, $0x38;
	[tilespmem:$0x1E800] =	vst v63  }
.Ltmp14:
0x3db: {  	s10 =	sadd.s32 $0x17128, s6;
	s12 =	sadd.s32 $0x50, s11;
	(pc) =	sbr.rel @p0 .LBB2_31-.Ltmp14, $4  }
0x3dc: {  	[hbm4b:s12+s3] =	stream.linear.scatter [tilespmem:s10], [sflag:$0x6], $0x80, $0x38;
	[tilespmem:$0x1E800] =	vst v63  }
0x3dd: {  	s10 =	sadd.s32 $0x17330, s6;
	s12 =	sadd.s32 $0x60, s11;
	s6 =	sadd.s32 $0x17538, s6  }
0x3de: {  	[hbm4b:s12+s3] =	stream.linear.scatter [tilespmem:s10], [sflag:$0x6], $0x80, $0x38;
	[tilespmem:$0x1E800] =	vst v63  }
0x3df: {  	s10 =	sadd.s32 $0x70, s11;
	s11 =	sadd.s32 $0x4000, s11;
	s12 =	smov.u32 s13  }
0x3e0: {  	[hbm4b:s10+s3] =	stream.linear.scatter [tilespmem:s6], [sflag:$0x6], $0x80, $0x38;
	[tilespmem:$0x1E800] =	vst v63  }
0x3e1: {  	s13 =	sadd.s32 $0x16700, s1  }
0x3e2: {  	[hbm4b:s11+s3] =	stream.linear.scatter [tilespmem:s13], [sflag:$0x6], $0x80, $0x38;
	[tilespmem:$0x1E800] =	vst v63  }
0x3e3: {  	s17 =	sadd.s32 $0x16908, s1;
	s19 =	sadd.s32 $0x10, s11  }
0x3e4: {  	[hbm4b:s19+s3] =	stream.linear.scatter [tilespmem:s17], [sflag:$0x6], $0x80, $0x38;
	[tilespmem:$0x1E800] =	vst v63  }
0x3e5: {  	s12 =	sadd.s32 $0x16B10, s1;
	s13 =	sadd.s32 $0x20, s11  }
0x3e6: {  	[hbm4b:s13+s3] =	stream.linear.scatter [tilespmem:s12], [sflag:$0x6], $0x80, $0x38;
	[tilespmem:$0x1E800] =	vst v63  }
0x3e7: {  	s17 =	sadd.s32 $0x16D18, s1;
	s19 =	sadd.s32 $0x30, s11  }
0x3e8: {  	[hbm4b:s19+s3] =	stream.linear.scatter [tilespmem:s17], [sflag:$0x6], $0x80, $0x38;
	[tilespmem:$0x1E800] =	vst v63  }
0x3e9: {  	s12 =	sadd.s32 $0x16F20, s1;
	s13 =	sadd.s32 $0x40, s11  }
0x3ea: {  	[hbm4b:s13+s3] =	stream.linear.scatter [tilespmem:s12], [sflag:$0x6], $0x80, $0x38;
	[tilespmem:$0x1E800] =	vst v63  }
0x3eb: {  	s17 =	sadd.s32 $0x17128, s1;
	s19 =	sadd.s32 $0x50, s11  }
0x3ec: {  	[hbm4b:s19+s3] =	stream.linear.scatter [tilespmem:s17], [sflag:$0x6], $0x80, $0x38;
	[tilespmem:$0x1E800] =	vst v63  }
0x3ed: {  	s0 =	sor.u32 s9, s0;
	s12 =	sadd.s32 $0x17330, s1;
	s13 =	sadd.s32 $0x60, s11  }
0x3ee: {  	[hbm4b:s13+s3] =	stream.linear.scatter [tilespmem:s12], [sflag:$0x6], $0x80, $0x38;
	[tilespmem:$0x1E800] =	vst v63  }
0x3ef: {  	s0 =	sshrl.u32 s0, $0x3;
	s17 =	sadd.s32 $0x17538, s1;
	s19 =	sadd.s32 $0x70, s11  }
0x3f0: {  	[hbm4b:s19+s3] =	stream.linear.scatter [tilespmem:s17], [sflag:$0x6], $0x80, $0x38;
	[tilespmem:$0x1E800] =	vst v63  }
0x3f1: {  	s6 =	simm.s32 $0x16780;
	s1 =	sadd.s32 s2, s0  }
0x3f2: {  	[hbm4b:s1+s3] =	stream.linear.scatter [tilespmem:s6], [sflag:$0x6], $0x80, $0x38;
	[tilespmem:$0x1E800] =	vst v63  }
0x3f3: {  	s10 =	simm.s32 $0x16988;
	s11 =	sadd.s32 $0x10, s1  }
0x3f4: {  	[hbm4b:s11+s3] =	stream.linear.scatter [tilespmem:s10], [sflag:$0x6], $0x80, $0x38;
	[tilespmem:$0x1E800] =	vst v63  }
0x3f5: {  	s0 =	simm.s32 $0x1040;
	s12 =	simm.s32 $0x16B90;
	s13 =	sadd.s32 $0x20, s1  }
0x3f6: {  	[hbm4b:s13+s3] =	stream.linear.scatter [tilespmem:s12], [sflag:$0x6], $0x80, $0x38;
	[tilespmem:$0x1E800] =	vst v63  }
0x3f7: {  	s17 =	simm.s32 $0x16D98;
	s19 =	sadd.s32 $0x30, s1;
	s6 =	simm.s32 $0x175B8  }
0x3f8: {  	[hbm4b:s19+s3] =	stream.linear.scatter [tilespmem:s17], [sflag:$0x6], $0x80, $0x38;
	[tilespmem:$0x1E800] =	vst v63  }
0x3f9: {  	s10 =	simm.s32 $0x16FA0;
	s11 =	sadd.s32 $0x40, s1;
	s12 =	simm.s32 $0x171A8  }
0x3fa: {  	[hbm4b:s11+s3] =	stream.linear.scatter [tilespmem:s10], [sflag:$0x6], $0x80, $0x38;
	[tilespmem:$0x1E800] =	vst v63  }
0x3fb: {  	s13 =	sadd.s32 $0x50, s1;
	s17 =	simm.s32 $0x173B0;
	s19 =	sadd.s32 $0x60, s1  }
0x3fc: {  	[hbm4b:s13+s3] =	stream.linear.scatter [tilespmem:s12], [sflag:$0x6], $0x80, $0x38;
	[tilespmem:$0x1E800] =	vst v63  }
0x3fd: {  	s11 =	simm.s32 $0x8200;
	s10 =	sadd.s32 $0x70, s1;
	s1 =	sadd.s32 $0x4000, s1  }
0x3fe: {  	[hbm4b:s19+s3] =	stream.linear.scatter [tilespmem:s17], [sflag:$0x6], $0x80, $0x38;
	[tilespmem:$0x1E800] =	vst v63  }
.LBB2_33:
0x3ff: {  	[hbm4b:s10+s3] =	stream.linear.scatter [tilespmem:s6], [sflag:$0x6], $0x80, $0x38;
	[tilespmem:$0x1E800] =	vst v63  }
0x400: {  	s6 =	smov.u32 s0;
	s0 =	smov.u32 s11  }
0x401: {  	s12 =	sadd.s32 $0x4100, s11;
	s0 =	sshra.s32 s0, $0x2;
	s10 =	sadd.s32 $0x16780, s6  }
0x402: {  	[hbm4b:s1+s3] =	stream.linear.scatter [tilespmem:s10], [sflag:$0x6], $0x80, $0x38;
	[tilespmem:$0x1E800] =	vst v63  }
0x403: {  	p0 =	sne.s32 s11, $0x1C700;
	s11 =	sadd.s32 $0x10, s1;
	s10 =	sadd.s32 $0x16988, s6  }
0x404: {  	[hbm4b:s11+s3] =	stream.linear.scatter [tilespmem:s10], [sflag:$0x6], $0x80, $0x38;
	[tilespmem:$0x1E800] =	vst v63  }
0x405: {  	s10 =	sadd.s32 $0x16B90, s6;
	s11 =	sadd.s32 $0x20, s1  }
0x406: {  	[hbm4b:s11+s3] =	stream.linear.scatter [tilespmem:s10], [sflag:$0x6], $0x80, $0x38;
	[tilespmem:$0x1E800] =	vst v63  }
0x407: {  	s10 =	sadd.s32 $0x16D98, s6;
	s11 =	sadd.s32 $0x30, s1  }
0x408: {  	[hbm4b:s11+s3] =	stream.linear.scatter [tilespmem:s10], [sflag:$0x6], $0x80, $0x38;
	[tilespmem:$0x1E800] =	vst v63  }
0x409: {  	s10 =	sadd.s32 $0x16FA0, s6;
	s11 =	sadd.s32 $0x40, s1  }
0x40a: {  	[hbm4b:s11+s3] =	stream.linear.scatter [tilespmem:s10], [sflag:$0x6], $0x80, $0x38;
	[tilespmem:$0x1E800] =	vst v63  }
.Ltmp15:
0x40b: {  	s10 =	sadd.s32 $0x171A8, s6;
	s11 =	sadd.s32 $0x50, s1;
	(pc) =	sbr.rel @p0 .LBB2_33-.Ltmp15, $4  }
0x40c: {  	[hbm4b:s11+s3] =	stream.linear.scatter [tilespmem:s10], [sflag:$0x6], $0x80, $0x38;
	[tilespmem:$0x1E800] =	vst v63  }
0x40d: {  	s10 =	sadd.s32 $0x173B0, s6;
	s11 =	sadd.s32 $0x60, s1;
	s6 =	sadd.s32 $0x175B8, s6  }
0x40e: {  	[hbm4b:s11+s3] =	stream.linear.scatter [tilespmem:s10], [sflag:$0x6], $0x80, $0x38;
	[tilespmem:$0x1E800] =	vst v63  }
0x40f: {  	s10 =	sadd.s32 $0x70, s1;
	s1 =	sadd.s32 $0x4000, s1;
	s11 =	smov.u32 s12  }
0x410: {  	[hbm4b:s10+s3] =	stream.linear.scatter [tilespmem:s6], [sflag:$0x6], $0x80, $0x38;
	[tilespmem:$0x1E800] =	vst v63  }
0x411: {  	s13 =	sadd.s32 $0x16780, s0  }
0x412: {  	[hbm4b:s1+s3] =	stream.linear.scatter [tilespmem:s13], [sflag:$0x6], $0x80, $0x38;
	[tilespmem:$0x1E800] =	vst v63  }
0x413: {  	s17 =	sadd.s32 $0x16988, s0;
	s19 =	sadd.s32 $0x10, s1  }
0x414: {  	[hbm4b:s19+s3] =	stream.linear.scatter [tilespmem:s17], [sflag:$0x6], $0x80, $0x38;
	[tilespmem:$0x1E800] =	vst v63  }
0x415: {  	s10 =	sadd.s32 $0x16B90, s0;
	s11 =	sadd.s32 $0x20, s1  }
0x416: {  	[hbm4b:s11+s3] =	stream.linear.scatter [tilespmem:s10], [sflag:$0x6], $0x80, $0x38;
	[tilespmem:$0x1E800] =	vst v63  }
0x417: {  	s12 =	sadd.s32 $0x16D98, s0;
	s13 =	sadd.s32 $0x30, s1  }
0x418: {  	[hbm4b:s13+s3] =	stream.linear.scatter [tilespmem:s12], [sflag:$0x6], $0x80, $0x38;
	[tilespmem:$0x1E800] =	vst v63  }
0x419: {  	s31 =	sadd.s32 $0x1, s31;
	s17 =	sadd.s32 $0x16FA0, s0;
	s19 =	sadd.s32 $0x40, s1  }
0x41a: {  	[hbm4b:s19+s3] =	stream.linear.scatter [tilespmem:s17], [sflag:$0x6], $0x80, $0x38;
	[tilespmem:$0x1E800] =	vst v63  }
0x41b: {  	p0 =	sne.s32 s31, $0x19;
	s10 =	sadd.s32 $0x171A8, s0;
	s11 =	sadd.s32 $0x50, s1  }
0x41c: {  	[hbm4b:s11+s3] =	stream.linear.scatter [tilespmem:s10], [sflag:$0x6], $0x80, $0x38;
	[tilespmem:$0x1E800] =	vst v63  }
.Ltmp16:
0x41d: {  	_ = 	snop;
	(pc) =	sbr.rel @p0 .LBB2_2-.Ltmp16, $4  }
0x41e: {  	s12 =	sadd.s32 $0x173B0, s0;
	s13 =	sadd.s32 $0x60, s1  }
0x41f: {  	[hbm4b:s13+s3] =	stream.linear.scatter [tilespmem:s12], [sflag:$0x6], $0x80, $0x38;
	[tilespmem:$0x1E800] =	vst v63  }
0x420: {  	s17 =	sadd.s32 $0x175B8, s0;
	s19 =	sadd.s32 $0x70, s1  }
0x421: {  	[hbm4b:s19+s3] =	stream.linear.scatter [tilespmem:s17], [sflag:$0x6], $0x80, $0x38;
	[tilespmem:$0x1E800] =	vst v63  }
0x422: {  	_ =	swait.ge [sflag:s28], $0x2000  }
0x423: {  	[sflag:s28] =	ssyncset.done $0x0  }
0x424: {  	[sflag:s28] =	ssyncadd.s32 $0xFFFFE000  }
0x425: {  	_ =	swait.ge [sflag:s28], $0x2000  }
0x426: {  	[sflag:s28] =	ssyncset.done $0x0  }
0x427: {  	[sflag:s28] =	ssyncadd.s32 $0xFFFFE000  }
0x428: {  	_ =	swait.ge [sflag:s28], $0x2000  }
0x429: {  	[sflag:s28] =	ssyncset.done $0x0  }
0x42a: {  	[sflag:s28] =	ssyncadd.s32 $0xFFFFE000  }
0x42b: {  	_ =	swait.ge [sflag:s28], $0x2000  }
0x42c: {  	[sflag:s28] =	ssyncset.done $0x0  }
0x42d: {  	[sflag:s28] =	ssyncadd.s32 $0xFFFFE000  }
0x42e: {  	_ =	swait.ge [sflag:s29], $0x2000  }
0x42f: {  	[sflag:s29] =	ssyncset.done $0x0  }
0x430: {  	[sflag:s29] =	ssyncadd.s32 $0xFFFFE000  }
0x431: {  	_ =	swait.ge [sflag:s29], $0x2000  }
0x432: {  	[sflag:s29] =	ssyncset.done $0x0  }
0x433: {  	[sflag:s29] =	ssyncadd.s32 $0xFFFFE000  }
0x434: {  	_ =	swait.ge [sflag:s29], $0x2000  }
0x435: {  	[sflag:s29] =	ssyncset.done $0x0  }
0x436: {  	[sflag:s29] =	ssyncadd.s32 $0xFFFFE000  }
0x437: {  	_ =	swait.ge [sflag:s29], $0x2000  }
0x438: {  	s30 =	sadd.s32 $0x1, s30;
	s0 =	rddreg [dreg:$0x4]  }
0x439: {  	p0 =	sne.s32 s30, s0  }
.Ltmp17:
0x43a: {  	_ = 	snop;
	(pc) =	sbr.rel @p0 .LBB2_1-.Ltmp17, $3  }
0x43b: {  	_ =	sdelay $0x1  }
0x43c: {  	[sflag:s29] =	ssyncset.done $0x0  }
0x43d: {  	[sflag:s29] =	ssyncadd.s32 $0xFFFFE000  }
0x43e: {  	_ =	sfence.sel $0x180000  }
0x43f: {  	[bflag:$0x0] =	sbarrier.arrive $0xFFFF  }
0x440: {  	_ =	strace $0x90000047  }
0x441: {  	s0 =	stileid.u32;
	[bflag:$0x2] =	sbarrier.arrive $0xFFFF  }
0x442: {  	p0 =	sne.s32 s0, $0x0;
	s0 =	rddreg [dreg:$0x2]  }
0x443: {  	s0 =	sadd.s32 @!p0 $0x100000, s0  }
0x444: {  	[sflag:s0] =	ssyncadd.tile.s32 @!p0 $0x1;
	_ =	shalt  }
.Lfunc_end2:
_tile_overlayer_lowered:
.L_overlay_start_2:
0x445: {  	(tag) =	ssettag $0x2  }
0x446: {  	s0 =	rddreg [dreg:$0x0];
	s2 =	stileid.u32  }
0x447: {  	s1 =	rddreg [dreg:$0x1];
	p0 =	sne.s32 s2, $0x0  }
0x448: {  	s3 =	rddreg [dreg:$0x2];
	[bflag:$0x3] =	sbarrier.arrive $0xFFFF;
	s2 =	simm.s32 @!p0 $0x1C07  }
0x449: {  	[timem:s3], [sflag:s2] =	dma.local @!p0 [hbm:s0], s1  }
0x44a: {  	s0 =	simm.s32 @!p0 $0x7  }
0x44b: {  	_ =	swait.ge @!p0 [sflag:s0], s1  }
0x44c: {  	s1 =	ssub.s32 @!p0 $0x0, s1;
	[sflag:s0] =	ssyncset.done @!p0 $0x0  }
0x44d: {  	[sflag:s0] =	ssyncadd.s32 @!p0 s1  }
0x44e: {  	[bflag:$0x3] =	sbarrier.arrive $0xFFFF  }
0x44f: {  	_ =	shalt  }

</sc_bundles>
